<compile_context>
chip_gen: v7x
topology: tpu7x:2x2x1
jax: 0.10.2.dev20260603
libtpu: 0.0.44.dev20260713+nightly
codegen_flags: <defaults>
</compile_context>

<pallas_src>
import functools
import math

import jax
import jax.numpy as jnp
from jax import lax
from jax.experimental import pallas as pl
from jax.experimental.pallas import tpu as pltpu
from jax.experimental.pallas import tpu_sc as plsc

_LANES = 16


def _make_sc_kernel(N, D, NW, NC, S, G, QL, NGRP):
    scale = math.sqrt(D)
    nj = D // _LANES
    nh = S // QL
    rows_per_tile = NGRP * G * QL
    mesh = plsc.VectorSubcoreMesh(core_axis_name="c", subcore_axis_name="s")

    @functools.partial(
        pl.kernel,
        mesh=mesh,
        out_type=jax.ShapeDtypeStruct((N // S, S, D), jnp.float32),
        scratch_types=[
            pltpu.VMEM((rows_per_tile,), jnp.int32),
            pltpu.VMEM((2, G, QL, D), jnp.float32),
            pltpu.VMEM((S, D), jnp.float32),
            pltpu.SemaphoreType.DMA,
            pltpu.SemaphoreType.DMA,
            pltpu.SemaphoreType.DMA,
            pltpu.SemaphoreType.DMA,
        ],
    )
    def k(w_hbm, idx_hbm, pe_hbm, out_hbm, idx_v, rows_v, pe_v, g0, g1, s0, s1):
        wid = lax.axis_index("s") * NC + lax.axis_index("c")
        seq_per_tile = rows_per_tile // S
        gsems = (g0, g1)
        ssems = (s0, s1)

        pltpu.sync_copy(idx_hbm.at[pl.ds(wid * rows_per_tile, rows_per_tile)],
                        idx_v)

        def idx_slice(g3, gg):
            q = g3 // nh
            h = lax.rem(g3, nh)
            return idx_v.at[pl.ds(q * (G * S) + gg * S + h * QL, QL)]

        def start_gathers(g3, b):
            for gg in range(G):
                pltpu.async_copy(
                    w_hbm.at[idx_slice(g3, gg)],
                    rows_v.at[b, gg],
                    gsems[b],
                )

        def wait_gathers(g3, b):
            for gg in range(G):
                pltpu.make_async_copy(
                    w_hbm.at[idx_slice(g3, gg)],
                    rows_v.at[b, gg],
                    gsems[b],
                ).wait()

        def out_slice(g3):
            q = g3 // nh
            h = lax.rem(g3, nh)
            seq0 = wid * seq_per_tile + q * G
            return out_hbm.at[pl.ds(seq0, G), pl.ds(h * QL, QL)]

        def start_stores(g3, b):
            pltpu.async_copy(rows_v.at[b], out_slice(g3), ssems[b])

        def wait_stores(g3, b):
            pltpu.make_async_copy(rows_v.at[b], out_slice(g3), ssems[b]).wait()

        start_gathers(0, 0)
        pltpu.sync_copy(pe_hbm.at[pl.ds(0, S)], pe_v)

        def group_body(g3, b):
            nb = 1 - b

            @pl.when(g3 >= 1)
            def _():
                wait_stores(g3 - 1, nb)

            @pl.when(g3 + 1 < NGRP)
            def _():
                start_gathers(g3 + 1, nb)

            wait_gathers(g3, b)

            p0 = lax.rem(g3, nh) * QL

            @plsc.parallel_loop(0, QL, unroll=2)
            def _(i):
                for j in range(nj):
                    sl = pl.ds(j * _LANES, _LANES)
                    p = pe_v[p0 + i, sl]
                    for gg in range(G):
                        r = rows_v[b, gg, i, sl]
                        rows_v[b, gg, i, sl] = r * scale + p

            start_stores(g3, b)

        def outer(t, carry):
            for b in range(2):
                group_body(t * 2 + b, b)
            return carry

        lax.fori_loop(0, NGRP // 2, outer, 0)

        wait_stores(NGRP - 1, 1)

    return k


def kernel(input_seq, W, pos_emb):
    B, S = input_seq.shape
    _, D = W.shape
    N = B * S

    info = plsc.get_sparse_core_info()
    NC, NS = info.num_cores, info.num_subcores
    NW = NC * NS

    G = 8
    QL = 40
    assert D % _LANES == 0
    assert S % QL == 0 and QL % 8 == 0
    assert B % (NW * G) == 0
    NGRP = (B // NW // G) * (S // QL)
    assert NGRP % 2 == 0

    k = _make_sc_kernel(N, D, NW, NC, S, G, QL, NGRP)
    idx = input_seq.astype(jnp.int32).reshape(-1)
    return k(W, idx, pos_emb.astype(jnp.float32))

# --- scband reference (transcript-rebuilt; emitter-appended) ---
"""Pipeline reference for scband-transformer-embedding-41231686041981 (READ-ONLY COPY).

The authoritative reference and input builder live on the scoring server;
editing this copy changes nothing except your own understanding.
"""

import math
import jax, jax.numpy as jnp
import numpy as np


def _init_positional(max_seq_len, emb_dim):
    position_enc = np.array([[pos / np.power(10000, 2 * (k // 2) / emb_dim) for k in range(emb_dim)] if pos != 0 else np.zeros(emb_dim) for pos in range(max_seq_len)])
    position_enc[1:, 0::2] = np.sin(position_enc[1:, 0::2])
    position_enc[1:, 1::2] = np.cos(position_enc[1:, 1::2])
    return jnp.asarray(position_enc, dtype=jnp.float32)


def setup_inputs(seed: int = 0):
    key = jax.random.key(seed)
    k1, k2 = jax.random.split(key)
    vocab_size = 1000000
    d_model = 128
    batch, seq_len = 1024, 200
    input_seq = jax.random.randint(k1, (batch, seq_len), 0, vocab_size)
    # learned embedding table (nn.Embedding weight), init ~ N(0,1) like torch default
    W = jax.random.normal(k2, (vocab_size, d_model), dtype=jnp.float32)
    pos_emb = _init_positional(512, d_model)
    return {"input_seq": input_seq, "W": W, "pos_emb": pos_emb}


def reference(input_seq, W, pos_emb):
    assert input_seq.ndim == 2
    d_model = W.shape[1]
    input_len = input_seq.shape[1]
    pe = pos_emb[:input_len]
    emb = jnp.take(W, input_seq, axis=0)
    return emb * math.sqrt(d_model) + pe[None, :, :]

if __name__ == "__main__":
    import jax
    _d = setup_inputs()
    print(jax.jit(kernel)(*tuple(_d.values())))

</pallas_src>

<mosaic_0001>
#map = affine_map<(d0, d1) -> (0, 0)>
#map1 = affine_map<(d0, d1) -> (0)>
#map2 = affine_map<(d0, d1) -> (0, 0, 0)>
module attributes {stable_mosaic.version = 14 : i64} {
  func.func @k(%arg0: i32, %arg1: i32, %arg2: memref<1000000x128xf32, #tpu.memory_space<hbm>>, %arg3: memref<204800xi32, #tpu.memory_space<hbm>>, %arg4: memref<512x128xf32, #tpu.memory_space<hbm>>, %arg5: memref<1024x200x128xf32, #tpu.memory_space<hbm>>, %arg6: memref<6400xi32, #tpu.memory_space<vmem>>, %arg7: memref<2x8x40x128xf32, #tpu.memory_space<vmem>>, %arg8: memref<200x128xf32, #tpu.memory_space<vmem>>, %arg9: memref<!tpu.dma_semaphore, #tpu.memory_space<semaphore_mem>>, %arg10: memref<!tpu.dma_semaphore, #tpu.memory_space<semaphore_mem>>, %arg11: memref<!tpu.dma_semaphore, #tpu.memory_space<semaphore_mem>>, %arg12: memref<!tpu.dma_semaphore, #tpu.memory_space<semaphore_mem>>) attributes {dimension_semantics = [#tpu.dimension_semantics<core_parallel>, #tpu.dimension_semantics<subcore_parallel>], iteration_bounds = array<i64: 2, 16>, scalar_prefetch = 0 : i64, scratch_operands = 7 : i64, tpu.core_type = #tpu.core_type<sc_vector_subcore>, window_params = [{transform_indices = #map}, {transform_indices = #map1}, {transform_indices = #map}, {transform_indices = #map2}]} {
    %mul3A = arith.constant 2 : i32
    %mul3A_0 = arith.muli %arg1, %mul3A : i32
    %add3A = arith.addi %mul3A_0, %arg0 : i32
    %mul3A_1 = arith.constant 6400 : i32
    %mul3A_2 = arith.muli %add3A, %mul3A_1 : i32
    "tpu.region"() ({
      %run_scoped3A = tpu.sem_alloc : memref<!tpu.dma_semaphore, #tpu.memory_space<semaphore_mem>>
      %dma_start3A_165 = tpu.memref_slice %arg3[%mul3A_2] : memref<204800xi32, #tpu.memory_space<hbm>> -> memref<6400xi32, #tpu.memory_space<hbm>>
      %dma_start3A_166 = tpu.memref_slice %arg3[%mul3A_2] : memref<204800xi32, #tpu.memory_space<hbm>> -> memref<6400xi32, #tpu.memory_space<hbm>>
      tpu.enqueue_dma source(%dma_start3A_166 : memref<6400xi32, #tpu.memory_space<hbm>>) target(%arg6 : memref<6400xi32, #tpu.memory_space<vmem>>) target_semaphore(%run_scoped3A : memref<!tpu.dma_semaphore, #tpu.memory_space<semaphore_mem>>)
      %dma_wait3A_167 = tpu.memref_slice %arg3[%mul3A_2] : memref<204800xi32, #tpu.memory_space<hbm>> -> memref<6400xi32, #tpu.memory_space<hbm>>
      %dma_wait3A_168 = tpu.memref_slice %arg3[%mul3A_2] : memref<204800xi32, #tpu.memory_space<hbm>> -> memref<6400xi32, #tpu.memory_space<hbm>>
      tpu.wait_dma2 semaphore(%run_scoped3A : memref<!tpu.dma_semaphore, #tpu.memory_space<semaphore_mem>>) src(%dma_wait3A_168 : memref<6400xi32, #tpu.memory_space<hbm>>) dst(%arg6 : memref<6400xi32, #tpu.memory_space<vmem>>)
      tpu.yield
    }) : () -> ()
    %rem3A = arith.constant 0 : i32
    %rem3A_3 = arith.constant 5 : i32
    %rem3A_4 = arith.remsi %rem3A, %rem3A_3 : i32
    %mul3A_5 = arith.constant 40 : i32
    %mul3A_6 = arith.muli %rem3A_4, %mul3A_5 : i32
    %add3A_7 = arith.constant 0 : i32
    %add3A_8 = arith.addi %add3A_7, %mul3A_6 : i32
    %dma_start3A = arith.constant 0 : i32
    %dma_start3A_9 = arith.constant 0 : i32
    %dma_start3A_10 = arith.constant 0 : i32
    %dma_start3A_11 = arith.constant 0 : i32
    %dma_start3A_12 = tpu.memref_slice %arg7[%dma_start3A, %dma_start3A_9, %dma_start3A_10, %dma_start3A_11] : memref<2x8x40x128xf32, #tpu.memory_space<vmem>> -> memref<1x1x40x128xf32, #tpu.memory_space<vmem>>
    %dma_start3A_13 = tpu.memref_squeeze %dma_start3A_12 : memref<1x1x40x128xf32, #tpu.memory_space<vmem>> -> memref<40x128xf32, #tpu.memory_space<vmem>>
    %dma_start3A_14 = tpu.memref_slice %arg6[%add3A_8] : memref<6400xi32, #tpu.memory_space<vmem>> -> memref<40xi32, #tpu.memory_space<vmem>>
    %dma_start3A_15 = arith.constant 0 : i32
    %dma_start3A_16 = arith.constant 0 : i32
    %dma_start3A_17 = tpu.memref_slice %arg2[%dma_start3A_15, %dma_start3A_16] : memref<1000000x128xf32, #tpu.memory_space<hbm>> -> memref<1000000x128xf32, #tpu.memory_space<hbm>>
    tpu.enqueue_indirect_dma source(%dma_start3A_17 : memref<1000000x128xf32, #tpu.memory_space<hbm>>) target(%dma_start3A_13 : memref<40x128xf32, #tpu.memory_space<vmem>>) offsets(%dma_start3A_14 : memref<40xi32, #tpu.memory_space<vmem>>) semaphore(%arg9 : memref<!tpu.dma_semaphore, #tpu.memory_space<semaphore_mem>>)
    %rem3A_18 = arith.constant 0 : i32
    %rem3A_19 = arith.constant 5 : i32
    %rem3A_20 = arith.remsi %rem3A_18, %rem3A_19 : i32
    %mul3A_21 = arith.constant 40 : i32
    %mul3A_22 = arith.muli %rem3A_20, %mul3A_21 : i32
    %add3A_23 = arith.constant 200 : i32
    %add3A_24 = arith.addi %add3A_23, %mul3A_22 : i32
    %dma_start3A_25 = arith.constant 0 : i32
    %dma_start3A_26 = arith.constant 1 : i32
    %dma_start3A_27 = arith.constant 0 : i32
    %dma_start3A_28 = arith.constant 0 : i32
    %dma_start3A_29 = tpu.memref_slice %arg7[%dma_start3A_25, %dma_start3A_26, %dma_start3A_27, %dma_start3A_28] : memref<2x8x40x128xf32, #tpu.memory_space<vmem>> -> memref<1x1x40x128xf32, #tpu.memory_space<vmem>>
    %dma_start3A_30 = tpu.memref_squeeze %dma_start3A_29 : memref<1x1x40x128xf32, #tpu.memory_space<vmem>> -> memref<40x128xf32, #tpu.memory_space<vmem>>
    %dma_start3A_31 = tpu.memref_slice %arg6[%add3A_24] : memref<6400xi32, #tpu.memory_space<vmem>> -> memref<40xi32, #tpu.memory_space<vmem>>
    %dma_start3A_32 = arith.constant 0 : i32
    %dma_start3A_33 = arith.constant 0 : i32
    %dma_start3A_34 = tpu.memref_slice %arg2[%dma_start3A_32, %dma_start3A_33] : memref<1000000x128xf32, #tpu.memory_space<hbm>> -> memref<1000000x128xf32, #tpu.memory_space<hbm>>
    tpu.enqueue_indirect_dma source(%dma_start3A_34 : memref<1000000x128xf32, #tpu.memory_space<hbm>>) target(%dma_start3A_30 : memref<40x128xf32, #tpu.memory_space<vmem>>) offsets(%dma_start3A_31 : memref<40xi32, #tpu.memory_space<vmem>>) semaphore(%arg9 : memref<!tpu.dma_semaphore, #tpu.memory_space<semaphore_mem>>)
    %rem3A_35 = arith.constant 0 : i32
    %rem3A_36 = arith.constant 5 : i32
    %rem3A_37 = arith.remsi %rem3A_35, %rem3A_36 : i32
    %mul3A_38 = arith.constant 40 : i32
    %mul3A_39 = arith.muli %rem3A_37, %mul3A_38 : i32
    %add3A_40 = arith.constant 400 : i32
    %add3A_41 = arith.addi %add3A_40, %mul3A_39 : i32
    %dma_start3A_42 = arith.constant 0 : i32
    %dma_start3A_43 = arith.constant 2 : i32
    %dma_start3A_44 = arith.constant 0 : i32
    %dma_start3A_45 = arith.constant 0 : i32
    %dma_start3A_46 = tpu.memref_slice %arg7[%dma_start3A_42, %dma_start3A_43, %dma_start3A_44, %dma_start3A_45] : memref<2x8x40x128xf32, #tpu.memory_space<vmem>> -> memref<1x1x40x128xf32, #tpu.memory_space<vmem>>
    %dma_start3A_47 = tpu.memref_squeeze %dma_start3A_46 : memref<1x1x40x128xf32, #tpu.memory_space<vmem>> -> memref<40x128xf32, #tpu.memory_space<vmem>>
    %dma_start3A_48 = tpu.memref_slice %arg6[%add3A_41] : memref<6400xi32, #tpu.memory_space<vmem>> -> memref<40xi32, #tpu.memory_space<vmem>>
    %dma_start3A_49 = arith.constant 0 : i32
    %dma_start3A_50 = arith.constant 0 : i32
    %dma_start3A_51 = tpu.memref_slice %arg2[%dma_start3A_49, %dma_start3A_50] : memref<1000000x128xf32, #tpu.memory_space<hbm>> -> memref<1000000x128xf32, #tpu.memory_space<hbm>>
    tpu.enqueue_indirect_dma source(%dma_start3A_51 : memref<1000000x128xf32, #tpu.memory_space<hbm>>) target(%dma_start3A_47 : memref<40x128xf32, #tpu.memory_space<vmem>>) offsets(%dma_start3A_48 : memref<40xi32, #tpu.memory_space<vmem>>) semaphore(%arg9 : memref<!tpu.dma_semaphore, #tpu.memory_space<semaphore_mem>>)
    %rem3A_52 = arith.constant 0 : i32
    %rem3A_53 = arith.constant 5 : i32
    %rem3A_54 = arith.remsi %rem3A_52, %rem3A_53 : i32
    %mul3A_55 = arith.constant 40 : i32
    %mul3A_56 = arith.muli %rem3A_54, %mul3A_55 : i32
    %add3A_57 = arith.constant 600 : i32
    %add3A_58 = arith.addi %add3A_57, %mul3A_56 : i32
    %dma_start3A_59 = arith.constant 0 : i32
    %dma_start3A_60 = arith.constant 3 : i32
    %dma_start3A_61 = arith.constant 0 : i32
    %dma_start3A_62 = arith.constant 0 : i32
    %dma_start3A_63 = tpu.memref_slice %arg7[%dma_start3A_59, %dma_start3A_60, %dma_start3A_61, %dma_start3A_62] : memref<2x8x40x128xf32, #tpu.memory_space<vmem>> -> memref<1x1x40x128xf32, #tpu.memory_space<vmem>>
    %dma_start3A_64 = tpu.memref_squeeze %dma_start3A_63 : memref<1x1x40x128xf32, #tpu.memory_space<vmem>> -> memref<40x128xf32, #tpu.memory_space<vmem>>
    %dma_start3A_65 = tpu.memref_slice %arg6[%add3A_58] : memref<6400xi32, #tpu.memory_space<vmem>> -> memref<40xi32, #tpu.memory_space<vmem>>
    %dma_start3A_66 = arith.constant 0 : i32
    %dma_start3A_67 = arith.constant 0 : i32
    %dma_start3A_68 = tpu.memref_slice %arg2[%dma_start3A_66, %dma_start3A_67] : memref<1000000x128xf32, #tpu.memory_space<hbm>> -> memref<1000000x128xf32, #tpu.memory_space<hbm>>
    tpu.enqueue_indirect_dma source(%dma_start3A_68 : memref<1000000x128xf32, #tpu.memory_space<hbm>>) target(%dma_start3A_64 : memref<40x128xf32, #tpu.memory_space<vmem>>) offsets(%dma_start3A_65 : memref<40xi32, #tpu.memory_space<vmem>>) semaphore(%arg9 : memref<!tpu.dma_semaphore, #tpu.memory_space<semaphore_mem>>)
    %rem3A_69 = arith.constant 0 : i32
    %rem3A_70 = arith.constant 5 : i32
    %rem3A_71 = arith.remsi %rem3A_69, %rem3A_70 : i32
    %mul3A_72 = arith.constant 40 : i32
    %mul3A_73 = arith.muli %rem3A_71, %mul3A_72 : i32
    %add3A_74 = arith.constant 800 : i32
    %add3A_75 = arith.addi %add3A_74, %mul3A_73 : i32
    %dma_start3A_76 = arith.constant 0 : i32
    %dma_start3A_77 = arith.constant 4 : i32
    %dma_start3A_78 = arith.constant 0 : i32
    %dma_start3A_79 = arith.constant 0 : i32
    %dma_start3A_80 = tpu.memref_slice %arg7[%dma_start3A_76, %dma_start3A_77, %dma_start3A_78, %dma_start3A_79] : memref<2x8x40x128xf32, #tpu.memory_space<vmem>> -> memref<1x1x40x128xf32, #tpu.memory_space<vmem>>
    %dma_start3A_81 = tpu.memref_squeeze %dma_start3A_80 : memref<1x1x40x128xf32, #tpu.memory_space<vmem>> -> memref<40x128xf32, #tpu.memory_space<vmem>>
    %dma_start3A_82 = tpu.memref_slice %arg6[%add3A_75] : memref<6400xi32, #tpu.memory_space<vmem>> -> memref<40xi32, #tpu.memory_space<vmem>>
    %dma_start3A_83 = arith.constant 0 : i32
    %dma_start3A_84 = arith.constant 0 : i32
    %dma_start3A_85 = tpu.memref_slice %arg2[%dma_start3A_83, %dma_start3A_84] : memref<1000000x128xf32, #tpu.memory_space<hbm>> -> memref<1000000x128xf32, #tpu.memory_space<hbm>>
    tpu.enqueue_indirect_dma source(%dma_start3A_85 : memref<1000000x128xf32, #tpu.memory_space<hbm>>) target(%dma_start3A_81 : memref<40x128xf32, #tpu.memory_space<vmem>>) offsets(%dma_start3A_82 : memref<40xi32, #tpu.memory_space<vmem>>) semaphore(%arg9 : memref<!tpu.dma_semaphore, #tpu.memory_space<semaphore_mem>>)
    %rem3A_86 = arith.constant 0 : i32
    %rem3A_87 = arith.constant 5 : i32
    %rem3A_88 = arith.remsi %rem3A_86, %rem3A_87 : i32
    %mul3A_89 = arith.constant 40 : i32
    %mul3A_90 = arith.muli %rem3A_88, %mul3A_89 : i32
    %add3A_91 = arith.constant 1000 : i32
    %add3A_92 = arith.addi %add3A_91, %mul3A_90 : i32
    %dma_start3A_93 = arith.constant 0 : i32
    %dma_start3A_94 = arith.constant 5 : i32
    %dma_start3A_95 = arith.constant 0 : i32
    %dma_start3A_96 = arith.constant 0 : i32
    %dma_start3A_97 = tpu.memref_slice %arg7[%dma_start3A_93, %dma_start3A_94, %dma_start3A_95, %dma_start3A_96] : memref<2x8x40x128xf32, #tpu.memory_space<vmem>> -> memref<1x1x40x128xf32, #tpu.memory_space<vmem>>
    %dma_start3A_98 = tpu.memref_squeeze %dma_start3A_97 : memref<1x1x40x128xf32, #tpu.memory_space<vmem>> -> memref<40x128xf32, #tpu.memory_space<vmem>>
    %dma_start3A_99 = tpu.memref_slice %arg6[%add3A_92] : memref<6400xi32, #tpu.memory_space<vmem>> -> memref<40xi32, #tpu.memory_space<vmem>>
    %dma_start3A_100 = arith.constant 0 : i32
    %dma_start3A_101 = arith.constant 0 : i32
    %dma_start3A_102 = tpu.memref_slice %arg2[%dma_start3A_100, %dma_start3A_101] : memref<1000000x128xf32, #tpu.memory_space<hbm>> -> memref<1000000x128xf32, #tpu.memory_space<hbm>>
    tpu.enqueue_indirect_dma source(%dma_start3A_102 : memref<1000000x128xf32, #tpu.memory_space<hbm>>) target(%dma_start3A_98 : memref<40x128xf32, #tpu.memory_space<vmem>>) offsets(%dma_start3A_99 : memref<40xi32, #tpu.memory_space<vmem>>) semaphore(%arg9 : memref<!tpu.dma_semaphore, #tpu.memory_space<semaphore_mem>>)
    %rem3A_103 = arith.constant 0 : i32
    %rem3A_104 = arith.constant 5 : i32
    %rem3A_105 = arith.remsi %rem3A_103, %rem3A_104 : i32
    %mul3A_106 = arith.constant 40 : i32
    %mul3A_107 = arith.muli %rem3A_105, %mul3A_106 : i32
    %add3A_108 = arith.constant 1200 : i32
    %add3A_109 = arith.addi %add3A_108, %mul3A_107 : i32
    %dma_start3A_110 = arith.constant 0 : i32
    %dma_start3A_111 = arith.constant 6 : i32
    %dma_start3A_112 = arith.constant 0 : i32
    %dma_start3A_113 = arith.constant 0 : i32
    %dma_start3A_114 = tpu.memref_slice %arg7[%dma_start3A_110, %dma_start3A_111, %dma_start3A_112, %dma_start3A_113] : memref<2x8x40x128xf32, #tpu.memory_space<vmem>> -> memref<1x1x40x128xf32, #tpu.memory_space<vmem>>
    %dma_start3A_115 = tpu.memref_squeeze %dma_start3A_114 : memref<1x1x40x128xf32, #tpu.memory_space<vmem>> -> memref<40x128xf32, #tpu.memory_space<vmem>>
    %dma_start3A_116 = tpu.memref_slice %arg6[%add3A_109] : memref<6400xi32, #tpu.memory_space<vmem>> -> memref<40xi32, #tpu.memory_space<vmem>>
    %dma_start3A_117 = arith.constant 0 : i32
    %dma_start3A_118 = arith.constant 0 : i32
    %dma_start3A_119 = tpu.memref_slice %arg2[%dma_start3A_117, %dma_start3A_118] : memref<1000000x128xf32, #tpu.memory_space<hbm>> -> memref<1000000x128xf32, #tpu.memory_space<hbm>>
    tpu.enqueue_indirect_dma source(%dma_start3A_119 : memref<1000000x128xf32, #tpu.memory_space<hbm>>) target(%dma_start3A_115 : memref<40x128xf32, #tpu.memory_space<vmem>>) offsets(%dma_start3A_116 : memref<40xi32, #tpu.memory_space<vmem>>) semaphore(%arg9 : memref<!tpu.dma_semaphore, #tpu.memory_space<semaphore_mem>>)
    %rem3A_120 = arith.constant 0 : i32
    %rem3A_121 = arith.constant 5 : i32
    %rem3A_122 = arith.remsi %rem3A_120, %rem3A_121 : i32
    %mul3A_123 = arith.constant 40 : i32
    %mul3A_124 = arith.muli %rem3A_122, %mul3A_123 : i32
    %add3A_125 = arith.constant 1400 : i32
    %add3A_126 = arith.addi %add3A_125, %mul3A_124 : i32
    %dma_start3A_127 = arith.constant 0 : i32
    %dma_start3A_128 = arith.constant 7 : i32
    %dma_start3A_129 = arith.constant 0 : i32
    %dma_start3A_130 = arith.constant 0 : i32
    %dma_start3A_131 = tpu.memref_slice %arg7[%dma_start3A_127, %dma_start3A_128, %dma_start3A_129, %dma_start3A_130] : memref<2x8x40x128xf32, #tpu.memory_space<vmem>> -> memref<1x1x40x128xf32, #tpu.memory_space<vmem>>
    %dma_start3A_132 = tpu.memref_squeeze %dma_start3A_131 : memref<1x1x40x128xf32, #tpu.memory_space<vmem>> -> memref<40x128xf32, #tpu.memory_space<vmem>>
    %dma_start3A_133 = tpu.memref_slice %arg6[%add3A_126] : memref<6400xi32, #tpu.memory_space<vmem>> -> memref<40xi32, #tpu.memory_space<vmem>>
    %dma_start3A_134 = arith.constant 0 : i32
    %dma_start3A_135 = arith.constant 0 : i32
    %dma_start3A_136 = tpu.memref_slice %arg2[%dma_start3A_134, %dma_start3A_135] : memref<1000000x128xf32, #tpu.memory_space<hbm>> -> memref<1000000x128xf32, #tpu.memory_space<hbm>>
    tpu.enqueue_indirect_dma source(%dma_start3A_136 : memref<1000000x128xf32, #tpu.memory_space<hbm>>) target(%dma_start3A_132 : memref<40x128xf32, #tpu.memory_space<vmem>>) offsets(%dma_start3A_133 : memref<40xi32, #tpu.memory_space<vmem>>) semaphore(%arg9 : memref<!tpu.dma_semaphore, #tpu.memory_space<semaphore_mem>>)
    "tpu.region"() ({
      %run_scoped3A = tpu.sem_alloc : memref<!tpu.dma_semaphore, #tpu.memory_space<semaphore_mem>>
      %dma_start3A_165 = arith.constant 0 : i32
      %dma_start3A_166 = arith.constant 0 : i32
      %dma_start3A_167 = tpu.memref_slice %arg4[%dma_start3A_165, %dma_start3A_166] : memref<512x128xf32, #tpu.memory_space<hbm>> -> memref<200x128xf32, #tpu.memory_space<hbm>>
      %dma_start3A_168 = arith.constant 0 : i32
      %dma_start3A_169 = arith.constant 0 : i32
      %dma_start3A_170 = tpu.memref_slice %arg4[%dma_start3A_168, %dma_start3A_169] : memref<512x128xf32, #tpu.memory_space<hbm>> -> memref<200x128xf32, #tpu.memory_space<hbm>>
      tpu.enqueue_dma source(%dma_start3A_170 : memref<200x128xf32, #tpu.memory_space<hbm>>) target(%arg8 : memref<200x128xf32, #tpu.memory_space<vmem>>) target_semaphore(%run_scoped3A : memref<!tpu.dma_semaphore, #tpu.memory_space<semaphore_mem>>)
      %dma_wait3A_171 = arith.constant 0 : i32
      %dma_wait3A_172 = arith.constant 0 : i32
      %dma_wait3A_173 = tpu.memref_slice %arg4[%dma_wait3A_171, %dma_wait3A_172] : memref<512x128xf32, #tpu.memory_space<hbm>> -> memref<200x128xf32, #tpu.memory_space<hbm>>
      %dma_wait3A_174 = arith.constant 0 : i32
      %dma_wait3A_175 = arith.constant 0 : i32
      %dma_wait3A_176 = tpu.memref_slice %arg4[%dma_wait3A_174, %dma_wait3A_175] : memref<512x128xf32, #tpu.memory_space<hbm>> -> memref<200x128xf32, #tpu.memory_space<hbm>>
      tpu.wait_dma2 semaphore(%run_scoped3A : memref<!tpu.dma_semaphore, #tpu.memory_space<semaphore_mem>>) src(%dma_wait3A_176 : memref<200x128xf32, #tpu.memory_space<hbm>>) dst(%arg8 : memref<200x128xf32, #tpu.memory_space<vmem>>)
      tpu.yield
    }) : () -> ()
    %scan3A = arith.constant 0 : i32
    %scan3A_137 = arith.constant 0 : i32
    %scan3A_138 = arith.constant 10 : i32
    %scan3A_139 = arith.addi %scan3A_137, %scan3A_138 : i32
    %scan3A_140 = arith.constant 1 : i32
    scf.for %scan3A_165 = %scan3A_137 to %scan3A_139 step %scan3A_140  : i32 {
      %mul3A_166 = arith.constant 2 : i32
      %mul3A_167 = arith.muli %scan3A_165, %mul3A_166 : i32
      %add3A_168 = arith.constant 0 : i32
      %add3A_169 = arith.addi %mul3A_167, %add3A_168 : i32
      %ge3A = arith.constant 1 : i32
      %ge3A_170 = arith.cmpi sge, %add3A_169, %ge3A : i32
      %convert_element_type3A = arith.extui %ge3A_170 : i1 to i32
      %cond3A = arith.constant 0 : i32
      %cond3A_171 = arith.cmpi ne, %convert_element_type3A, %cond3A : i32
      scf.if %cond3A_171 {
        %sub3A_984 = arith.constant 1 : i32
        %sub3A_985 = arith.subi %add3A_169, %sub3A_984 : i32
        %jit3A_986 = arith.constant 5 : i32
        %div3A_987 = arith.divsi %sub3A_985, %jit3A_986 : i32
        %sign3A_988 = arith.constant 0 : i32
        %sign3A_989 = arith.cmpi sgt, %sub3A_985, %sign3A_988 : i32
        %sign3A_990 = arith.extui %sign3A_989 : i1 to i32
        %sign3A_991 = arith.constant 0 : i32
        %sign3A_992 = arith.cmpi slt, %sub3A_985, %sign3A_991 : i32
        %sign3A_993 = arith.extui %sign3A_992 : i1 to i32
        %sign3A_994 = arith.subi %sign3A_990, %sign3A_993 : i32
        %sign3A_995 = arith.constant 0 : i32
        %sign3A_996 = arith.cmpi sgt, %jit3A_986, %sign3A_995 : i32
        %sign3A_997 = arith.extui %sign3A_996 : i1 to i32
        %sign3A_998 = arith.constant 0 : i32
        %sign3A_999 = arith.cmpi slt, %jit3A_986, %sign3A_998 : i32
        %sign3A_1000 = arith.extui %sign3A_999 : i1 to i32
        %sign3A_1001 = arith.subi %sign3A_997, %sign3A_1000 : i32
        %ne3A_1002 = arith.cmpi ne, %sign3A_994, %sign3A_1001 : i32
        %rem3A_1003 = arith.remsi %sub3A_985, %jit3A_986 : i32
        %ne3A_1004 = arith.constant 0 : i32
        %ne3A_1005 = arith.cmpi ne, %rem3A_1003, %ne3A_1004 : i32
        %and3A_1006 = arith.andi %ne3A_1002, %ne3A_1005 : i1
        %sub3A_1007 = arith.constant 1 : i32
        %sub3A_1008 = arith.subi %div3A_987, %sub3A_1007 : i32
        %select_n3A_1009 = arith.select %and3A_1006, %sub3A_1008, %div3A_987 : i32
        %rem3A_1010 = arith.constant 5 : i32
        %rem3A_1011 = arith.remsi %sub3A_985, %rem3A_1010 : i32
        %mul3A_1012 = arith.constant 32 : i32
        %mul3A_1013 = arith.muli %add3A, %mul3A_1012 : i32
        %mul3A_1014 = arith.constant 8 : i32
        %mul3A_1015 = arith.muli %select_n3A_1009, %mul3A_1014 : i32
        %add3A_1016 = arith.addi %mul3A_1013, %mul3A_1015 : i32
        %mul3A_1017 = arith.constant 40 : i32
        %mul3A_1018 = arith.muli %rem3A_1011, %mul3A_1017 : i32
        %dma_wait3A_1019 = arith.constant 1 : i32
        %dma_wait3A_1020 = arith.constant 0 : i32
        %dma_wait3A_1021 = arith.constant 0 : i32
        %dma_wait3A_1022 = arith.constant 0 : i32
        %dma_wait3A_1023 = tpu.memref_slice %arg7[%dma_wait3A_1019, %dma_wait3A_1020, %dma_wait3A_1021, %dma_wait3A_1022] : memref<2x8x40x128xf32, #tpu.memory_space<vmem>> -> memref<1x8x40x128xf32, #tpu.memory_space<vmem>>
        %dma_wait3A_1024 = tpu.memref_squeeze %dma_wait3A_1023 : memref<1x8x40x128xf32, #tpu.memory_space<vmem>> -> memref<8x40x128xf32, #tpu.memory_space<vmem>>
        %dma_wait3A_1025 = arith.constant 0 : i32
        %dma_wait3A_1026 = tpu.memref_slice %arg5[%add3A_1016, %mul3A_1018, %dma_wait3A_1025] : memref<1024x200x128xf32, #tpu.memory_space<hbm>> -> memref<8x40x128xf32, #tpu.memory_space<hbm>>
        %dma_wait3A_1027 = arith.constant 0 : i32
        %dma_wait3A_1028 = tpu.memref_slice %arg5[%add3A_1016, %mul3A_1018, %dma_wait3A_1027] : memref<1024x200x128xf32, #tpu.memory_space<hbm>> -> memref<8x40x128xf32, #tpu.memory_space<hbm>>
        %dma_wait3A_1029 = arith.constant 0 : i32
        %dma_wait3A_1030 = arith.constant 0 : i32
        %dma_wait3A_1031 = arith.constant 0 : i32
        %dma_wait3A_1032 = tpu.memref_slice %arg7[%dma_wait3A_1019, %dma_wait3A_1029, %dma_wait3A_1030, %dma_wait3A_1031] : memref<2x8x40x128xf32, #tpu.memory_space<vmem>> -> memref<1x8x40x128xf32, #tpu.memory_space<vmem>>
        %dma_wait3A_1033 = tpu.memref_squeeze %dma_wait3A_1032 : memref<1x8x40x128xf32, #tpu.memory_space<vmem>> -> memref<8x40x128xf32, #tpu.memory_space<vmem>>
        tpu.wait_dma2 semaphore(%arg12 : memref<!tpu.dma_semaphore, #tpu.memory_space<semaphore_mem>>) src(%dma_wait3A_1033 : memref<8x40x128xf32, #tpu.memory_space<vmem>>) dst(%dma_wait3A_1028 : memref<8x40x128xf32, #tpu.memory_space<hbm>>)
      } else {
      }
      %add3A_172 = arith.constant 1 : i32
      %add3A_173 = arith.addi %add3A_169, %add3A_172 : i32
      %lt3A = arith.constant 20 : i32
      %lt3A_174 = arith.cmpi slt, %add3A_173, %lt3A : i32
      %convert_element_type3A_175 = arith.extui %lt3A_174 : i1 to i32
      %cond3A_176 = arith.constant 0 : i32
      %cond3A_177 = arith.cmpi ne, %convert_element_type3A_175, %cond3A_176 : i32
      scf.if %cond3A_177 {
        %add3A_984 = arith.constant 1 : i32
        %add3A_985 = arith.addi %add3A_169, %add3A_984 : i32
        %jit3A_986 = arith.constant 5 : i32
        %div3A_987 = arith.divsi %add3A_985, %jit3A_986 : i32
        %sign3A_988 = arith.constant 0 : i32
        %sign3A_989 = arith.cmpi sgt, %add3A_985, %sign3A_988 : i32
        %sign3A_990 = arith.extui %sign3A_989 : i1 to i32
        %sign3A_991 = arith.constant 0 : i32
        %sign3A_992 = arith.cmpi slt, %add3A_985, %sign3A_991 : i32
        %sign3A_993 = arith.extui %sign3A_992 : i1 to i32
        %sign3A_994 = arith.subi %sign3A_990, %sign3A_993 : i32
        %sign3A_995 = arith.constant 0 : i32
        %sign3A_996 = arith.cmpi sgt, %jit3A_986, %sign3A_995 : i32
        %sign3A_997 = arith.extui %sign3A_996 : i1 to i32
        %sign3A_998 = arith.constant 0 : i32
        %sign3A_999 = arith.cmpi slt, %jit3A_986, %sign3A_998 : i32
        %sign3A_1000 = arith.extui %sign3A_999 : i1 to i32
        %sign3A_1001 = arith.subi %sign3A_997, %sign3A_1000 : i32
        %ne3A_1002 = arith.cmpi ne, %sign3A_994, %sign3A_1001 : i32
        %rem3A_1003 = arith.remsi %add3A_985, %jit3A_986 : i32
        %ne3A_1004 = arith.constant 0 : i32
        %ne3A_1005 = arith.cmpi ne, %rem3A_1003, %ne3A_1004 : i32
        %and3A_1006 = arith.andi %ne3A_1002, %ne3A_1005 : i1
        %sub3A_1007 = arith.constant 1 : i32
        %sub3A_1008 = arith.subi %div3A_987, %sub3A_1007 : i32
        %select_n3A_1009 = arith.select %and3A_1006, %sub3A_1008, %div3A_987 : i32
        %rem3A_1010 = arith.constant 5 : i32
        %rem3A_1011 = arith.remsi %add3A_985, %rem3A_1010 : i32
        %mul3A_1012 = arith.constant 1600 : i32
        %mul3A_1013 = arith.muli %select_n3A_1009, %mul3A_1012 : i32
        %add3A_1014 = arith.constant 0 : i32
        %add3A_1015 = arith.addi %mul3A_1013, %add3A_1014 : i32
        %mul3A_1016 = arith.constant 40 : i32
        %mul3A_1017 = arith.muli %rem3A_1011, %mul3A_1016 : i32
        %add3A_1018 = arith.addi %add3A_1015, %mul3A_1017 : i32
        %dma_start3A_1019 = arith.constant 1 : i32
        %dma_start3A_1020 = arith.constant 0 : i32
        %dma_start3A_1021 = arith.constant 0 : i32
        %dma_start3A_1022 = arith.constant 0 : i32
        %dma_start3A_1023 = tpu.memref_slice %arg7[%dma_start3A_1019, %dma_start3A_1020, %dma_start3A_1021, %dma_start3A_1022] : memref<2x8x40x128xf32, #tpu.memory_space<vmem>> -> memref<1x1x40x128xf32, #tpu.memory_space<vmem>>
        %dma_start3A_1024 = tpu.memref_squeeze %dma_start3A_1023 : memref<1x1x40x128xf32, #tpu.memory_space<vmem>> -> memref<40x128xf32, #tpu.memory_space<vmem>>
        %dma_start3A_1025 = tpu.memref_slice %arg6[%add3A_1018] : memref<6400xi32, #tpu.memory_space<vmem>> -> memref<40xi32, #tpu.memory_space<vmem>>
        %dma_start3A_1026 = arith.constant 0 : i32
        %dma_start3A_1027 = arith.constant 0 : i32
        %dma_start3A_1028 = tpu.memref_slice %arg2[%dma_start3A_1026, %dma_start3A_1027] : memref<1000000x128xf32, #tpu.memory_space<hbm>> -> memref<1000000x128xf32, #tpu.memory_space<hbm>>
        tpu.enqueue_indirect_dma source(%dma_start3A_1028 : memref<1000000x128xf32, #tpu.memory_space<hbm>>) target(%dma_start3A_1024 : memref<40x128xf32, #tpu.memory_space<vmem>>) offsets(%dma_start3A_1025 : memref<40xi32, #tpu.memory_space<vmem>>) semaphore(%arg10 : memref<!tpu.dma_semaphore, #tpu.memory_space<semaphore_mem>>)
        %jit3A_1029 = arith.constant 5 : i32
        %div3A_1030 = arith.divsi %add3A_985, %jit3A_1029 : i32
        %sign3A_1031 = arith.constant 0 : i32
        %sign3A_1032 = arith.cmpi sgt, %add3A_985, %sign3A_1031 : i32
        %sign3A_1033 = arith.extui %sign3A_1032 : i1 to i32
        %sign3A_1034 = arith.constant 0 : i32
        %sign3A_1035 = arith.cmpi slt, %add3A_985, %sign3A_1034 : i32
        %sign3A_1036 = arith.extui %sign3A_1035 : i1 to i32
        %sign3A_1037 = arith.subi %sign3A_1033, %sign3A_1036 : i32
        %sign3A_1038 = arith.constant 0 : i32
        %sign3A_1039 = arith.cmpi sgt, %jit3A_1029, %sign3A_1038 : i32
        %sign3A_1040 = arith.extui %sign3A_1039 : i1 to i32
        %sign3A_1041 = arith.constant 0 : i32
        %sign3A_1042 = arith.cmpi slt, %jit3A_1029, %sign3A_1041 : i32
        %sign3A_1043 = arith.extui %sign3A_1042 : i1 to i32
        %sign3A_1044 = arith.subi %sign3A_1040, %sign3A_1043 : i32
        %ne3A_1045 = arith.cmpi ne, %sign3A_1037, %sign3A_1044 : i32
        %rem3A_1046 = arith.remsi %add3A_985, %jit3A_1029 : i32
        %ne3A_1047 = arith.constant 0 : i32
        %ne3A_1048 = arith.cmpi ne, %rem3A_1046, %ne3A_1047 : i32
        %and3A_1049 = arith.andi %ne3A_1045, %ne3A_1048 : i1
        %sub3A_1050 = arith.constant 1 : i32
        %sub3A_1051 = arith.subi %div3A_1030, %sub3A_1050 : i32
        %select_n3A_1052 = arith.select %and3A_1049, %sub3A_1051, %div3A_1030 : i32
        %rem3A_1053 = arith.constant 5 : i32
        %rem3A_1054 = arith.remsi %add3A_985, %rem3A_1053 : i32
        %mul3A_1055 = arith.constant 1600 : i32
        %mul3A_1056 = arith.muli %select_n3A_1052, %mul3A_1055 : i32
        %add3A_1057 = arith.constant 200 : i32
        %add3A_1058 = arith.addi %mul3A_1056, %add3A_1057 : i32
        %mul3A_1059 = arith.constant 40 : i32
        %mul3A_1060 = arith.muli %rem3A_1054, %mul3A_1059 : i32
        %add3A_1061 = arith.addi %add3A_1058, %mul3A_1060 : i32
        %dma_start3A_1062 = arith.constant 1 : i32
        %dma_start3A_1063 = arith.constant 1 : i32
        %dma_start3A_1064 = arith.constant 0 : i32
        %dma_start3A_1065 = arith.constant 0 : i32
        %dma_start3A_1066 = tpu.memref_slice %arg7[%dma_start3A_1062, %dma_start3A_1063, %dma_start3A_1064, %dma_start3A_1065] : memref<2x8x40x128xf32, #tpu.memory_space<vmem>> -> memref<1x1x40x128xf32, #tpu.memory_space<vmem>>
        %dma_start3A_1067 = tpu.memref_squeeze %dma_start3A_1066 : memref<1x1x40x128xf32, #tpu.memory_space<vmem>> -> memref<40x128xf32, #tpu.memory_space<vmem>>
        %dma_start3A_1068 = tpu.memref_slice %arg6[%add3A_1061] : memref<6400xi32, #tpu.memory_space<vmem>> -> memref<40xi32, #tpu.memory_space<vmem>>
        %dma_start3A_1069 = arith.constant 0 : i32
        %dma_start3A_1070 = arith.constant 0 : i32
        %dma_start3A_1071 = tpu.memref_slice %arg2[%dma_start3A_1069, %dma_start3A_1070] : memref<1000000x128xf32, #tpu.memory_space<hbm>> -> memref<1000000x128xf32, #tpu.memory_space<hbm>>
        tpu.enqueue_indirect_dma source(%dma_start3A_1071 : memref<1000000x128xf32, #tpu.memory_space<hbm>>) target(%dma_start3A_1067 : memref<40x128xf32, #tpu.memory_space<vmem>>) offsets(%dma_start3A_1068 : memref<40xi32, #tpu.memory_space<vmem>>) semaphore(%arg10 : memref<!tpu.dma_semaphore, #tpu.memory_space<semaphore_mem>>)
        %jit3A_1072 = arith.constant 5 : i32
        %div3A_1073 = arith.divsi %add3A_985, %jit3A_1072 : i32
        %sign3A_1074 = arith.constant 0 : i32
        %sign3A_1075 = arith.cmpi sgt, %add3A_985, %sign3A_1074 : i32
        %sign3A_1076 = arith.extui %sign3A_1075 : i1 to i32
        %sign3A_1077 = arith.constant 0 : i32
        %sign3A_1078 = arith.cmpi slt, %add3A_985, %sign3A_1077 : i32
        %sign3A_1079 = arith.extui %sign3A_1078 : i1 to i32
        %sign3A_1080 = arith.subi %sign3A_1076, %sign3A_1079 : i32
        %sign3A_1081 = arith.constant 0 : i32
        %sign3A_1082 = arith.cmpi sgt, %jit3A_1072, %sign3A_1081 : i32
        %sign3A_1083 = arith.extui %sign3A_1082 : i1 to i32
        %sign3A_1084 = arith.constant 0 : i32
        %sign3A_1085 = arith.cmpi slt, %jit3A_1072, %sign3A_1084 : i32
        %sign3A_1086 = arith.extui %sign3A_1085 : i1 to i32
        %sign3A_1087 = arith.subi %sign3A_1083, %sign3A_1086 : i32
        %ne3A_1088 = arith.cmpi ne, %sign3A_1080, %sign3A_1087 : i32
        %rem3A_1089 = arith.remsi %add3A_985, %jit3A_1072 : i32
        %ne3A_1090 = arith.constant 0 : i32
        %ne3A_1091 = arith.cmpi ne, %rem3A_1089, %ne3A_1090 : i32
        %and3A_1092 = arith.andi %ne3A_1088, %ne3A_1091 : i1
        %sub3A_1093 = arith.constant 1 : i32
        %sub3A_1094 = arith.subi %div3A_1073, %sub3A_1093 : i32
        %select_n3A_1095 = arith.select %and3A_1092, %sub3A_1094, %div3A_1073 : i32
        %rem3A_1096 = arith.constant 5 : i32
        %rem3A_1097 = arith.remsi %add3A_985, %rem3A_1096 : i32
        %mul3A_1098 = arith.constant 1600 : i32
        %mul3A_1099 = arith.muli %select_n3A_1095, %mul3A_1098 : i32
        %add3A_1100 = arith.constant 400 : i32
        %add3A_1101 = arith.addi %mul3A_1099, %add3A_1100 : i32
        %mul3A_1102 = arith.constant 40 : i32
        %mul3A_1103 = arith.muli %rem3A_1097, %mul3A_1102 : i32
        %add3A_1104 = arith.addi %add3A_1101, %mul3A_1103 : i32
        %dma_start3A_1105 = arith.constant 1 : i32
        %dma_start3A_1106 = arith.constant 2 : i32
        %dma_start3A_1107 = arith.constant 0 : i32
        %dma_start3A_1108 = arith.constant 0 : i32
        %dma_start3A_1109 = tpu.memref_slice %arg7[%dma_start3A_1105, %dma_start3A_1106, %dma_start3A_1107, %dma_start3A_1108] : memref<2x8x40x128xf32, #tpu.memory_space<vmem>> -> memref<1x1x40x128xf32, #tpu.memory_space<vmem>>
        %dma_start3A_1110 = tpu.memref_squeeze %dma_start3A_1109 : memref<1x1x40x128xf32, #tpu.memory_space<vmem>> -> memref<40x128xf32, #tpu.memory_space<vmem>>
        %dma_start3A_1111 = tpu.memref_slice %arg6[%add3A_1104] : memref<6400xi32, #tpu.memory_space<vmem>> -> memref<40xi32, #tpu.memory_space<vmem>>
        %dma_start3A_1112 = arith.constant 0 : i32
        %dma_start3A_1113 = arith.constant 0 : i32
        %dma_start3A_1114 = tpu.memref_slice %arg2[%dma_start3A_1112, %dma_start3A_1113] : memref<1000000x128xf32, #tpu.memory_space<hbm>> -> memref<1000000x128xf32, #tpu.memory_space<hbm>>
        tpu.enqueue_indirect_dma source(%dma_start3A_1114 : memref<1000000x128xf32, #tpu.memory_space<hbm>>) target(%dma_start3A_1110 : memref<40x128xf32, #tpu.memory_space<vmem>>) offsets(%dma_start3A_1111 : memref<40xi32, #tpu.memory_space<vmem>>) semaphore(%arg10 : memref<!tpu.dma_semaphore, #tpu.memory_space<semaphore_mem>>)
        %jit3A_1115 = arith.constant 5 : i32
        %div3A_1116 = arith.divsi %add3A_985, %jit3A_1115 : i32
        %sign3A_1117 = arith.constant 0 : i32
        %sign3A_1118 = arith.cmpi sgt, %add3A_985, %sign3A_1117 : i32
        %sign3A_1119 = arith.extui %sign3A_1118 : i1 to i32
        %sign3A_1120 = arith.constant 0 : i32
        %sign3A_1121 = arith.cmpi slt, %add3A_985, %sign3A_1120 : i32
        %sign3A_1122 = arith.extui %sign3A_1121 : i1 to i32
        %sign3A_1123 = arith.subi %sign3A_1119, %sign3A_1122 : i32
        %sign3A_1124 = arith.constant 0 : i32
        %sign3A_1125 = arith.cmpi sgt, %jit3A_1115, %sign3A_1124 : i32
        %sign3A_1126 = arith.extui %sign3A_1125 : i1 to i32
        %sign3A_1127 = arith.constant 0 : i32
        %sign3A_1128 = arith.cmpi slt, %jit3A_1115, %sign3A_1127 : i32
        %sign3A_1129 = arith.extui %sign3A_1128 : i1 to i32
        %sign3A_1130 = arith.subi %sign3A_1126, %sign3A_1129 : i32
        %ne3A_1131 = arith.cmpi ne, %sign3A_1123, %sign3A_1130 : i32
        %rem3A_1132 = arith.remsi %add3A_985, %jit3A_1115 : i32
        %ne3A_1133 = arith.constant 0 : i32
        %ne3A_1134 = arith.cmpi ne, %rem3A_1132, %ne3A_1133 : i32
        %and3A_1135 = arith.andi %ne3A_1131, %ne3A_1134 : i1
        %sub3A_1136 = arith.constant 1 : i32
        %sub3A_1137 = arith.subi %div3A_1116, %sub3A_1136 : i32
        %select_n3A_1138 = arith.select %and3A_1135, %sub3A_1137, %div3A_1116 : i32
        %rem3A_1139 = arith.constant 5 : i32
        %rem3A_1140 = arith.remsi %add3A_985, %rem3A_1139 : i32
        %mul3A_1141 = arith.constant 1600 : i32
        %mul3A_1142 = arith.muli %select_n3A_1138, %mul3A_1141 : i32
        %add3A_1143 = arith.constant 600 : i32
        %add3A_1144 = arith.addi %mul3A_1142, %add3A_1143 : i32
        %mul3A_1145 = arith.constant 40 : i32
        %mul3A_1146 = arith.muli %rem3A_1140, %mul3A_1145 : i32
        %add3A_1147 = arith.addi %add3A_1144, %mul3A_1146 : i32
        %dma_start3A_1148 = arith.constant 1 : i32
        %dma_start3A_1149 = arith.constant 3 : i32
        %dma_start3A_1150 = arith.constant 0 : i32
        %dma_start3A_1151 = arith.constant 0 : i32
        %dma_start3A_1152 = tpu.memref_slice %arg7[%dma_start3A_1148, %dma_start3A_1149, %dma_start3A_1150, %dma_start3A_1151] : memref<2x8x40x128xf32, #tpu.memory_space<vmem>> -> memref<1x1x40x128xf32, #tpu.memory_space<vmem>>
        %dma_start3A_1153 = tpu.memref_squeeze %dma_start3A_1152 : memref<1x1x40x128xf32, #tpu.memory_space<vmem>> -> memref<40x128xf32, #tpu.memory_space<vmem>>
        %dma_start3A_1154 = tpu.memref_slice %arg6[%add3A_1147] : memref<6400xi32, #tpu.memory_space<vmem>> -> memref<40xi32, #tpu.memory_space<vmem>>
        %dma_start3A_1155 = arith.constant 0 : i32
        %dma_start3A_1156 = arith.constant 0 : i32
        %dma_start3A_1157 = tpu.memref_slice %arg2[%dma_start3A_1155, %dma_start3A_1156] : memref<1000000x128xf32, #tpu.memory_space<hbm>> -> memref<1000000x128xf32, #tpu.memory_space<hbm>>
        tpu.enqueue_indirect_dma source(%dma_start3A_1157 : memref<1000000x128xf32, #tpu.memory_space<hbm>>) target(%dma_start3A_1153 : memref<40x128xf32, #tpu.memory_space<vmem>>) offsets(%dma_start3A_1154 : memref<40xi32, #tpu.memory_space<vmem>>) semaphore(%arg10 : memref<!tpu.dma_semaphore, #tpu.memory_space<semaphore_mem>>)
        %jit3A_1158 = arith.constant 5 : i32
        %div3A_1159 = arith.divsi %add3A_985, %jit3A_1158 : i32
        %sign3A_1160 = arith.constant 0 : i32
        %sign3A_1161 = arith.cmpi sgt, %add3A_985, %sign3A_1160 : i32
        %sign3A_1162 = arith.extui %sign3A_1161 : i1 to i32
        %sign3A_1163 = arith.constant 0 : i32
        %sign3A_1164 = arith.cmpi slt, %add3A_985, %sign3A_1163 : i32
        %sign3A_1165 = arith.extui %sign3A_1164 : i1 to i32
        %sign3A_1166 = arith.subi %sign3A_1162, %sign3A_1165 : i32
        %sign3A_1167 = arith.constant 0 : i32
        %sign3A_1168 = arith.cmpi sgt, %jit3A_1158, %sign3A_1167 : i32
        %sign3A_1169 = arith.extui %sign3A_1168 : i1 to i32
        %sign3A_1170 = arith.constant 0 : i32
        %sign3A_1171 = arith.cmpi slt, %jit3A_1158, %sign3A_1170 : i32
        %sign3A_1172 = arith.extui %sign3A_1171 : i1 to i32
        %sign3A_1173 = arith.subi %sign3A_1169, %sign3A_1172 : i32
        %ne3A_1174 = arith.cmpi ne, %sign3A_1166, %sign3A_1173 : i32
        %rem3A_1175 = arith.remsi %add3A_985, %jit3A_1158 : i32
        %ne3A_1176 = arith.constant 0 : i32
        %ne3A_1177 = arith.cmpi ne, %rem3A_1175, %ne3A_1176 : i32
        %and3A_1178 = arith.andi %ne3A_1174, %ne3A_1177 : i1
        %sub3A_1179 = arith.constant 1 : i32
        %sub3A_1180 = arith.subi %div3A_1159, %sub3A_1179 : i32
        %select_n3A_1181 = arith.select %and3A_1178, %sub3A_1180, %div3A_1159 : i32
        %rem3A_1182 = arith.constant 5 : i32
        %rem3A_1183 = arith.remsi %add3A_985, %rem3A_1182 : i32
        %mul3A_1184 = arith.constant 1600 : i32
        %mul3A_1185 = arith.muli %select_n3A_1181, %mul3A_1184 : i32
        %add3A_1186 = arith.constant 800 : i32
        %add3A_1187 = arith.addi %mul3A_1185, %add3A_1186 : i32
        %mul3A_1188 = arith.constant 40 : i32
        %mul3A_1189 = arith.muli %rem3A_1183, %mul3A_1188 : i32
        %add3A_1190 = arith.addi %add3A_1187, %mul3A_1189 : i32
        %dma_start3A_1191 = arith.constant 1 : i32
        %dma_start3A_1192 = arith.constant 4 : i32
        %dma_start3A_1193 = arith.constant 0 : i32
        %dma_start3A_1194 = arith.constant 0 : i32
        %dma_start3A_1195 = tpu.memref_slice %arg7[%dma_start3A_1191, %dma_start3A_1192, %dma_start3A_1193, %dma_start3A_1194] : memref<2x8x40x128xf32, #tpu.memory_space<vmem>> -> memref<1x1x40x128xf32, #tpu.memory_space<vmem>>
        %dma_start3A_1196 = tpu.memref_squeeze %dma_start3A_1195 : memref<1x1x40x128xf32, #tpu.memory_space<vmem>> -> memref<40x128xf32, #tpu.memory_space<vmem>>
        %dma_start3A_1197 = tpu.memref_slice %arg6[%add3A_1190] : memref<6400xi32, #tpu.memory_space<vmem>> -> memref<40xi32, #tpu.memory_space<vmem>>
        %dma_start3A_1198 = arith.constant 0 : i32
        %dma_start3A_1199 = arith.constant 0 : i32
        %dma_start3A_1200 = tpu.memref_slice %arg2[%dma_start3A_1198, %dma_start3A_1199] : memref<1000000x128xf32, #tpu.memory_space<hbm>> -> memref<1000000x128xf32, #tpu.memory_space<hbm>>
        tpu.enqueue_indirect_dma source(%dma_start3A_1200 : memref<1000000x128xf32, #tpu.memory_space<hbm>>) target(%dma_start3A_1196 : memref<40x128xf32, #tpu.memory_space<vmem>>) offsets(%dma_start3A_1197 : memref<40xi32, #tpu.memory_space<vmem>>) semaphore(%arg10 : memref<!tpu.dma_semaphore, #tpu.memory_space<semaphore_mem>>)
        %jit3A_1201 = arith.constant 5 : i32
        %div3A_1202 = arith.divsi %add3A_985, %jit3A_1201 : i32
        %sign3A_1203 = arith.constant 0 : i32
        %sign3A_1204 = arith.cmpi sgt, %add3A_985, %sign3A_1203 : i32
        %sign3A_1205 = arith.extui %sign3A_1204 : i1 to i32
        %sign3A_1206 = arith.constant 0 : i32
        %sign3A_1207 = arith.cmpi slt, %add3A_985, %sign3A_1206 : i32
        %sign3A_1208 = arith.extui %sign3A_1207 : i1 to i32
        %sign3A_1209 = arith.subi %sign3A_1205, %sign3A_1208 : i32
        %sign3A_1210 = arith.constant 0 : i32
        %sign3A_1211 = arith.cmpi sgt, %jit3A_1201, %sign3A_1210 : i32
        %sign3A_1212 = arith.extui %sign3A_1211 : i1 to i32
        %sign3A_1213 = arith.constant 0 : i32
        %sign3A_1214 = arith.cmpi slt, %jit3A_1201, %sign3A_1213 : i32
        %sign3A_1215 = arith.extui %sign3A_1214 : i1 to i32
        %sign3A_1216 = arith.subi %sign3A_1212, %sign3A_1215 : i32
        %ne3A_1217 = arith.cmpi ne, %sign3A_1209, %sign3A_1216 : i32
        %rem3A_1218 = arith.remsi %add3A_985, %jit3A_1201 : i32
        %ne3A_1219 = arith.constant 0 : i32
        %ne3A_1220 = arith.cmpi ne, %rem3A_1218, %ne3A_1219 : i32
        %and3A_1221 = arith.andi %ne3A_1217, %ne3A_1220 : i1
        %sub3A_1222 = arith.constant 1 : i32
        %sub3A_1223 = arith.subi %div3A_1202, %sub3A_1222 : i32
        %select_n3A_1224 = arith.select %and3A_1221, %sub3A_1223, %div3A_1202 : i32
        %rem3A_1225 = arith.constant 5 : i32
        %rem3A_1226 = arith.remsi %add3A_985, %rem3A_1225 : i32
        %mul3A_1227 = arith.constant 1600 : i32
        %mul3A_1228 = arith.muli %select_n3A_1224, %mul3A_1227 : i32
        %add3A_1229 = arith.constant 1000 : i32
        %add3A_1230 = arith.addi %mul3A_1228, %add3A_1229 : i32
        %mul3A_1231 = arith.constant 40 : i32
        %mul3A_1232 = arith.muli %rem3A_1226, %mul3A_1231 : i32
        %add3A_1233 = arith.addi %add3A_1230, %mul3A_1232 : i32
        %dma_start3A_1234 = arith.constant 1 : i32
        %dma_start3A_1235 = arith.constant 5 : i32
        %dma_start3A_1236 = arith.constant 0 : i32
        %dma_start3A_1237 = arith.constant 0 : i32
        %dma_start3A_1238 = tpu.memref_slice %arg7[%dma_start3A_1234, %dma_start3A_1235, %dma_start3A_1236, %dma_start3A_1237] : memref<2x8x40x128xf32, #tpu.memory_space<vmem>> -> memref<1x1x40x128xf32, #tpu.memory_space<vmem>>
        %dma_start3A_1239 = tpu.memref_squeeze %dma_start3A_1238 : memref<1x1x40x128xf32, #tpu.memory_space<vmem>> -> memref<40x128xf32, #tpu.memory_space<vmem>>
        %dma_start3A_1240 = tpu.memref_slice %arg6[%add3A_1233] : memref<6400xi32, #tpu.memory_space<vmem>> -> memref<40xi32, #tpu.memory_space<vmem>>
        %dma_start3A_1241 = arith.constant 0 : i32
        %dma_start3A_1242 = arith.constant 0 : i32
        %dma_start3A_1243 = tpu.memref_slice %arg2[%dma_start3A_1241, %dma_start3A_1242] : memref<1000000x128xf32, #tpu.memory_space<hbm>> -> memref<1000000x128xf32, #tpu.memory_space<hbm>>
        tpu.enqueue_indirect_dma source(%dma_start3A_1243 : memref<1000000x128xf32, #tpu.memory_space<hbm>>) target(%dma_start3A_1239 : memref<40x128xf32, #tpu.memory_space<vmem>>) offsets(%dma_start3A_1240 : memref<40xi32, #tpu.memory_space<vmem>>) semaphore(%arg10 : memref<!tpu.dma_semaphore, #tpu.memory_space<semaphore_mem>>)
        %jit3A_1244 = arith.constant 5 : i32
        %div3A_1245 = arith.divsi %add3A_985, %jit3A_1244 : i32
        %sign3A_1246 = arith.constant 0 : i32
        %sign3A_1247 = arith.cmpi sgt, %add3A_985, %sign3A_1246 : i32
        %sign3A_1248 = arith.extui %sign3A_1247 : i1 to i32
        %sign3A_1249 = arith.constant 0 : i32
        %sign3A_1250 = arith.cmpi slt, %add3A_985, %sign3A_1249 : i32
        %sign3A_1251 = arith.extui %sign3A_1250 : i1 to i32
        %sign3A_1252 = arith.subi %sign3A_1248, %sign3A_1251 : i32
        %sign3A_1253 = arith.constant 0 : i32
        %sign3A_1254 = arith.cmpi sgt, %jit3A_1244, %sign3A_1253 : i32
        %sign3A_1255 = arith.extui %sign3A_1254 : i1 to i32
        %sign3A_1256 = arith.constant 0 : i32
        %sign3A_1257 = arith.cmpi slt, %jit3A_1244, %sign3A_1256 : i32
        %sign3A_1258 = arith.extui %sign3A_1257 : i1 to i32
        %sign3A_1259 = arith.subi %sign3A_1255, %sign3A_1258 : i32
        %ne3A_1260 = arith.cmpi ne, %sign3A_1252, %sign3A_1259 : i32
        %rem3A_1261 = arith.remsi %add3A_985, %jit3A_1244 : i32
        %ne3A_1262 = arith.constant 0 : i32
        %ne3A_1263 = arith.cmpi ne, %rem3A_1261, %ne3A_1262 : i32
        %and3A_1264 = arith.andi %ne3A_1260, %ne3A_1263 : i1
        %sub3A_1265 = arith.constant 1 : i32
        %sub3A_1266 = arith.subi %div3A_1245, %sub3A_1265 : i32
        %select_n3A_1267 = arith.select %and3A_1264, %sub3A_1266, %div3A_1245 : i32
        %rem3A_1268 = arith.constant 5 : i32
        %rem3A_1269 = arith.remsi %add3A_985, %rem3A_1268 : i32
        %mul3A_1270 = arith.constant 1600 : i32
        %mul3A_1271 = arith.muli %select_n3A_1267, %mul3A_1270 : i32
        %add3A_1272 = arith.constant 1200 : i32
        %add3A_1273 = arith.addi %mul3A_1271, %add3A_1272 : i32
        %mul3A_1274 = arith.constant 40 : i32
        %mul3A_1275 = arith.muli %rem3A_1269, %mul3A_1274 : i32
        %add3A_1276 = arith.addi %add3A_1273, %mul3A_1275 : i32
        %dma_start3A_1277 = arith.constant 1 : i32
        %dma_start3A_1278 = arith.constant 6 : i32
        %dma_start3A_1279 = arith.constant 0 : i32
        %dma_start3A_1280 = arith.constant 0 : i32
        %dma_start3A_1281 = tpu.memref_slice %arg7[%dma_start3A_1277, %dma_start3A_1278, %dma_start3A_1279, %dma_start3A_1280] : memref<2x8x40x128xf32, #tpu.memory_space<vmem>> -> memref<1x1x40x128xf32, #tpu.memory_space<vmem>>
        %dma_start3A_1282 = tpu.memref_squeeze %dma_start3A_1281 : memref<1x1x40x128xf32, #tpu.memory_space<vmem>> -> memref<40x128xf32, #tpu.memory_space<vmem>>
        %dma_start3A_1283 = tpu.memref_slice %arg6[%add3A_1276] : memref<6400xi32, #tpu.memory_space<vmem>> -> memref<40xi32, #tpu.memory_space<vmem>>
        %dma_start3A_1284 = arith.constant 0 : i32
        %dma_start3A_1285 = arith.constant 0 : i32
        %dma_start3A_1286 = tpu.memref_slice %arg2[%dma_start3A_1284, %dma_start3A_1285] : memref<1000000x128xf32, #tpu.memory_space<hbm>> -> memref<1000000x128xf32, #tpu.memory_space<hbm>>
        tpu.enqueue_indirect_dma source(%dma_start3A_1286 : memref<1000000x128xf32, #tpu.memory_space<hbm>>) target(%dma_start3A_1282 : memref<40x128xf32, #tpu.memory_space<vmem>>) offsets(%dma_start3A_1283 : memref<40xi32, #tpu.memory_space<vmem>>) semaphore(%arg10 : memref<!tpu.dma_semaphore, #tpu.memory_space<semaphore_mem>>)
        %jit3A_1287 = arith.constant 5 : i32
        %div3A_1288 = arith.divsi %add3A_985, %jit3A_1287 : i32
        %sign3A_1289 = arith.constant 0 : i32
        %sign3A_1290 = arith.cmpi sgt, %add3A_985, %sign3A_1289 : i32
        %sign3A_1291 = arith.extui %sign3A_1290 : i1 to i32
        %sign3A_1292 = arith.constant 0 : i32
        %sign3A_1293 = arith.cmpi slt, %add3A_985, %sign3A_1292 : i32
        %sign3A_1294 = arith.extui %sign3A_1293 : i1 to i32
        %sign3A_1295 = arith.subi %sign3A_1291, %sign3A_1294 : i32
        %sign3A_1296 = arith.constant 0 : i32
        %sign3A_1297 = arith.cmpi sgt, %jit3A_1287, %sign3A_1296 : i32
        %sign3A_1298 = arith.extui %sign3A_1297 : i1 to i32
        %sign3A_1299 = arith.constant 0 : i32
        %sign3A_1300 = arith.cmpi slt, %jit3A_1287, %sign3A_1299 : i32
        %sign3A_1301 = arith.extui %sign3A_1300 : i1 to i32
        %sign3A_1302 = arith.subi %sign3A_1298, %sign3A_1301 : i32
        %ne3A_1303 = arith.cmpi ne, %sign3A_1295, %sign3A_1302 : i32
        %rem3A_1304 = arith.remsi %add3A_985, %jit3A_1287 : i32
        %ne3A_1305 = arith.constant 0 : i32
        %ne3A_1306 = arith.cmpi ne, %rem3A_1304, %ne3A_1305 : i32
        %and3A_1307 = arith.andi %ne3A_1303, %ne3A_1306 : i1
        %sub3A_1308 = arith.constant 1 : i32
        %sub3A_1309 = arith.subi %div3A_1288, %sub3A_1308 : i32
        %select_n3A_1310 = arith.select %and3A_1307, %sub3A_1309, %div3A_1288 : i32
        %rem3A_1311 = arith.constant 5 : i32
        %rem3A_1312 = arith.remsi %add3A_985, %rem3A_1311 : i32
        %mul3A_1313 = arith.constant 1600 : i32
        %mul3A_1314 = arith.muli %select_n3A_1310, %mul3A_1313 : i32
        %add3A_1315 = arith.constant 1400 : i32
        %add3A_1316 = arith.addi %mul3A_1314, %add3A_1315 : i32
        %mul3A_1317 = arith.constant 40 : i32
        %mul3A_1318 = arith.muli %rem3A_1312, %mul3A_1317 : i32
        %add3A_1319 = arith.addi %add3A_1316, %mul3A_1318 : i32
        %dma_start3A_1320 = arith.constant 1 : i32
        %dma_start3A_1321 = arith.constant 7 : i32
        %dma_start3A_1322 = arith.constant 0 : i32
        %dma_start3A_1323 = arith.constant 0 : i32
        %dma_start3A_1324 = tpu.memref_slice %arg7[%dma_start3A_1320, %dma_start3A_1321, %dma_start3A_1322, %dma_start3A_1323] : memref<2x8x40x128xf32, #tpu.memory_space<vmem>> -> memref<1x1x40x128xf32, #tpu.memory_space<vmem>>
        %dma_start3A_1325 = tpu.memref_squeeze %dma_start3A_1324 : memref<1x1x40x128xf32, #tpu.memory_space<vmem>> -> memref<40x128xf32, #tpu.memory_space<vmem>>
        %dma_start3A_1326 = tpu.memref_slice %arg6[%add3A_1319] : memref<6400xi32, #tpu.memory_space<vmem>> -> memref<40xi32, #tpu.memory_space<vmem>>
        %dma_start3A_1327 = arith.constant 0 : i32
        %dma_start3A_1328 = arith.constant 0 : i32
        %dma_start3A_1329 = tpu.memref_slice %arg2[%dma_start3A_1327, %dma_start3A_1328] : memref<1000000x128xf32, #tpu.memory_space<hbm>> -> memref<1000000x128xf32, #tpu.memory_space<hbm>>
        tpu.enqueue_indirect_dma source(%dma_start3A_1329 : memref<1000000x128xf32, #tpu.memory_space<hbm>>) target(%dma_start3A_1325 : memref<40x128xf32, #tpu.memory_space<vmem>>) offsets(%dma_start3A_1326 : memref<40xi32, #tpu.memory_space<vmem>>) semaphore(%arg10 : memref<!tpu.dma_semaphore, #tpu.memory_space<semaphore_mem>>)
      } else {
      }
      %jit3A = arith.constant 5 : i32
      %div3A = arith.divsi %add3A_169, %jit3A : i32
      %sign3A = arith.constant 0 : i32
      %sign3A_178 = arith.cmpi sgt, %add3A_169, %sign3A : i32
      %sign3A_179 = arith.extui %sign3A_178 : i1 to i32
      %sign3A_180 = arith.constant 0 : i32
      %sign3A_181 = arith.cmpi slt, %add3A_169, %sign3A_180 : i32
      %sign3A_182 = arith.extui %sign3A_181 : i1 to i32
      %sign3A_183 = arith.subi %sign3A_179, %sign3A_182 : i32
      %sign3A_184 = arith.constant 0 : i32
      %sign3A_185 = arith.cmpi sgt, %jit3A, %sign3A_184 : i32
      %sign3A_186 = arith.extui %sign3A_185 : i1 to i32
      %sign3A_187 = arith.constant 0 : i32
      %sign3A_188 = arith.cmpi slt, %jit3A, %sign3A_187 : i32
      %sign3A_189 = arith.extui %sign3A_188 : i1 to i32
      %sign3A_190 = arith.subi %sign3A_186, %sign3A_189 : i32
      %ne3A = arith.cmpi ne, %sign3A_183, %sign3A_190 : i32
      %rem3A_191 = arith.remsi %add3A_169, %jit3A : i32
      %ne3A_192 = arith.constant 0 : i32
      %ne3A_193 = arith.cmpi ne, %rem3A_191, %ne3A_192 : i32
      %and3A = arith.andi %ne3A, %ne3A_193 : i1
      %sub3A = arith.constant 1 : i32
      %sub3A_194 = arith.subi %div3A, %sub3A : i32
      %select_n3A = arith.select %and3A, %sub3A_194, %div3A : i32
      %rem3A_195 = arith.constant 5 : i32
      %rem3A_196 = arith.remsi %add3A_169, %rem3A_195 : i32
      %mul3A_197 = arith.constant 1600 : i32
      %mul3A_198 = arith.muli %select_n3A, %mul3A_197 : i32
      %add3A_199 = arith.constant 0 : i32
      %add3A_200 = arith.addi %mul3A_198, %add3A_199 : i32
      %mul3A_201 = arith.constant 40 : i32
      %mul3A_202 = arith.muli %rem3A_196, %mul3A_201 : i32
      %add3A_203 = arith.addi %add3A_200, %mul3A_202 : i32
      %dma_wait3A_204 = arith.constant 0 : i32
      %dma_wait3A_205 = arith.constant 0 : i32
      %dma_wait3A_206 = arith.constant 0 : i32
      %dma_wait3A_207 = arith.constant 0 : i32
      %dma_wait3A_208 = tpu.memref_slice %arg7[%dma_wait3A_204, %dma_wait3A_205, %dma_wait3A_206, %dma_wait3A_207] : memref<2x8x40x128xf32, #tpu.memory_space<vmem>> -> memref<1x1x40x128xf32, #tpu.memory_space<vmem>>
      %dma_wait3A_209 = tpu.memref_squeeze %dma_wait3A_208 : memref<1x1x40x128xf32, #tpu.memory_space<vmem>> -> memref<40x128xf32, #tpu.memory_space<vmem>>
      %dma_wait3A_210 = tpu.memref_slice %arg6[%add3A_203] : memref<6400xi32, #tpu.memory_space<vmem>> -> memref<40xi32, #tpu.memory_space<vmem>>
      %dma_wait3A_211 = arith.constant 0 : i32
      %dma_wait3A_212 = arith.constant 0 : i32
      %dma_wait3A_213 = tpu.memref_slice %arg2[%dma_wait3A_211, %dma_wait3A_212] : memref<1000000x128xf32, #tpu.memory_space<hbm>> -> memref<1000000x128xf32, #tpu.memory_space<hbm>>
      tpu.wait_indirect_dma semaphore(%arg9 : memref<!tpu.dma_semaphore, #tpu.memory_space<semaphore_mem>>) src(%dma_wait3A_213 : memref<1000000x128xf32, #tpu.memory_space<hbm>>) dst(%dma_wait3A_209 : memref<40x128xf32, #tpu.memory_space<vmem>>)
      %jit3A_214 = arith.constant 5 : i32
      %div3A_215 = arith.divsi %add3A_169, %jit3A_214 : i32
      %sign3A_216 = arith.constant 0 : i32
      %sign3A_217 = arith.cmpi sgt, %add3A_169, %sign3A_216 : i32
      %sign3A_218 = arith.extui %sign3A_217 : i1 to i32
      %sign3A_219 = arith.constant 0 : i32
      %sign3A_220 = arith.cmpi slt, %add3A_169, %sign3A_219 : i32
      %sign3A_221 = arith.extui %sign3A_220 : i1 to i32
      %sign3A_222 = arith.subi %sign3A_218, %sign3A_221 : i32
      %sign3A_223 = arith.constant 0 : i32
      %sign3A_224 = arith.cmpi sgt, %jit3A_214, %sign3A_223 : i32
      %sign3A_225 = arith.extui %sign3A_224 : i1 to i32
      %sign3A_226 = arith.constant 0 : i32
      %sign3A_227 = arith.cmpi slt, %jit3A_214, %sign3A_226 : i32
      %sign3A_228 = arith.extui %sign3A_227 : i1 to i32
      %sign3A_229 = arith.subi %sign3A_225, %sign3A_228 : i32
      %ne3A_230 = arith.cmpi ne, %sign3A_222, %sign3A_229 : i32
      %rem3A_231 = arith.remsi %add3A_169, %jit3A_214 : i32
      %ne3A_232 = arith.constant 0 : i32
      %ne3A_233 = arith.cmpi ne, %rem3A_231, %ne3A_232 : i32
      %and3A_234 = arith.andi %ne3A_230, %ne3A_233 : i1
      %sub3A_235 = arith.constant 1 : i32
      %sub3A_236 = arith.subi %div3A_215, %sub3A_235 : i32
      %select_n3A_237 = arith.select %and3A_234, %sub3A_236, %div3A_215 : i32
      %rem3A_238 = arith.constant 5 : i32
      %rem3A_239 = arith.remsi %add3A_169, %rem3A_238 : i32
      %mul3A_240 = arith.constant 1600 : i32
      %mul3A_241 = arith.muli %select_n3A_237, %mul3A_240 : i32
      %add3A_242 = arith.constant 200 : i32
      %add3A_243 = arith.addi %mul3A_241, %add3A_242 : i32
      %mul3A_244 = arith.constant 40 : i32
      %mul3A_245 = arith.muli %rem3A_239, %mul3A_244 : i32
      %add3A_246 = arith.addi %add3A_243, %mul3A_245 : i32
      %dma_wait3A_247 = arith.constant 0 : i32
      %dma_wait3A_248 = arith.constant 1 : i32
      %dma_wait3A_249 = arith.constant 0 : i32
      %dma_wait3A_250 = arith.constant 0 : i32
      %dma_wait3A_251 = tpu.memref_slice %arg7[%dma_wait3A_247, %dma_wait3A_248, %dma_wait3A_249, %dma_wait3A_250] : memref<2x8x40x128xf32, #tpu.memory_space<vmem>> -> memref<1x1x40x128xf32, #tpu.memory_space<vmem>>
      %dma_wait3A_252 = tpu.memref_squeeze %dma_wait3A_251 : memref<1x1x40x128xf32, #tpu.memory_space<vmem>> -> memref<40x128xf32, #tpu.memory_space<vmem>>
      %dma_wait3A_253 = tpu.memref_slice %arg6[%add3A_246] : memref<6400xi32, #tpu.memory_space<vmem>> -> memref<40xi32, #tpu.memory_space<vmem>>
      %dma_wait3A_254 = arith.constant 0 : i32
      %dma_wait3A_255 = arith.constant 0 : i32
      %dma_wait3A_256 = tpu.memref_slice %arg2[%dma_wait3A_254, %dma_wait3A_255] : memref<1000000x128xf32, #tpu.memory_space<hbm>> -> memref<1000000x128xf32, #tpu.memory_space<hbm>>
      tpu.wait_indirect_dma semaphore(%arg9 : memref<!tpu.dma_semaphore, #tpu.memory_space<semaphore_mem>>) src(%dma_wait3A_256 : memref<1000000x128xf32, #tpu.memory_space<hbm>>) dst(%dma_wait3A_252 : memref<40x128xf32, #tpu.memory_space<vmem>>)
      %jit3A_257 = arith.constant 5 : i32
      %div3A_258 = arith.divsi %add3A_169, %jit3A_257 : i32
      %sign3A_259 = arith.constant 0 : i32
      %sign3A_260 = arith.cmpi sgt, %add3A_169, %sign3A_259 : i32
      %sign3A_261 = arith.extui %sign3A_260 : i1 to i32
      %sign3A_262 = arith.constant 0 : i32
      %sign3A_263 = arith.cmpi slt, %add3A_169, %sign3A_262 : i32
      %sign3A_264 = arith.extui %sign3A_263 : i1 to i32
      %sign3A_265 = arith.subi %sign3A_261, %sign3A_264 : i32
      %sign3A_266 = arith.constant 0 : i32
      %sign3A_267 = arith.cmpi sgt, %jit3A_257, %sign3A_266 : i32
      %sign3A_268 = arith.extui %sign3A_267 : i1 to i32
      %sign3A_269 = arith.constant 0 : i32
      %sign3A_270 = arith.cmpi slt, %jit3A_257, %sign3A_269 : i32
      %sign3A_271 = arith.extui %sign3A_270 : i1 to i32
      %sign3A_272 = arith.subi %sign3A_268, %sign3A_271 : i32
      %ne3A_273 = arith.cmpi ne, %sign3A_265, %sign3A_272 : i32
      %rem3A_274 = arith.remsi %add3A_169, %jit3A_257 : i32
      %ne3A_275 = arith.constant 0 : i32
      %ne3A_276 = arith.cmpi ne, %rem3A_274, %ne3A_275 : i32
      %and3A_277 = arith.andi %ne3A_273, %ne3A_276 : i1
      %sub3A_278 = arith.constant 1 : i32
      %sub3A_279 = arith.subi %div3A_258, %sub3A_278 : i32
      %select_n3A_280 = arith.select %and3A_277, %sub3A_279, %div3A_258 : i32
      %rem3A_281 = arith.constant 5 : i32
      %rem3A_282 = arith.remsi %add3A_169, %rem3A_281 : i32
      %mul3A_283 = arith.constant 1600 : i32
      %mul3A_284 = arith.muli %select_n3A_280, %mul3A_283 : i32
      %add3A_285 = arith.constant 400 : i32
      %add3A_286 = arith.addi %mul3A_284, %add3A_285 : i32
      %mul3A_287 = arith.constant 40 : i32
      %mul3A_288 = arith.muli %rem3A_282, %mul3A_287 : i32
      %add3A_289 = arith.addi %add3A_286, %mul3A_288 : i32
      %dma_wait3A_290 = arith.constant 0 : i32
      %dma_wait3A_291 = arith.constant 2 : i32
      %dma_wait3A_292 = arith.constant 0 : i32
      %dma_wait3A_293 = arith.constant 0 : i32
      %dma_wait3A_294 = tpu.memref_slice %arg7[%dma_wait3A_290, %dma_wait3A_291, %dma_wait3A_292, %dma_wait3A_293] : memref<2x8x40x128xf32, #tpu.memory_space<vmem>> -> memref<1x1x40x128xf32, #tpu.memory_space<vmem>>
      %dma_wait3A_295 = tpu.memref_squeeze %dma_wait3A_294 : memref<1x1x40x128xf32, #tpu.memory_space<vmem>> -> memref<40x128xf32, #tpu.memory_space<vmem>>
      %dma_wait3A_296 = tpu.memref_slice %arg6[%add3A_289] : memref<6400xi32, #tpu.memory_space<vmem>> -> memref<40xi32, #tpu.memory_space<vmem>>
      %dma_wait3A_297 = arith.constant 0 : i32
      %dma_wait3A_298 = arith.constant 0 : i32
      %dma_wait3A_299 = tpu.memref_slice %arg2[%dma_wait3A_297, %dma_wait3A_298] : memref<1000000x128xf32, #tpu.memory_space<hbm>> -> memref<1000000x128xf32, #tpu.memory_space<hbm>>
      tpu.wait_indirect_dma semaphore(%arg9 : memref<!tpu.dma_semaphore, #tpu.memory_space<semaphore_mem>>) src(%dma_wait3A_299 : memref<1000000x128xf32, #tpu.memory_space<hbm>>) dst(%dma_wait3A_295 : memref<40x128xf32, #tpu.memory_space<vmem>>)
      %jit3A_300 = arith.constant 5 : i32
      %div3A_301 = arith.divsi %add3A_169, %jit3A_300 : i32
      %sign3A_302 = arith.constant 0 : i32
      %sign3A_303 = arith.cmpi sgt, %add3A_169, %sign3A_302 : i32
      %sign3A_304 = arith.extui %sign3A_303 : i1 to i32
      %sign3A_305 = arith.constant 0 : i32
      %sign3A_306 = arith.cmpi slt, %add3A_169, %sign3A_305 : i32
      %sign3A_307 = arith.extui %sign3A_306 : i1 to i32
      %sign3A_308 = arith.subi %sign3A_304, %sign3A_307 : i32
      %sign3A_309 = arith.constant 0 : i32
      %sign3A_310 = arith.cmpi sgt, %jit3A_300, %sign3A_309 : i32
      %sign3A_311 = arith.extui %sign3A_310 : i1 to i32
      %sign3A_312 = arith.constant 0 : i32
      %sign3A_313 = arith.cmpi slt, %jit3A_300, %sign3A_312 : i32
      %sign3A_314 = arith.extui %sign3A_313 : i1 to i32
      %sign3A_315 = arith.subi %sign3A_311, %sign3A_314 : i32
      %ne3A_316 = arith.cmpi ne, %sign3A_308, %sign3A_315 : i32
      %rem3A_317 = arith.remsi %add3A_169, %jit3A_300 : i32
      %ne3A_318 = arith.constant 0 : i32
      %ne3A_319 = arith.cmpi ne, %rem3A_317, %ne3A_318 : i32
      %and3A_320 = arith.andi %ne3A_316, %ne3A_319 : i1
      %sub3A_321 = arith.constant 1 : i32
      %sub3A_322 = arith.subi %div3A_301, %sub3A_321 : i32
      %select_n3A_323 = arith.select %and3A_320, %sub3A_322, %div3A_301 : i32
      %rem3A_324 = arith.constant 5 : i32
      %rem3A_325 = arith.remsi %add3A_169, %rem3A_324 : i32
      %mul3A_326 = arith.constant 1600 : i32
      %mul3A_327 = arith.muli %select_n3A_323, %mul3A_326 : i32
      %add3A_328 = arith.constant 600 : i32
      %add3A_329 = arith.addi %mul3A_327, %add3A_328 : i32
      %mul3A_330 = arith.constant 40 : i32
      %mul3A_331 = arith.muli %rem3A_325, %mul3A_330 : i32
      %add3A_332 = arith.addi %add3A_329, %mul3A_331 : i32
      %dma_wait3A_333 = arith.constant 0 : i32
      %dma_wait3A_334 = arith.constant 3 : i32
      %dma_wait3A_335 = arith.constant 0 : i32
      %dma_wait3A_336 = arith.constant 0 : i32
      %dma_wait3A_337 = tpu.memref_slice %arg7[%dma_wait3A_333, %dma_wait3A_334, %dma_wait3A_335, %dma_wait3A_336] : memref<2x8x40x128xf32, #tpu.memory_space<vmem>> -> memref<1x1x40x128xf32, #tpu.memory_space<vmem>>
      %dma_wait3A_338 = tpu.memref_squeeze %dma_wait3A_337 : memref<1x1x40x128xf32, #tpu.memory_space<vmem>> -> memref<40x128xf32, #tpu.memory_space<vmem>>
      %dma_wait3A_339 = tpu.memref_slice %arg6[%add3A_332] : memref<6400xi32, #tpu.memory_space<vmem>> -> memref<40xi32, #tpu.memory_space<vmem>>
      %dma_wait3A_340 = arith.constant 0 : i32
      %dma_wait3A_341 = arith.constant 0 : i32
      %dma_wait3A_342 = tpu.memref_slice %arg2[%dma_wait3A_340, %dma_wait3A_341] : memref<1000000x128xf32, #tpu.memory_space<hbm>> -> memref<1000000x128xf32, #tpu.memory_space<hbm>>
      tpu.wait_indirect_dma semaphore(%arg9 : memref<!tpu.dma_semaphore, #tpu.memory_space<semaphore_mem>>) src(%dma_wait3A_342 : memref<1000000x128xf32, #tpu.memory_space<hbm>>) dst(%dma_wait3A_338 : memref<40x128xf32, #tpu.memory_space<vmem>>)
      %jit3A_343 = arith.constant 5 : i32
      %div3A_344 = arith.divsi %add3A_169, %jit3A_343 : i32
      %sign3A_345 = arith.constant 0 : i32
      %sign3A_346 = arith.cmpi sgt, %add3A_169, %sign3A_345 : i32
      %sign3A_347 = arith.extui %sign3A_346 : i1 to i32
      %sign3A_348 = arith.constant 0 : i32
      %sign3A_349 = arith.cmpi slt, %add3A_169, %sign3A_348 : i32
      %sign3A_350 = arith.extui %sign3A_349 : i1 to i32
      %sign3A_351 = arith.subi %sign3A_347, %sign3A_350 : i32
      %sign3A_352 = arith.constant 0 : i32
      %sign3A_353 = arith.cmpi sgt, %jit3A_343, %sign3A_352 : i32
      %sign3A_354 = arith.extui %sign3A_353 : i1 to i32
      %sign3A_355 = arith.constant 0 : i32
      %sign3A_356 = arith.cmpi slt, %jit3A_343, %sign3A_355 : i32
      %sign3A_357 = arith.extui %sign3A_356 : i1 to i32
      %sign3A_358 = arith.subi %sign3A_354, %sign3A_357 : i32
      %ne3A_359 = arith.cmpi ne, %sign3A_351, %sign3A_358 : i32
      %rem3A_360 = arith.remsi %add3A_169, %jit3A_343 : i32
      %ne3A_361 = arith.constant 0 : i32
      %ne3A_362 = arith.cmpi ne, %rem3A_360, %ne3A_361 : i32
      %and3A_363 = arith.andi %ne3A_359, %ne3A_362 : i1
      %sub3A_364 = arith.constant 1 : i32
      %sub3A_365 = arith.subi %div3A_344, %sub3A_364 : i32
      %select_n3A_366 = arith.select %and3A_363, %sub3A_365, %div3A_344 : i32
      %rem3A_367 = arith.constant 5 : i32
      %rem3A_368 = arith.remsi %add3A_169, %rem3A_367 : i32
      %mul3A_369 = arith.constant 1600 : i32
      %mul3A_370 = arith.muli %select_n3A_366, %mul3A_369 : i32
      %add3A_371 = arith.constant 800 : i32
      %add3A_372 = arith.addi %mul3A_370, %add3A_371 : i32
      %mul3A_373 = arith.constant 40 : i32
      %mul3A_374 = arith.muli %rem3A_368, %mul3A_373 : i32
      %add3A_375 = arith.addi %add3A_372, %mul3A_374 : i32
      %dma_wait3A_376 = arith.constant 0 : i32
      %dma_wait3A_377 = arith.constant 4 : i32
      %dma_wait3A_378 = arith.constant 0 : i32
      %dma_wait3A_379 = arith.constant 0 : i32
      %dma_wait3A_380 = tpu.memref_slice %arg7[%dma_wait3A_376, %dma_wait3A_377, %dma_wait3A_378, %dma_wait3A_379] : memref<2x8x40x128xf32, #tpu.memory_space<vmem>> -> memref<1x1x40x128xf32, #tpu.memory_space<vmem>>
      %dma_wait3A_381 = tpu.memref_squeeze %dma_wait3A_380 : memref<1x1x40x128xf32, #tpu.memory_space<vmem>> -> memref<40x128xf32, #tpu.memory_space<vmem>>
      %dma_wait3A_382 = tpu.memref_slice %arg6[%add3A_375] : memref<6400xi32, #tpu.memory_space<vmem>> -> memref<40xi32, #tpu.memory_space<vmem>>
      %dma_wait3A_383 = arith.constant 0 : i32
      %dma_wait3A_384 = arith.constant 0 : i32
      %dma_wait3A_385 = tpu.memref_slice %arg2[%dma_wait3A_383, %dma_wait3A_384] : memref<1000000x128xf32, #tpu.memory_space<hbm>> -> memref<1000000x128xf32, #tpu.memory_space<hbm>>
      tpu.wait_indirect_dma semaphore(%arg9 : memref<!tpu.dma_semaphore, #tpu.memory_space<semaphore_mem>>) src(%dma_wait3A_385 : memref<1000000x128xf32, #tpu.memory_space<hbm>>) dst(%dma_wait3A_381 : memref<40x128xf32, #tpu.memory_space<vmem>>)
      %jit3A_386 = arith.constant 5 : i32
      %div3A_387 = arith.divsi %add3A_169, %jit3A_386 : i32
      %sign3A_388 = arith.constant 0 : i32
      %sign3A_389 = arith.cmpi sgt, %add3A_169, %sign3A_388 : i32
      %sign3A_390 = arith.extui %sign3A_389 : i1 to i32
      %sign3A_391 = arith.constant 0 : i32
      %sign3A_392 = arith.cmpi slt, %add3A_169, %sign3A_391 : i32
      %sign3A_393 = arith.extui %sign3A_392 : i1 to i32
      %sign3A_394 = arith.subi %sign3A_390, %sign3A_393 : i32
      %sign3A_395 = arith.constant 0 : i32
      %sign3A_396 = arith.cmpi sgt, %jit3A_386, %sign3A_395 : i32
      %sign3A_397 = arith.extui %sign3A_396 : i1 to i32
      %sign3A_398 = arith.constant 0 : i32
      %sign3A_399 = arith.cmpi slt, %jit3A_386, %sign3A_398 : i32
      %sign3A_400 = arith.extui %sign3A_399 : i1 to i32
      %sign3A_401 = arith.subi %sign3A_397, %sign3A_400 : i32
      %ne3A_402 = arith.cmpi ne, %sign3A_394, %sign3A_401 : i32
      %rem3A_403 = arith.remsi %add3A_169, %jit3A_386 : i32
      %ne3A_404 = arith.constant 0 : i32
      %ne3A_405 = arith.cmpi ne, %rem3A_403, %ne3A_404 : i32
      %and3A_406 = arith.andi %ne3A_402, %ne3A_405 : i1
      %sub3A_407 = arith.constant 1 : i32
      %sub3A_408 = arith.subi %div3A_387, %sub3A_407 : i32
      %select_n3A_409 = arith.select %and3A_406, %sub3A_408, %div3A_387 : i32
      %rem3A_410 = arith.constant 5 : i32
      %rem3A_411 = arith.remsi %add3A_169, %rem3A_410 : i32
      %mul3A_412 = arith.constant 1600 : i32
      %mul3A_413 = arith.muli %select_n3A_409, %mul3A_412 : i32
      %add3A_414 = arith.constant 1000 : i32
      %add3A_415 = arith.addi %mul3A_413, %add3A_414 : i32
      %mul3A_416 = arith.constant 40 : i32
      %mul3A_417 = arith.muli %rem3A_411, %mul3A_416 : i32
      %add3A_418 = arith.addi %add3A_415, %mul3A_417 : i32
      %dma_wait3A_419 = arith.constant 0 : i32
      %dma_wait3A_420 = arith.constant 5 : i32
      %dma_wait3A_421 = arith.constant 0 : i32
      %dma_wait3A_422 = arith.constant 0 : i32
      %dma_wait3A_423 = tpu.memref_slice %arg7[%dma_wait3A_419, %dma_wait3A_420, %dma_wait3A_421, %dma_wait3A_422] : memref<2x8x40x128xf32, #tpu.memory_space<vmem>> -> memref<1x1x40x128xf32, #tpu.memory_space<vmem>>
      %dma_wait3A_424 = tpu.memref_squeeze %dma_wait3A_423 : memref<1x1x40x128xf32, #tpu.memory_space<vmem>> -> memref<40x128xf32, #tpu.memory_space<vmem>>
      %dma_wait3A_425 = tpu.memref_slice %arg6[%add3A_418] : memref<6400xi32, #tpu.memory_space<vmem>> -> memref<40xi32, #tpu.memory_space<vmem>>
      %dma_wait3A_426 = arith.constant 0 : i32
      %dma_wait3A_427 = arith.constant 0 : i32
      %dma_wait3A_428 = tpu.memref_slice %arg2[%dma_wait3A_426, %dma_wait3A_427] : memref<1000000x128xf32, #tpu.memory_space<hbm>> -> memref<1000000x128xf32, #tpu.memory_space<hbm>>
      tpu.wait_indirect_dma semaphore(%arg9 : memref<!tpu.dma_semaphore, #tpu.memory_space<semaphore_mem>>) src(%dma_wait3A_428 : memref<1000000x128xf32, #tpu.memory_space<hbm>>) dst(%dma_wait3A_424 : memref<40x128xf32, #tpu.memory_space<vmem>>)
      %jit3A_429 = arith.constant 5 : i32
      %div3A_430 = arith.divsi %add3A_169, %jit3A_429 : i32
      %sign3A_431 = arith.constant 0 : i32
      %sign3A_432 = arith.cmpi sgt, %add3A_169, %sign3A_431 : i32
      %sign3A_433 = arith.extui %sign3A_432 : i1 to i32
      %sign3A_434 = arith.constant 0 : i32
      %sign3A_435 = arith.cmpi slt, %add3A_169, %sign3A_434 : i32
      %sign3A_436 = arith.extui %sign3A_435 : i1 to i32
      %sign3A_437 = arith.subi %sign3A_433, %sign3A_436 : i32
      %sign3A_438 = arith.constant 0 : i32
      %sign3A_439 = arith.cmpi sgt, %jit3A_429, %sign3A_438 : i32
      %sign3A_440 = arith.extui %sign3A_439 : i1 to i32
      %sign3A_441 = arith.constant 0 : i32
      %sign3A_442 = arith.cmpi slt, %jit3A_429, %sign3A_441 : i32
      %sign3A_443 = arith.extui %sign3A_442 : i1 to i32
      %sign3A_444 = arith.subi %sign3A_440, %sign3A_443 : i32
      %ne3A_445 = arith.cmpi ne, %sign3A_437, %sign3A_444 : i32
      %rem3A_446 = arith.remsi %add3A_169, %jit3A_429 : i32
      %ne3A_447 = arith.constant 0 : i32
      %ne3A_448 = arith.cmpi ne, %rem3A_446, %ne3A_447 : i32
      %and3A_449 = arith.andi %ne3A_445, %ne3A_448 : i1
      %sub3A_450 = arith.constant 1 : i32
      %sub3A_451 = arith.subi %div3A_430, %sub3A_450 : i32
      %select_n3A_452 = arith.select %and3A_449, %sub3A_451, %div3A_430 : i32
      %rem3A_453 = arith.constant 5 : i32
      %rem3A_454 = arith.remsi %add3A_169, %rem3A_453 : i32
      %mul3A_455 = arith.constant 1600 : i32
      %mul3A_456 = arith.muli %select_n3A_452, %mul3A_455 : i32
      %add3A_457 = arith.constant 1200 : i32
      %add3A_458 = arith.addi %mul3A_456, %add3A_457 : i32
      %mul3A_459 = arith.constant 40 : i32
      %mul3A_460 = arith.muli %rem3A_454, %mul3A_459 : i32
      %add3A_461 = arith.addi %add3A_458, %mul3A_460 : i32
      %dma_wait3A_462 = arith.constant 0 : i32
      %dma_wait3A_463 = arith.constant 6 : i32
      %dma_wait3A_464 = arith.constant 0 : i32
      %dma_wait3A_465 = arith.constant 0 : i32
      %dma_wait3A_466 = tpu.memref_slice %arg7[%dma_wait3A_462, %dma_wait3A_463, %dma_wait3A_464, %dma_wait3A_465] : memref<2x8x40x128xf32, #tpu.memory_space<vmem>> -> memref<1x1x40x128xf32, #tpu.memory_space<vmem>>
      %dma_wait3A_467 = tpu.memref_squeeze %dma_wait3A_466 : memref<1x1x40x128xf32, #tpu.memory_space<vmem>> -> memref<40x128xf32, #tpu.memory_space<vmem>>
      %dma_wait3A_468 = tpu.memref_slice %arg6[%add3A_461] : memref<6400xi32, #tpu.memory_space<vmem>> -> memref<40xi32, #tpu.memory_space<vmem>>
      %dma_wait3A_469 = arith.constant 0 : i32
      %dma_wait3A_470 = arith.constant 0 : i32
      %dma_wait3A_471 = tpu.memref_slice %arg2[%dma_wait3A_469, %dma_wait3A_470] : memref<1000000x128xf32, #tpu.memory_space<hbm>> -> memref<1000000x128xf32, #tpu.memory_space<hbm>>
      tpu.wait_indirect_dma semaphore(%arg9 : memref<!tpu.dma_semaphore, #tpu.memory_space<semaphore_mem>>) src(%dma_wait3A_471 : memref<1000000x128xf32, #tpu.memory_space<hbm>>) dst(%dma_wait3A_467 : memref<40x128xf32, #tpu.memory_space<vmem>>)
      %jit3A_472 = arith.constant 5 : i32
      %div3A_473 = arith.divsi %add3A_169, %jit3A_472 : i32
      %sign3A_474 = arith.constant 0 : i32
      %sign3A_475 = arith.cmpi sgt, %add3A_169, %sign3A_474 : i32
      %sign3A_476 = arith.extui %sign3A_475 : i1 to i32
      %sign3A_477 = arith.constant 0 : i32
      %sign3A_478 = arith.cmpi slt, %add3A_169, %sign3A_477 : i32
      %sign3A_479 = arith.extui %sign3A_478 : i1 to i32
      %sign3A_480 = arith.subi %sign3A_476, %sign3A_479 : i32
      %sign3A_481 = arith.constant 0 : i32
      %sign3A_482 = arith.cmpi sgt, %jit3A_472, %sign3A_481 : i32
      %sign3A_483 = arith.extui %sign3A_482 : i1 to i32
      %sign3A_484 = arith.constant 0 : i32
      %sign3A_485 = arith.cmpi slt, %jit3A_472, %sign3A_484 : i32
      %sign3A_486 = arith.extui %sign3A_485 : i1 to i32
      %sign3A_487 = arith.subi %sign3A_483, %sign3A_486 : i32
      %ne3A_488 = arith.cmpi ne, %sign3A_480, %sign3A_487 : i32
      %rem3A_489 = arith.remsi %add3A_169, %jit3A_472 : i32
      %ne3A_490 = arith.constant 0 : i32
      %ne3A_491 = arith.cmpi ne, %rem3A_489, %ne3A_490 : i32
      %and3A_492 = arith.andi %ne3A_488, %ne3A_491 : i1
      %sub3A_493 = arith.constant 1 : i32
      %sub3A_494 = arith.subi %div3A_473, %sub3A_493 : i32
      %select_n3A_495 = arith.select %and3A_492, %sub3A_494, %div3A_473 : i32
      %rem3A_496 = arith.constant 5 : i32
      %rem3A_497 = arith.remsi %add3A_169, %rem3A_496 : i32
      %mul3A_498 = arith.constant 1600 : i32
      %mul3A_499 = arith.muli %select_n3A_495, %mul3A_498 : i32
      %add3A_500 = arith.constant 1400 : i32
      %add3A_501 = arith.addi %mul3A_499, %add3A_500 : i32
      %mul3A_502 = arith.constant 40 : i32
      %mul3A_503 = arith.muli %rem3A_497, %mul3A_502 : i32
      %add3A_504 = arith.addi %add3A_501, %mul3A_503 : i32
      %dma_wait3A_505 = arith.constant 0 : i32
      %dma_wait3A_506 = arith.constant 7 : i32
      %dma_wait3A_507 = arith.constant 0 : i32
      %dma_wait3A_508 = arith.constant 0 : i32
      %dma_wait3A_509 = tpu.memref_slice %arg7[%dma_wait3A_505, %dma_wait3A_506, %dma_wait3A_507, %dma_wait3A_508] : memref<2x8x40x128xf32, #tpu.memory_space<vmem>> -> memref<1x1x40x128xf32, #tpu.memory_space<vmem>>
      %dma_wait3A_510 = tpu.memref_squeeze %dma_wait3A_509 : memref<1x1x40x128xf32, #tpu.memory_space<vmem>> -> memref<40x128xf32, #tpu.memory_space<vmem>>
      %dma_wait3A_511 = tpu.memref_slice %arg6[%add3A_504] : memref<6400xi32, #tpu.memory_space<vmem>> -> memref<40xi32, #tpu.memory_space<vmem>>
      %dma_wait3A_512 = arith.constant 0 : i32
      %dma_wait3A_513 = arith.constant 0 : i32
      %dma_wait3A_514 = tpu.memref_slice %arg2[%dma_wait3A_512, %dma_wait3A_513] : memref<1000000x128xf32, #tpu.memory_space<hbm>> -> memref<1000000x128xf32, #tpu.memory_space<hbm>>
      tpu.wait_indirect_dma semaphore(%arg9 : memref<!tpu.dma_semaphore, #tpu.memory_space<semaphore_mem>>) src(%dma_wait3A_514 : memref<1000000x128xf32, #tpu.memory_space<hbm>>) dst(%dma_wait3A_510 : memref<40x128xf32, #tpu.memory_space<vmem>>)
      %rem3A_515 = arith.constant 5 : i32
      %rem3A_516 = arith.remsi %add3A_169, %rem3A_515 : i32
      %mul3A_517 = arith.constant 40 : i32
      %mul3A_518 = arith.muli %rem3A_516, %mul3A_517 : i32
      %parallel_loop3A = arith.constant 0 : i32
      %parallel_loop3A_519 = arith.constant 40 : i32
      %parallel_loop3A_520 = arith.constant 1 : i32
      scf.for %parallel_loop3A_984 = %parallel_loop3A to %parallel_loop3A_519 step %parallel_loop3A_520  : i32 {
        %parallel_loop3A_985 = arith.addi %mul3A_518, %parallel_loop3A_984 : i32
        %parallel_loop3A_986 = arith.index_cast %parallel_loop3A_985 : i32 to index
        %parallel_loop3A_987 = arith.constant 0 : index
        %parallel_loop3A_988 = tpu.vector_load %arg8[%parallel_loop3A_986, %parallel_loop3A_987] {strides = array<i32>} : memref<200x128xf32, #tpu.memory_space<vmem>>, vector<1x16xf32>,
        %parallel_loop3A_989 = vector.shape_cast %parallel_loop3A_988 : vector<1x16xf32> to vector<16xf32>
        %parallel_loop3A_990 = arith.constant 0 : i32
        %parallel_loop3A_991 = arith.constant 0 : i32
        %parallel_loop3A_992 = arith.index_cast %parallel_loop3A_990 : i32 to index
        %parallel_loop3A_993 = arith.index_cast %parallel_loop3A_991 : i32 to index
        %parallel_loop3A_994 = arith.index_cast %parallel_loop3A_984 : i32 to index
        %parallel_loop3A_995 = arith.constant 0 : index
        %parallel_loop3A_996 = tpu.vector_load %arg7[%parallel_loop3A_992, %parallel_loop3A_993, %parallel_loop3A_994, %parallel_loop3A_995] {strides = array<i32>} : memref<2x8x40x128xf32, #tpu.memory_space<vmem>>, vector<1x1x1x16xf32>,
        %parallel_loop3A_997 = vector.shape_cast %parallel_loop3A_996 : vector<1x1x1x16xf32> to vector<16xf32>
        %parallel_loop3A_998 = arith.constant 11.3137083 : f32
        %parallel_loop3A_999 = vector.broadcast %parallel_loop3A_998 : f32 to vector<16xf32>
        %parallel_loop3A_1000 = arith.mulf %parallel_loop3A_997, %parallel_loop3A_999 : vector<16xf32>
        %parallel_loop3A_1001 = arith.addf %parallel_loop3A_1000, %parallel_loop3A_989 : vector<16xf32>
        %parallel_loop3A_1002 = arith.constant 0 : i32
        %parallel_loop3A_1003 = arith.constant 0 : i32
        %parallel_loop3A_1004 = arith.index_cast %parallel_loop3A_1002 : i32 to index
        %parallel_loop3A_1005 = arith.index_cast %parallel_loop3A_1003 : i32 to index
        %parallel_loop3A_1006 = arith.index_cast %parallel_loop3A_984 : i32 to index
        %parallel_loop3A_1007 = arith.constant 0 : index
        %parallel_loop3A_1008 = tpu.vector_load %arg7[%parallel_loop3A_1004, %parallel_loop3A_1005, %parallel_loop3A_1006, %parallel_loop3A_1007] {strides = array<i32>} : memref<2x8x40x128xf32, #tpu.memory_space<vmem>>, vector<1x1x1x16xf32>,
        %parallel_loop3A_1009 = vector.shape_cast %parallel_loop3A_1008 : vector<1x1x1x16xf32> to vector<16xf32>
        %parallel_loop3A_1010 = vector.shape_cast %parallel_loop3A_1001 : vector<16xf32> to vector<1x1x1x16xf32>
        tpu.vector_store %arg7[%parallel_loop3A_1004, %parallel_loop3A_1005, %parallel_loop3A_1006, %parallel_loop3A_1007], %parallel_loop3A_1010 {strides = array<i32>} : memref<2x8x40x128xf32, #tpu.memory_space<vmem>>, vector<1x1x1x16xf32>,
        %parallel_loop3A_1011 = arith.constant 0 : i32
        %parallel_loop3A_1012 = arith.constant 1 : i32
        %parallel_loop3A_1013 = arith.index_cast %parallel_loop3A_1011 : i32 to index
        %parallel_loop3A_1014 = arith.index_cast %parallel_loop3A_1012 : i32 to index
        %parallel_loop3A_1015 = arith.index_cast %parallel_loop3A_984 : i32 to index
        %parallel_loop3A_1016 = arith.constant 0 : index
        %parallel_loop3A_1017 = tpu.vector_load %arg7[%parallel_loop3A_1013, %parallel_loop3A_1014, %parallel_loop3A_1015, %parallel_loop3A_1016] {strides = array<i32>} : memref<2x8x40x128xf32, #tpu.memory_space<vmem>>, vector<1x1x1x16xf32>,
        %parallel_loop3A_1018 = vector.shape_cast %parallel_loop3A_1017 : vector<1x1x1x16xf32> to vector<16xf32>
        %parallel_loop3A_1019 = arith.constant 11.3137083 : f32
        %parallel_loop3A_1020 = vector.broadcast %parallel_loop3A_1019 : f32 to vector<16xf32>
        %parallel_loop3A_1021 = arith.mulf %parallel_loop3A_1018, %parallel_loop3A_1020 : vector<16xf32>
        %parallel_loop3A_1022 = arith.addf %parallel_loop3A_1021, %parallel_loop3A_989 : vector<16xf32>
        %parallel_loop3A_1023 = arith.constant 0 : i32
        %parallel_loop3A_1024 = arith.constant 1 : i32
        %parallel_loop3A_1025 = arith.index_cast %parallel_loop3A_1023 : i32 to index
        %parallel_loop3A_1026 = arith.index_cast %parallel_loop3A_1024 : i32 to index
        %parallel_loop3A_1027 = arith.index_cast %parallel_loop3A_984 : i32 to index
        %parallel_loop3A_1028 = arith.constant 0 : index
        %parallel_loop3A_1029 = tpu.vector_load %arg7[%parallel_loop3A_1025, %parallel_loop3A_1026, %parallel_loop3A_1027, %parallel_loop3A_1028] {strides = array<i32>} : memref<2x8x40x128xf32, #tpu.memory_space<vmem>>, vector<1x1x1x16xf32>,
        %parallel_loop3A_1030 = vector.shape_cast %parallel_loop3A_1029 : vector<1x1x1x16xf32> to vector<16xf32>
        %parallel_loop3A_1031 = vector.shape_cast %parallel_loop3A_1022 : vector<16xf32> to vector<1x1x1x16xf32>
        tpu.vector_store %arg7[%parallel_loop3A_1025, %parallel_loop3A_1026, %parallel_loop3A_1027, %parallel_loop3A_1028], %parallel_loop3A_1031 {strides = array<i32>} : memref<2x8x40x128xf32, #tpu.memory_space<vmem>>, vector<1x1x1x16xf32>,
        %parallel_loop3A_1032 = arith.constant 0 : i32
        %parallel_loop3A_1033 = arith.constant 2 : i32
        %parallel_loop3A_1034 = arith.index_cast %parallel_loop3A_1032 : i32 to index
        %parallel_loop3A_1035 = arith.index_cast %parallel_loop3A_1033 : i32 to index
        %parallel_loop3A_1036 = arith.index_cast %parallel_loop3A_984 : i32 to index
        %parallel_loop3A_1037 = arith.constant 0 : index
        %parallel_loop3A_1038 = tpu.vector_load %arg7[%parallel_loop3A_1034, %parallel_loop3A_1035, %parallel_loop3A_1036, %parallel_loop3A_1037] {strides = array<i32>} : memref<2x8x40x128xf32, #tpu.memory_space<vmem>>, vector<1x1x1x16xf32>,
        %parallel_loop3A_1039 = vector.shape_cast %parallel_loop3A_1038 : vector<1x1x1x16xf32> to vector<16xf32>
        %parallel_loop3A_1040 = arith.constant 11.3137083 : f32
        %parallel_loop3A_1041 = vector.broadcast %parallel_loop3A_1040 : f32 to vector<16xf32>
        %parallel_loop3A_1042 = arith.mulf %parallel_loop3A_1039, %parallel_loop3A_1041 : vector<16xf32>
        %parallel_loop3A_1043 = arith.addf %parallel_loop3A_1042, %parallel_loop3A_989 : vector<16xf32>
        %parallel_loop3A_1044 = arith.constant 0 : i32
        %parallel_loop3A_1045 = arith.constant 2 : i32
        %parallel_loop3A_1046 = arith.index_cast %parallel_loop3A_1044 : i32 to index
        %parallel_loop3A_1047 = arith.index_cast %parallel_loop3A_1045 : i32 to index
        %parallel_loop3A_1048 = arith.index_cast %parallel_loop3A_984 : i32 to index
        %parallel_loop3A_1049 = arith.constant 0 : index
        %parallel_loop3A_1050 = tpu.vector_load %arg7[%parallel_loop3A_1046, %parallel_loop3A_1047, %parallel_loop3A_1048, %parallel_loop3A_1049] {strides = array<i32>} : memref<2x8x40x128xf32, #tpu.memory_space<vmem>>, vector<1x1x1x16xf32>,
        %parallel_loop3A_1051 = vector.shape_cast %parallel_loop3A_1050 : vector<1x1x1x16xf32> to vector<16xf32>
        %parallel_loop3A_1052 = vector.shape_cast %parallel_loop3A_1043 : vector<16xf32> to vector<1x1x1x16xf32>
        tpu.vector_store %arg7[%parallel_loop3A_1046, %parallel_loop3A_1047, %parallel_loop3A_1048, %parallel_loop3A_1049], %parallel_loop3A_1052 {strides = array<i32>} : memref<2x8x40x128xf32, #tpu.memory_space<vmem>>, vector<1x1x1x16xf32>,
        %parallel_loop3A_1053 = arith.constant 0 : i32
        %parallel_loop3A_1054 = arith.constant 3 : i32
        %parallel_loop3A_1055 = arith.index_cast %parallel_loop3A_1053 : i32 to index
        %parallel_loop3A_1056 = arith.index_cast %parallel_loop3A_1054 : i32 to index
        %parallel_loop3A_1057 = arith.index_cast %parallel_loop3A_984 : i32 to index
        %parallel_loop3A_1058 = arith.constant 0 : index
        %parallel_loop3A_1059 = tpu.vector_load %arg7[%parallel_loop3A_1055, %parallel_loop3A_1056, %parallel_loop3A_1057, %parallel_loop3A_1058] {strides = array<i32>} : memref<2x8x40x128xf32, #tpu.memory_space<vmem>>, vector<1x1x1x16xf32>,
        %parallel_loop3A_1060 = vector.shape_cast %parallel_loop3A_1059 : vector<1x1x1x16xf32> to vector<16xf32>
        %parallel_loop3A_1061 = arith.constant 11.3137083 : f32
        %parallel_loop3A_1062 = vector.broadcast %parallel_loop3A_1061 : f32 to vector<16xf32>
        %parallel_loop3A_1063 = arith.mulf %parallel_loop3A_1060, %parallel_loop3A_1062 : vector<16xf32>
        %parallel_loop3A_1064 = arith.addf %parallel_loop3A_1063, %parallel_loop3A_989 : vector<16xf32>
        %parallel_loop3A_1065 = arith.constant 0 : i32
        %parallel_loop3A_1066 = arith.constant 3 : i32
        %parallel_loop3A_1067 = arith.index_cast %parallel_loop3A_1065 : i32 to index
        %parallel_loop3A_1068 = arith.index_cast %parallel_loop3A_1066 : i32 to index
        %parallel_loop3A_1069 = arith.index_cast %parallel_loop3A_984 : i32 to index
        %parallel_loop3A_1070 = arith.constant 0 : index
        %parallel_loop3A_1071 = tpu.vector_load %arg7[%parallel_loop3A_1067, %parallel_loop3A_1068, %parallel_loop3A_1069, %parallel_loop3A_1070] {strides = array<i32>} : memref<2x8x40x128xf32, #tpu.memory_space<vmem>>, vector<1x1x1x16xf32>,
        %parallel_loop3A_1072 = vector.shape_cast %parallel_loop3A_1071 : vector<1x1x1x16xf32> to vector<16xf32>
        %parallel_loop3A_1073 = vector.shape_cast %parallel_loop3A_1064 : vector<16xf32> to vector<1x1x1x16xf32>
        tpu.vector_store %arg7[%parallel_loop3A_1067, %parallel_loop3A_1068, %parallel_loop3A_1069, %parallel_loop3A_1070], %parallel_loop3A_1073 {strides = array<i32>} : memref<2x8x40x128xf32, #tpu.memory_space<vmem>>, vector<1x1x1x16xf32>,
        %parallel_loop3A_1074 = arith.constant 0 : i32
        %parallel_loop3A_1075 = arith.constant 4 : i32
        %parallel_loop3A_1076 = arith.index_cast %parallel_loop3A_1074 : i32 to index
        %parallel_loop3A_1077 = arith.index_cast %parallel_loop3A_1075 : i32 to index
        %parallel_loop3A_1078 = arith.index_cast %parallel_loop3A_984 : i32 to index
        %parallel_loop3A_1079 = arith.constant 0 : index
        %parallel_loop3A_1080 = tpu.vector_load %arg7[%parallel_loop3A_1076, %parallel_loop3A_1077, %parallel_loop3A_1078, %parallel_loop3A_1079] {strides = array<i32>} : memref<2x8x40x128xf32, #tpu.memory_space<vmem>>, vector<1x1x1x16xf32>,
        %parallel_loop3A_1081 = vector.shape_cast %parallel_loop3A_1080 : vector<1x1x1x16xf32> to vector<16xf32>
        %parallel_loop3A_1082 = arith.constant 11.3137083 : f32
        %parallel_loop3A_1083 = vector.broadcast %parallel_loop3A_1082 : f32 to vector<16xf32>
        %parallel_loop3A_1084 = arith.mulf %parallel_loop3A_1081, %parallel_loop3A_1083 : vector<16xf32>
        %parallel_loop3A_1085 = arith.addf %parallel_loop3A_1084, %parallel_loop3A_989 : vector<16xf32>
        %parallel_loop3A_1086 = arith.constant 0 : i32
        %parallel_loop3A_1087 = arith.constant 4 : i32
        %parallel_loop3A_1088 = arith.index_cast %parallel_loop3A_1086 : i32 to index
        %parallel_loop3A_1089 = arith.index_cast %parallel_loop3A_1087 : i32 to index
        %parallel_loop3A_1090 = arith.index_cast %parallel_loop3A_984 : i32 to index
        %parallel_loop3A_1091 = arith.constant 0 : index
        %parallel_loop3A_1092 = tpu.vector_load %arg7[%parallel_loop3A_1088, %parallel_loop3A_1089, %parallel_loop3A_1090, %parallel_loop3A_1091] {strides = array<i32>} : memref<2x8x40x128xf32, #tpu.memory_space<vmem>>, vector<1x1x1x16xf32>,
        %parallel_loop3A_1093 = vector.shape_cast %parallel_loop3A_1092 : vector<1x1x1x16xf32> to vector<16xf32>
        %parallel_loop3A_1094 = vector.shape_cast %parallel_loop3A_1085 : vector<16xf32> to vector<1x1x1x16xf32>
        tpu.vector_store %arg7[%parallel_loop3A_1088, %parallel_loop3A_1089, %parallel_loop3A_1090, %parallel_loop3A_1091], %parallel_loop3A_1094 {strides = array<i32>} : memref<2x8x40x128xf32, #tpu.memory_space<vmem>>, vector<1x1x1x16xf32>,
        %parallel_loop3A_1095 = arith.constant 0 : i32
        %parallel_loop3A_1096 = arith.constant 5 : i32
        %parallel_loop3A_1097 = arith.index_cast %parallel_loop3A_1095 : i32 to index
        %parallel_loop3A_1098 = arith.index_cast %parallel_loop3A_1096 : i32 to index
        %parallel_loop3A_1099 = arith.index_cast %parallel_loop3A_984 : i32 to index
        %parallel_loop3A_1100 = arith.constant 0 : index
        %parallel_loop3A_1101 = tpu.vector_load %arg7[%parallel_loop3A_1097, %parallel_loop3A_1098, %parallel_loop3A_1099, %parallel_loop3A_1100] {strides = array<i32>} : memref<2x8x40x128xf32, #tpu.memory_space<vmem>>, vector<1x1x1x16xf32>,
        %parallel_loop3A_1102 = vector.shape_cast %parallel_loop3A_1101 : vector<1x1x1x16xf32> to vector<16xf32>
        %parallel_loop3A_1103 = arith.constant 11.3137083 : f32
        %parallel_loop3A_1104 = vector.broadcast %parallel_loop3A_1103 : f32 to vector<16xf32>
        %parallel_loop3A_1105 = arith.mulf %parallel_loop3A_1102, %parallel_loop3A_1104 : vector<16xf32>
        %parallel_loop3A_1106 = arith.addf %parallel_loop3A_1105, %parallel_loop3A_989 : vector<16xf32>
        %parallel_loop3A_1107 = arith.constant 0 : i32
        %parallel_loop3A_1108 = arith.constant 5 : i32
        %parallel_loop3A_1109 = arith.index_cast %parallel_loop3A_1107 : i32 to index
        %parallel_loop3A_1110 = arith.index_cast %parallel_loop3A_1108 : i32 to index
        %parallel_loop3A_1111 = arith.index_cast %parallel_loop3A_984 : i32 to index
        %parallel_loop3A_1112 = arith.constant 0 : index
        %parallel_loop3A_1113 = tpu.vector_load %arg7[%parallel_loop3A_1109, %parallel_loop3A_1110, %parallel_loop3A_1111, %parallel_loop3A_1112] {strides = array<i32>} : memref<2x8x40x128xf32, #tpu.memory_space<vmem>>, vector<1x1x1x16xf32>,
        %parallel_loop3A_1114 = vector.shape_cast %parallel_loop3A_1113 : vector<1x1x1x16xf32> to vector<16xf32>
        %parallel_loop3A_1115 = vector.shape_cast %parallel_loop3A_1106 : vector<16xf32> to vector<1x1x1x16xf32>
        tpu.vector_store %arg7[%parallel_loop3A_1109, %parallel_loop3A_1110, %parallel_loop3A_1111, %parallel_loop3A_1112], %parallel_loop3A_1115 {strides = array<i32>} : memref<2x8x40x128xf32, #tpu.memory_space<vmem>>, vector<1x1x1x16xf32>,
        %parallel_loop3A_1116 = arith.constant 0 : i32
        %parallel_loop3A_1117 = arith.constant 6 : i32
        %parallel_loop3A_1118 = arith.index_cast %parallel_loop3A_1116 : i32 to index
        %parallel_loop3A_1119 = arith.index_cast %parallel_loop3A_1117 : i32 to index
        %parallel_loop3A_1120 = arith.index_cast %parallel_loop3A_984 : i32 to index
        %parallel_loop3A_1121 = arith.constant 0 : index
        %parallel_loop3A_1122 = tpu.vector_load %arg7[%parallel_loop3A_1118, %parallel_loop3A_1119, %parallel_loop3A_1120, %parallel_loop3A_1121] {strides = array<i32>} : memref<2x8x40x128xf32, #tpu.memory_space<vmem>>, vector<1x1x1x16xf32>,
        %parallel_loop3A_1123 = vector.shape_cast %parallel_loop3A_1122 : vector<1x1x1x16xf32> to vector<16xf32>
        %parallel_loop3A_1124 = arith.constant 11.3137083 : f32
        %parallel_loop3A_1125 = vector.broadcast %parallel_loop3A_1124 : f32 to vector<16xf32>
        %parallel_loop3A_1126 = arith.mulf %parallel_loop3A_1123, %parallel_loop3A_1125 : vector<16xf32>
        %parallel_loop3A_1127 = arith.addf %parallel_loop3A_1126, %parallel_loop3A_989 : vector<16xf32>
        %parallel_loop3A_1128 = arith.constant 0 : i32
        %parallel_loop3A_1129 = arith.constant 6 : i32
        %parallel_loop3A_1130 = arith.index_cast %parallel_loop3A_1128 : i32 to index
        %parallel_loop3A_1131 = arith.index_cast %parallel_loop3A_1129 : i32 to index
        %parallel_loop3A_1132 = arith.index_cast %parallel_loop3A_984 : i32 to index
        %parallel_loop3A_1133 = arith.constant 0 : index
        %parallel_loop3A_1134 = tpu.vector_load %arg7[%parallel_loop3A_1130, %parallel_loop3A_1131, %parallel_loop3A_1132, %parallel_loop3A_1133] {strides = array<i32>} : memref<2x8x40x128xf32, #tpu.memory_space<vmem>>, vector<1x1x1x16xf32>,
        %parallel_loop3A_1135 = vector.shape_cast %parallel_loop3A_1134 : vector<1x1x1x16xf32> to vector<16xf32>
        %parallel_loop3A_1136 = vector.shape_cast %parallel_loop3A_1127 : vector<16xf32> to vector<1x1x1x16xf32>
        tpu.vector_store %arg7[%parallel_loop3A_1130, %parallel_loop3A_1131, %parallel_loop3A_1132, %parallel_loop3A_1133], %parallel_loop3A_1136 {strides = array<i32>} : memref<2x8x40x128xf32, #tpu.memory_space<vmem>>, vector<1x1x1x16xf32>,
        %parallel_loop3A_1137 = arith.constant 0 : i32
        %parallel_loop3A_1138 = arith.constant 7 : i32
        %parallel_loop3A_1139 = arith.index_cast %parallel_loop3A_1137 : i32 to index
        %parallel_loop3A_1140 = arith.index_cast %parallel_loop3A_1138 : i32 to index
        %parallel_loop3A_1141 = arith.index_cast %parallel_loop3A_984 : i32 to index
        %parallel_loop3A_1142 = arith.constant 0 : index
        %parallel_loop3A_1143 = tpu.vector_load %arg7[%parallel_loop3A_1139, %parallel_loop3A_1140, %parallel_loop3A_1141, %parallel_loop3A_1142] {strides = array<i32>} : memref<2x8x40x128xf32, #tpu.memory_space<vmem>>, vector<1x1x1x16xf32>,
        %parallel_loop3A_1144 = vector.shape_cast %parallel_loop3A_1143 : vector<1x1x1x16xf32> to vector<16xf32>
        %parallel_loop3A_1145 = arith.constant 11.3137083 : f32
        %parallel_loop3A_1146 = vector.broadcast %parallel_loop3A_1145 : f32 to vector<16xf32>
        %parallel_loop3A_1147 = arith.mulf %parallel_loop3A_1144, %parallel_loop3A_1146 : vector<16xf32>
        %parallel_loop3A_1148 = arith.addf %parallel_loop3A_1147, %parallel_loop3A_989 : vector<16xf32>
        %parallel_loop3A_1149 = arith.constant 0 : i32
        %parallel_loop3A_1150 = arith.constant 7 : i32
        %parallel_loop3A_1151 = arith.index_cast %parallel_loop3A_1149 : i32 to index
        %parallel_loop3A_1152 = arith.index_cast %parallel_loop3A_1150 : i32 to index
        %parallel_loop3A_1153 = arith.index_cast %parallel_loop3A_984 : i32 to index
        %parallel_loop3A_1154 = arith.constant 0 : index
        %parallel_loop3A_1155 = tpu.vector_load %arg7[%parallel_loop3A_1151, %parallel_loop3A_1152, %parallel_loop3A_1153, %parallel_loop3A_1154] {strides = array<i32>} : memref<2x8x40x128xf32, #tpu.memory_space<vmem>>, vector<1x1x1x16xf32>,
        %parallel_loop3A_1156 = vector.shape_cast %parallel_loop3A_1155 : vector<1x1x1x16xf32> to vector<16xf32>
        %parallel_loop3A_1157 = vector.shape_cast %parallel_loop3A_1148 : vector<16xf32> to vector<1x1x1x16xf32>
        tpu.vector_store %arg7[%parallel_loop3A_1151, %parallel_loop3A_1152, %parallel_loop3A_1153, %parallel_loop3A_1154], %parallel_loop3A_1157 {strides = array<i32>} : memref<2x8x40x128xf32, #tpu.memory_space<vmem>>, vector<1x1x1x16xf32>,
        %parallel_loop3A_1158 = arith.addi %mul3A_518, %parallel_loop3A_984 : i32
        %parallel_loop3A_1159 = arith.index_cast %parallel_loop3A_1158 : i32 to index
        %parallel_loop3A_1160 = arith.constant 16 : index
        %parallel_loop3A_1161 = tpu.vector_load %arg8[%parallel_loop3A_1159, %parallel_loop3A_1160] {strides = array<i32>} : memref<200x128xf32, #tpu.memory_space<vmem>>, vector<1x16xf32>,
        %parallel_loop3A_1162 = vector.shape_cast %parallel_loop3A_1161 : vector<1x16xf32> to vector<16xf32>
        %parallel_loop3A_1163 = arith.constant 0 : i32
        %parallel_loop3A_1164 = arith.constant 0 : i32
        %parallel_loop3A_1165 = arith.index_cast %parallel_loop3A_1163 : i32 to index
        %parallel_loop3A_1166 = arith.index_cast %parallel_loop3A_1164 : i32 to index
        %parallel_loop3A_1167 = arith.index_cast %parallel_loop3A_984 : i32 to index
        %parallel_loop3A_1168 = arith.constant 16 : index
        %parallel_loop3A_1169 = tpu.vector_load %arg7[%parallel_loop3A_1165, %parallel_loop3A_1166, %parallel_loop3A_1167, %parallel_loop3A_1168] {strides = array<i32>} : memref<2x8x40x128xf32, #tpu.memory_space<vmem>>, vector<1x1x1x16xf32>,
        %parallel_loop3A_1170 = vector.shape_cast %parallel_loop3A_1169 : vector<1x1x1x16xf32> to vector<16xf32>
        %parallel_loop3A_1171 = arith.constant 11.3137083 : f32
        %parallel_loop3A_1172 = vector.broadcast %parallel_loop3A_1171 : f32 to vector<16xf32>
        %parallel_loop3A_1173 = arith.mulf %parallel_loop3A_1170, %parallel_loop3A_1172 : vector<16xf32>
        %parallel_loop3A_1174 = arith.addf %parallel_loop3A_1173, %parallel_loop3A_1162 : vector<16xf32>
        %parallel_loop3A_1175 = arith.constant 0 : i32
        %parallel_loop3A_1176 = arith.constant 0 : i32
        %parallel_loop3A_1177 = arith.index_cast %parallel_loop3A_1175 : i32 to index
        %parallel_loop3A_1178 = arith.index_cast %parallel_loop3A_1176 : i32 to index
        %parallel_loop3A_1179 = arith.index_cast %parallel_loop3A_984 : i32 to index
        %parallel_loop3A_1180 = arith.constant 16 : index
        %parallel_loop3A_1181 = tpu.vector_load %arg7[%parallel_loop3A_1177, %parallel_loop3A_1178, %parallel_loop3A_1179, %parallel_loop3A_1180] {strides = array<i32>} : memref<2x8x40x128xf32, #tpu.memory_space<vmem>>, vector<1x1x1x16xf32>,
        %parallel_loop3A_1182 = vector.shape_cast %parallel_loop3A_1181 : vector<1x1x1x16xf32> to vector<16xf32>
        %parallel_loop3A_1183 = vector.shape_cast %parallel_loop3A_1174 : vector<16xf32> to vector<1x1x1x16xf32>
        tpu.vector_store %arg7[%parallel_loop3A_1177, %parallel_loop3A_1178, %parallel_loop3A_1179, %parallel_loop3A_1180], %parallel_loop3A_1183 {strides = array<i32>} : memref<2x8x40x128xf32, #tpu.memory_space<vmem>>, vector<1x1x1x16xf32>,
        %parallel_loop3A_1184 = arith.constant 0 : i32
        %parallel_loop3A_1185 = arith.constant 1 : i32
        %parallel_loop3A_1186 = arith.index_cast %parallel_loop3A_1184 : i32 to index
        %parallel_loop3A_1187 = arith.index_cast %parallel_loop3A_1185 : i32 to index
        %parallel_loop3A_1188 = arith.index_cast %parallel_loop3A_984 : i32 to index
        %parallel_loop3A_1189 = arith.constant 16 : index
        %parallel_loop3A_1190 = tpu.vector_load %arg7[%parallel_loop3A_1186, %parallel_loop3A_1187, %parallel_loop3A_1188, %parallel_loop3A_1189] {strides = array<i32>} : memref<2x8x40x128xf32, #tpu.memory_space<vmem>>, vector<1x1x1x16xf32>,
        %parallel_loop3A_1191 = vector.shape_cast %parallel_loop3A_1190 : vector<1x1x1x16xf32> to vector<16xf32>
        %parallel_loop3A_1192 = arith.constant 11.3137083 : f32
        %parallel_loop3A_1193 = vector.broadcast %parallel_loop3A_1192 : f32 to vector<16xf32>
        %parallel_loop3A_1194 = arith.mulf %parallel_loop3A_1191, %parallel_loop3A_1193 : vector<16xf32>
        %parallel_loop3A_1195 = arith.addf %parallel_loop3A_1194, %parallel_loop3A_1162 : vector<16xf32>
        %parallel_loop3A_1196 = arith.constant 0 : i32
        %parallel_loop3A_1197 = arith.constant 1 : i32
        %parallel_loop3A_1198 = arith.index_cast %parallel_loop3A_1196 : i32 to index
        %parallel_loop3A_1199 = arith.index_cast %parallel_loop3A_1197 : i32 to index
        %parallel_loop3A_1200 = arith.index_cast %parallel_loop3A_984 : i32 to index
        %parallel_loop3A_1201 = arith.constant 16 : index
        %parallel_loop3A_1202 = tpu.vector_load %arg7[%parallel_loop3A_1198, %parallel_loop3A_1199, %parallel_loop3A_1200, %parallel_loop3A_1201] {strides = array<i32>} : memref<2x8x40x128xf32, #tpu.memory_space<vmem>>, vector<1x1x1x16xf32>,
        %parallel_loop3A_1203 = vector.shape_cast %parallel_loop3A_1202 : vector<1x1x1x16xf32> to vector<16xf32>
        %parallel_loop3A_1204 = vector.shape_cast %parallel_loop3A_1195 : vector<16xf32> to vector<1x1x1x16xf32>
        tpu.vector_store %arg7[%parallel_loop3A_1198, %parallel_loop3A_1199, %parallel_loop3A_1200, %parallel_loop3A_1201], %parallel_loop3A_1204 {strides = array<i32>} : memref<2x8x40x128xf32, #tpu.memory_space<vmem>>, vector<1x1x1x16xf32>,
        %parallel_loop3A_1205 = arith.constant 0 : i32
        %parallel_loop3A_1206 = arith.constant 2 : i32
        %parallel_loop3A_1207 = arith.index_cast %parallel_loop3A_1205 : i32 to index
        %parallel_loop3A_1208 = arith.index_cast %parallel_loop3A_1206 : i32 to index
        %parallel_loop3A_1209 = arith.index_cast %parallel_loop3A_984 : i32 to index
        %parallel_loop3A_1210 = arith.constant 16 : index
        %parallel_loop3A_1211 = tpu.vector_load %arg7[%parallel_loop3A_1207, %parallel_loop3A_1208, %parallel_loop3A_1209, %parallel_loop3A_1210] {strides = array<i32>} : memref<2x8x40x128xf32, #tpu.memory_space<vmem>>, vector<1x1x1x16xf32>,
        %parallel_loop3A_1212 = vector.shape_cast %parallel_loop3A_1211 : vector<1x1x1x16xf32> to vector<16xf32>
        %parallel_loop3A_1213 = arith.constant 11.3137083 : f32
        %parallel_loop3A_1214 = vector.broadcast %parallel_loop3A_1213 : f32 to vector<16xf32>
        %parallel_loop3A_1215 = arith.mulf %parallel_loop3A_1212, %parallel_loop3A_1214 : vector<16xf32>
        %parallel_loop3A_1216 = arith.addf %parallel_loop3A_1215, %parallel_loop3A_1162 : vector<16xf32>
        %parallel_loop3A_1217 = arith.constant 0 : i32
        %parallel_loop3A_1218 = arith.constant 2 : i32
        %parallel_loop3A_1219 = arith.index_cast %parallel_loop3A_1217 : i32 to index
        %parallel_loop3A_1220 = arith.index_cast %parallel_loop3A_1218 : i32 to index
        %parallel_loop3A_1221 = arith.index_cast %parallel_loop3A_984 : i32 to index
        %parallel_loop3A_1222 = arith.constant 16 : index
        %parallel_loop3A_1223 = tpu.vector_load %arg7[%parallel_loop3A_1219, %parallel_loop3A_1220, %parallel_loop3A_1221, %parallel_loop3A_1222] {strides = array<i32>} : memref<2x8x40x128xf32, #tpu.memory_space<vmem>>, vector<1x1x1x16xf32>,
        %parallel_loop3A_1224 = vector.shape_cast %parallel_loop3A_1223 : vector<1x1x1x16xf32> to vector<16xf32>
        %parallel_loop3A_1225 = vector.shape_cast %parallel_loop3A_1216 : vector<16xf32> to vector<1x1x1x16xf32>
        tpu.vector_store %arg7[%parallel_loop3A_1219, %parallel_loop3A_1220, %parallel_loop3A_1221, %parallel_loop3A_1222], %parallel_loop3A_1225 {strides = array<i32>} : memref<2x8x40x128xf32, #tpu.memory_space<vmem>>, vector<1x1x1x16xf32>,
        %parallel_loop3A_1226 = arith.constant 0 : i32
        %parallel_loop3A_1227 = arith.constant 3 : i32
        %parallel_loop3A_1228 = arith.index_cast %parallel_loop3A_1226 : i32 to index
        %parallel_loop3A_1229 = arith.index_cast %parallel_loop3A_1227 : i32 to index
        %parallel_loop3A_1230 = arith.index_cast %parallel_loop3A_984 : i32 to index
        %parallel_loop3A_1231 = arith.constant 16 : index
        %parallel_loop3A_1232 = tpu.vector_load %arg7[%parallel_loop3A_1228, %parallel_loop3A_1229, %parallel_loop3A_1230, %parallel_loop3A_1231] {strides = array<i32>} : memref<2x8x40x128xf32, #tpu.memory_space<vmem>>, vector<1x1x1x16xf32>,
        %parallel_loop3A_1233 = vector.shape_cast %parallel_loop3A_1232 : vector<1x1x1x16xf32> to vector<16xf32>
        %parallel_loop3A_1234 = arith.constant 11.3137083 : f32
        %parallel_loop3A_1235 = vector.broadcast %parallel_loop3A_1234 : f32 to vector<16xf32>
        %parallel_loop3A_1236 = arith.mulf %parallel_loop3A_1233, %parallel_loop3A_1235 : vector<16xf32>
        %parallel_loop3A_1237 = arith.addf %parallel_loop3A_1236, %parallel_loop3A_1162 : vector<16xf32>
        %parallel_loop3A_1238 = arith.constant 0 : i32
        %parallel_loop3A_1239 = arith.constant 3 : i32
        %parallel_loop3A_1240 = arith.index_cast %parallel_loop3A_1238 : i32 to index
        %parallel_loop3A_1241 = arith.index_cast %parallel_loop3A_1239 : i32 to index
        %parallel_loop3A_1242 = arith.index_cast %parallel_loop3A_984 : i32 to index
        %parallel_loop3A_1243 = arith.constant 16 : index
        %parallel_loop3A_1244 = tpu.vector_load %arg7[%parallel_loop3A_1240, %parallel_loop3A_1241, %parallel_loop3A_1242, %parallel_loop3A_1243] {strides = array<i32>} : memref<2x8x40x128xf32, #tpu.memory_space<vmem>>, vector<1x1x1x16xf32>,
        %parallel_loop3A_1245 = vector.shape_cast %parallel_loop3A_1244 : vector<1x1x1x16xf32> to vector<16xf32>
        %parallel_loop3A_1246 = vector.shape_cast %parallel_loop3A_1237 : vector<16xf32> to vector<1x1x1x16xf32>
        tpu.vector_store %arg7[%parallel_loop3A_1240, %parallel_loop3A_1241, %parallel_loop3A_1242, %parallel_loop3A_1243], %parallel_loop3A_1246 {strides = array<i32>} : memref<2x8x40x128xf32, #tpu.memory_space<vmem>>, vector<1x1x1x16xf32>,
        %parallel_loop3A_1247 = arith.constant 0 : i32
        %parallel_loop3A_1248 = arith.constant 4 : i32
        %parallel_loop3A_1249 = arith.index_cast %parallel_loop3A_1247 : i32 to index
        %parallel_loop3A_1250 = arith.index_cast %parallel_loop3A_1248 : i32 to index
        %parallel_loop3A_1251 = arith.index_cast %parallel_loop3A_984 : i32 to index
        %parallel_loop3A_1252 = arith.constant 16 : index
        %parallel_loop3A_1253 = tpu.vector_load %arg7[%parallel_loop3A_1249, %parallel_loop3A_1250, %parallel_loop3A_1251, %parallel_loop3A_1252] {strides = array<i32>} : memref<2x8x40x128xf32, #tpu.memory_space<vmem>>, vector<1x1x1x16xf32>,
        %parallel_loop3A_1254 = vector.shape_cast %parallel_loop3A_1253 : vector<1x1x1x16xf32> to vector<16xf32>
        %parallel_loop3A_1255 = arith.constant 11.3137083 : f32
        %parallel_loop3A_1256 = vector.broadcast %parallel_loop3A_1255 : f32 to vector<16xf32>
        %parallel_loop3A_1257 = arith.mulf %parallel_loop3A_1254, %parallel_loop3A_1256 : vector<16xf32>
        %parallel_loop3A_1258 = arith.addf %parallel_loop3A_1257, %parallel_loop3A_1162 : vector<16xf32>
        %parallel_loop3A_1259 = arith.constant 0 : i32
        %parallel_loop3A_1260 = arith.constant 4 : i32
        %parallel_loop3A_1261 = arith.index_cast %parallel_loop3A_1259 : i32 to index
        %parallel_loop3A_1262 = arith.index_cast %parallel_loop3A_1260 : i32 to index
        %parallel_loop3A_1263 = arith.index_cast %parallel_loop3A_984 : i32 to index
        %parallel_loop3A_1264 = arith.constant 16 : index
        %parallel_loop3A_1265 = tpu.vector_load %arg7[%parallel_loop3A_1261, %parallel_loop3A_1262, %parallel_loop3A_1263, %parallel_loop3A_1264] {strides = array<i32>} : memref<2x8x40x128xf32, #tpu.memory_space<vmem>>, vector<1x1x1x16xf32>,
        %parallel_loop3A_1266 = vector.shape_cast %parallel_loop3A_1265 : vector<1x1x1x16xf32> to vector<16xf32>
        %parallel_loop3A_1267 = vector.shape_cast %parallel_loop3A_1258 : vector<16xf32> to vector<1x1x1x16xf32>
        tpu.vector_store %arg7[%parallel_loop3A_1261, %parallel_loop3A_1262, %parallel_loop3A_1263, %parallel_loop3A_1264], %parallel_loop3A_1267 {strides = array<i32>} : memref<2x8x40x128xf32, #tpu.memory_space<vmem>>, vector<1x1x1x16xf32>,
        %parallel_loop3A_1268 = arith.constant 0 : i32
        %parallel_loop3A_1269 = arith.constant 5 : i32
        %parallel_loop3A_1270 = arith.index_cast %parallel_loop3A_1268 : i32 to index
        %parallel_loop3A_1271 = arith.index_cast %parallel_loop3A_1269 : i32 to index
        %parallel_loop3A_1272 = arith.index_cast %parallel_loop3A_984 : i32 to index
        %parallel_loop3A_1273 = arith.constant 16 : index
        %parallel_loop3A_1274 = tpu.vector_load %arg7[%parallel_loop3A_1270, %parallel_loop3A_1271, %parallel_loop3A_1272, %parallel_loop3A_1273] {strides = array<i32>} : memref<2x8x40x128xf32, #tpu.memory_space<vmem>>, vector<1x1x1x16xf32>,
        %parallel_loop3A_1275 = vector.shape_cast %parallel_loop3A_1274 : vector<1x1x1x16xf32> to vector<16xf32>
        %parallel_loop3A_1276 = arith.constant 11.3137083 : f32
        %parallel_loop3A_1277 = vector.broadcast %parallel_loop3A_1276 : f32 to vector<16xf32>
        %parallel_loop3A_1278 = arith.mulf %parallel_loop3A_1275, %parallel_loop3A_1277 : vector<16xf32>
        %parallel_loop3A_1279 = arith.addf %parallel_loop3A_1278, %parallel_loop3A_1162 : vector<16xf32>
        %parallel_loop3A_1280 = arith.constant 0 : i32
        %parallel_loop3A_1281 = arith.constant 5 : i32
        %parallel_loop3A_1282 = arith.index_cast %parallel_loop3A_1280 : i32 to index
        %parallel_loop3A_1283 = arith.index_cast %parallel_loop3A_1281 : i32 to index
        %parallel_loop3A_1284 = arith.index_cast %parallel_loop3A_984 : i32 to index
        %parallel_loop3A_1285 = arith.constant 16 : index
        %parallel_loop3A_1286 = tpu.vector_load %arg7[%parallel_loop3A_1282, %parallel_loop3A_1283, %parallel_loop3A_1284, %parallel_loop3A_1285] {strides = array<i32>} : memref<2x8x40x128xf32, #tpu.memory_space<vmem>>, vector<1x1x1x16xf32>,
        %parallel_loop3A_1287 = vector.shape_cast %parallel_loop3A_1286 : vector<1x1x1x16xf32> to vector<16xf32>
        %parallel_loop3A_1288 = vector.shape_cast %parallel_loop3A_1279 : vector<16xf32> to vector<1x1x1x16xf32>
        tpu.vector_store %arg7[%parallel_loop3A_1282, %parallel_loop3A_1283, %parallel_loop3A_1284, %parallel_loop3A_1285], %parallel_loop3A_1288 {strides = array<i32>} : memref<2x8x40x128xf32, #tpu.memory_space<vmem>>, vector<1x1x1x16xf32>,
        %parallel_loop3A_1289 = arith.constant 0 : i32
        %parallel_loop3A_1290 = arith.constant 6 : i32
        %parallel_loop3A_1291 = arith.index_cast %parallel_loop3A_1289 : i32 to index
        %parallel_loop3A_1292 = arith.index_cast %parallel_loop3A_1290 : i32 to index
        %parallel_loop3A_1293 = arith.index_cast %parallel_loop3A_984 : i32 to index
        %parallel_loop3A_1294 = arith.constant 16 : index
        %parallel_loop3A_1295 = tpu.vector_load %arg7[%parallel_loop3A_1291, %parallel_loop3A_1292, %parallel_loop3A_1293, %parallel_loop3A_1294] {strides = array<i32>} : memref<2x8x40x128xf32, #tpu.memory_space<vmem>>, vector<1x1x1x16xf32>,
        %parallel_loop3A_1296 = vector.shape_cast %parallel_loop3A_1295 : vector<1x1x1x16xf32> to vector<16xf32>
        %parallel_loop3A_1297 = arith.constant 11.3137083 : f32
        %parallel_loop3A_1298 = vector.broadcast %parallel_loop3A_1297 : f32 to vector<16xf32>
        %parallel_loop3A_1299 = arith.mulf %parallel_loop3A_1296, %parallel_loop3A_1298 : vector<16xf32>
        %parallel_loop3A_1300 = arith.addf %parallel_loop3A_1299, %parallel_loop3A_1162 : vector<16xf32>
        %parallel_loop3A_1301 = arith.constant 0 : i32
        %parallel_loop3A_1302 = arith.constant 6 : i32
        %parallel_loop3A_1303 = arith.index_cast %parallel_loop3A_1301 : i32 to index
        %parallel_loop3A_1304 = arith.index_cast %parallel_loop3A_1302 : i32 to index
        %parallel_loop3A_1305 = arith.index_cast %parallel_loop3A_984 : i32 to index
        %parallel_loop3A_1306 = arith.constant 16 : index
        %parallel_loop3A_1307 = tpu.vector_load %arg7[%parallel_loop3A_1303, %parallel_loop3A_1304, %parallel_loop3A_1305, %parallel_loop3A_1306] {strides = array<i32>} : memref<2x8x40x128xf32, #tpu.memory_space<vmem>>, vector<1x1x1x16xf32>,
        %parallel_loop3A_1308 = vector.shape_cast %parallel_loop3A_1307 : vector<1x1x1x16xf32> to vector<16xf32>
        %parallel_loop3A_1309 = vector.shape_cast %parallel_loop3A_1300 : vector<16xf32> to vector<1x1x1x16xf32>
        tpu.vector_store %arg7[%parallel_loop3A_1303, %parallel_loop3A_1304, %parallel_loop3A_1305, %parallel_loop3A_1306], %parallel_loop3A_1309 {strides = array<i32>} : memref<2x8x40x128xf32, #tpu.memory_space<vmem>>, vector<1x1x1x16xf32>,
        %parallel_loop3A_1310 = arith.constant 0 : i32
        %parallel_loop3A_1311 = arith.constant 7 : i32
        %parallel_loop3A_1312 = arith.index_cast %parallel_loop3A_1310 : i32 to index
        %parallel_loop3A_1313 = arith.index_cast %parallel_loop3A_1311 : i32 to index
        %parallel_loop3A_1314 = arith.index_cast %parallel_loop3A_984 : i32 to index
        %parallel_loop3A_1315 = arith.constant 16 : index
        %parallel_loop3A_1316 = tpu.vector_load %arg7[%parallel_loop3A_1312, %parallel_loop3A_1313, %parallel_loop3A_1314, %parallel_loop3A_1315] {strides = array<i32>} : memref<2x8x40x128xf32, #tpu.memory_space<vmem>>, vector<1x1x1x16xf32>,
        %parallel_loop3A_1317 = vector.shape_cast %parallel_loop3A_1316 : vector<1x1x1x16xf32> to vector<16xf32>
        %parallel_loop3A_1318 = arith.constant 11.3137083 : f32
        %parallel_loop3A_1319 = vector.broadcast %parallel_loop3A_1318 : f32 to vector<16xf32>
        %parallel_loop3A_1320 = arith.mulf %parallel_loop3A_1317, %parallel_loop3A_1319 : vector<16xf32>
        %parallel_loop3A_1321 = arith.addf %parallel_loop3A_1320, %parallel_loop3A_1162 : vector<16xf32>
        %parallel_loop3A_1322 = arith.constant 0 : i32
        %parallel_loop3A_1323 = arith.constant 7 : i32
        %parallel_loop3A_1324 = arith.index_cast %parallel_loop3A_1322 : i32 to index
        %parallel_loop3A_1325 = arith.index_cast %parallel_loop3A_1323 : i32 to index
        %parallel_loop3A_1326 = arith.index_cast %parallel_loop3A_984 : i32 to index
        %parallel_loop3A_1327 = arith.constant 16 : index
        %parallel_loop3A_1328 = tpu.vector_load %arg7[%parallel_loop3A_1324, %parallel_loop3A_1325, %parallel_loop3A_1326, %parallel_loop3A_1327] {strides = array<i32>} : memref<2x8x40x128xf32, #tpu.memory_space<vmem>>, vector<1x1x1x16xf32>,
        %parallel_loop3A_1329 = vector.shape_cast %parallel_loop3A_1328 : vector<1x1x1x16xf32> to vector<16xf32>
        %parallel_loop3A_1330 = vector.shape_cast %parallel_loop3A_1321 : vector<16xf32> to vector<1x1x1x16xf32>
        tpu.vector_store %arg7[%parallel_loop3A_1324, %parallel_loop3A_1325, %parallel_loop3A_1326, %parallel_loop3A_1327], %parallel_loop3A_1330 {strides = array<i32>} : memref<2x8x40x128xf32, #tpu.memory_space<vmem>>, vector<1x1x1x16xf32>,
        %parallel_loop3A_1331 = arith.addi %mul3A_518, %parallel_loop3A_984 : i32
        %parallel_loop3A_1332 = arith.index_cast %parallel_loop3A_1331 : i32 to index
        %parallel_loop3A_1333 = arith.constant 32 : index
        %parallel_loop3A_1334 = tpu.vector_load %arg8[%parallel_loop3A_1332, %parallel_loop3A_1333] {strides = array<i32>} : memref<200x128xf32, #tpu.memory_space<vmem>>, vector<1x16xf32>,
        %parallel_loop3A_1335 = vector.shape_cast %parallel_loop3A_1334 : vector<1x16xf32> to vector<16xf32>
        %parallel_loop3A_1336 = arith.constant 0 : i32
        %parallel_loop3A_1337 = arith.constant 0 : i32
        %parallel_loop3A_1338 = arith.index_cast %parallel_loop3A_1336 : i32 to index
        %parallel_loop3A_1339 = arith.index_cast %parallel_loop3A_1337 : i32 to index
        %parallel_loop3A_1340 = arith.index_cast %parallel_loop3A_984 : i32 to index
        %parallel_loop3A_1341 = arith.constant 32 : index
        %parallel_loop3A_1342 = tpu.vector_load %arg7[%parallel_loop3A_1338, %parallel_loop3A_1339, %parallel_loop3A_1340, %parallel_loop3A_1341] {strides = array<i32>} : memref<2x8x40x128xf32, #tpu.memory_space<vmem>>, vector<1x1x1x16xf32>,
        %parallel_loop3A_1343 = vector.shape_cast %parallel_loop3A_1342 : vector<1x1x1x16xf32> to vector<16xf32>
        %parallel_loop3A_1344 = arith.constant 11.3137083 : f32
        %parallel_loop3A_1345 = vector.broadcast %parallel_loop3A_1344 : f32 to vector<16xf32>
        %parallel_loop3A_1346 = arith.mulf %parallel_loop3A_1343, %parallel_loop3A_1345 : vector<16xf32>
        %parallel_loop3A_1347 = arith.addf %parallel_loop3A_1346, %parallel_loop3A_1335 : vector<16xf32>
        %parallel_loop3A_1348 = arith.constant 0 : i32
        %parallel_loop3A_1349 = arith.constant 0 : i32
        %parallel_loop3A_1350 = arith.index_cast %parallel_loop3A_1348 : i32 to index
        %parallel_loop3A_1351 = arith.index_cast %parallel_loop3A_1349 : i32 to index
        %parallel_loop3A_1352 = arith.index_cast %parallel_loop3A_984 : i32 to index
        %parallel_loop3A_1353 = arith.constant 32 : index
        %parallel_loop3A_1354 = tpu.vector_load %arg7[%parallel_loop3A_1350, %parallel_loop3A_1351, %parallel_loop3A_1352, %parallel_loop3A_1353] {strides = array<i32>} : memref<2x8x40x128xf32, #tpu.memory_space<vmem>>, vector<1x1x1x16xf32>,
        %parallel_loop3A_1355 = vector.shape_cast %parallel_loop3A_1354 : vector<1x1x1x16xf32> to vector<16xf32>
        %parallel_loop3A_1356 = vector.shape_cast %parallel_loop3A_1347 : vector<16xf32> to vector<1x1x1x16xf32>
        tpu.vector_store %arg7[%parallel_loop3A_1350, %parallel_loop3A_1351, %parallel_loop3A_1352, %parallel_loop3A_1353], %parallel_loop3A_1356 {strides = array<i32>} : memref<2x8x40x128xf32, #tpu.memory_space<vmem>>, vector<1x1x1x16xf32>,
        %parallel_loop3A_1357 = arith.constant 0 : i32
        %parallel_loop3A_1358 = arith.constant 1 : i32
        %parallel_loop3A_1359 = arith.index_cast %parallel_loop3A_1357 : i32 to index
        %parallel_loop3A_1360 = arith.index_cast %parallel_loop3A_1358 : i32 to index
        %parallel_loop3A_1361 = arith.index_cast %parallel_loop3A_984 : i32 to index
        %parallel_loop3A_1362 = arith.constant 32 : index
        %parallel_loop3A_1363 = tpu.vector_load %arg7[%parallel_loop3A_1359, %parallel_loop3A_1360, %parallel_loop3A_1361, %parallel_loop3A_1362] {strides = array<i32>} : memref<2x8x40x128xf32, #tpu.memory_space<vmem>>, vector<1x1x1x16xf32>,
        %parallel_loop3A_1364 = vector.shape_cast %parallel_loop3A_1363 : vector<1x1x1x16xf32> to vector<16xf32>
        %parallel_loop3A_1365 = arith.constant 11.3137083 : f32
        %parallel_loop3A_1366 = vector.broadcast %parallel_loop3A_1365 : f32 to vector<16xf32>
        %parallel_loop3A_1367 = arith.mulf %parallel_loop3A_1364, %parallel_loop3A_1366 : vector<16xf32>
        %parallel_loop3A_1368 = arith.addf %parallel_loop3A_1367, %parallel_loop3A_1335 : vector<16xf32>
        %parallel_loop3A_1369 = arith.constant 0 : i32
        %parallel_loop3A_1370 = arith.constant 1 : i32
        %parallel_loop3A_1371 = arith.index_cast %parallel_loop3A_1369 : i32 to index
        %parallel_loop3A_1372 = arith.index_cast %parallel_loop3A_1370 : i32 to index
        %parallel_loop3A_1373 = arith.index_cast %parallel_loop3A_984 : i32 to index
        %parallel_loop3A_1374 = arith.constant 32 : index
        %parallel_loop3A_1375 = tpu.vector_load %arg7[%parallel_loop3A_1371, %parallel_loop3A_1372, %parallel_loop3A_1373, %parallel_loop3A_1374] {strides = array<i32>} : memref<2x8x40x128xf32, #tpu.memory_space<vmem>>, vector<1x1x1x16xf32>,
        %parallel_loop3A_1376 = vector.shape_cast %parallel_loop3A_1375 : vector<1x1x1x16xf32> to vector<16xf32>
        %parallel_loop3A_1377 = vector.shape_cast %parallel_loop3A_1368 : vector<16xf32> to vector<1x1x1x16xf32>
        tpu.vector_store %arg7[%parallel_loop3A_1371, %parallel_loop3A_1372, %parallel_loop3A_1373, %parallel_loop3A_1374], %parallel_loop3A_1377 {strides = array<i32>} : memref<2x8x40x128xf32, #tpu.memory_space<vmem>>, vector<1x1x1x16xf32>,
        %parallel_loop3A_1378 = arith.constant 0 : i32
        %parallel_loop3A_1379 = arith.constant 2 : i32
        %parallel_loop3A_1380 = arith.index_cast %parallel_loop3A_1378 : i32 to index
        %parallel_loop3A_1381 = arith.index_cast %parallel_loop3A_1379 : i32 to index
        %parallel_loop3A_1382 = arith.index_cast %parallel_loop3A_984 : i32 to index
        %parallel_loop3A_1383 = arith.constant 32 : index
        %parallel_loop3A_1384 = tpu.vector_load %arg7[%parallel_loop3A_1380, %parallel_loop3A_1381, %parallel_loop3A_1382, %parallel_loop3A_1383] {strides = array<i32>} : memref<2x8x40x128xf32, #tpu.memory_space<vmem>>, vector<1x1x1x16xf32>,
        %parallel_loop3A_1385 = vector.shape_cast %parallel_loop3A_1384 : vector<1x1x1x16xf32> to vector<16xf32>
        %parallel_loop3A_1386 = arith.constant 11.3137083 : f32
        %parallel_loop3A_1387 = vector.broadcast %parallel_loop3A_1386 : f32 to vector<16xf32>
        %parallel_loop3A_1388 = arith.mulf %parallel_loop3A_1385, %parallel_loop3A_1387 : vector<16xf32>
        %parallel_loop3A_1389 = arith.addf %parallel_loop3A_1388, %parallel_loop3A_1335 : vector<16xf32>
        %parallel_loop3A_1390 = arith.constant 0 : i32
        %parallel_loop3A_1391 = arith.constant 2 : i32
        %parallel_loop3A_1392 = arith.index_cast %parallel_loop3A_1390 : i32 to index
        %parallel_loop3A_1393 = arith.index_cast %parallel_loop3A_1391 : i32 to index
        %parallel_loop3A_1394 = arith.index_cast %parallel_loop3A_984 : i32 to index
        %parallel_loop3A_1395 = arith.constant 32 : index
        %parallel_loop3A_1396 = tpu.vector_load %arg7[%parallel_loop3A_1392, %parallel_loop3A_1393, %parallel_loop3A_1394, %parallel_loop3A_1395] {strides = array<i32>} : memref<2x8x40x128xf32, #tpu.memory_space<vmem>>, vector<1x1x1x16xf32>,
        %parallel_loop3A_1397 = vector.shape_cast %parallel_loop3A_1396 : vector<1x1x1x16xf32> to vector<16xf32>
        %parallel_loop3A_1398 = vector.shape_cast %parallel_loop3A_1389 : vector<16xf32> to vector<1x1x1x16xf32>
        tpu.vector_store %arg7[%parallel_loop3A_1392, %parallel_loop3A_1393, %parallel_loop3A_1394, %parallel_loop3A_1395], %parallel_loop3A_1398 {strides = array<i32>} : memref<2x8x40x128xf32, #tpu.memory_space<vmem>>, vector<1x1x1x16xf32>,
        %parallel_loop3A_1399 = arith.constant 0 : i32
        %parallel_loop3A_1400 = arith.constant 3 : i32
        %parallel_loop3A_1401 = arith.index_cast %parallel_loop3A_1399 : i32 to index
        %parallel_loop3A_1402 = arith.index_cast %parallel_loop3A_1400 : i32 to index
        %parallel_loop3A_1403 = arith.index_cast %parallel_loop3A_984 : i32 to index
        %parallel_loop3A_1404 = arith.constant 32 : index
        %parallel_loop3A_1405 = tpu.vector_load %arg7[%parallel_loop3A_1401, %parallel_loop3A_1402, %parallel_loop3A_1403, %parallel_loop3A_1404] {strides = array<i32>} : memref<2x8x40x128xf32, #tpu.memory_space<vmem>>, vector<1x1x1x16xf32>,
        %parallel_loop3A_1406 = vector.shape_cast %parallel_loop3A_1405 : vector<1x1x1x16xf32> to vector<16xf32>
        %parallel_loop3A_1407 = arith.constant 11.3137083 : f32
        %parallel_loop3A_1408 = vector.broadcast %parallel_loop3A_1407 : f32 to vector<16xf32>
        %parallel_loop3A_1409 = arith.mulf %parallel_loop3A_1406, %parallel_loop3A_1408 : vector<16xf32>
        %parallel_loop3A_1410 = arith.addf %parallel_loop3A_1409, %parallel_loop3A_1335 : vector<16xf32>
        %parallel_loop3A_1411 = arith.constant 0 : i32
        %parallel_loop3A_1412 = arith.constant 3 : i32
        %parallel_loop3A_1413 = arith.index_cast %parallel_loop3A_1411 : i32 to index
        %parallel_loop3A_1414 = arith.index_cast %parallel_loop3A_1412 : i32 to index
        %parallel_loop3A_1415 = arith.index_cast %parallel_loop3A_984 : i32 to index
        %parallel_loop3A_1416 = arith.constant 32 : index
        %parallel_loop3A_1417 = tpu.vector_load %arg7[%parallel_loop3A_1413, %parallel_loop3A_1414, %parallel_loop3A_1415, %parallel_loop3A_1416] {strides = array<i32>} : memref<2x8x40x128xf32, #tpu.memory_space<vmem>>, vector<1x1x1x16xf32>,
        %parallel_loop3A_1418 = vector.shape_cast %parallel_loop3A_1417 : vector<1x1x1x16xf32> to vector<16xf32>
        %parallel_loop3A_1419 = vector.shape_cast %parallel_loop3A_1410 : vector<16xf32> to vector<1x1x1x16xf32>
        tpu.vector_store %arg7[%parallel_loop3A_1413, %parallel_loop3A_1414, %parallel_loop3A_1415, %parallel_loop3A_1416], %parallel_loop3A_1419 {strides = array<i32>} : memref<2x8x40x128xf32, #tpu.memory_space<vmem>>, vector<1x1x1x16xf32>,
        %parallel_loop3A_1420 = arith.constant 0 : i32
        %parallel_loop3A_1421 = arith.constant 4 : i32
        %parallel_loop3A_1422 = arith.index_cast %parallel_loop3A_1420 : i32 to index
        %parallel_loop3A_1423 = arith.index_cast %parallel_loop3A_1421 : i32 to index
        %parallel_loop3A_1424 = arith.index_cast %parallel_loop3A_984 : i32 to index
        %parallel_loop3A_1425 = arith.constant 32 : index
        %parallel_loop3A_1426 = tpu.vector_load %arg7[%parallel_loop3A_1422, %parallel_loop3A_1423, %parallel_loop3A_1424, %parallel_loop3A_1425] {strides = array<i32>} : memref<2x8x40x128xf32, #tpu.memory_space<vmem>>, vector<1x1x1x16xf32>,
        %parallel_loop3A_1427 = vector.shape_cast %parallel_loop3A_1426 : vector<1x1x1x16xf32> to vector<16xf32>
        %parallel_loop3A_1428 = arith.constant 11.3137083 : f32
        %parallel_loop3A_1429 = vector.broadcast %parallel_loop3A_1428 : f32 to vector<16xf32>
        %parallel_loop3A_1430 = arith.mulf %parallel_loop3A_1427, %parallel_loop3A_1429 : vector<16xf32>
        %parallel_loop3A_1431 = arith.addf %parallel_loop3A_1430, %parallel_loop3A_1335 : vector<16xf32>
        %parallel_loop3A_1432 = arith.constant 0 : i32
        %parallel_loop3A_1433 = arith.constant 4 : i32
        %parallel_loop3A_1434 = arith.index_cast %parallel_loop3A_1432 : i32 to index
        %parallel_loop3A_1435 = arith.index_cast %parallel_loop3A_1433 : i32 to index
        %parallel_loop3A_1436 = arith.index_cast %parallel_loop3A_984 : i32 to index
        %parallel_loop3A_1437 = arith.constant 32 : index
        %parallel_loop3A_1438 = tpu.vector_load %arg7[%parallel_loop3A_1434, %parallel_loop3A_1435, %parallel_loop3A_1436, %parallel_loop3A_1437] {strides = array<i32>} : memref<2x8x40x128xf32, #tpu.memory_space<vmem>>, vector<1x1x1x16xf32>,
        %parallel_loop3A_1439 = vector.shape_cast %parallel_loop3A_1438 : vector<1x1x1x16xf32> to vector<16xf32>
        %parallel_loop3A_1440 = vector.shape_cast %parallel_loop3A_1431 : vector<16xf32> to vector<1x1x1x16xf32>
        tpu.vector_store %arg7[%parallel_loop3A_1434, %parallel_loop3A_1435, %parallel_loop3A_1436, %parallel_loop3A_1437], %parallel_loop3A_1440 {strides = array<i32>} : memref<2x8x40x128xf32, #tpu.memory_space<vmem>>, vector<1x1x1x16xf32>,
        %parallel_loop3A_1441 = arith.constant 0 : i32
        %parallel_loop3A_1442 = arith.constant 5 : i32
        %parallel_loop3A_1443 = arith.index_cast %parallel_loop3A_1441 : i32 to index
        %parallel_loop3A_1444 = arith.index_cast %parallel_loop3A_1442 : i32 to index
        %parallel_loop3A_1445 = arith.index_cast %parallel_loop3A_984 : i32 to index
        %parallel_loop3A_1446 = arith.constant 32 : index
        %parallel_loop3A_1447 = tpu.vector_load %arg7[%parallel_loop3A_1443, %parallel_loop3A_1444, %parallel_loop3A_1445, %parallel_loop3A_1446] {strides = array<i32>} : memref<2x8x40x128xf32, #tpu.memory_space<vmem>>, vector<1x1x1x16xf32>,
        %parallel_loop3A_1448 = vector.shape_cast %parallel_loop3A_1447 : vector<1x1x1x16xf32> to vector<16xf32>
        %parallel_loop3A_1449 = arith.constant 11.3137083 : f32
        %parallel_loop3A_1450 = vector.broadcast %parallel_loop3A_1449 : f32 to vector<16xf32>
        %parallel_loop3A_1451 = arith.mulf %parallel_loop3A_1448, %parallel_loop3A_1450 : vector<16xf32>
        %parallel_loop3A_1452 = arith.addf %parallel_loop3A_1451, %parallel_loop3A_1335 : vector<16xf32>
        %parallel_loop3A_1453 = arith.constant 0 : i32
        %parallel_loop3A_1454 = arith.constant 5 : i32
        %parallel_loop3A_1455 = arith.index_cast %parallel_loop3A_1453 : i32 to index
        %parallel_loop3A_1456 = arith.index_cast %parallel_loop3A_1454 : i32 to index
        %parallel_loop3A_1457 = arith.index_cast %parallel_loop3A_984 : i32 to index
        %parallel_loop3A_1458 = arith.constant 32 : index
        %parallel_loop3A_1459 = tpu.vector_load %arg7[%parallel_loop3A_1455, %parallel_loop3A_1456, %parallel_loop3A_1457, %parallel_loop3A_1458] {strides = array<i32>} : memref<2x8x40x128xf32, #tpu.memory_space<vmem>>, vector<1x1x1x16xf32>,
        %parallel_loop3A_1460 = vector.shape_cast %parallel_loop3A_1459 : vector<1x1x1x16xf32> to vector<16xf32>
        %parallel_loop3A_1461 = vector.shape_cast %parallel_loop3A_1452 : vector<16xf32> to vector<1x1x1x16xf32>
        tpu.vector_store %arg7[%parallel_loop3A_1455, %parallel_loop3A_1456, %parallel_loop3A_1457, %parallel_loop3A_1458], %parallel_loop3A_1461 {strides = array<i32>} : memref<2x8x40x128xf32, #tpu.memory_space<vmem>>, vector<1x1x1x16xf32>,
        %parallel_loop3A_1462 = arith.constant 0 : i32
        %parallel_loop3A_1463 = arith.constant 6 : i32
        %parallel_loop3A_1464 = arith.index_cast %parallel_loop3A_1462 : i32 to index
        %parallel_loop3A_1465 = arith.index_cast %parallel_loop3A_1463 : i32 to index
        %parallel_loop3A_1466 = arith.index_cast %parallel_loop3A_984 : i32 to index
        %parallel_loop3A_1467 = arith.constant 32 : index
        %parallel_loop3A_1468 = tpu.vector_load %arg7[%parallel_loop3A_1464, %parallel_loop3A_1465, %parallel_loop3A_1466, %parallel_loop3A_1467] {strides = array<i32>} : memref<2x8x40x128xf32, #tpu.memory_space<vmem>>, vector<1x1x1x16xf32>,
        %parallel_loop3A_1469 = vector.shape_cast %parallel_loop3A_1468 : vector<1x1x1x16xf32> to vector<16xf32>
        %parallel_loop3A_1470 = arith.constant 11.3137083 : f32
        %parallel_loop3A_1471 = vector.broadcast %parallel_loop3A_1470 : f32 to vector<16xf32>
        %parallel_loop3A_1472 = arith.mulf %parallel_loop3A_1469, %parallel_loop3A_1471 : vector<16xf32>
        %parallel_loop3A_1473 = arith.addf %parallel_loop3A_1472, %parallel_loop3A_1335 : vector<16xf32>
        %parallel_loop3A_1474 = arith.constant 0 : i32
        %parallel_loop3A_1475 = arith.constant 6 : i32
        %parallel_loop3A_1476 = arith.index_cast %parallel_loop3A_1474 : i32 to index
        %parallel_loop3A_1477 = arith.index_cast %parallel_loop3A_1475 : i32 to index
        %parallel_loop3A_1478 = arith.index_cast %parallel_loop3A_984 : i32 to index
        %parallel_loop3A_1479 = arith.constant 32 : index
        %parallel_loop3A_1480 = tpu.vector_load %arg7[%parallel_loop3A_1476, %parallel_loop3A_1477, %parallel_loop3A_1478, %parallel_loop3A_1479] {strides = array<i32>} : memref<2x8x40x128xf32, #tpu.memory_space<vmem>>, vector<1x1x1x16xf32>,
        %parallel_loop3A_1481 = vector.shape_cast %parallel_loop3A_1480 : vector<1x1x1x16xf32> to vector<16xf32>
        %parallel_loop3A_1482 = vector.shape_cast %parallel_loop3A_1473 : vector<16xf32> to vector<1x1x1x16xf32>
        tpu.vector_store %arg7[%parallel_loop3A_1476, %parallel_loop3A_1477, %parallel_loop3A_1478, %parallel_loop3A_1479], %parallel_loop3A_1482 {strides = array<i32>} : memref<2x8x40x128xf32, #tpu.memory_space<vmem>>, vector<1x1x1x16xf32>,
        %parallel_loop3A_1483 = arith.constant 0 : i32
        %parallel_loop3A_1484 = arith.constant 7 : i32
        %parallel_loop3A_1485 = arith.index_cast %parallel_loop3A_1483 : i32 to index
        %parallel_loop3A_1486 = arith.index_cast %parallel_loop3A_1484 : i32 to index
        %parallel_loop3A_1487 = arith.index_cast %parallel_loop3A_984 : i32 to index
        %parallel_loop3A_1488 = arith.constant 32 : index
        %parallel_loop3A_1489 = tpu.vector_load %arg7[%parallel_loop3A_1485, %parallel_loop3A_1486, %parallel_loop3A_1487, %parallel_loop3A_1488] {strides = array<i32>} : memref<2x8x40x128xf32, #tpu.memory_space<vmem>>, vector<1x1x1x16xf32>,
        %parallel_loop3A_1490 = vector.shape_cast %parallel_loop3A_1489 : vector<1x1x1x16xf32> to vector<16xf32>
        %parallel_loop3A_1491 = arith.constant 11.3137083 : f32
        %parallel_loop3A_1492 = vector.broadcast %parallel_loop3A_1491 : f32 to vector<16xf32>
        %parallel_loop3A_1493 = arith.mulf %parallel_loop3A_1490, %parallel_loop3A_1492 : vector<16xf32>
        %parallel_loop3A_1494 = arith.addf %parallel_loop3A_1493, %parallel_loop3A_1335 : vector<16xf32>
        %parallel_loop3A_1495 = arith.constant 0 : i32
        %parallel_loop3A_1496 = arith.constant 7 : i32
        %parallel_loop3A_1497 = arith.index_cast %parallel_loop3A_1495 : i32 to index
        %parallel_loop3A_1498 = arith.index_cast %parallel_loop3A_1496 : i32 to index
        %parallel_loop3A_1499 = arith.index_cast %parallel_loop3A_984 : i32 to index
        %parallel_loop3A_1500 = arith.constant 32 : index
        %parallel_loop3A_1501 = tpu.vector_load %arg7[%parallel_loop3A_1497, %parallel_loop3A_1498, %parallel_loop3A_1499, %parallel_loop3A_1500] {strides = array<i32>} : memref<2x8x40x128xf32, #tpu.memory_space<vmem>>, vector<1x1x1x16xf32>,
        %parallel_loop3A_1502 = vector.shape_cast %parallel_loop3A_1501 : vector<1x1x1x16xf32> to vector<16xf32>
        %parallel_loop3A_1503 = vector.shape_cast %parallel_loop3A_1494 : vector<16xf32> to vector<1x1x1x16xf32>
        tpu.vector_store %arg7[%parallel_loop3A_1497, %parallel_loop3A_1498, %parallel_loop3A_1499, %parallel_loop3A_1500], %parallel_loop3A_1503 {strides = array<i32>} : memref<2x8x40x128xf32, #tpu.memory_space<vmem>>, vector<1x1x1x16xf32>,
        %parallel_loop3A_1504 = arith.addi %mul3A_518, %parallel_loop3A_984 : i32
        %parallel_loop3A_1505 = arith.index_cast %parallel_loop3A_1504 : i32 to index
        %parallel_loop3A_1506 = arith.constant 48 : index
        %parallel_loop3A_1507 = tpu.vector_load %arg8[%parallel_loop3A_1505, %parallel_loop3A_1506] {strides = array<i32>} : memref<200x128xf32, #tpu.memory_space<vmem>>, vector<1x16xf32>,
        %parallel_loop3A_1508 = vector.shape_cast %parallel_loop3A_1507 : vector<1x16xf32> to vector<16xf32>
        %parallel_loop3A_1509 = arith.constant 0 : i32
        %parallel_loop3A_1510 = arith.constant 0 : i32
        %parallel_loop3A_1511 = arith.index_cast %parallel_loop3A_1509 : i32 to index
        %parallel_loop3A_1512 = arith.index_cast %parallel_loop3A_1510 : i32 to index
        %parallel_loop3A_1513 = arith.index_cast %parallel_loop3A_984 : i32 to index
        %parallel_loop3A_1514 = arith.constant 48 : index
        %parallel_loop3A_1515 = tpu.vector_load %arg7[%parallel_loop3A_1511, %parallel_loop3A_1512, %parallel_loop3A_1513, %parallel_loop3A_1514] {strides = array<i32>} : memref<2x8x40x128xf32, #tpu.memory_space<vmem>>, vector<1x1x1x16xf32>,
        %parallel_loop3A_1516 = vector.shape_cast %parallel_loop3A_1515 : vector<1x1x1x16xf32> to vector<16xf32>
        %parallel_loop3A_1517 = arith.constant 11.3137083 : f32
        %parallel_loop3A_1518 = vector.broadcast %parallel_loop3A_1517 : f32 to vector<16xf32>
        %parallel_loop3A_1519 = arith.mulf %parallel_loop3A_1516, %parallel_loop3A_1518 : vector<16xf32>
        %parallel_loop3A_1520 = arith.addf %parallel_loop3A_1519, %parallel_loop3A_1508 : vector<16xf32>
        %parallel_loop3A_1521 = arith.constant 0 : i32
        %parallel_loop3A_1522 = arith.constant 0 : i32
        %parallel_loop3A_1523 = arith.index_cast %parallel_loop3A_1521 : i32 to index
        %parallel_loop3A_1524 = arith.index_cast %parallel_loop3A_1522 : i32 to index
        %parallel_loop3A_1525 = arith.index_cast %parallel_loop3A_984 : i32 to index
        %parallel_loop3A_1526 = arith.constant 48 : index
        %parallel_loop3A_1527 = tpu.vector_load %arg7[%parallel_loop3A_1523, %parallel_loop3A_1524, %parallel_loop3A_1525, %parallel_loop3A_1526] {strides = array<i32>} : memref<2x8x40x128xf32, #tpu.memory_space<vmem>>, vector<1x1x1x16xf32>,
        %parallel_loop3A_1528 = vector.shape_cast %parallel_loop3A_1527 : vector<1x1x1x16xf32> to vector<16xf32>
        %parallel_loop3A_1529 = vector.shape_cast %parallel_loop3A_1520 : vector<16xf32> to vector<1x1x1x16xf32>
        tpu.vector_store %arg7[%parallel_loop3A_1523, %parallel_loop3A_1524, %parallel_loop3A_1525, %parallel_loop3A_1526], %parallel_loop3A_1529 {strides = array<i32>} : memref<2x8x40x128xf32, #tpu.memory_space<vmem>>, vector<1x1x1x16xf32>,
        %parallel_loop3A_1530 = arith.constant 0 : i32
        %parallel_loop3A_1531 = arith.constant 1 : i32
        %parallel_loop3A_1532 = arith.index_cast %parallel_loop3A_1530 : i32 to index
        %parallel_loop3A_1533 = arith.index_cast %parallel_loop3A_1531 : i32 to index
        %parallel_loop3A_1534 = arith.index_cast %parallel_loop3A_984 : i32 to index
        %parallel_loop3A_1535 = arith.constant 48 : index
        %parallel_loop3A_1536 = tpu.vector_load %arg7[%parallel_loop3A_1532, %parallel_loop3A_1533, %parallel_loop3A_1534, %parallel_loop3A_1535] {strides = array<i32>} : memref<2x8x40x128xf32, #tpu.memory_space<vmem>>, vector<1x1x1x16xf32>,
        %parallel_loop3A_1537 = vector.shape_cast %parallel_loop3A_1536 : vector<1x1x1x16xf32> to vector<16xf32>
        %parallel_loop3A_1538 = arith.constant 11.3137083 : f32
        %parallel_loop3A_1539 = vector.broadcast %parallel_loop3A_1538 : f32 to vector<16xf32>
        %parallel_loop3A_1540 = arith.mulf %parallel_loop3A_1537, %parallel_loop3A_1539 : vector<16xf32>
        %parallel_loop3A_1541 = arith.addf %parallel_loop3A_1540, %parallel_loop3A_1508 : vector<16xf32>
        %parallel_loop3A_1542 = arith.constant 0 : i32
        %parallel_loop3A_1543 = arith.constant 1 : i32
        %parallel_loop3A_1544 = arith.index_cast %parallel_loop3A_1542 : i32 to index
        %parallel_loop3A_1545 = arith.index_cast %parallel_loop3A_1543 : i32 to index
        %parallel_loop3A_1546 = arith.index_cast %parallel_loop3A_984 : i32 to index
        %parallel_loop3A_1547 = arith.constant 48 : index
        %parallel_loop3A_1548 = tpu.vector_load %arg7[%parallel_loop3A_1544, %parallel_loop3A_1545, %parallel_loop3A_1546, %parallel_loop3A_1547] {strides = array<i32>} : memref<2x8x40x128xf32, #tpu.memory_space<vmem>>, vector<1x1x1x16xf32>,
        %parallel_loop3A_1549 = vector.shape_cast %parallel_loop3A_1548 : vector<1x1x1x16xf32> to vector<16xf32>
        %parallel_loop3A_1550 = vector.shape_cast %parallel_loop3A_1541 : vector<16xf32> to vector<1x1x1x16xf32>
        tpu.vector_store %arg7[%parallel_loop3A_1544, %parallel_loop3A_1545, %parallel_loop3A_1546, %parallel_loop3A_1547], %parallel_loop3A_1550 {strides = array<i32>} : memref<2x8x40x128xf32, #tpu.memory_space<vmem>>, vector<1x1x1x16xf32>,
        %parallel_loop3A_1551 = arith.constant 0 : i32
        %parallel_loop3A_1552 = arith.constant 2 : i32
        %parallel_loop3A_1553 = arith.index_cast %parallel_loop3A_1551 : i32 to index
        %parallel_loop3A_1554 = arith.index_cast %parallel_loop3A_1552 : i32 to index
        %parallel_loop3A_1555 = arith.index_cast %parallel_loop3A_984 : i32 to index
        %parallel_loop3A_1556 = arith.constant 48 : index
        %parallel_loop3A_1557 = tpu.vector_load %arg7[%parallel_loop3A_1553, %parallel_loop3A_1554, %parallel_loop3A_1555, %parallel_loop3A_1556] {strides = array<i32>} : memref<2x8x40x128xf32, #tpu.memory_space<vmem>>, vector<1x1x1x16xf32>,
        %parallel_loop3A_1558 = vector.shape_cast %parallel_loop3A_1557 : vector<1x1x1x16xf32> to vector<16xf32>
        %parallel_loop3A_1559 = arith.constant 11.3137083 : f32
        %parallel_loop3A_1560 = vector.broadcast %parallel_loop3A_1559 : f32 to vector<16xf32>
        %parallel_loop3A_1561 = arith.mulf %parallel_loop3A_1558, %parallel_loop3A_1560 : vector<16xf32>
        %parallel_loop3A_1562 = arith.addf %parallel_loop3A_1561, %parallel_loop3A_1508 : vector<16xf32>
        %parallel_loop3A_1563 = arith.constant 0 : i32
        %parallel_loop3A_1564 = arith.constant 2 : i32
        %parallel_loop3A_1565 = arith.index_cast %parallel_loop3A_1563 : i32 to index
        %parallel_loop3A_1566 = arith.index_cast %parallel_loop3A_1564 : i32 to index
        %parallel_loop3A_1567 = arith.index_cast %parallel_loop3A_984 : i32 to index
        %parallel_loop3A_1568 = arith.constant 48 : index
        %parallel_loop3A_1569 = tpu.vector_load %arg7[%parallel_loop3A_1565, %parallel_loop3A_1566, %parallel_loop3A_1567, %parallel_loop3A_1568] {strides = array<i32>} : memref<2x8x40x128xf32, #tpu.memory_space<vmem>>, vector<1x1x1x16xf32>,
        %parallel_loop3A_1570 = vector.shape_cast %parallel_loop3A_1569 : vector<1x1x1x16xf32> to vector<16xf32>
        %parallel_loop3A_1571 = vector.shape_cast %parallel_loop3A_1562 : vector<16xf32> to vector<1x1x1x16xf32>
        tpu.vector_store %arg7[%parallel_loop3A_1565, %parallel_loop3A_1566, %parallel_loop3A_1567, %parallel_loop3A_1568], %parallel_loop3A_1571 {strides = array<i32>} : memref<2x8x40x128xf32, #tpu.memory_space<vmem>>, vector<1x1x1x16xf32>,
        %parallel_loop3A_1572 = arith.constant 0 : i32
        %parallel_loop3A_1573 = arith.constant 3 : i32
        %parallel_loop3A_1574 = arith.index_cast %parallel_loop3A_1572 : i32 to index
        %parallel_loop3A_1575 = arith.index_cast %parallel_loop3A_1573 : i32 to index
        %parallel_loop3A_1576 = arith.index_cast %parallel_loop3A_984 : i32 to index
        %parallel_loop3A_1577 = arith.constant 48 : index
        %parallel_loop3A_1578 = tpu.vector_load %arg7[%parallel_loop3A_1574, %parallel_loop3A_1575, %parallel_loop3A_1576, %parallel_loop3A_1577] {strides = array<i32>} : memref<2x8x40x128xf32, #tpu.memory_space<vmem>>, vector<1x1x1x16xf32>,
        %parallel_loop3A_1579 = vector.shape_cast %parallel_loop3A_1578 : vector<1x1x1x16xf32> to vector<16xf32>
        %parallel_loop3A_1580 = arith.constant 11.3137083 : f32
        %parallel_loop3A_1581 = vector.broadcast %parallel_loop3A_1580 : f32 to vector<16xf32>
        %parallel_loop3A_1582 = arith.mulf %parallel_loop3A_1579, %parallel_loop3A_1581 : vector<16xf32>
        %parallel_loop3A_1583 = arith.addf %parallel_loop3A_1582, %parallel_loop3A_1508 : vector<16xf32>
        %parallel_loop3A_1584 = arith.constant 0 : i32
        %parallel_loop3A_1585 = arith.constant 3 : i32
        %parallel_loop3A_1586 = arith.index_cast %parallel_loop3A_1584 : i32 to index
        %parallel_loop3A_1587 = arith.index_cast %parallel_loop3A_1585 : i32 to index
        %parallel_loop3A_1588 = arith.index_cast %parallel_loop3A_984 : i32 to index
        %parallel_loop3A_1589 = arith.constant 48 : index
        %parallel_loop3A_1590 = tpu.vector_load %arg7[%parallel_loop3A_1586, %parallel_loop3A_1587, %parallel_loop3A_1588, %parallel_loop3A_1589] {strides = array<i32>} : memref<2x8x40x128xf32, #tpu.memory_space<vmem>>, vector<1x1x1x16xf32>,
        %parallel_loop3A_1591 = vector.shape_cast %parallel_loop3A_1590 : vector<1x1x1x16xf32> to vector<16xf32>
        %parallel_loop3A_1592 = vector.shape_cast %parallel_loop3A_1583 : vector<16xf32> to vector<1x1x1x16xf32>
        tpu.vector_store %arg7[%parallel_loop3A_1586, %parallel_loop3A_1587, %parallel_loop3A_1588, %parallel_loop3A_1589], %parallel_loop3A_1592 {strides = array<i32>} : memref<2x8x40x128xf32, #tpu.memory_space<vmem>>, vector<1x1x1x16xf32>,
        %parallel_loop3A_1593 = arith.constant 0 : i32
        %parallel_loop3A_1594 = arith.constant 4 : i32
        %parallel_loop3A_1595 = arith.index_cast %parallel_loop3A_1593 : i32 to index
        %parallel_loop3A_1596 = arith.index_cast %parallel_loop3A_1594 : i32 to index
        %parallel_loop3A_1597 = arith.index_cast %parallel_loop3A_984 : i32 to index
        %parallel_loop3A_1598 = arith.constant 48 : index
        %parallel_loop3A_1599 = tpu.vector_load %arg7[%parallel_loop3A_1595, %parallel_loop3A_1596, %parallel_loop3A_1597, %parallel_loop3A_1598] {strides = array<i32>} : memref<2x8x40x128xf32, #tpu.memory_space<vmem>>, vector<1x1x1x16xf32>,
        %parallel_loop3A_1600 = vector.shape_cast %parallel_loop3A_1599 : vector<1x1x1x16xf32> to vector<16xf32>
        %parallel_loop3A_1601 = arith.constant 11.3137083 : f32
        %parallel_loop3A_1602 = vector.broadcast %parallel_loop3A_1601 : f32 to vector<16xf32>
        %parallel_loop3A_1603 = arith.mulf %parallel_loop3A_1600, %parallel_loop3A_1602 : vector<16xf32>
        %parallel_loop3A_1604 = arith.addf %parallel_loop3A_1603, %parallel_loop3A_1508 : vector<16xf32>
        %parallel_loop3A_1605 = arith.constant 0 : i32
        %parallel_loop3A_1606 = arith.constant 4 : i32
        %parallel_loop3A_1607 = arith.index_cast %parallel_loop3A_1605 : i32 to index
        %parallel_loop3A_1608 = arith.index_cast %parallel_loop3A_1606 : i32 to index
        %parallel_loop3A_1609 = arith.index_cast %parallel_loop3A_984 : i32 to index
        %parallel_loop3A_1610 = arith.constant 48 : index
        %parallel_loop3A_1611 = tpu.vector_load %arg7[%parallel_loop3A_1607, %parallel_loop3A_1608, %parallel_loop3A_1609, %parallel_loop3A_1610] {strides = array<i32>} : memref<2x8x40x128xf32, #tpu.memory_space<vmem>>, vector<1x1x1x16xf32>,
        %parallel_loop3A_1612 = vector.shape_cast %parallel_loop3A_1611 : vector<1x1x1x16xf32> to vector<16xf32>
        %parallel_loop3A_1613 = vector.shape_cast %parallel_loop3A_1604 : vector<16xf32> to vector<1x1x1x16xf32>
        tpu.vector_store %arg7[%parallel_loop3A_1607, %parallel_loop3A_1608, %parallel_loop3A_1609, %parallel_loop3A_1610], %parallel_loop3A_1613 {strides = array<i32>} : memref<2x8x40x128xf32, #tpu.memory_space<vmem>>, vector<1x1x1x16xf32>,
        %parallel_loop3A_1614 = arith.constant 0 : i32
        %parallel_loop3A_1615 = arith.constant 5 : i32
        %parallel_loop3A_1616 = arith.index_cast %parallel_loop3A_1614 : i32 to index
        %parallel_loop3A_1617 = arith.index_cast %parallel_loop3A_1615 : i32 to index
        %parallel_loop3A_1618 = arith.index_cast %parallel_loop3A_984 : i32 to index
        %parallel_loop3A_1619 = arith.constant 48 : index
        %parallel_loop3A_1620 = tpu.vector_load %arg7[%parallel_loop3A_1616, %parallel_loop3A_1617, %parallel_loop3A_1618, %parallel_loop3A_1619] {strides = array<i32>} : memref<2x8x40x128xf32, #tpu.memory_space<vmem>>, vector<1x1x1x16xf32>,
        %parallel_loop3A_1621 = vector.shape_cast %parallel_loop3A_1620 : vector<1x1x1x16xf32> to vector<16xf32>
        %parallel_loop3A_1622 = arith.constant 11.3137083 : f32
        %parallel_loop3A_1623 = vector.broadcast %parallel_loop3A_1622 : f32 to vector<16xf32>
        %parallel_loop3A_1624 = arith.mulf %parallel_loop3A_1621, %parallel_loop3A_1623 : vector<16xf32>
        %parallel_loop3A_1625 = arith.addf %parallel_loop3A_1624, %parallel_loop3A_1508 : vector<16xf32>
        %parallel_loop3A_1626 = arith.constant 0 : i32
        %parallel_loop3A_1627 = arith.constant 5 : i32
        %parallel_loop3A_1628 = arith.index_cast %parallel_loop3A_1626 : i32 to index
        %parallel_loop3A_1629 = arith.index_cast %parallel_loop3A_1627 : i32 to index
        %parallel_loop3A_1630 = arith.index_cast %parallel_loop3A_984 : i32 to index
        %parallel_loop3A_1631 = arith.constant 48 : index
        %parallel_loop3A_1632 = tpu.vector_load %arg7[%parallel_loop3A_1628, %parallel_loop3A_1629, %parallel_loop3A_1630, %parallel_loop3A_1631] {strides = array<i32>} : memref<2x8x40x128xf32, #tpu.memory_space<vmem>>, vector<1x1x1x16xf32>,
        %parallel_loop3A_1633 = vector.shape_cast %parallel_loop3A_1632 : vector<1x1x1x16xf32> to vector<16xf32>
        %parallel_loop3A_1634 = vector.shape_cast %parallel_loop3A_1625 : vector<16xf32> to vector<1x1x1x16xf32>
        tpu.vector_store %arg7[%parallel_loop3A_1628, %parallel_loop3A_1629, %parallel_loop3A_1630, %parallel_loop3A_1631], %parallel_loop3A_1634 {strides = array<i32>} : memref<2x8x40x128xf32, #tpu.memory_space<vmem>>, vector<1x1x1x16xf32>,
        %parallel_loop3A_1635 = arith.constant 0 : i32
        %parallel_loop3A_1636 = arith.constant 6 : i32
        %parallel_loop3A_1637 = arith.index_cast %parallel_loop3A_1635 : i32 to index
        %parallel_loop3A_1638 = arith.index_cast %parallel_loop3A_1636 : i32 to index
        %parallel_loop3A_1639 = arith.index_cast %parallel_loop3A_984 : i32 to index
        %parallel_loop3A_1640 = arith.constant 48 : index
        %parallel_loop3A_1641 = tpu.vector_load %arg7[%parallel_loop3A_1637, %parallel_loop3A_1638, %parallel_loop3A_1639, %parallel_loop3A_1640] {strides = array<i32>} : memref<2x8x40x128xf32, #tpu.memory_space<vmem>>, vector<1x1x1x16xf32>,
        %parallel_loop3A_1642 = vector.shape_cast %parallel_loop3A_1641 : vector<1x1x1x16xf32> to vector<16xf32>
        %parallel_loop3A_1643 = arith.constant 11.3137083 : f32
        %parallel_loop3A_1644 = vector.broadcast %parallel_loop3A_1643 : f32 to vector<16xf32>
        %parallel_loop3A_1645 = arith.mulf %parallel_loop3A_1642, %parallel_loop3A_1644 : vector<16xf32>
        %parallel_loop3A_1646 = arith.addf %parallel_loop3A_1645, %parallel_loop3A_1508 : vector<16xf32>
        %parallel_loop3A_1647 = arith.constant 0 : i32
        %parallel_loop3A_1648 = arith.constant 6 : i32
        %parallel_loop3A_1649 = arith.index_cast %parallel_loop3A_1647 : i32 to index
        %parallel_loop3A_1650 = arith.index_cast %parallel_loop3A_1648 : i32 to index
        %parallel_loop3A_1651 = arith.index_cast %parallel_loop3A_984 : i32 to index
        %parallel_loop3A_1652 = arith.constant 48 : index
        %parallel_loop3A_1653 = tpu.vector_load %arg7[%parallel_loop3A_1649, %parallel_loop3A_1650, %parallel_loop3A_1651, %parallel_loop3A_1652] {strides = array<i32>} : memref<2x8x40x128xf32, #tpu.memory_space<vmem>>, vector<1x1x1x16xf32>,
        %parallel_loop3A_1654 = vector.shape_cast %parallel_loop3A_1653 : vector<1x1x1x16xf32> to vector<16xf32>
        %parallel_loop3A_1655 = vector.shape_cast %parallel_loop3A_1646 : vector<16xf32> to vector<1x1x1x16xf32>
        tpu.vector_store %arg7[%parallel_loop3A_1649, %parallel_loop3A_1650, %parallel_loop3A_1651, %parallel_loop3A_1652], %parallel_loop3A_1655 {strides = array<i32>} : memref<2x8x40x128xf32, #tpu.memory_space<vmem>>, vector<1x1x1x16xf32>,
        %parallel_loop3A_1656 = arith.constant 0 : i32
        %parallel_loop3A_1657 = arith.constant 7 : i32
        %parallel_loop3A_1658 = arith.index_cast %parallel_loop3A_1656 : i32 to index
        %parallel_loop3A_1659 = arith.index_cast %parallel_loop3A_1657 : i32 to index
        %parallel_loop3A_1660 = arith.index_cast %parallel_loop3A_984 : i32 to index
        %parallel_loop3A_1661 = arith.constant 48 : index
        %parallel_loop3A_1662 = tpu.vector_load %arg7[%parallel_loop3A_1658, %parallel_loop3A_1659, %parallel_loop3A_1660, %parallel_loop3A_1661] {strides = array<i32>} : memref<2x8x40x128xf32, #tpu.memory_space<vmem>>, vector<1x1x1x16xf32>,
        %parallel_loop3A_1663 = vector.shape_cast %parallel_loop3A_1662 : vector<1x1x1x16xf32> to vector<16xf32>
        %parallel_loop3A_1664 = arith.constant 11.3137083 : f32
        %parallel_loop3A_1665 = vector.broadcast %parallel_loop3A_1664 : f32 to vector<16xf32>
        %parallel_loop3A_1666 = arith.mulf %parallel_loop3A_1663, %parallel_loop3A_1665 : vector<16xf32>
        %parallel_loop3A_1667 = arith.addf %parallel_loop3A_1666, %parallel_loop3A_1508 : vector<16xf32>
        %parallel_loop3A_1668 = arith.constant 0 : i32
        %parallel_loop3A_1669 = arith.constant 7 : i32
        %parallel_loop3A_1670 = arith.index_cast %parallel_loop3A_1668 : i32 to index
        %parallel_loop3A_1671 = arith.index_cast %parallel_loop3A_1669 : i32 to index
        %parallel_loop3A_1672 = arith.index_cast %parallel_loop3A_984 : i32 to index
        %parallel_loop3A_1673 = arith.constant 48 : index
        %parallel_loop3A_1674 = tpu.vector_load %arg7[%parallel_loop3A_1670, %parallel_loop3A_1671, %parallel_loop3A_1672, %parallel_loop3A_1673] {strides = array<i32>} : memref<2x8x40x128xf32, #tpu.memory_space<vmem>>, vector<1x1x1x16xf32>,
        %parallel_loop3A_1675 = vector.shape_cast %parallel_loop3A_1674 : vector<1x1x1x16xf32> to vector<16xf32>
        %parallel_loop3A_1676 = vector.shape_cast %parallel_loop3A_1667 : vector<16xf32> to vector<1x1x1x16xf32>
        tpu.vector_store %arg7[%parallel_loop3A_1670, %parallel_loop3A_1671, %parallel_loop3A_1672, %parallel_loop3A_1673], %parallel_loop3A_1676 {strides = array<i32>} : memref<2x8x40x128xf32, #tpu.memory_space<vmem>>, vector<1x1x1x16xf32>,
        %parallel_loop3A_1677 = arith.addi %mul3A_518, %parallel_loop3A_984 : i32
        %parallel_loop3A_1678 = arith.index_cast %parallel_loop3A_1677 : i32 to index
        %parallel_loop3A_1679 = arith.constant 64 : index
        %parallel_loop3A_1680 = tpu.vector_load %arg8[%parallel_loop3A_1678, %parallel_loop3A_1679] {strides = array<i32>} : memref<200x128xf32, #tpu.memory_space<vmem>>, vector<1x16xf32>,
        %parallel_loop3A_1681 = vector.shape_cast %parallel_loop3A_1680 : vector<1x16xf32> to vector<16xf32>
        %parallel_loop3A_1682 = arith.constant 0 : i32
        %parallel_loop3A_1683 = arith.constant 0 : i32
        %parallel_loop3A_1684 = arith.index_cast %parallel_loop3A_1682 : i32 to index
        %parallel_loop3A_1685 = arith.index_cast %parallel_loop3A_1683 : i32 to index
        %parallel_loop3A_1686 = arith.index_cast %parallel_loop3A_984 : i32 to index
        %parallel_loop3A_1687 = arith.constant 64 : index
        %parallel_loop3A_1688 = tpu.vector_load %arg7[%parallel_loop3A_1684, %parallel_loop3A_1685, %parallel_loop3A_1686, %parallel_loop3A_1687] {strides = array<i32>} : memref<2x8x40x128xf32, #tpu.memory_space<vmem>>, vector<1x1x1x16xf32>,
        %parallel_loop3A_1689 = vector.shape_cast %parallel_loop3A_1688 : vector<1x1x1x16xf32> to vector<16xf32>
        %parallel_loop3A_1690 = arith.constant 11.3137083 : f32
        %parallel_loop3A_1691 = vector.broadcast %parallel_loop3A_1690 : f32 to vector<16xf32>
        %parallel_loop3A_1692 = arith.mulf %parallel_loop3A_1689, %parallel_loop3A_1691 : vector<16xf32>
        %parallel_loop3A_1693 = arith.addf %parallel_loop3A_1692, %parallel_loop3A_1681 : vector<16xf32>
        %parallel_loop3A_1694 = arith.constant 0 : i32
        %parallel_loop3A_1695 = arith.constant 0 : i32
        %parallel_loop3A_1696 = arith.index_cast %parallel_loop3A_1694 : i32 to index
        %parallel_loop3A_1697 = arith.index_cast %parallel_loop3A_1695 : i32 to index
        %parallel_loop3A_1698 = arith.index_cast %parallel_loop3A_984 : i32 to index
        %parallel_loop3A_1699 = arith.constant 64 : index
        %parallel_loop3A_1700 = tpu.vector_load %arg7[%parallel_loop3A_1696, %parallel_loop3A_1697, %parallel_loop3A_1698, %parallel_loop3A_1699] {strides = array<i32>} : memref<2x8x40x128xf32, #tpu.memory_space<vmem>>, vector<1x1x1x16xf32>,
        %parallel_loop3A_1701 = vector.shape_cast %parallel_loop3A_1700 : vector<1x1x1x16xf32> to vector<16xf32>
        %parallel_loop3A_1702 = vector.shape_cast %parallel_loop3A_1693 : vector<16xf32> to vector<1x1x1x16xf32>
        tpu.vector_store %arg7[%parallel_loop3A_1696, %parallel_loop3A_1697, %parallel_loop3A_1698, %parallel_loop3A_1699], %parallel_loop3A_1702 {strides = array<i32>} : memref<2x8x40x128xf32, #tpu.memory_space<vmem>>, vector<1x1x1x16xf32>,
        %parallel_loop3A_1703 = arith.constant 0 : i32
        %parallel_loop3A_1704 = arith.constant 1 : i32
        %parallel_loop3A_1705 = arith.index_cast %parallel_loop3A_1703 : i32 to index
        %parallel_loop3A_1706 = arith.index_cast %parallel_loop3A_1704 : i32 to index
        %parallel_loop3A_1707 = arith.index_cast %parallel_loop3A_984 : i32 to index
        %parallel_loop3A_1708 = arith.constant 64 : index
        %parallel_loop3A_1709 = tpu.vector_load %arg7[%parallel_loop3A_1705, %parallel_loop3A_1706, %parallel_loop3A_1707, %parallel_loop3A_1708] {strides = array<i32>} : memref<2x8x40x128xf32, #tpu.memory_space<vmem>>, vector<1x1x1x16xf32>,
        %parallel_loop3A_1710 = vector.shape_cast %parallel_loop3A_1709 : vector<1x1x1x16xf32> to vector<16xf32>
        %parallel_loop3A_1711 = arith.constant 11.3137083 : f32
        %parallel_loop3A_1712 = vector.broadcast %parallel_loop3A_1711 : f32 to vector<16xf32>
        %parallel_loop3A_1713 = arith.mulf %parallel_loop3A_1710, %parallel_loop3A_1712 : vector<16xf32>
        %parallel_loop3A_1714 = arith.addf %parallel_loop3A_1713, %parallel_loop3A_1681 : vector<16xf32>
        %parallel_loop3A_1715 = arith.constant 0 : i32
        %parallel_loop3A_1716 = arith.constant 1 : i32
        %parallel_loop3A_1717 = arith.index_cast %parallel_loop3A_1715 : i32 to index
        %parallel_loop3A_1718 = arith.index_cast %parallel_loop3A_1716 : i32 to index
        %parallel_loop3A_1719 = arith.index_cast %parallel_loop3A_984 : i32 to index
        %parallel_loop3A_1720 = arith.constant 64 : index
        %parallel_loop3A_1721 = tpu.vector_load %arg7[%parallel_loop3A_1717, %parallel_loop3A_1718, %parallel_loop3A_1719, %parallel_loop3A_1720] {strides = array<i32>} : memref<2x8x40x128xf32, #tpu.memory_space<vmem>>, vector<1x1x1x16xf32>,
        %parallel_loop3A_1722 = vector.shape_cast %parallel_loop3A_1721 : vector<1x1x1x16xf32> to vector<16xf32>
        %parallel_loop3A_1723 = vector.shape_cast %parallel_loop3A_1714 : vector<16xf32> to vector<1x1x1x16xf32>
        tpu.vector_store %arg7[%parallel_loop3A_1717, %parallel_loop3A_1718, %parallel_loop3A_1719, %parallel_loop3A_1720], %parallel_loop3A_1723 {strides = array<i32>} : memref<2x8x40x128xf32, #tpu.memory_space<vmem>>, vector<1x1x1x16xf32>,
        %parallel_loop3A_1724 = arith.constant 0 : i32
        %parallel_loop3A_1725 = arith.constant 2 : i32
        %parallel_loop3A_1726 = arith.index_cast %parallel_loop3A_1724 : i32 to index
        %parallel_loop3A_1727 = arith.index_cast %parallel_loop3A_1725 : i32 to index
        %parallel_loop3A_1728 = arith.index_cast %parallel_loop3A_984 : i32 to index
        %parallel_loop3A_1729 = arith.constant 64 : index
        %parallel_loop3A_1730 = tpu.vector_load %arg7[%parallel_loop3A_1726, %parallel_loop3A_1727, %parallel_loop3A_1728, %parallel_loop3A_1729] {strides = array<i32>} : memref<2x8x40x128xf32, #tpu.memory_space<vmem>>, vector<1x1x1x16xf32>,
        %parallel_loop3A_1731 = vector.shape_cast %parallel_loop3A_1730 : vector<1x1x1x16xf32> to vector<16xf32>
        %parallel_loop3A_1732 = arith.constant 11.3137083 : f32
        %parallel_loop3A_1733 = vector.broadcast %parallel_loop3A_1732 : f32 to vector<16xf32>
        %parallel_loop3A_1734 = arith.mulf %parallel_loop3A_1731, %parallel_loop3A_1733 : vector<16xf32>
        %parallel_loop3A_1735 = arith.addf %parallel_loop3A_1734, %parallel_loop3A_1681 : vector<16xf32>
        %parallel_loop3A_1736 = arith.constant 0 : i32
        %parallel_loop3A_1737 = arith.constant 2 : i32
        %parallel_loop3A_1738 = arith.index_cast %parallel_loop3A_1736 : i32 to index
        %parallel_loop3A_1739 = arith.index_cast %parallel_loop3A_1737 : i32 to index
        %parallel_loop3A_1740 = arith.index_cast %parallel_loop3A_984 : i32 to index
        %parallel_loop3A_1741 = arith.constant 64 : index
        %parallel_loop3A_1742 = tpu.vector_load %arg7[%parallel_loop3A_1738, %parallel_loop3A_1739, %parallel_loop3A_1740, %parallel_loop3A_1741] {strides = array<i32>} : memref<2x8x40x128xf32, #tpu.memory_space<vmem>>, vector<1x1x1x16xf32>,
        %parallel_loop3A_1743 = vector.shape_cast %parallel_loop3A_1742 : vector<1x1x1x16xf32> to vector<16xf32>
        %parallel_loop3A_1744 = vector.shape_cast %parallel_loop3A_1735 : vector<16xf32> to vector<1x1x1x16xf32>
        tpu.vector_store %arg7[%parallel_loop3A_1738, %parallel_loop3A_1739, %parallel_loop3A_1740, %parallel_loop3A_1741], %parallel_loop3A_1744 {strides = array<i32>} : memref<2x8x40x128xf32, #tpu.memory_space<vmem>>, vector<1x1x1x16xf32>,
        %parallel_loop3A_1745 = arith.constant 0 : i32
        %parallel_loop3A_1746 = arith.constant 3 : i32
        %parallel_loop3A_1747 = arith.index_cast %parallel_loop3A_1745 : i32 to index
        %parallel_loop3A_1748 = arith.index_cast %parallel_loop3A_1746 : i32 to index
        %parallel_loop3A_1749 = arith.index_cast %parallel_loop3A_984 : i32 to index
        %parallel_loop3A_1750 = arith.constant 64 : index
        %parallel_loop3A_1751 = tpu.vector_load %arg7[%parallel_loop3A_1747, %parallel_loop3A_1748, %parallel_loop3A_1749, %parallel_loop3A_1750] {strides = array<i32>} : memref<2x8x40x128xf32, #tpu.memory_space<vmem>>, vector<1x1x1x16xf32>,
        %parallel_loop3A_1752 = vector.shape_cast %parallel_loop3A_1751 : vector<1x1x1x16xf32> to vector<16xf32>
        %parallel_loop3A_1753 = arith.constant 11.3137083 : f32
        %parallel_loop3A_1754 = vector.broadcast %parallel_loop3A_1753 : f32 to vector<16xf32>
        %parallel_loop3A_1755 = arith.mulf %parallel_loop3A_1752, %parallel_loop3A_1754 : vector<16xf32>
        %parallel_loop3A_1756 = arith.addf %parallel_loop3A_1755, %parallel_loop3A_1681 : vector<16xf32>
        %parallel_loop3A_1757 = arith.constant 0 : i32
        %parallel_loop3A_1758 = arith.constant 3 : i32
        %parallel_loop3A_1759 = arith.index_cast %parallel_loop3A_1757 : i32 to index
        %parallel_loop3A_1760 = arith.index_cast %parallel_loop3A_1758 : i32 to index
        %parallel_loop3A_1761 = arith.index_cast %parallel_loop3A_984 : i32 to index
        %parallel_loop3A_1762 = arith.constant 64 : index
        %parallel_loop3A_1763 = tpu.vector_load %arg7[%parallel_loop3A_1759, %parallel_loop3A_1760, %parallel_loop3A_1761, %parallel_loop3A_1762] {strides = array<i32>} : memref<2x8x40x128xf32, #tpu.memory_space<vmem>>, vector<1x1x1x16xf32>,
        %parallel_loop3A_1764 = vector.shape_cast %parallel_loop3A_1763 : vector<1x1x1x16xf32> to vector<16xf32>
        %parallel_loop3A_1765 = vector.shape_cast %parallel_loop3A_1756 : vector<16xf32> to vector<1x1x1x16xf32>
        tpu.vector_store %arg7[%parallel_loop3A_1759, %parallel_loop3A_1760, %parallel_loop3A_1761, %parallel_loop3A_1762], %parallel_loop3A_1765 {strides = array<i32>} : memref<2x8x40x128xf32, #tpu.memory_space<vmem>>, vector<1x1x1x16xf32>,
        %parallel_loop3A_1766 = arith.constant 0 : i32
        %parallel_loop3A_1767 = arith.constant 4 : i32
        %parallel_loop3A_1768 = arith.index_cast %parallel_loop3A_1766 : i32 to index
        %parallel_loop3A_1769 = arith.index_cast %parallel_loop3A_1767 : i32 to index
        %parallel_loop3A_1770 = arith.index_cast %parallel_loop3A_984 : i32 to index
        %parallel_loop3A_1771 = arith.constant 64 : index
        %parallel_loop3A_1772 = tpu.vector_load %arg7[%parallel_loop3A_1768, %parallel_loop3A_1769, %parallel_loop3A_1770, %parallel_loop3A_1771] {strides = array<i32>} : memref<2x8x40x128xf32, #tpu.memory_space<vmem>>, vector<1x1x1x16xf32>,
        %parallel_loop3A_1773 = vector.shape_cast %parallel_loop3A_1772 : vector<1x1x1x16xf32> to vector<16xf32>
        %parallel_loop3A_1774 = arith.constant 11.3137083 : f32
        %parallel_loop3A_1775 = vector.broadcast %parallel_loop3A_1774 : f32 to vector<16xf32>
        %parallel_loop3A_1776 = arith.mulf %parallel_loop3A_1773, %parallel_loop3A_1775 : vector<16xf32>
        %parallel_loop3A_1777 = arith.addf %parallel_loop3A_1776, %parallel_loop3A_1681 : vector<16xf32>
        %parallel_loop3A_1778 = arith.constant 0 : i32
        %parallel_loop3A_1779 = arith.constant 4 : i32
        %parallel_loop3A_1780 = arith.index_cast %parallel_loop3A_1778 : i32 to index
        %parallel_loop3A_1781 = arith.index_cast %parallel_loop3A_1779 : i32 to index
        %parallel_loop3A_1782 = arith.index_cast %parallel_loop3A_984 : i32 to index
        %parallel_loop3A_1783 = arith.constant 64 : index
        %parallel_loop3A_1784 = tpu.vector_load %arg7[%parallel_loop3A_1780, %parallel_loop3A_1781, %parallel_loop3A_1782, %parallel_loop3A_1783] {strides = array<i32>} : memref<2x8x40x128xf32, #tpu.memory_space<vmem>>, vector<1x1x1x16xf32>,
        %parallel_loop3A_1785 = vector.shape_cast %parallel_loop3A_1784 : vector<1x1x1x16xf32> to vector<16xf32>
        %parallel_loop3A_1786 = vector.shape_cast %parallel_loop3A_1777 : vector<16xf32> to vector<1x1x1x16xf32>
        tpu.vector_store %arg7[%parallel_loop3A_1780, %parallel_loop3A_1781, %parallel_loop3A_1782, %parallel_loop3A_1783], %parallel_loop3A_1786 {strides = array<i32>} : memref<2x8x40x128xf32, #tpu.memory_space<vmem>>, vector<1x1x1x16xf32>,
        %parallel_loop3A_1787 = arith.constant 0 : i32
        %parallel_loop3A_1788 = arith.constant 5 : i32
        %parallel_loop3A_1789 = arith.index_cast %parallel_loop3A_1787 : i32 to index
        %parallel_loop3A_1790 = arith.index_cast %parallel_loop3A_1788 : i32 to index
        %parallel_loop3A_1791 = arith.index_cast %parallel_loop3A_984 : i32 to index
        %parallel_loop3A_1792 = arith.constant 64 : index
        %parallel_loop3A_1793 = tpu.vector_load %arg7[%parallel_loop3A_1789, %parallel_loop3A_1790, %parallel_loop3A_1791, %parallel_loop3A_1792] {strides = array<i32>} : memref<2x8x40x128xf32, #tpu.memory_space<vmem>>, vector<1x1x1x16xf32>,
        %parallel_loop3A_1794 = vector.shape_cast %parallel_loop3A_1793 : vector<1x1x1x16xf32> to vector<16xf32>
        %parallel_loop3A_1795 = arith.constant 11.3137083 : f32
        %parallel_loop3A_1796 = vector.broadcast %parallel_loop3A_1795 : f32 to vector<16xf32>
        %parallel_loop3A_1797 = arith.mulf %parallel_loop3A_1794, %parallel_loop3A_1796 : vector<16xf32>
        %parallel_loop3A_1798 = arith.addf %parallel_loop3A_1797, %parallel_loop3A_1681 : vector<16xf32>
        %parallel_loop3A_1799 = arith.constant 0 : i32
        %parallel_loop3A_1800 = arith.constant 5 : i32
        %parallel_loop3A_1801 = arith.index_cast %parallel_loop3A_1799 : i32 to index
        %parallel_loop3A_1802 = arith.index_cast %parallel_loop3A_1800 : i32 to index
        %parallel_loop3A_1803 = arith.index_cast %parallel_loop3A_984 : i32 to index
        %parallel_loop3A_1804 = arith.constant 64 : index
        %parallel_loop3A_1805 = tpu.vector_load %arg7[%parallel_loop3A_1801, %parallel_loop3A_1802, %parallel_loop3A_1803, %parallel_loop3A_1804] {strides = array<i32>} : memref<2x8x40x128xf32, #tpu.memory_space<vmem>>, vector<1x1x1x16xf32>,
        %parallel_loop3A_1806 = vector.shape_cast %parallel_loop3A_1805 : vector<1x1x1x16xf32> to vector<16xf32>
        %parallel_loop3A_1807 = vector.shape_cast %parallel_loop3A_1798 : vector<16xf32> to vector<1x1x1x16xf32>
        tpu.vector_store %arg7[%parallel_loop3A_1801, %parallel_loop3A_1802, %parallel_loop3A_1803, %parallel_loop3A_1804], %parallel_loop3A_1807 {strides = array<i32>} : memref<2x8x40x128xf32, #tpu.memory_space<vmem>>, vector<1x1x1x16xf32>,
        %parallel_loop3A_1808 = arith.constant 0 : i32
        %parallel_loop3A_1809 = arith.constant 6 : i32
        %parallel_loop3A_1810 = arith.index_cast %parallel_loop3A_1808 : i32 to index
        %parallel_loop3A_1811 = arith.index_cast %parallel_loop3A_1809 : i32 to index
        %parallel_loop3A_1812 = arith.index_cast %parallel_loop3A_984 : i32 to index
        %parallel_loop3A_1813 = arith.constant 64 : index
        %parallel_loop3A_1814 = tpu.vector_load %arg7[%parallel_loop3A_1810, %parallel_loop3A_1811, %parallel_loop3A_1812, %parallel_loop3A_1813] {strides = array<i32>} : memref<2x8x40x128xf32, #tpu.memory_space<vmem>>, vector<1x1x1x16xf32>,
        %parallel_loop3A_1815 = vector.shape_cast %parallel_loop3A_1814 : vector<1x1x1x16xf32> to vector<16xf32>
        %parallel_loop3A_1816 = arith.constant 11.3137083 : f32
        %parallel_loop3A_1817 = vector.broadcast %parallel_loop3A_1816 : f32 to vector<16xf32>
        %parallel_loop3A_1818 = arith.mulf %parallel_loop3A_1815, %parallel_loop3A_1817 : vector<16xf32>
        %parallel_loop3A_1819 = arith.addf %parallel_loop3A_1818, %parallel_loop3A_1681 : vector<16xf32>
        %parallel_loop3A_1820 = arith.constant 0 : i32
        %parallel_loop3A_1821 = arith.constant 6 : i32
        %parallel_loop3A_1822 = arith.index_cast %parallel_loop3A_1820 : i32 to index
        %parallel_loop3A_1823 = arith.index_cast %parallel_loop3A_1821 : i32 to index
        %parallel_loop3A_1824 = arith.index_cast %parallel_loop3A_984 : i32 to index
        %parallel_loop3A_1825 = arith.constant 64 : index
        %parallel_loop3A_1826 = tpu.vector_load %arg7[%parallel_loop3A_1822, %parallel_loop3A_1823, %parallel_loop3A_1824, %parallel_loop3A_1825] {strides = array<i32>} : memref<2x8x40x128xf32, #tpu.memory_space<vmem>>, vector<1x1x1x16xf32>,
        %parallel_loop3A_1827 = vector.shape_cast %parallel_loop3A_1826 : vector<1x1x1x16xf32> to vector<16xf32>
        %parallel_loop3A_1828 = vector.shape_cast %parallel_loop3A_1819 : vector<16xf32> to vector<1x1x1x16xf32>
        tpu.vector_store %arg7[%parallel_loop3A_1822, %parallel_loop3A_1823, %parallel_loop3A_1824, %parallel_loop3A_1825], %parallel_loop3A_1828 {strides = array<i32>} : memref<2x8x40x128xf32, #tpu.memory_space<vmem>>, vector<1x1x1x16xf32>,
        %parallel_loop3A_1829 = arith.constant 0 : i32
        %parallel_loop3A_1830 = arith.constant 7 : i32
        %parallel_loop3A_1831 = arith.index_cast %parallel_loop3A_1829 : i32 to index
        %parallel_loop3A_1832 = arith.index_cast %parallel_loop3A_1830 : i32 to index
        %parallel_loop3A_1833 = arith.index_cast %parallel_loop3A_984 : i32 to index
        %parallel_loop3A_1834 = arith.constant 64 : index
        %parallel_loop3A_1835 = tpu.vector_load %arg7[%parallel_loop3A_1831, %parallel_loop3A_1832, %parallel_loop3A_1833, %parallel_loop3A_1834] {strides = array<i32>} : memref<2x8x40x128xf32, #tpu.memory_space<vmem>>, vector<1x1x1x16xf32>,
        %parallel_loop3A_1836 = vector.shape_cast %parallel_loop3A_1835 : vector<1x1x1x16xf32> to vector<16xf32>
        %parallel_loop3A_1837 = arith.constant 11.3137083 : f32
        %parallel_loop3A_1838 = vector.broadcast %parallel_loop3A_1837 : f32 to vector<16xf32>
        %parallel_loop3A_1839 = arith.mulf %parallel_loop3A_1836, %parallel_loop3A_1838 : vector<16xf32>
        %parallel_loop3A_1840 = arith.addf %parallel_loop3A_1839, %parallel_loop3A_1681 : vector<16xf32>
        %parallel_loop3A_1841 = arith.constant 0 : i32
        %parallel_loop3A_1842 = arith.constant 7 : i32
        %parallel_loop3A_1843 = arith.index_cast %parallel_loop3A_1841 : i32 to index
        %parallel_loop3A_1844 = arith.index_cast %parallel_loop3A_1842 : i32 to index
        %parallel_loop3A_1845 = arith.index_cast %parallel_loop3A_984 : i32 to index
        %parallel_loop3A_1846 = arith.constant 64 : index
        %parallel_loop3A_1847 = tpu.vector_load %arg7[%parallel_loop3A_1843, %parallel_loop3A_1844, %parallel_loop3A_1845, %parallel_loop3A_1846] {strides = array<i32>} : memref<2x8x40x128xf32, #tpu.memory_space<vmem>>, vector<1x1x1x16xf32>,
        %parallel_loop3A_1848 = vector.shape_cast %parallel_loop3A_1847 : vector<1x1x1x16xf32> to vector<16xf32>
        %parallel_loop3A_1849 = vector.shape_cast %parallel_loop3A_1840 : vector<16xf32> to vector<1x1x1x16xf32>
        tpu.vector_store %arg7[%parallel_loop3A_1843, %parallel_loop3A_1844, %parallel_loop3A_1845, %parallel_loop3A_1846], %parallel_loop3A_1849 {strides = array<i32>} : memref<2x8x40x128xf32, #tpu.memory_space<vmem>>, vector<1x1x1x16xf32>,
        %parallel_loop3A_1850 = arith.addi %mul3A_518, %parallel_loop3A_984 : i32
        %parallel_loop3A_1851 = arith.index_cast %parallel_loop3A_1850 : i32 to index
        %parallel_loop3A_1852 = arith.constant 80 : index
        %parallel_loop3A_1853 = tpu.vector_load %arg8[%parallel_loop3A_1851, %parallel_loop3A_1852] {strides = array<i32>} : memref<200x128xf32, #tpu.memory_space<vmem>>, vector<1x16xf32>,
        %parallel_loop3A_1854 = vector.shape_cast %parallel_loop3A_1853 : vector<1x16xf32> to vector<16xf32>
        %parallel_loop3A_1855 = arith.constant 0 : i32
        %parallel_loop3A_1856 = arith.constant 0 : i32
        %parallel_loop3A_1857 = arith.index_cast %parallel_loop3A_1855 : i32 to index
        %parallel_loop3A_1858 = arith.index_cast %parallel_loop3A_1856 : i32 to index
        %parallel_loop3A_1859 = arith.index_cast %parallel_loop3A_984 : i32 to index
        %parallel_loop3A_1860 = arith.constant 80 : index
        %parallel_loop3A_1861 = tpu.vector_load %arg7[%parallel_loop3A_1857, %parallel_loop3A_1858, %parallel_loop3A_1859, %parallel_loop3A_1860] {strides = array<i32>} : memref<2x8x40x128xf32, #tpu.memory_space<vmem>>, vector<1x1x1x16xf32>,
        %parallel_loop3A_1862 = vector.shape_cast %parallel_loop3A_1861 : vector<1x1x1x16xf32> to vector<16xf32>
        %parallel_loop3A_1863 = arith.constant 11.3137083 : f32
        %parallel_loop3A_1864 = vector.broadcast %parallel_loop3A_1863 : f32 to vector<16xf32>
        %parallel_loop3A_1865 = arith.mulf %parallel_loop3A_1862, %parallel_loop3A_1864 : vector<16xf32>
        %parallel_loop3A_1866 = arith.addf %parallel_loop3A_1865, %parallel_loop3A_1854 : vector<16xf32>
        %parallel_loop3A_1867 = arith.constant 0 : i32
        %parallel_loop3A_1868 = arith.constant 0 : i32
        %parallel_loop3A_1869 = arith.index_cast %parallel_loop3A_1867 : i32 to index
        %parallel_loop3A_1870 = arith.index_cast %parallel_loop3A_1868 : i32 to index
        %parallel_loop3A_1871 = arith.index_cast %parallel_loop3A_984 : i32 to index
        %parallel_loop3A_1872 = arith.constant 80 : index
        %parallel_loop3A_1873 = tpu.vector_load %arg7[%parallel_loop3A_1869, %parallel_loop3A_1870, %parallel_loop3A_1871, %parallel_loop3A_1872] {strides = array<i32>} : memref<2x8x40x128xf32, #tpu.memory_space<vmem>>, vector<1x1x1x16xf32>,
        %parallel_loop3A_1874 = vector.shape_cast %parallel_loop3A_1873 : vector<1x1x1x16xf32> to vector<16xf32>
        %parallel_loop3A_1875 = vector.shape_cast %parallel_loop3A_1866 : vector<16xf32> to vector<1x1x1x16xf32>
        tpu.vector_store %arg7[%parallel_loop3A_1869, %parallel_loop3A_1870, %parallel_loop3A_1871, %parallel_loop3A_1872], %parallel_loop3A_1875 {strides = array<i32>} : memref<2x8x40x128xf32, #tpu.memory_space<vmem>>, vector<1x1x1x16xf32>,
        %parallel_loop3A_1876 = arith.constant 0 : i32
        %parallel_loop3A_1877 = arith.constant 1 : i32
        %parallel_loop3A_1878 = arith.index_cast %parallel_loop3A_1876 : i32 to index
        %parallel_loop3A_1879 = arith.index_cast %parallel_loop3A_1877 : i32 to index
        %parallel_loop3A_1880 = arith.index_cast %parallel_loop3A_984 : i32 to index
        %parallel_loop3A_1881 = arith.constant 80 : index
        %parallel_loop3A_1882 = tpu.vector_load %arg7[%parallel_loop3A_1878, %parallel_loop3A_1879, %parallel_loop3A_1880, %parallel_loop3A_1881] {strides = array<i32>} : memref<2x8x40x128xf32, #tpu.memory_space<vmem>>, vector<1x1x1x16xf32>,
        %parallel_loop3A_1883 = vector.shape_cast %parallel_loop3A_1882 : vector<1x1x1x16xf32> to vector<16xf32>
        %parallel_loop3A_1884 = arith.constant 11.3137083 : f32
        %parallel_loop3A_1885 = vector.broadcast %parallel_loop3A_1884 : f32 to vector<16xf32>
        %parallel_loop3A_1886 = arith.mulf %parallel_loop3A_1883, %parallel_loop3A_1885 : vector<16xf32>
        %parallel_loop3A_1887 = arith.addf %parallel_loop3A_1886, %parallel_loop3A_1854 : vector<16xf32>
        %parallel_loop3A_1888 = arith.constant 0 : i32
        %parallel_loop3A_1889 = arith.constant 1 : i32
        %parallel_loop3A_1890 = arith.index_cast %parallel_loop3A_1888 : i32 to index
        %parallel_loop3A_1891 = arith.index_cast %parallel_loop3A_1889 : i32 to index
        %parallel_loop3A_1892 = arith.index_cast %parallel_loop3A_984 : i32 to index
        %parallel_loop3A_1893 = arith.constant 80 : index
        %parallel_loop3A_1894 = tpu.vector_load %arg7[%parallel_loop3A_1890, %parallel_loop3A_1891, %parallel_loop3A_1892, %parallel_loop3A_1893] {strides = array<i32>} : memref<2x8x40x128xf32, #tpu.memory_space<vmem>>, vector<1x1x1x16xf32>,
        %parallel_loop3A_1895 = vector.shape_cast %parallel_loop3A_1894 : vector<1x1x1x16xf32> to vector<16xf32>
        %parallel_loop3A_1896 = vector.shape_cast %parallel_loop3A_1887 : vector<16xf32> to vector<1x1x1x16xf32>
        tpu.vector_store %arg7[%parallel_loop3A_1890, %parallel_loop3A_1891, %parallel_loop3A_1892, %parallel_loop3A_1893], %parallel_loop3A_1896 {strides = array<i32>} : memref<2x8x40x128xf32, #tpu.memory_space<vmem>>, vector<1x1x1x16xf32>,
        %parallel_loop3A_1897 = arith.constant 0 : i32
        %parallel_loop3A_1898 = arith.constant 2 : i32
        %parallel_loop3A_1899 = arith.index_cast %parallel_loop3A_1897 : i32 to index
        %parallel_loop3A_1900 = arith.index_cast %parallel_loop3A_1898 : i32 to index
        %parallel_loop3A_1901 = arith.index_cast %parallel_loop3A_984 : i32 to index
        %parallel_loop3A_1902 = arith.constant 80 : index
        %parallel_loop3A_1903 = tpu.vector_load %arg7[%parallel_loop3A_1899, %parallel_loop3A_1900, %parallel_loop3A_1901, %parallel_loop3A_1902] {strides = array<i32>} : memref<2x8x40x128xf32, #tpu.memory_space<vmem>>, vector<1x1x1x16xf32>,
        %parallel_loop3A_1904 = vector.shape_cast %parallel_loop3A_1903 : vector<1x1x1x16xf32> to vector<16xf32>
        %parallel_loop3A_1905 = arith.constant 11.3137083 : f32
        %parallel_loop3A_1906 = vector.broadcast %parallel_loop3A_1905 : f32 to vector<16xf32>
        %parallel_loop3A_1907 = arith.mulf %parallel_loop3A_1904, %parallel_loop3A_1906 : vector<16xf32>
        %parallel_loop3A_1908 = arith.addf %parallel_loop3A_1907, %parallel_loop3A_1854 : vector<16xf32>
        %parallel_loop3A_1909 = arith.constant 0 : i32
        %parallel_loop3A_1910 = arith.constant 2 : i32
        %parallel_loop3A_1911 = arith.index_cast %parallel_loop3A_1909 : i32 to index
        %parallel_loop3A_1912 = arith.index_cast %parallel_loop3A_1910 : i32 to index
        %parallel_loop3A_1913 = arith.index_cast %parallel_loop3A_984 : i32 to index
        %parallel_loop3A_1914 = arith.constant 80 : index
        %parallel_loop3A_1915 = tpu.vector_load %arg7[%parallel_loop3A_1911, %parallel_loop3A_1912, %parallel_loop3A_1913, %parallel_loop3A_1914] {strides = array<i32>} : memref<2x8x40x128xf32, #tpu.memory_space<vmem>>, vector<1x1x1x16xf32>,
        %parallel_loop3A_1916 = vector.shape_cast %parallel_loop3A_1915 : vector<1x1x1x16xf32> to vector<16xf32>
        %parallel_loop3A_1917 = vector.shape_cast %parallel_loop3A_1908 : vector<16xf32> to vector<1x1x1x16xf32>
        tpu.vector_store %arg7[%parallel_loop3A_1911, %parallel_loop3A_1912, %parallel_loop3A_1913, %parallel_loop3A_1914], %parallel_loop3A_1917 {strides = array<i32>} : memref<2x8x40x128xf32, #tpu.memory_space<vmem>>, vector<1x1x1x16xf32>,
        %parallel_loop3A_1918 = arith.constant 0 : i32
        %parallel_loop3A_1919 = arith.constant 3 : i32
        %parallel_loop3A_1920 = arith.index_cast %parallel_loop3A_1918 : i32 to index
        %parallel_loop3A_1921 = arith.index_cast %parallel_loop3A_1919 : i32 to index
        %parallel_loop3A_1922 = arith.index_cast %parallel_loop3A_984 : i32 to index
        %parallel_loop3A_1923 = arith.constant 80 : index
        %parallel_loop3A_1924 = tpu.vector_load %arg7[%parallel_loop3A_1920, %parallel_loop3A_1921, %parallel_loop3A_1922, %parallel_loop3A_1923] {strides = array<i32>} : memref<2x8x40x128xf32, #tpu.memory_space<vmem>>, vector<1x1x1x16xf32>,
        %parallel_loop3A_1925 = vector.shape_cast %parallel_loop3A_1924 : vector<1x1x1x16xf32> to vector<16xf32>
        %parallel_loop3A_1926 = arith.constant 11.3137083 : f32
        %parallel_loop3A_1927 = vector.broadcast %parallel_loop3A_1926 : f32 to vector<16xf32>
        %parallel_loop3A_1928 = arith.mulf %parallel_loop3A_1925, %parallel_loop3A_1927 : vector<16xf32>
        %parallel_loop3A_1929 = arith.addf %parallel_loop3A_1928, %parallel_loop3A_1854 : vector<16xf32>
        %parallel_loop3A_1930 = arith.constant 0 : i32
        %parallel_loop3A_1931 = arith.constant 3 : i32
        %parallel_loop3A_1932 = arith.index_cast %parallel_loop3A_1930 : i32 to index
        %parallel_loop3A_1933 = arith.index_cast %parallel_loop3A_1931 : i32 to index
        %parallel_loop3A_1934 = arith.index_cast %parallel_loop3A_984 : i32 to index
        %parallel_loop3A_1935 = arith.constant 80 : index
        %parallel_loop3A_1936 = tpu.vector_load %arg7[%parallel_loop3A_1932, %parallel_loop3A_1933, %parallel_loop3A_1934, %parallel_loop3A_1935] {strides = array<i32>} : memref<2x8x40x128xf32, #tpu.memory_space<vmem>>, vector<1x1x1x16xf32>,
        %parallel_loop3A_1937 = vector.shape_cast %parallel_loop3A_1936 : vector<1x1x1x16xf32> to vector<16xf32>
        %parallel_loop3A_1938 = vector.shape_cast %parallel_loop3A_1929 : vector<16xf32> to vector<1x1x1x16xf32>
        tpu.vector_store %arg7[%parallel_loop3A_1932, %parallel_loop3A_1933, %parallel_loop3A_1934, %parallel_loop3A_1935], %parallel_loop3A_1938 {strides = array<i32>} : memref<2x8x40x128xf32, #tpu.memory_space<vmem>>, vector<1x1x1x16xf32>,
        %parallel_loop3A_1939 = arith.constant 0 : i32
        %parallel_loop3A_1940 = arith.constant 4 : i32
        %parallel_loop3A_1941 = arith.index_cast %parallel_loop3A_1939 : i32 to index
        %parallel_loop3A_1942 = arith.index_cast %parallel_loop3A_1940 : i32 to index
        %parallel_loop3A_1943 = arith.index_cast %parallel_loop3A_984 : i32 to index
        %parallel_loop3A_1944 = arith.constant 80 : index
        %parallel_loop3A_1945 = tpu.vector_load %arg7[%parallel_loop3A_1941, %parallel_loop3A_1942, %parallel_loop3A_1943, %parallel_loop3A_1944] {strides = array<i32>} : memref<2x8x40x128xf32, #tpu.memory_space<vmem>>, vector<1x1x1x16xf32>,
        %parallel_loop3A_1946 = vector.shape_cast %parallel_loop3A_1945 : vector<1x1x1x16xf32> to vector<16xf32>
        %parallel_loop3A_1947 = arith.constant 11.3137083 : f32
        %parallel_loop3A_1948 = vector.broadcast %parallel_loop3A_1947 : f32 to vector<16xf32>
        %parallel_loop3A_1949 = arith.mulf %parallel_loop3A_1946, %parallel_loop3A_1948 : vector<16xf32>
        %parallel_loop3A_1950 = arith.addf %parallel_loop3A_1949, %parallel_loop3A_1854 : vector<16xf32>
        %parallel_loop3A_1951 = arith.constant 0 : i32
        %parallel_loop3A_1952 = arith.constant 4 : i32
        %parallel_loop3A_1953 = arith.index_cast %parallel_loop3A_1951 : i32 to index
        %parallel_loop3A_1954 = arith.index_cast %parallel_loop3A_1952 : i32 to index
        %parallel_loop3A_1955 = arith.index_cast %parallel_loop3A_984 : i32 to index
        %parallel_loop3A_1956 = arith.constant 80 : index
        %parallel_loop3A_1957 = tpu.vector_load %arg7[%parallel_loop3A_1953, %parallel_loop3A_1954, %parallel_loop3A_1955, %parallel_loop3A_1956] {strides = array<i32>} : memref<2x8x40x128xf32, #tpu.memory_space<vmem>>, vector<1x1x1x16xf32>,
        %parallel_loop3A_1958 = vector.shape_cast %parallel_loop3A_1957 : vector<1x1x1x16xf32> to vector<16xf32>
        %parallel_loop3A_1959 = vector.shape_cast %parallel_loop3A_1950 : vector<16xf32> to vector<1x1x1x16xf32>
        tpu.vector_store %arg7[%parallel_loop3A_1953, %parallel_loop3A_1954, %parallel_loop3A_1955, %parallel_loop3A_1956], %parallel_loop3A_1959 {strides = array<i32>} : memref<2x8x40x128xf32, #tpu.memory_space<vmem>>, vector<1x1x1x16xf32>,
        %parallel_loop3A_1960 = arith.constant 0 : i32
        %parallel_loop3A_1961 = arith.constant 5 : i32
        %parallel_loop3A_1962 = arith.index_cast %parallel_loop3A_1960 : i32 to index
        %parallel_loop3A_1963 = arith.index_cast %parallel_loop3A_1961 : i32 to index
        %parallel_loop3A_1964 = arith.index_cast %parallel_loop3A_984 : i32 to index
        %parallel_loop3A_1965 = arith.constant 80 : index
        %parallel_loop3A_1966 = tpu.vector_load %arg7[%parallel_loop3A_1962, %parallel_loop3A_1963, %parallel_loop3A_1964, %parallel_loop3A_1965] {strides = array<i32>} : memref<2x8x40x128xf32, #tpu.memory_space<vmem>>, vector<1x1x1x16xf32>,
        %parallel_loop3A_1967 = vector.shape_cast %parallel_loop3A_1966 : vector<1x1x1x16xf32> to vector<16xf32>
        %parallel_loop3A_1968 = arith.constant 11.3137083 : f32
        %parallel_loop3A_1969 = vector.broadcast %parallel_loop3A_1968 : f32 to vector<16xf32>
        %parallel_loop3A_1970 = arith.mulf %parallel_loop3A_1967, %parallel_loop3A_1969 : vector<16xf32>
        %parallel_loop3A_1971 = arith.addf %parallel_loop3A_1970, %parallel_loop3A_1854 : vector<16xf32>
        %parallel_loop3A_1972 = arith.constant 0 : i32
        %parallel_loop3A_1973 = arith.constant 5 : i32
        %parallel_loop3A_1974 = arith.index_cast %parallel_loop3A_1972 : i32 to index
        %parallel_loop3A_1975 = arith.index_cast %parallel_loop3A_1973 : i32 to index
        %parallel_loop3A_1976 = arith.index_cast %parallel_loop3A_984 : i32 to index
        %parallel_loop3A_1977 = arith.constant 80 : index
        %parallel_loop3A_1978 = tpu.vector_load %arg7[%parallel_loop3A_1974, %parallel_loop3A_1975, %parallel_loop3A_1976, %parallel_loop3A_1977] {strides = array<i32>} : memref<2x8x40x128xf32, #tpu.memory_space<vmem>>, vector<1x1x1x16xf32>,
        %parallel_loop3A_1979 = vector.shape_cast %parallel_loop3A_1978 : vector<1x1x1x16xf32> to vector<16xf32>
        %parallel_loop3A_1980 = vector.shape_cast %parallel_loop3A_1971 : vector<16xf32> to vector<1x1x1x16xf32>
        tpu.vector_store %arg7[%parallel_loop3A_1974, %parallel_loop3A_1975, %parallel_loop3A_1976, %parallel_loop3A_1977], %parallel_loop3A_1980 {strides = array<i32>} : memref<2x8x40x128xf32, #tpu.memory_space<vmem>>, vector<1x1x1x16xf32>,
        %parallel_loop3A_1981 = arith.constant 0 : i32
        %parallel_loop3A_1982 = arith.constant 6 : i32
        %parallel_loop3A_1983 = arith.index_cast %parallel_loop3A_1981 : i32 to index
        %parallel_loop3A_1984 = arith.index_cast %parallel_loop3A_1982 : i32 to index
        %parallel_loop3A_1985 = arith.index_cast %parallel_loop3A_984 : i32 to index
        %parallel_loop3A_1986 = arith.constant 80 : index
        %parallel_loop3A_1987 = tpu.vector_load %arg7[%parallel_loop3A_1983, %parallel_loop3A_1984, %parallel_loop3A_1985, %parallel_loop3A_1986] {strides = array<i32>} : memref<2x8x40x128xf32, #tpu.memory_space<vmem>>, vector<1x1x1x16xf32>,
        %parallel_loop3A_1988 = vector.shape_cast %parallel_loop3A_1987 : vector<1x1x1x16xf32> to vector<16xf32>
        %parallel_loop3A_1989 = arith.constant 11.3137083 : f32
        %parallel_loop3A_1990 = vector.broadcast %parallel_loop3A_1989 : f32 to vector<16xf32>
        %parallel_loop3A_1991 = arith.mulf %parallel_loop3A_1988, %parallel_loop3A_1990 : vector<16xf32>
        %parallel_loop3A_1992 = arith.addf %parallel_loop3A_1991, %parallel_loop3A_1854 : vector<16xf32>
        %parallel_loop3A_1993 = arith.constant 0 : i32
        %parallel_loop3A_1994 = arith.constant 6 : i32
        %parallel_loop3A_1995 = arith.index_cast %parallel_loop3A_1993 : i32 to index
        %parallel_loop3A_1996 = arith.index_cast %parallel_loop3A_1994 : i32 to index
        %parallel_loop3A_1997 = arith.index_cast %parallel_loop3A_984 : i32 to index
        %parallel_loop3A_1998 = arith.constant 80 : index
        %parallel_loop3A_1999 = tpu.vector_load %arg7[%parallel_loop3A_1995, %parallel_loop3A_1996, %parallel_loop3A_1997, %parallel_loop3A_1998] {strides = array<i32>} : memref<2x8x40x128xf32, #tpu.memory_space<vmem>>, vector<1x1x1x16xf32>,
        %parallel_loop3A_2000 = vector.shape_cast %parallel_loop3A_1999 : vector<1x1x1x16xf32> to vector<16xf32>
        %parallel_loop3A_2001 = vector.shape_cast %parallel_loop3A_1992 : vector<16xf32> to vector<1x1x1x16xf32>
        tpu.vector_store %arg7[%parallel_loop3A_1995, %parallel_loop3A_1996, %parallel_loop3A_1997, %parallel_loop3A_1998], %parallel_loop3A_2001 {strides = array<i32>} : memref<2x8x40x128xf32, #tpu.memory_space<vmem>>, vector<1x1x1x16xf32>,
        %parallel_loop3A_2002 = arith.constant 0 : i32
        %parallel_loop3A_2003 = arith.constant 7 : i32
        %parallel_loop3A_2004 = arith.index_cast %parallel_loop3A_2002 : i32 to index
        %parallel_loop3A_2005 = arith.index_cast %parallel_loop3A_2003 : i32 to index
        %parallel_loop3A_2006 = arith.index_cast %parallel_loop3A_984 : i32 to index
        %parallel_loop3A_2007 = arith.constant 80 : index
        %parallel_loop3A_2008 = tpu.vector_load %arg7[%parallel_loop3A_2004, %parallel_loop3A_2005, %parallel_loop3A_2006, %parallel_loop3A_2007] {strides = array<i32>} : memref<2x8x40x128xf32, #tpu.memory_space<vmem>>, vector<1x1x1x16xf32>,
        %parallel_loop3A_2009 = vector.shape_cast %parallel_loop3A_2008 : vector<1x1x1x16xf32> to vector<16xf32>
        %parallel_loop3A_2010 = arith.constant 11.3137083 : f32
        %parallel_loop3A_2011 = vector.broadcast %parallel_loop3A_2010 : f32 to vector<16xf32>
        %parallel_loop3A_2012 = arith.mulf %parallel_loop3A_2009, %parallel_loop3A_2011 : vector<16xf32>
        %parallel_loop3A_2013 = arith.addf %parallel_loop3A_2012, %parallel_loop3A_1854 : vector<16xf32>
        %parallel_loop3A_2014 = arith.constant 0 : i32
        %parallel_loop3A_2015 = arith.constant 7 : i32
        %parallel_loop3A_2016 = arith.index_cast %parallel_loop3A_2014 : i32 to index
        %parallel_loop3A_2017 = arith.index_cast %parallel_loop3A_2015 : i32 to index
        %parallel_loop3A_2018 = arith.index_cast %parallel_loop3A_984 : i32 to index
        %parallel_loop3A_2019 = arith.constant 80 : index
        %parallel_loop3A_2020 = tpu.vector_load %arg7[%parallel_loop3A_2016, %parallel_loop3A_2017, %parallel_loop3A_2018, %parallel_loop3A_2019] {strides = array<i32>} : memref<2x8x40x128xf32, #tpu.memory_space<vmem>>, vector<1x1x1x16xf32>,
        %parallel_loop3A_2021 = vector.shape_cast %parallel_loop3A_2020 : vector<1x1x1x16xf32> to vector<16xf32>
        %parallel_loop3A_2022 = vector.shape_cast %parallel_loop3A_2013 : vector<16xf32> to vector<1x1x1x16xf32>
        tpu.vector_store %arg7[%parallel_loop3A_2016, %parallel_loop3A_2017, %parallel_loop3A_2018, %parallel_loop3A_2019], %parallel_loop3A_2022 {strides = array<i32>} : memref<2x8x40x128xf32, #tpu.memory_space<vmem>>, vector<1x1x1x16xf32>,
        %parallel_loop3A_2023 = arith.addi %mul3A_518, %parallel_loop3A_984 : i32
        %parallel_loop3A_2024 = arith.index_cast %parallel_loop3A_2023 : i32 to index
        %parallel_loop3A_2025 = arith.constant 96 : index
        %parallel_loop3A_2026 = tpu.vector_load %arg8[%parallel_loop3A_2024, %parallel_loop3A_2025] {strides = array<i32>} : memref<200x128xf32, #tpu.memory_space<vmem>>, vector<1x16xf32>,
        %parallel_loop3A_2027 = vector.shape_cast %parallel_loop3A_2026 : vector<1x16xf32> to vector<16xf32>
        %parallel_loop3A_2028 = arith.constant 0 : i32
        %parallel_loop3A_2029 = arith.constant 0 : i32
        %parallel_loop3A_2030 = arith.index_cast %parallel_loop3A_2028 : i32 to index
        %parallel_loop3A_2031 = arith.index_cast %parallel_loop3A_2029 : i32 to index
        %parallel_loop3A_2032 = arith.index_cast %parallel_loop3A_984 : i32 to index
        %parallel_loop3A_2033 = arith.constant 96 : index
        %parallel_loop3A_2034 = tpu.vector_load %arg7[%parallel_loop3A_2030, %parallel_loop3A_2031, %parallel_loop3A_2032, %parallel_loop3A_2033] {strides = array<i32>} : memref<2x8x40x128xf32, #tpu.memory_space<vmem>>, vector<1x1x1x16xf32>,
        %parallel_loop3A_2035 = vector.shape_cast %parallel_loop3A_2034 : vector<1x1x1x16xf32> to vector<16xf32>
        %parallel_loop3A_2036 = arith.constant 11.3137083 : f32
        %parallel_loop3A_2037 = vector.broadcast %parallel_loop3A_2036 : f32 to vector<16xf32>
        %parallel_loop3A_2038 = arith.mulf %parallel_loop3A_2035, %parallel_loop3A_2037 : vector<16xf32>
        %parallel_loop3A_2039 = arith.addf %parallel_loop3A_2038, %parallel_loop3A_2027 : vector<16xf32>
        %parallel_loop3A_2040 = arith.constant 0 : i32
        %parallel_loop3A_2041 = arith.constant 0 : i32
        %parallel_loop3A_2042 = arith.index_cast %parallel_loop3A_2040 : i32 to index
        %parallel_loop3A_2043 = arith.index_cast %parallel_loop3A_2041 : i32 to index
        %parallel_loop3A_2044 = arith.index_cast %parallel_loop3A_984 : i32 to index
        %parallel_loop3A_2045 = arith.constant 96 : index
        %parallel_loop3A_2046 = tpu.vector_load %arg7[%parallel_loop3A_2042, %parallel_loop3A_2043, %parallel_loop3A_2044, %parallel_loop3A_2045] {strides = array<i32>} : memref<2x8x40x128xf32, #tpu.memory_space<vmem>>, vector<1x1x1x16xf32>,
        %parallel_loop3A_2047 = vector.shape_cast %parallel_loop3A_2046 : vector<1x1x1x16xf32> to vector<16xf32>
        %parallel_loop3A_2048 = vector.shape_cast %parallel_loop3A_2039 : vector<16xf32> to vector<1x1x1x16xf32>
        tpu.vector_store %arg7[%parallel_loop3A_2042, %parallel_loop3A_2043, %parallel_loop3A_2044, %parallel_loop3A_2045], %parallel_loop3A_2048 {strides = array<i32>} : memref<2x8x40x128xf32, #tpu.memory_space<vmem>>, vector<1x1x1x16xf32>,
        %parallel_loop3A_2049 = arith.constant 0 : i32
        %parallel_loop3A_2050 = arith.constant 1 : i32
        %parallel_loop3A_2051 = arith.index_cast %parallel_loop3A_2049 : i32 to index
        %parallel_loop3A_2052 = arith.index_cast %parallel_loop3A_2050 : i32 to index
        %parallel_loop3A_2053 = arith.index_cast %parallel_loop3A_984 : i32 to index
        %parallel_loop3A_2054 = arith.constant 96 : index
        %parallel_loop3A_2055 = tpu.vector_load %arg7[%parallel_loop3A_2051, %parallel_loop3A_2052, %parallel_loop3A_2053, %parallel_loop3A_2054] {strides = array<i32>} : memref<2x8x40x128xf32, #tpu.memory_space<vmem>>, vector<1x1x1x16xf32>,
        %parallel_loop3A_2056 = vector.shape_cast %parallel_loop3A_2055 : vector<1x1x1x16xf32> to vector<16xf32>
        %parallel_loop3A_2057 = arith.constant 11.3137083 : f32
        %parallel_loop3A_2058 = vector.broadcast %parallel_loop3A_2057 : f32 to vector<16xf32>
        %parallel_loop3A_2059 = arith.mulf %parallel_loop3A_2056, %parallel_loop3A_2058 : vector<16xf32>
        %parallel_loop3A_2060 = arith.addf %parallel_loop3A_2059, %parallel_loop3A_2027 : vector<16xf32>
        %parallel_loop3A_2061 = arith.constant 0 : i32
        %parallel_loop3A_2062 = arith.constant 1 : i32
        %parallel_loop3A_2063 = arith.index_cast %parallel_loop3A_2061 : i32 to index
        %parallel_loop3A_2064 = arith.index_cast %parallel_loop3A_2062 : i32 to index
        %parallel_loop3A_2065 = arith.index_cast %parallel_loop3A_984 : i32 to index
        %parallel_loop3A_2066 = arith.constant 96 : index
        %parallel_loop3A_2067 = tpu.vector_load %arg7[%parallel_loop3A_2063, %parallel_loop3A_2064, %parallel_loop3A_2065, %parallel_loop3A_2066] {strides = array<i32>} : memref<2x8x40x128xf32, #tpu.memory_space<vmem>>, vector<1x1x1x16xf32>,
        %parallel_loop3A_2068 = vector.shape_cast %parallel_loop3A_2067 : vector<1x1x1x16xf32> to vector<16xf32>
        %parallel_loop3A_2069 = vector.shape_cast %parallel_loop3A_2060 : vector<16xf32> to vector<1x1x1x16xf32>
        tpu.vector_store %arg7[%parallel_loop3A_2063, %parallel_loop3A_2064, %parallel_loop3A_2065, %parallel_loop3A_2066], %parallel_loop3A_2069 {strides = array<i32>} : memref<2x8x40x128xf32, #tpu.memory_space<vmem>>, vector<1x1x1x16xf32>,
        %parallel_loop3A_2070 = arith.constant 0 : i32
        %parallel_loop3A_2071 = arith.constant 2 : i32
        %parallel_loop3A_2072 = arith.index_cast %parallel_loop3A_2070 : i32 to index
        %parallel_loop3A_2073 = arith.index_cast %parallel_loop3A_2071 : i32 to index
        %parallel_loop3A_2074 = arith.index_cast %parallel_loop3A_984 : i32 to index
        %parallel_loop3A_2075 = arith.constant 96 : index
        %parallel_loop3A_2076 = tpu.vector_load %arg7[%parallel_loop3A_2072, %parallel_loop3A_2073, %parallel_loop3A_2074, %parallel_loop3A_2075] {strides = array<i32>} : memref<2x8x40x128xf32, #tpu.memory_space<vmem>>, vector<1x1x1x16xf32>,
        %parallel_loop3A_2077 = vector.shape_cast %parallel_loop3A_2076 : vector<1x1x1x16xf32> to vector<16xf32>
        %parallel_loop3A_2078 = arith.constant 11.3137083 : f32
        %parallel_loop3A_2079 = vector.broadcast %parallel_loop3A_2078 : f32 to vector<16xf32>
        %parallel_loop3A_2080 = arith.mulf %parallel_loop3A_2077, %parallel_loop3A_2079 : vector<16xf32>
        %parallel_loop3A_2081 = arith.addf %parallel_loop3A_2080, %parallel_loop3A_2027 : vector<16xf32>
        %parallel_loop3A_2082 = arith.constant 0 : i32
        %parallel_loop3A_2083 = arith.constant 2 : i32
        %parallel_loop3A_2084 = arith.index_cast %parallel_loop3A_2082 : i32 to index
        %parallel_loop3A_2085 = arith.index_cast %parallel_loop3A_2083 : i32 to index
        %parallel_loop3A_2086 = arith.index_cast %parallel_loop3A_984 : i32 to index
        %parallel_loop3A_2087 = arith.constant 96 : index
        %parallel_loop3A_2088 = tpu.vector_load %arg7[%parallel_loop3A_2084, %parallel_loop3A_2085, %parallel_loop3A_2086, %parallel_loop3A_2087] {strides = array<i32>} : memref<2x8x40x128xf32, #tpu.memory_space<vmem>>, vector<1x1x1x16xf32>,
        %parallel_loop3A_2089 = vector.shape_cast %parallel_loop3A_2088 : vector<1x1x1x16xf32> to vector<16xf32>
        %parallel_loop3A_2090 = vector.shape_cast %parallel_loop3A_2081 : vector<16xf32> to vector<1x1x1x16xf32>
        tpu.vector_store %arg7[%parallel_loop3A_2084, %parallel_loop3A_2085, %parallel_loop3A_2086, %parallel_loop3A_2087], %parallel_loop3A_2090 {strides = array<i32>} : memref<2x8x40x128xf32, #tpu.memory_space<vmem>>, vector<1x1x1x16xf32>,
        %parallel_loop3A_2091 = arith.constant 0 : i32
        %parallel_loop3A_2092 = arith.constant 3 : i32
        %parallel_loop3A_2093 = arith.index_cast %parallel_loop3A_2091 : i32 to index
        %parallel_loop3A_2094 = arith.index_cast %parallel_loop3A_2092 : i32 to index
        %parallel_loop3A_2095 = arith.index_cast %parallel_loop3A_984 : i32 to index
        %parallel_loop3A_2096 = arith.constant 96 : index
        %parallel_loop3A_2097 = tpu.vector_load %arg7[%parallel_loop3A_2093, %parallel_loop3A_2094, %parallel_loop3A_2095, %parallel_loop3A_2096] {strides = array<i32>} : memref<2x8x40x128xf32, #tpu.memory_space<vmem>>, vector<1x1x1x16xf32>,
        %parallel_loop3A_2098 = vector.shape_cast %parallel_loop3A_2097 : vector<1x1x1x16xf32> to vector<16xf32>
        %parallel_loop3A_2099 = arith.constant 11.3137083 : f32
        %parallel_loop3A_2100 = vector.broadcast %parallel_loop3A_2099 : f32 to vector<16xf32>
        %parallel_loop3A_2101 = arith.mulf %parallel_loop3A_2098, %parallel_loop3A_2100 : vector<16xf32>
        %parallel_loop3A_2102 = arith.addf %parallel_loop3A_2101, %parallel_loop3A_2027 : vector<16xf32>
        %parallel_loop3A_2103 = arith.constant 0 : i32
        %parallel_loop3A_2104 = arith.constant 3 : i32
        %parallel_loop3A_2105 = arith.index_cast %parallel_loop3A_2103 : i32 to index
        %parallel_loop3A_2106 = arith.index_cast %parallel_loop3A_2104 : i32 to index
        %parallel_loop3A_2107 = arith.index_cast %parallel_loop3A_984 : i32 to index
        %parallel_loop3A_2108 = arith.constant 96 : index
        %parallel_loop3A_2109 = tpu.vector_load %arg7[%parallel_loop3A_2105, %parallel_loop3A_2106, %parallel_loop3A_2107, %parallel_loop3A_2108] {strides = array<i32>} : memref<2x8x40x128xf32, #tpu.memory_space<vmem>>, vector<1x1x1x16xf32>,
        %parallel_loop3A_2110 = vector.shape_cast %parallel_loop3A_2109 : vector<1x1x1x16xf32> to vector<16xf32>
        %parallel_loop3A_2111 = vector.shape_cast %parallel_loop3A_2102 : vector<16xf32> to vector<1x1x1x16xf32>
        tpu.vector_store %arg7[%parallel_loop3A_2105, %parallel_loop3A_2106, %parallel_loop3A_2107, %parallel_loop3A_2108], %parallel_loop3A_2111 {strides = array<i32>} : memref<2x8x40x128xf32, #tpu.memory_space<vmem>>, vector<1x1x1x16xf32>,
        %parallel_loop3A_2112 = arith.constant 0 : i32
        %parallel_loop3A_2113 = arith.constant 4 : i32
        %parallel_loop3A_2114 = arith.index_cast %parallel_loop3A_2112 : i32 to index
        %parallel_loop3A_2115 = arith.index_cast %parallel_loop3A_2113 : i32 to index
        %parallel_loop3A_2116 = arith.index_cast %parallel_loop3A_984 : i32 to index
        %parallel_loop3A_2117 = arith.constant 96 : index
        %parallel_loop3A_2118 = tpu.vector_load %arg7[%parallel_loop3A_2114, %parallel_loop3A_2115, %parallel_loop3A_2116, %parallel_loop3A_2117] {strides = array<i32>} : memref<2x8x40x128xf32, #tpu.memory_space<vmem>>, vector<1x1x1x16xf32>,
        %parallel_loop3A_2119 = vector.shape_cast %parallel_loop3A_2118 : vector<1x1x1x16xf32> to vector<16xf32>
        %parallel_loop3A_2120 = arith.constant 11.3137083 : f32
        %parallel_loop3A_2121 = vector.broadcast %parallel_loop3A_2120 : f32 to vector<16xf32>
        %parallel_loop3A_2122 = arith.mulf %parallel_loop3A_2119, %parallel_loop3A_2121 : vector<16xf32>
        %parallel_loop3A_2123 = arith.addf %parallel_loop3A_2122, %parallel_loop3A_2027 : vector<16xf32>
        %parallel_loop3A_2124 = arith.constant 0 : i32
        %parallel_loop3A_2125 = arith.constant 4 : i32
        %parallel_loop3A_2126 = arith.index_cast %parallel_loop3A_2124 : i32 to index
        %parallel_loop3A_2127 = arith.index_cast %parallel_loop3A_2125 : i32 to index
        %parallel_loop3A_2128 = arith.index_cast %parallel_loop3A_984 : i32 to index
        %parallel_loop3A_2129 = arith.constant 96 : index
        %parallel_loop3A_2130 = tpu.vector_load %arg7[%parallel_loop3A_2126, %parallel_loop3A_2127, %parallel_loop3A_2128, %parallel_loop3A_2129] {strides = array<i32>} : memref<2x8x40x128xf32, #tpu.memory_space<vmem>>, vector<1x1x1x16xf32>,
        %parallel_loop3A_2131 = vector.shape_cast %parallel_loop3A_2130 : vector<1x1x1x16xf32> to vector<16xf32>
        %parallel_loop3A_2132 = vector.shape_cast %parallel_loop3A_2123 : vector<16xf32> to vector<1x1x1x16xf32>
        tpu.vector_store %arg7[%parallel_loop3A_2126, %parallel_loop3A_2127, %parallel_loop3A_2128, %parallel_loop3A_2129], %parallel_loop3A_2132 {strides = array<i32>} : memref<2x8x40x128xf32, #tpu.memory_space<vmem>>, vector<1x1x1x16xf32>,
        %parallel_loop3A_2133 = arith.constant 0 : i32
        %parallel_loop3A_2134 = arith.constant 5 : i32
        %parallel_loop3A_2135 = arith.index_cast %parallel_loop3A_2133 : i32 to index
        %parallel_loop3A_2136 = arith.index_cast %parallel_loop3A_2134 : i32 to index
        %parallel_loop3A_2137 = arith.index_cast %parallel_loop3A_984 : i32 to index
        %parallel_loop3A_2138 = arith.constant 96 : index
        %parallel_loop3A_2139 = tpu.vector_load %arg7[%parallel_loop3A_2135, %parallel_loop3A_2136, %parallel_loop3A_2137, %parallel_loop3A_2138] {strides = array<i32>} : memref<2x8x40x128xf32, #tpu.memory_space<vmem>>, vector<1x1x1x16xf32>,
        %parallel_loop3A_2140 = vector.shape_cast %parallel_loop3A_2139 : vector<1x1x1x16xf32> to vector<16xf32>
        %parallel_loop3A_2141 = arith.constant 11.3137083 : f32
        %parallel_loop3A_2142 = vector.broadcast %parallel_loop3A_2141 : f32 to vector<16xf32>
        %parallel_loop3A_2143 = arith.mulf %parallel_loop3A_2140, %parallel_loop3A_2142 : vector<16xf32>
        %parallel_loop3A_2144 = arith.addf %parallel_loop3A_2143, %parallel_loop3A_2027 : vector<16xf32>
        %parallel_loop3A_2145 = arith.constant 0 : i32
        %parallel_loop3A_2146 = arith.constant 5 : i32
        %parallel_loop3A_2147 = arith.index_cast %parallel_loop3A_2145 : i32 to index
        %parallel_loop3A_2148 = arith.index_cast %parallel_loop3A_2146 : i32 to index
        %parallel_loop3A_2149 = arith.index_cast %parallel_loop3A_984 : i32 to index
        %parallel_loop3A_2150 = arith.constant 96 : index
        %parallel_loop3A_2151 = tpu.vector_load %arg7[%parallel_loop3A_2147, %parallel_loop3A_2148, %parallel_loop3A_2149, %parallel_loop3A_2150] {strides = array<i32>} : memref<2x8x40x128xf32, #tpu.memory_space<vmem>>, vector<1x1x1x16xf32>,
        %parallel_loop3A_2152 = vector.shape_cast %parallel_loop3A_2151 : vector<1x1x1x16xf32> to vector<16xf32>
        %parallel_loop3A_2153 = vector.shape_cast %parallel_loop3A_2144 : vector<16xf32> to vector<1x1x1x16xf32>
        tpu.vector_store %arg7[%parallel_loop3A_2147, %parallel_loop3A_2148, %parallel_loop3A_2149, %parallel_loop3A_2150], %parallel_loop3A_2153 {strides = array<i32>} : memref<2x8x40x128xf32, #tpu.memory_space<vmem>>, vector<1x1x1x16xf32>,
        %parallel_loop3A_2154 = arith.constant 0 : i32
        %parallel_loop3A_2155 = arith.constant 6 : i32
        %parallel_loop3A_2156 = arith.index_cast %parallel_loop3A_2154 : i32 to index
        %parallel_loop3A_2157 = arith.index_cast %parallel_loop3A_2155 : i32 to index
        %parallel_loop3A_2158 = arith.index_cast %parallel_loop3A_984 : i32 to index
        %parallel_loop3A_2159 = arith.constant 96 : index
        %parallel_loop3A_2160 = tpu.vector_load %arg7[%parallel_loop3A_2156, %parallel_loop3A_2157, %parallel_loop3A_2158, %parallel_loop3A_2159] {strides = array<i32>} : memref<2x8x40x128xf32, #tpu.memory_space<vmem>>, vector<1x1x1x16xf32>,
        %parallel_loop3A_2161 = vector.shape_cast %parallel_loop3A_2160 : vector<1x1x1x16xf32> to vector<16xf32>
        %parallel_loop3A_2162 = arith.constant 11.3137083 : f32
        %parallel_loop3A_2163 = vector.broadcast %parallel_loop3A_2162 : f32 to vector<16xf32>
        %parallel_loop3A_2164 = arith.mulf %parallel_loop3A_2161, %parallel_loop3A_2163 : vector<16xf32>
        %parallel_loop3A_2165 = arith.addf %parallel_loop3A_2164, %parallel_loop3A_2027 : vector<16xf32>
        %parallel_loop3A_2166 = arith.constant 0 : i32
        %parallel_loop3A_2167 = arith.constant 6 : i32
        %parallel_loop3A_2168 = arith.index_cast %parallel_loop3A_2166 : i32 to index
        %parallel_loop3A_2169 = arith.index_cast %parallel_loop3A_2167 : i32 to index
        %parallel_loop3A_2170 = arith.index_cast %parallel_loop3A_984 : i32 to index
        %parallel_loop3A_2171 = arith.constant 96 : index
        %parallel_loop3A_2172 = tpu.vector_load %arg7[%parallel_loop3A_2168, %parallel_loop3A_2169, %parallel_loop3A_2170, %parallel_loop3A_2171] {strides = array<i32>} : memref<2x8x40x128xf32, #tpu.memory_space<vmem>>, vector<1x1x1x16xf32>,
        %parallel_loop3A_2173 = vector.shape_cast %parallel_loop3A_2172 : vector<1x1x1x16xf32> to vector<16xf32>
        %parallel_loop3A_2174 = vector.shape_cast %parallel_loop3A_2165 : vector<16xf32> to vector<1x1x1x16xf32>
        tpu.vector_store %arg7[%parallel_loop3A_2168, %parallel_loop3A_2169, %parallel_loop3A_2170, %parallel_loop3A_2171], %parallel_loop3A_2174 {strides = array<i32>} : memref<2x8x40x128xf32, #tpu.memory_space<vmem>>, vector<1x1x1x16xf32>,
        %parallel_loop3A_2175 = arith.constant 0 : i32
        %parallel_loop3A_2176 = arith.constant 7 : i32
        %parallel_loop3A_2177 = arith.index_cast %parallel_loop3A_2175 : i32 to index
        %parallel_loop3A_2178 = arith.index_cast %parallel_loop3A_2176 : i32 to index
        %parallel_loop3A_2179 = arith.index_cast %parallel_loop3A_984 : i32 to index
        %parallel_loop3A_2180 = arith.constant 96 : index
        %parallel_loop3A_2181 = tpu.vector_load %arg7[%parallel_loop3A_2177, %parallel_loop3A_2178, %parallel_loop3A_2179, %parallel_loop3A_2180] {strides = array<i32>} : memref<2x8x40x128xf32, #tpu.memory_space<vmem>>, vector<1x1x1x16xf32>,
        %parallel_loop3A_2182 = vector.shape_cast %parallel_loop3A_2181 : vector<1x1x1x16xf32> to vector<16xf32>
        %parallel_loop3A_2183 = arith.constant 11.3137083 : f32
        %parallel_loop3A_2184 = vector.broadcast %parallel_loop3A_2183 : f32 to vector<16xf32>
        %parallel_loop3A_2185 = arith.mulf %parallel_loop3A_2182, %parallel_loop3A_2184 : vector<16xf32>
        %parallel_loop3A_2186 = arith.addf %parallel_loop3A_2185, %parallel_loop3A_2027 : vector<16xf32>
        %parallel_loop3A_2187 = arith.constant 0 : i32
        %parallel_loop3A_2188 = arith.constant 7 : i32
        %parallel_loop3A_2189 = arith.index_cast %parallel_loop3A_2187 : i32 to index
        %parallel_loop3A_2190 = arith.index_cast %parallel_loop3A_2188 : i32 to index
        %parallel_loop3A_2191 = arith.index_cast %parallel_loop3A_984 : i32 to index
        %parallel_loop3A_2192 = arith.constant 96 : index
        %parallel_loop3A_2193 = tpu.vector_load %arg7[%parallel_loop3A_2189, %parallel_loop3A_2190, %parallel_loop3A_2191, %parallel_loop3A_2192] {strides = array<i32>} : memref<2x8x40x128xf32, #tpu.memory_space<vmem>>, vector<1x1x1x16xf32>,
        %parallel_loop3A_2194 = vector.shape_cast %parallel_loop3A_2193 : vector<1x1x1x16xf32> to vector<16xf32>
        %parallel_loop3A_2195 = vector.shape_cast %parallel_loop3A_2186 : vector<16xf32> to vector<1x1x1x16xf32>
        tpu.vector_store %arg7[%parallel_loop3A_2189, %parallel_loop3A_2190, %parallel_loop3A_2191, %parallel_loop3A_2192], %parallel_loop3A_2195 {strides = array<i32>} : memref<2x8x40x128xf32, #tpu.memory_space<vmem>>, vector<1x1x1x16xf32>,
        %parallel_loop3A_2196 = arith.addi %mul3A_518, %parallel_loop3A_984 : i32
        %parallel_loop3A_2197 = arith.index_cast %parallel_loop3A_2196 : i32 to index
        %parallel_loop3A_2198 = arith.constant 112 : index
        %parallel_loop3A_2199 = tpu.vector_load %arg8[%parallel_loop3A_2197, %parallel_loop3A_2198] {strides = array<i32>} : memref<200x128xf32, #tpu.memory_space<vmem>>, vector<1x16xf32>,
        %parallel_loop3A_2200 = vector.shape_cast %parallel_loop3A_2199 : vector<1x16xf32> to vector<16xf32>
        %parallel_loop3A_2201 = arith.constant 0 : i32
        %parallel_loop3A_2202 = arith.constant 0 : i32
        %parallel_loop3A_2203 = arith.index_cast %parallel_loop3A_2201 : i32 to index
        %parallel_loop3A_2204 = arith.index_cast %parallel_loop3A_2202 : i32 to index
        %parallel_loop3A_2205 = arith.index_cast %parallel_loop3A_984 : i32 to index
        %parallel_loop3A_2206 = arith.constant 112 : index
        %parallel_loop3A_2207 = tpu.vector_load %arg7[%parallel_loop3A_2203, %parallel_loop3A_2204, %parallel_loop3A_2205, %parallel_loop3A_2206] {strides = array<i32>} : memref<2x8x40x128xf32, #tpu.memory_space<vmem>>, vector<1x1x1x16xf32>,
        %parallel_loop3A_2208 = vector.shape_cast %parallel_loop3A_2207 : vector<1x1x1x16xf32> to vector<16xf32>
        %parallel_loop3A_2209 = arith.constant 11.3137083 : f32
        %parallel_loop3A_2210 = vector.broadcast %parallel_loop3A_2209 : f32 to vector<16xf32>
        %parallel_loop3A_2211 = arith.mulf %parallel_loop3A_2208, %parallel_loop3A_2210 : vector<16xf32>
        %parallel_loop3A_2212 = arith.addf %parallel_loop3A_2211, %parallel_loop3A_2200 : vector<16xf32>
        %parallel_loop3A_2213 = arith.constant 0 : i32
        %parallel_loop3A_2214 = arith.constant 0 : i32
        %parallel_loop3A_2215 = arith.index_cast %parallel_loop3A_2213 : i32 to index
        %parallel_loop3A_2216 = arith.index_cast %parallel_loop3A_2214 : i32 to index
        %parallel_loop3A_2217 = arith.index_cast %parallel_loop3A_984 : i32 to index
        %parallel_loop3A_2218 = arith.constant 112 : index
        %parallel_loop3A_2219 = tpu.vector_load %arg7[%parallel_loop3A_2215, %parallel_loop3A_2216, %parallel_loop3A_2217, %parallel_loop3A_2218] {strides = array<i32>} : memref<2x8x40x128xf32, #tpu.memory_space<vmem>>, vector<1x1x1x16xf32>,
        %parallel_loop3A_2220 = vector.shape_cast %parallel_loop3A_2219 : vector<1x1x1x16xf32> to vector<16xf32>
        %parallel_loop3A_2221 = vector.shape_cast %parallel_loop3A_2212 : vector<16xf32> to vector<1x1x1x16xf32>
        tpu.vector_store %arg7[%parallel_loop3A_2215, %parallel_loop3A_2216, %parallel_loop3A_2217, %parallel_loop3A_2218], %parallel_loop3A_2221 {strides = array<i32>} : memref<2x8x40x128xf32, #tpu.memory_space<vmem>>, vector<1x1x1x16xf32>,
        %parallel_loop3A_2222 = arith.constant 0 : i32
        %parallel_loop3A_2223 = arith.constant 1 : i32
        %parallel_loop3A_2224 = arith.index_cast %parallel_loop3A_2222 : i32 to index
        %parallel_loop3A_2225 = arith.index_cast %parallel_loop3A_2223 : i32 to index
        %parallel_loop3A_2226 = arith.index_cast %parallel_loop3A_984 : i32 to index
        %parallel_loop3A_2227 = arith.constant 112 : index
        %parallel_loop3A_2228 = tpu.vector_load %arg7[%parallel_loop3A_2224, %parallel_loop3A_2225, %parallel_loop3A_2226, %parallel_loop3A_2227] {strides = array<i32>} : memref<2x8x40x128xf32, #tpu.memory_space<vmem>>, vector<1x1x1x16xf32>,
        %parallel_loop3A_2229 = vector.shape_cast %parallel_loop3A_2228 : vector<1x1x1x16xf32> to vector<16xf32>
        %parallel_loop3A_2230 = arith.constant 11.3137083 : f32
        %parallel_loop3A_2231 = vector.broadcast %parallel_loop3A_2230 : f32 to vector<16xf32>
        %parallel_loop3A_2232 = arith.mulf %parallel_loop3A_2229, %parallel_loop3A_2231 : vector<16xf32>
        %parallel_loop3A_2233 = arith.addf %parallel_loop3A_2232, %parallel_loop3A_2200 : vector<16xf32>
        %parallel_loop3A_2234 = arith.constant 0 : i32
        %parallel_loop3A_2235 = arith.constant 1 : i32
        %parallel_loop3A_2236 = arith.index_cast %parallel_loop3A_2234 : i32 to index
        %parallel_loop3A_2237 = arith.index_cast %parallel_loop3A_2235 : i32 to index
        %parallel_loop3A_2238 = arith.index_cast %parallel_loop3A_984 : i32 to index
        %parallel_loop3A_2239 = arith.constant 112 : index
        %parallel_loop3A_2240 = tpu.vector_load %arg7[%parallel_loop3A_2236, %parallel_loop3A_2237, %parallel_loop3A_2238, %parallel_loop3A_2239] {strides = array<i32>} : memref<2x8x40x128xf32, #tpu.memory_space<vmem>>, vector<1x1x1x16xf32>,
        %parallel_loop3A_2241 = vector.shape_cast %parallel_loop3A_2240 : vector<1x1x1x16xf32> to vector<16xf32>
        %parallel_loop3A_2242 = vector.shape_cast %parallel_loop3A_2233 : vector<16xf32> to vector<1x1x1x16xf32>
        tpu.vector_store %arg7[%parallel_loop3A_2236, %parallel_loop3A_2237, %parallel_loop3A_2238, %parallel_loop3A_2239], %parallel_loop3A_2242 {strides = array<i32>} : memref<2x8x40x128xf32, #tpu.memory_space<vmem>>, vector<1x1x1x16xf32>,
        %parallel_loop3A_2243 = arith.constant 0 : i32
        %parallel_loop3A_2244 = arith.constant 2 : i32
        %parallel_loop3A_2245 = arith.index_cast %parallel_loop3A_2243 : i32 to index
        %parallel_loop3A_2246 = arith.index_cast %parallel_loop3A_2244 : i32 to index
        %parallel_loop3A_2247 = arith.index_cast %parallel_loop3A_984 : i32 to index
        %parallel_loop3A_2248 = arith.constant 112 : index
        %parallel_loop3A_2249 = tpu.vector_load %arg7[%parallel_loop3A_2245, %parallel_loop3A_2246, %parallel_loop3A_2247, %parallel_loop3A_2248] {strides = array<i32>} : memref<2x8x40x128xf32, #tpu.memory_space<vmem>>, vector<1x1x1x16xf32>,
        %parallel_loop3A_2250 = vector.shape_cast %parallel_loop3A_2249 : vector<1x1x1x16xf32> to vector<16xf32>
        %parallel_loop3A_2251 = arith.constant 11.3137083 : f32
        %parallel_loop3A_2252 = vector.broadcast %parallel_loop3A_2251 : f32 to vector<16xf32>
        %parallel_loop3A_2253 = arith.mulf %parallel_loop3A_2250, %parallel_loop3A_2252 : vector<16xf32>
        %parallel_loop3A_2254 = arith.addf %parallel_loop3A_2253, %parallel_loop3A_2200 : vector<16xf32>
        %parallel_loop3A_2255 = arith.constant 0 : i32
        %parallel_loop3A_2256 = arith.constant 2 : i32
        %parallel_loop3A_2257 = arith.index_cast %parallel_loop3A_2255 : i32 to index
        %parallel_loop3A_2258 = arith.index_cast %parallel_loop3A_2256 : i32 to index
        %parallel_loop3A_2259 = arith.index_cast %parallel_loop3A_984 : i32 to index
        %parallel_loop3A_2260 = arith.constant 112 : index
        %parallel_loop3A_2261 = tpu.vector_load %arg7[%parallel_loop3A_2257, %parallel_loop3A_2258, %parallel_loop3A_2259, %parallel_loop3A_2260] {strides = array<i32>} : memref<2x8x40x128xf32, #tpu.memory_space<vmem>>, vector<1x1x1x16xf32>,
        %parallel_loop3A_2262 = vector.shape_cast %parallel_loop3A_2261 : vector<1x1x1x16xf32> to vector<16xf32>
        %parallel_loop3A_2263 = vector.shape_cast %parallel_loop3A_2254 : vector<16xf32> to vector<1x1x1x16xf32>
        tpu.vector_store %arg7[%parallel_loop3A_2257, %parallel_loop3A_2258, %parallel_loop3A_2259, %parallel_loop3A_2260], %parallel_loop3A_2263 {strides = array<i32>} : memref<2x8x40x128xf32, #tpu.memory_space<vmem>>, vector<1x1x1x16xf32>,
        %parallel_loop3A_2264 = arith.constant 0 : i32
        %parallel_loop3A_2265 = arith.constant 3 : i32
        %parallel_loop3A_2266 = arith.index_cast %parallel_loop3A_2264 : i32 to index
        %parallel_loop3A_2267 = arith.index_cast %parallel_loop3A_2265 : i32 to index
        %parallel_loop3A_2268 = arith.index_cast %parallel_loop3A_984 : i32 to index
        %parallel_loop3A_2269 = arith.constant 112 : index
        %parallel_loop3A_2270 = tpu.vector_load %arg7[%parallel_loop3A_2266, %parallel_loop3A_2267, %parallel_loop3A_2268, %parallel_loop3A_2269] {strides = array<i32>} : memref<2x8x40x128xf32, #tpu.memory_space<vmem>>, vector<1x1x1x16xf32>,
        %parallel_loop3A_2271 = vector.shape_cast %parallel_loop3A_2270 : vector<1x1x1x16xf32> to vector<16xf32>
        %parallel_loop3A_2272 = arith.constant 11.3137083 : f32
        %parallel_loop3A_2273 = vector.broadcast %parallel_loop3A_2272 : f32 to vector<16xf32>
        %parallel_loop3A_2274 = arith.mulf %parallel_loop3A_2271, %parallel_loop3A_2273 : vector<16xf32>
        %parallel_loop3A_2275 = arith.addf %parallel_loop3A_2274, %parallel_loop3A_2200 : vector<16xf32>
        %parallel_loop3A_2276 = arith.constant 0 : i32
        %parallel_loop3A_2277 = arith.constant 3 : i32
        %parallel_loop3A_2278 = arith.index_cast %parallel_loop3A_2276 : i32 to index
        %parallel_loop3A_2279 = arith.index_cast %parallel_loop3A_2277 : i32 to index
        %parallel_loop3A_2280 = arith.index_cast %parallel_loop3A_984 : i32 to index
        %parallel_loop3A_2281 = arith.constant 112 : index
        %parallel_loop3A_2282 = tpu.vector_load %arg7[%parallel_loop3A_2278, %parallel_loop3A_2279, %parallel_loop3A_2280, %parallel_loop3A_2281] {strides = array<i32>} : memref<2x8x40x128xf32, #tpu.memory_space<vmem>>, vector<1x1x1x16xf32>,
        %parallel_loop3A_2283 = vector.shape_cast %parallel_loop3A_2282 : vector<1x1x1x16xf32> to vector<16xf32>
        %parallel_loop3A_2284 = vector.shape_cast %parallel_loop3A_2275 : vector<16xf32> to vector<1x1x1x16xf32>
        tpu.vector_store %arg7[%parallel_loop3A_2278, %parallel_loop3A_2279, %parallel_loop3A_2280, %parallel_loop3A_2281], %parallel_loop3A_2284 {strides = array<i32>} : memref<2x8x40x128xf32, #tpu.memory_space<vmem>>, vector<1x1x1x16xf32>,
        %parallel_loop3A_2285 = arith.constant 0 : i32
        %parallel_loop3A_2286 = arith.constant 4 : i32
        %parallel_loop3A_2287 = arith.index_cast %parallel_loop3A_2285 : i32 to index
        %parallel_loop3A_2288 = arith.index_cast %parallel_loop3A_2286 : i32 to index
        %parallel_loop3A_2289 = arith.index_cast %parallel_loop3A_984 : i32 to index
        %parallel_loop3A_2290 = arith.constant 112 : index
        %parallel_loop3A_2291 = tpu.vector_load %arg7[%parallel_loop3A_2287, %parallel_loop3A_2288, %parallel_loop3A_2289, %parallel_loop3A_2290] {strides = array<i32>} : memref<2x8x40x128xf32, #tpu.memory_space<vmem>>, vector<1x1x1x16xf32>,
        %parallel_loop3A_2292 = vector.shape_cast %parallel_loop3A_2291 : vector<1x1x1x16xf32> to vector<16xf32>
        %parallel_loop3A_2293 = arith.constant 11.3137083 : f32
        %parallel_loop3A_2294 = vector.broadcast %parallel_loop3A_2293 : f32 to vector<16xf32>
        %parallel_loop3A_2295 = arith.mulf %parallel_loop3A_2292, %parallel_loop3A_2294 : vector<16xf32>
        %parallel_loop3A_2296 = arith.addf %parallel_loop3A_2295, %parallel_loop3A_2200 : vector<16xf32>
        %parallel_loop3A_2297 = arith.constant 0 : i32
        %parallel_loop3A_2298 = arith.constant 4 : i32
        %parallel_loop3A_2299 = arith.index_cast %parallel_loop3A_2297 : i32 to index
        %parallel_loop3A_2300 = arith.index_cast %parallel_loop3A_2298 : i32 to index
        %parallel_loop3A_2301 = arith.index_cast %parallel_loop3A_984 : i32 to index
        %parallel_loop3A_2302 = arith.constant 112 : index
        %parallel_loop3A_2303 = tpu.vector_load %arg7[%parallel_loop3A_2299, %parallel_loop3A_2300, %parallel_loop3A_2301, %parallel_loop3A_2302] {strides = array<i32>} : memref<2x8x40x128xf32, #tpu.memory_space<vmem>>, vector<1x1x1x16xf32>,
        %parallel_loop3A_2304 = vector.shape_cast %parallel_loop3A_2303 : vector<1x1x1x16xf32> to vector<16xf32>
        %parallel_loop3A_2305 = vector.shape_cast %parallel_loop3A_2296 : vector<16xf32> to vector<1x1x1x16xf32>
        tpu.vector_store %arg7[%parallel_loop3A_2299, %parallel_loop3A_2300, %parallel_loop3A_2301, %parallel_loop3A_2302], %parallel_loop3A_2305 {strides = array<i32>} : memref<2x8x40x128xf32, #tpu.memory_space<vmem>>, vector<1x1x1x16xf32>,
        %parallel_loop3A_2306 = arith.constant 0 : i32
        %parallel_loop3A_2307 = arith.constant 5 : i32
        %parallel_loop3A_2308 = arith.index_cast %parallel_loop3A_2306 : i32 to index
        %parallel_loop3A_2309 = arith.index_cast %parallel_loop3A_2307 : i32 to index
        %parallel_loop3A_2310 = arith.index_cast %parallel_loop3A_984 : i32 to index
        %parallel_loop3A_2311 = arith.constant 112 : index
        %parallel_loop3A_2312 = tpu.vector_load %arg7[%parallel_loop3A_2308, %parallel_loop3A_2309, %parallel_loop3A_2310, %parallel_loop3A_2311] {strides = array<i32>} : memref<2x8x40x128xf32, #tpu.memory_space<vmem>>, vector<1x1x1x16xf32>,
        %parallel_loop3A_2313 = vector.shape_cast %parallel_loop3A_2312 : vector<1x1x1x16xf32> to vector<16xf32>
        %parallel_loop3A_2314 = arith.constant 11.3137083 : f32
        %parallel_loop3A_2315 = vector.broadcast %parallel_loop3A_2314 : f32 to vector<16xf32>
        %parallel_loop3A_2316 = arith.mulf %parallel_loop3A_2313, %parallel_loop3A_2315 : vector<16xf32>
        %parallel_loop3A_2317 = arith.addf %parallel_loop3A_2316, %parallel_loop3A_2200 : vector<16xf32>
        %parallel_loop3A_2318 = arith.constant 0 : i32
        %parallel_loop3A_2319 = arith.constant 5 : i32
        %parallel_loop3A_2320 = arith.index_cast %parallel_loop3A_2318 : i32 to index
        %parallel_loop3A_2321 = arith.index_cast %parallel_loop3A_2319 : i32 to index
        %parallel_loop3A_2322 = arith.index_cast %parallel_loop3A_984 : i32 to index
        %parallel_loop3A_2323 = arith.constant 112 : index
        %parallel_loop3A_2324 = tpu.vector_load %arg7[%parallel_loop3A_2320, %parallel_loop3A_2321, %parallel_loop3A_2322, %parallel_loop3A_2323] {strides = array<i32>} : memref<2x8x40x128xf32, #tpu.memory_space<vmem>>, vector<1x1x1x16xf32>,
        %parallel_loop3A_2325 = vector.shape_cast %parallel_loop3A_2324 : vector<1x1x1x16xf32> to vector<16xf32>
        %parallel_loop3A_2326 = vector.shape_cast %parallel_loop3A_2317 : vector<16xf32> to vector<1x1x1x16xf32>
        tpu.vector_store %arg7[%parallel_loop3A_2320, %parallel_loop3A_2321, %parallel_loop3A_2322, %parallel_loop3A_2323], %parallel_loop3A_2326 {strides = array<i32>} : memref<2x8x40x128xf32, #tpu.memory_space<vmem>>, vector<1x1x1x16xf32>,
        %parallel_loop3A_2327 = arith.constant 0 : i32
        %parallel_loop3A_2328 = arith.constant 6 : i32
        %parallel_loop3A_2329 = arith.index_cast %parallel_loop3A_2327 : i32 to index
        %parallel_loop3A_2330 = arith.index_cast %parallel_loop3A_2328 : i32 to index
        %parallel_loop3A_2331 = arith.index_cast %parallel_loop3A_984 : i32 to index
        %parallel_loop3A_2332 = arith.constant 112 : index
        %parallel_loop3A_2333 = tpu.vector_load %arg7[%parallel_loop3A_2329, %parallel_loop3A_2330, %parallel_loop3A_2331, %parallel_loop3A_2332] {strides = array<i32>} : memref<2x8x40x128xf32, #tpu.memory_space<vmem>>, vector<1x1x1x16xf32>,
        %parallel_loop3A_2334 = vector.shape_cast %parallel_loop3A_2333 : vector<1x1x1x16xf32> to vector<16xf32>
        %parallel_loop3A_2335 = arith.constant 11.3137083 : f32
        %parallel_loop3A_2336 = vector.broadcast %parallel_loop3A_2335 : f32 to vector<16xf32>
        %parallel_loop3A_2337 = arith.mulf %parallel_loop3A_2334, %parallel_loop3A_2336 : vector<16xf32>
        %parallel_loop3A_2338 = arith.addf %parallel_loop3A_2337, %parallel_loop3A_2200 : vector<16xf32>
        %parallel_loop3A_2339 = arith.constant 0 : i32
        %parallel_loop3A_2340 = arith.constant 6 : i32
        %parallel_loop3A_2341 = arith.index_cast %parallel_loop3A_2339 : i32 to index
        %parallel_loop3A_2342 = arith.index_cast %parallel_loop3A_2340 : i32 to index
        %parallel_loop3A_2343 = arith.index_cast %parallel_loop3A_984 : i32 to index
        %parallel_loop3A_2344 = arith.constant 112 : index
        %parallel_loop3A_2345 = tpu.vector_load %arg7[%parallel_loop3A_2341, %parallel_loop3A_2342, %parallel_loop3A_2343, %parallel_loop3A_2344] {strides = array<i32>} : memref<2x8x40x128xf32, #tpu.memory_space<vmem>>, vector<1x1x1x16xf32>,
        %parallel_loop3A_2346 = vector.shape_cast %parallel_loop3A_2345 : vector<1x1x1x16xf32> to vector<16xf32>
        %parallel_loop3A_2347 = vector.shape_cast %parallel_loop3A_2338 : vector<16xf32> to vector<1x1x1x16xf32>
        tpu.vector_store %arg7[%parallel_loop3A_2341, %parallel_loop3A_2342, %parallel_loop3A_2343, %parallel_loop3A_2344], %parallel_loop3A_2347 {strides = array<i32>} : memref<2x8x40x128xf32, #tpu.memory_space<vmem>>, vector<1x1x1x16xf32>,
        %parallel_loop3A_2348 = arith.constant 0 : i32
        %parallel_loop3A_2349 = arith.constant 7 : i32
        %parallel_loop3A_2350 = arith.index_cast %parallel_loop3A_2348 : i32 to index
        %parallel_loop3A_2351 = arith.index_cast %parallel_loop3A_2349 : i32 to index
        %parallel_loop3A_2352 = arith.index_cast %parallel_loop3A_984 : i32 to index
        %parallel_loop3A_2353 = arith.constant 112 : index
        %parallel_loop3A_2354 = tpu.vector_load %arg7[%parallel_loop3A_2350, %parallel_loop3A_2351, %parallel_loop3A_2352, %parallel_loop3A_2353] {strides = array<i32>} : memref<2x8x40x128xf32, #tpu.memory_space<vmem>>, vector<1x1x1x16xf32>,
        %parallel_loop3A_2355 = vector.shape_cast %parallel_loop3A_2354 : vector<1x1x1x16xf32> to vector<16xf32>
        %parallel_loop3A_2356 = arith.constant 11.3137083 : f32
        %parallel_loop3A_2357 = vector.broadcast %parallel_loop3A_2356 : f32 to vector<16xf32>
        %parallel_loop3A_2358 = arith.mulf %parallel_loop3A_2355, %parallel_loop3A_2357 : vector<16xf32>
        %parallel_loop3A_2359 = arith.addf %parallel_loop3A_2358, %parallel_loop3A_2200 : vector<16xf32>
        %parallel_loop3A_2360 = arith.constant 0 : i32
        %parallel_loop3A_2361 = arith.constant 7 : i32
        %parallel_loop3A_2362 = arith.index_cast %parallel_loop3A_2360 : i32 to index
        %parallel_loop3A_2363 = arith.index_cast %parallel_loop3A_2361 : i32 to index
        %parallel_loop3A_2364 = arith.index_cast %parallel_loop3A_984 : i32 to index
        %parallel_loop3A_2365 = arith.constant 112 : index
        %parallel_loop3A_2366 = tpu.vector_load %arg7[%parallel_loop3A_2362, %parallel_loop3A_2363, %parallel_loop3A_2364, %parallel_loop3A_2365] {strides = array<i32>} : memref<2x8x40x128xf32, #tpu.memory_space<vmem>>, vector<1x1x1x16xf32>,
        %parallel_loop3A_2367 = vector.shape_cast %parallel_loop3A_2366 : vector<1x1x1x16xf32> to vector<16xf32>
        %parallel_loop3A_2368 = vector.shape_cast %parallel_loop3A_2359 : vector<16xf32> to vector<1x1x1x16xf32>
        tpu.vector_store %arg7[%parallel_loop3A_2362, %parallel_loop3A_2363, %parallel_loop3A_2364, %parallel_loop3A_2365], %parallel_loop3A_2368 {strides = array<i32>} : memref<2x8x40x128xf32, #tpu.memory_space<vmem>>, vector<1x1x1x16xf32>,
      } {sc.loop_unroll_factor = 2 : i64, sc.parallel_access}
      %jit3A_521 = arith.constant 5 : i32
      %div3A_522 = arith.divsi %add3A_169, %jit3A_521 : i32
      %sign3A_523 = arith.constant 0 : i32
      %sign3A_524 = arith.cmpi sgt, %add3A_169, %sign3A_523 : i32
      %sign3A_525 = arith.extui %sign3A_524 : i1 to i32
      %sign3A_526 = arith.constant 0 : i32
      %sign3A_527 = arith.cmpi slt, %add3A_169, %sign3A_526 : i32
      %sign3A_528 = arith.extui %sign3A_527 : i1 to i32
      %sign3A_529 = arith.subi %sign3A_525, %sign3A_528 : i32
      %sign3A_530 = arith.constant 0 : i32
      %sign3A_531 = arith.cmpi sgt, %jit3A_521, %sign3A_530 : i32
      %sign3A_532 = arith.extui %sign3A_531 : i1 to i32
      %sign3A_533 = arith.constant 0 : i32
      %sign3A_534 = arith.cmpi slt, %jit3A_521, %sign3A_533 : i32
      %sign3A_535 = arith.extui %sign3A_534 : i1 to i32
      %sign3A_536 = arith.subi %sign3A_532, %sign3A_535 : i32
      %ne3A_537 = arith.cmpi ne, %sign3A_529, %sign3A_536 : i32
      %rem3A_538 = arith.remsi %add3A_169, %jit3A_521 : i32
      %ne3A_539 = arith.constant 0 : i32
      %ne3A_540 = arith.cmpi ne, %rem3A_538, %ne3A_539 : i32
      %and3A_541 = arith.andi %ne3A_537, %ne3A_540 : i1
      %sub3A_542 = arith.constant 1 : i32
      %sub3A_543 = arith.subi %div3A_522, %sub3A_542 : i32
      %select_n3A_544 = arith.select %and3A_541, %sub3A_543, %div3A_522 : i32
      %rem3A_545 = arith.constant 5 : i32
      %rem3A_546 = arith.remsi %add3A_169, %rem3A_545 : i32
      %mul3A_547 = arith.constant 32 : i32
      %mul3A_548 = arith.muli %add3A, %mul3A_547 : i32
      %mul3A_549 = arith.constant 8 : i32
      %mul3A_550 = arith.muli %select_n3A_544, %mul3A_549 : i32
      %add3A_551 = arith.addi %mul3A_548, %mul3A_550 : i32
      %mul3A_552 = arith.constant 40 : i32
      %mul3A_553 = arith.muli %rem3A_546, %mul3A_552 : i32
      %dma_start3A_554 = arith.constant 0 : i32
      %dma_start3A_555 = arith.constant 0 : i32
      %dma_start3A_556 = arith.constant 0 : i32
      %dma_start3A_557 = arith.constant 0 : i32
      %dma_start3A_558 = tpu.memref_slice %arg7[%dma_start3A_554, %dma_start3A_555, %dma_start3A_556, %dma_start3A_557] : memref<2x8x40x128xf32, #tpu.memory_space<vmem>> -> memref<1x8x40x128xf32, #tpu.memory_space<vmem>>
      %dma_start3A_559 = tpu.memref_squeeze %dma_start3A_558 : memref<1x8x40x128xf32, #tpu.memory_space<vmem>> -> memref<8x40x128xf32, #tpu.memory_space<vmem>>
      %dma_start3A_560 = arith.constant 0 : i32
      %dma_start3A_561 = tpu.memref_slice %arg5[%add3A_551, %mul3A_553, %dma_start3A_560] : memref<1024x200x128xf32, #tpu.memory_space<hbm>> -> memref<8x40x128xf32, #tpu.memory_space<hbm>>
      %dma_start3A_562 = arith.constant 0 : i32
      %dma_start3A_563 = tpu.memref_slice %arg5[%add3A_551, %mul3A_553, %dma_start3A_562] : memref<1024x200x128xf32, #tpu.memory_space<hbm>> -> memref<8x40x128xf32, #tpu.memory_space<hbm>>
      %dma_start3A_564 = arith.constant 0 : i32
      %dma_start3A_565 = arith.constant 0 : i32
      %dma_start3A_566 = arith.constant 0 : i32
      %dma_start3A_567 = tpu.memref_slice %arg7[%dma_start3A_554, %dma_start3A_564, %dma_start3A_565, %dma_start3A_566] : memref<2x8x40x128xf32, #tpu.memory_space<vmem>> -> memref<1x8x40x128xf32, #tpu.memory_space<vmem>>
      %dma_start3A_568 = tpu.memref_squeeze %dma_start3A_567 : memref<1x8x40x128xf32, #tpu.memory_space<vmem>> -> memref<8x40x128xf32, #tpu.memory_space<vmem>>
      tpu.enqueue_dma source(%dma_start3A_568 : memref<8x40x128xf32, #tpu.memory_space<vmem>>) target(%dma_start3A_563 : memref<8x40x128xf32, #tpu.memory_space<hbm>>) target_semaphore(%arg11 : memref<!tpu.dma_semaphore, #tpu.memory_space<semaphore_mem>>)
      %mul3A_569 = arith.constant 2 : i32
      %mul3A_570 = arith.muli %scan3A_165, %mul3A_569 : i32
      %add3A_571 = arith.constant 1 : i32
      %add3A_572 = arith.addi %mul3A_570, %add3A_571 : i32
      %ge3A_573 = arith.constant 1 : i32
      %ge3A_574 = arith.cmpi sge, %add3A_572, %ge3A_573 : i32
      %convert_element_type3A_575 = arith.extui %ge3A_574 : i1 to i32
      %cond3A_576 = arith.constant 0 : i32
      %cond3A_577 = arith.cmpi ne, %convert_element_type3A_575, %cond3A_576 : i32
      scf.if %cond3A_577 {
        %sub3A_984 = arith.constant 1 : i32
        %sub3A_985 = arith.subi %add3A_572, %sub3A_984 : i32
        %jit3A_986 = arith.constant 5 : i32
        %div3A_987 = arith.divsi %sub3A_985, %jit3A_986 : i32
        %sign3A_988 = arith.constant 0 : i32
        %sign3A_989 = arith.cmpi sgt, %sub3A_985, %sign3A_988 : i32
        %sign3A_990 = arith.extui %sign3A_989 : i1 to i32
        %sign3A_991 = arith.constant 0 : i32
        %sign3A_992 = arith.cmpi slt, %sub3A_985, %sign3A_991 : i32
        %sign3A_993 = arith.extui %sign3A_992 : i1 to i32
        %sign3A_994 = arith.subi %sign3A_990, %sign3A_993 : i32
        %sign3A_995 = arith.constant 0 : i32
        %sign3A_996 = arith.cmpi sgt, %jit3A_986, %sign3A_995 : i32
        %sign3A_997 = arith.extui %sign3A_996 : i1 to i32
        %sign3A_998 = arith.constant 0 : i32
        %sign3A_999 = arith.cmpi slt, %jit3A_986, %sign3A_998 : i32
        %sign3A_1000 = arith.extui %sign3A_999 : i1 to i32
        %sign3A_1001 = arith.subi %sign3A_997, %sign3A_1000 : i32
        %ne3A_1002 = arith.cmpi ne, %sign3A_994, %sign3A_1001 : i32
        %rem3A_1003 = arith.remsi %sub3A_985, %jit3A_986 : i32
        %ne3A_1004 = arith.constant 0 : i32
        %ne3A_1005 = arith.cmpi ne, %rem3A_1003, %ne3A_1004 : i32
        %and3A_1006 = arith.andi %ne3A_1002, %ne3A_1005 : i1
        %sub3A_1007 = arith.constant 1 : i32
        %sub3A_1008 = arith.subi %div3A_987, %sub3A_1007 : i32
        %select_n3A_1009 = arith.select %and3A_1006, %sub3A_1008, %div3A_987 : i32
        %rem3A_1010 = arith.constant 5 : i32
        %rem3A_1011 = arith.remsi %sub3A_985, %rem3A_1010 : i32
        %mul3A_1012 = arith.constant 32 : i32
        %mul3A_1013 = arith.muli %add3A, %mul3A_1012 : i32
        %mul3A_1014 = arith.constant 8 : i32
        %mul3A_1015 = arith.muli %select_n3A_1009, %mul3A_1014 : i32
        %add3A_1016 = arith.addi %mul3A_1013, %mul3A_1015 : i32
        %mul3A_1017 = arith.constant 40 : i32
        %mul3A_1018 = arith.muli %rem3A_1011, %mul3A_1017 : i32
        %dma_wait3A_1019 = arith.constant 0 : i32
        %dma_wait3A_1020 = arith.constant 0 : i32
        %dma_wait3A_1021 = arith.constant 0 : i32
        %dma_wait3A_1022 = arith.constant 0 : i32
        %dma_wait3A_1023 = tpu.memref_slice %arg7[%dma_wait3A_1019, %dma_wait3A_1020, %dma_wait3A_1021, %dma_wait3A_1022] : memref<2x8x40x128xf32, #tpu.memory_space<vmem>> -> memref<1x8x40x128xf32, #tpu.memory_space<vmem>>
        %dma_wait3A_1024 = tpu.memref_squeeze %dma_wait3A_1023 : memref<1x8x40x128xf32, #tpu.memory_space<vmem>> -> memref<8x40x128xf32, #tpu.memory_space<vmem>>
        %dma_wait3A_1025 = arith.constant 0 : i32
        %dma_wait3A_1026 = tpu.memref_slice %arg5[%add3A_1016, %mul3A_1018, %dma_wait3A_1025] : memref<1024x200x128xf32, #tpu.memory_space<hbm>> -> memref<8x40x128xf32, #tpu.memory_space<hbm>>
        %dma_wait3A_1027 = arith.constant 0 : i32
        %dma_wait3A_1028 = tpu.memref_slice %arg5[%add3A_1016, %mul3A_1018, %dma_wait3A_1027] : memref<1024x200x128xf32, #tpu.memory_space<hbm>> -> memref<8x40x128xf32, #tpu.memory_space<hbm>>
        %dma_wait3A_1029 = arith.constant 0 : i32
        %dma_wait3A_1030 = arith.constant 0 : i32
        %dma_wait3A_1031 = arith.constant 0 : i32
        %dma_wait3A_1032 = tpu.memref_slice %arg7[%dma_wait3A_1019, %dma_wait3A_1029, %dma_wait3A_1030, %dma_wait3A_1031] : memref<2x8x40x128xf32, #tpu.memory_space<vmem>> -> memref<1x8x40x128xf32, #tpu.memory_space<vmem>>
        %dma_wait3A_1033 = tpu.memref_squeeze %dma_wait3A_1032 : memref<1x8x40x128xf32, #tpu.memory_space<vmem>> -> memref<8x40x128xf32, #tpu.memory_space<vmem>>
        tpu.wait_dma2 semaphore(%arg11 : memref<!tpu.dma_semaphore, #tpu.memory_space<semaphore_mem>>) src(%dma_wait3A_1033 : memref<8x40x128xf32, #tpu.memory_space<vmem>>) dst(%dma_wait3A_1028 : memref<8x40x128xf32, #tpu.memory_space<hbm>>)
      } else {
      }
      %add3A_578 = arith.constant 1 : i32
      %add3A_579 = arith.addi %add3A_572, %add3A_578 : i32
      %lt3A_580 = arith.constant 20 : i32
      %lt3A_581 = arith.cmpi slt, %add3A_579, %lt3A_580 : i32
      %convert_element_type3A_582 = arith.extui %lt3A_581 : i1 to i32
      %cond3A_583 = arith.constant 0 : i32
      %cond3A_584 = arith.cmpi ne, %convert_element_type3A_582, %cond3A_583 : i32
      scf.if %cond3A_584 {
        %add3A_984 = arith.constant 1 : i32
        %add3A_985 = arith.addi %add3A_572, %add3A_984 : i32
        %jit3A_986 = arith.constant 5 : i32
        %div3A_987 = arith.divsi %add3A_985, %jit3A_986 : i32
        %sign3A_988 = arith.constant 0 : i32
        %sign3A_989 = arith.cmpi sgt, %add3A_985, %sign3A_988 : i32
        %sign3A_990 = arith.extui %sign3A_989 : i1 to i32
        %sign3A_991 = arith.constant 0 : i32
        %sign3A_992 = arith.cmpi slt, %add3A_985, %sign3A_991 : i32
        %sign3A_993 = arith.extui %sign3A_992 : i1 to i32
        %sign3A_994 = arith.subi %sign3A_990, %sign3A_993 : i32
        %sign3A_995 = arith.constant 0 : i32
        %sign3A_996 = arith.cmpi sgt, %jit3A_986, %sign3A_995 : i32
        %sign3A_997 = arith.extui %sign3A_996 : i1 to i32
        %sign3A_998 = arith.constant 0 : i32
        %sign3A_999 = arith.cmpi slt, %jit3A_986, %sign3A_998 : i32
        %sign3A_1000 = arith.extui %sign3A_999 : i1 to i32
        %sign3A_1001 = arith.subi %sign3A_997, %sign3A_1000 : i32
        %ne3A_1002 = arith.cmpi ne, %sign3A_994, %sign3A_1001 : i32
        %rem3A_1003 = arith.remsi %add3A_985, %jit3A_986 : i32
        %ne3A_1004 = arith.constant 0 : i32
        %ne3A_1005 = arith.cmpi ne, %rem3A_1003, %ne3A_1004 : i32
        %and3A_1006 = arith.andi %ne3A_1002, %ne3A_1005 : i1
        %sub3A_1007 = arith.constant 1 : i32
        %sub3A_1008 = arith.subi %div3A_987, %sub3A_1007 : i32
        %select_n3A_1009 = arith.select %and3A_1006, %sub3A_1008, %div3A_987 : i32
        %rem3A_1010 = arith.constant 5 : i32
        %rem3A_1011 = arith.remsi %add3A_985, %rem3A_1010 : i32
        %mul3A_1012 = arith.constant 1600 : i32
        %mul3A_1013 = arith.muli %select_n3A_1009, %mul3A_1012 : i32
        %add3A_1014 = arith.constant 0 : i32
        %add3A_1015 = arith.addi %mul3A_1013, %add3A_1014 : i32
        %mul3A_1016 = arith.constant 40 : i32
        %mul3A_1017 = arith.muli %rem3A_1011, %mul3A_1016 : i32
        %add3A_1018 = arith.addi %add3A_1015, %mul3A_1017 : i32
        %dma_start3A_1019 = arith.constant 0 : i32
        %dma_start3A_1020 = arith.constant 0 : i32
        %dma_start3A_1021 = arith.constant 0 : i32
        %dma_start3A_1022 = arith.constant 0 : i32
        %dma_start3A_1023 = tpu.memref_slice %arg7[%dma_start3A_1019, %dma_start3A_1020, %dma_start3A_1021, %dma_start3A_1022] : memref<2x8x40x128xf32, #tpu.memory_space<vmem>> -> memref<1x1x40x128xf32, #tpu.memory_space<vmem>>
        %dma_start3A_1024 = tpu.memref_squeeze %dma_start3A_1023 : memref<1x1x40x128xf32, #tpu.memory_space<vmem>> -> memref<40x128xf32, #tpu.memory_space<vmem>>
        %dma_start3A_1025 = tpu.memref_slice %arg6[%add3A_1018] : memref<6400xi32, #tpu.memory_space<vmem>> -> memref<40xi32, #tpu.memory_space<vmem>>
        %dma_start3A_1026 = arith.constant 0 : i32
        %dma_start3A_1027 = arith.constant 0 : i32
        %dma_start3A_1028 = tpu.memref_slice %arg2[%dma_start3A_1026, %dma_start3A_1027] : memref<1000000x128xf32, #tpu.memory_space<hbm>> -> memref<1000000x128xf32, #tpu.memory_space<hbm>>
        tpu.enqueue_indirect_dma source(%dma_start3A_1028 : memref<1000000x128xf32, #tpu.memory_space<hbm>>) target(%dma_start3A_1024 : memref<40x128xf32, #tpu.memory_space<vmem>>) offsets(%dma_start3A_1025 : memref<40xi32, #tpu.memory_space<vmem>>) semaphore(%arg9 : memref<!tpu.dma_semaphore, #tpu.memory_space<semaphore_mem>>)
        %jit3A_1029 = arith.constant 5 : i32
        %div3A_1030 = arith.divsi %add3A_985, %jit3A_1029 : i32
        %sign3A_1031 = arith.constant 0 : i32
        %sign3A_1032 = arith.cmpi sgt, %add3A_985, %sign3A_1031 : i32
        %sign3A_1033 = arith.extui %sign3A_1032 : i1 to i32
        %sign3A_1034 = arith.constant 0 : i32
        %sign3A_1035 = arith.cmpi slt, %add3A_985, %sign3A_1034 : i32
        %sign3A_1036 = arith.extui %sign3A_1035 : i1 to i32
        %sign3A_1037 = arith.subi %sign3A_1033, %sign3A_1036 : i32
        %sign3A_1038 = arith.constant 0 : i32
        %sign3A_1039 = arith.cmpi sgt, %jit3A_1029, %sign3A_1038 : i32
        %sign3A_1040 = arith.extui %sign3A_1039 : i1 to i32
        %sign3A_1041 = arith.constant 0 : i32
        %sign3A_1042 = arith.cmpi slt, %jit3A_1029, %sign3A_1041 : i32
        %sign3A_1043 = arith.extui %sign3A_1042 : i1 to i32
        %sign3A_1044 = arith.subi %sign3A_1040, %sign3A_1043 : i32
        %ne3A_1045 = arith.cmpi ne, %sign3A_1037, %sign3A_1044 : i32
        %rem3A_1046 = arith.remsi %add3A_985, %jit3A_1029 : i32
        %ne3A_1047 = arith.constant 0 : i32
        %ne3A_1048 = arith.cmpi ne, %rem3A_1046, %ne3A_1047 : i32
        %and3A_1049 = arith.andi %ne3A_1045, %ne3A_1048 : i1
        %sub3A_1050 = arith.constant 1 : i32
        %sub3A_1051 = arith.subi %div3A_1030, %sub3A_1050 : i32
        %select_n3A_1052 = arith.select %and3A_1049, %sub3A_1051, %div3A_1030 : i32
        %rem3A_1053 = arith.constant 5 : i32
        %rem3A_1054 = arith.remsi %add3A_985, %rem3A_1053 : i32
        %mul3A_1055 = arith.constant 1600 : i32
        %mul3A_1056 = arith.muli %select_n3A_1052, %mul3A_1055 : i32
        %add3A_1057 = arith.constant 200 : i32
        %add3A_1058 = arith.addi %mul3A_1056, %add3A_1057 : i32
        %mul3A_1059 = arith.constant 40 : i32
        %mul3A_1060 = arith.muli %rem3A_1054, %mul3A_1059 : i32
        %add3A_1061 = arith.addi %add3A_1058, %mul3A_1060 : i32
        %dma_start3A_1062 = arith.constant 0 : i32
        %dma_start3A_1063 = arith.constant 1 : i32
        %dma_start3A_1064 = arith.constant 0 : i32
        %dma_start3A_1065 = arith.constant 0 : i32
        %dma_start3A_1066 = tpu.memref_slice %arg7[%dma_start3A_1062, %dma_start3A_1063, %dma_start3A_1064, %dma_start3A_1065] : memref<2x8x40x128xf32, #tpu.memory_space<vmem>> -> memref<1x1x40x128xf32, #tpu.memory_space<vmem>>
        %dma_start3A_1067 = tpu.memref_squeeze %dma_start3A_1066 : memref<1x1x40x128xf32, #tpu.memory_space<vmem>> -> memref<40x128xf32, #tpu.memory_space<vmem>>
        %dma_start3A_1068 = tpu.memref_slice %arg6[%add3A_1061] : memref<6400xi32, #tpu.memory_space<vmem>> -> memref<40xi32, #tpu.memory_space<vmem>>
        %dma_start3A_1069 = arith.constant 0 : i32
        %dma_start3A_1070 = arith.constant 0 : i32
        %dma_start3A_1071 = tpu.memref_slice %arg2[%dma_start3A_1069, %dma_start3A_1070] : memref<1000000x128xf32, #tpu.memory_space<hbm>> -> memref<1000000x128xf32, #tpu.memory_space<hbm>>
        tpu.enqueue_indirect_dma source(%dma_start3A_1071 : memref<1000000x128xf32, #tpu.memory_space<hbm>>) target(%dma_start3A_1067 : memref<40x128xf32, #tpu.memory_space<vmem>>) offsets(%dma_start3A_1068 : memref<40xi32, #tpu.memory_space<vmem>>) semaphore(%arg9 : memref<!tpu.dma_semaphore, #tpu.memory_space<semaphore_mem>>)
        %jit3A_1072 = arith.constant 5 : i32
        %div3A_1073 = arith.divsi %add3A_985, %jit3A_1072 : i32
        %sign3A_1074 = arith.constant 0 : i32
        %sign3A_1075 = arith.cmpi sgt, %add3A_985, %sign3A_1074 : i32
        %sign3A_1076 = arith.extui %sign3A_1075 : i1 to i32
        %sign3A_1077 = arith.constant 0 : i32
        %sign3A_1078 = arith.cmpi slt, %add3A_985, %sign3A_1077 : i32
        %sign3A_1079 = arith.extui %sign3A_1078 : i1 to i32
        %sign3A_1080 = arith.subi %sign3A_1076, %sign3A_1079 : i32
        %sign3A_1081 = arith.constant 0 : i32
        %sign3A_1082 = arith.cmpi sgt, %jit3A_1072, %sign3A_1081 : i32
        %sign3A_1083 = arith.extui %sign3A_1082 : i1 to i32
        %sign3A_1084 = arith.constant 0 : i32
        %sign3A_1085 = arith.cmpi slt, %jit3A_1072, %sign3A_1084 : i32
        %sign3A_1086 = arith.extui %sign3A_1085 : i1 to i32
        %sign3A_1087 = arith.subi %sign3A_1083, %sign3A_1086 : i32
        %ne3A_1088 = arith.cmpi ne, %sign3A_1080, %sign3A_1087 : i32
        %rem3A_1089 = arith.remsi %add3A_985, %jit3A_1072 : i32
        %ne3A_1090 = arith.constant 0 : i32
        %ne3A_1091 = arith.cmpi ne, %rem3A_1089, %ne3A_1090 : i32
        %and3A_1092 = arith.andi %ne3A_1088, %ne3A_1091 : i1
        %sub3A_1093 = arith.constant 1 : i32
        %sub3A_1094 = arith.subi %div3A_1073, %sub3A_1093 : i32
        %select_n3A_1095 = arith.select %and3A_1092, %sub3A_1094, %div3A_1073 : i32
        %rem3A_1096 = arith.constant 5 : i32
        %rem3A_1097 = arith.remsi %add3A_985, %rem3A_1096 : i32
        %mul3A_1098 = arith.constant 1600 : i32
        %mul3A_1099 = arith.muli %select_n3A_1095, %mul3A_1098 : i32
        %add3A_1100 = arith.constant 400 : i32
        %add3A_1101 = arith.addi %mul3A_1099, %add3A_1100 : i32
        %mul3A_1102 = arith.constant 40 : i32
        %mul3A_1103 = arith.muli %rem3A_1097, %mul3A_1102 : i32
        %add3A_1104 = arith.addi %add3A_1101, %mul3A_1103 : i32
        %dma_start3A_1105 = arith.constant 0 : i32
        %dma_start3A_1106 = arith.constant 2 : i32
        %dma_start3A_1107 = arith.constant 0 : i32
        %dma_start3A_1108 = arith.constant 0 : i32
        %dma_start3A_1109 = tpu.memref_slice %arg7[%dma_start3A_1105, %dma_start3A_1106, %dma_start3A_1107, %dma_start3A_1108] : memref<2x8x40x128xf32, #tpu.memory_space<vmem>> -> memref<1x1x40x128xf32, #tpu.memory_space<vmem>>
        %dma_start3A_1110 = tpu.memref_squeeze %dma_start3A_1109 : memref<1x1x40x128xf32, #tpu.memory_space<vmem>> -> memref<40x128xf32, #tpu.memory_space<vmem>>
        %dma_start3A_1111 = tpu.memref_slice %arg6[%add3A_1104] : memref<6400xi32, #tpu.memory_space<vmem>> -> memref<40xi32, #tpu.memory_space<vmem>>
        %dma_start3A_1112 = arith.constant 0 : i32
        %dma_start3A_1113 = arith.constant 0 : i32
        %dma_start3A_1114 = tpu.memref_slice %arg2[%dma_start3A_1112, %dma_start3A_1113] : memref<1000000x128xf32, #tpu.memory_space<hbm>> -> memref<1000000x128xf32, #tpu.memory_space<hbm>>
        tpu.enqueue_indirect_dma source(%dma_start3A_1114 : memref<1000000x128xf32, #tpu.memory_space<hbm>>) target(%dma_start3A_1110 : memref<40x128xf32, #tpu.memory_space<vmem>>) offsets(%dma_start3A_1111 : memref<40xi32, #tpu.memory_space<vmem>>) semaphore(%arg9 : memref<!tpu.dma_semaphore, #tpu.memory_space<semaphore_mem>>)
        %jit3A_1115 = arith.constant 5 : i32
        %div3A_1116 = arith.divsi %add3A_985, %jit3A_1115 : i32
        %sign3A_1117 = arith.constant 0 : i32
        %sign3A_1118 = arith.cmpi sgt, %add3A_985, %sign3A_1117 : i32
        %sign3A_1119 = arith.extui %sign3A_1118 : i1 to i32
        %sign3A_1120 = arith.constant 0 : i32
        %sign3A_1121 = arith.cmpi slt, %add3A_985, %sign3A_1120 : i32
        %sign3A_1122 = arith.extui %sign3A_1121 : i1 to i32
        %sign3A_1123 = arith.subi %sign3A_1119, %sign3A_1122 : i32
        %sign3A_1124 = arith.constant 0 : i32
        %sign3A_1125 = arith.cmpi sgt, %jit3A_1115, %sign3A_1124 : i32
        %sign3A_1126 = arith.extui %sign3A_1125 : i1 to i32
        %sign3A_1127 = arith.constant 0 : i32
        %sign3A_1128 = arith.cmpi slt, %jit3A_1115, %sign3A_1127 : i32
        %sign3A_1129 = arith.extui %sign3A_1128 : i1 to i32
        %sign3A_1130 = arith.subi %sign3A_1126, %sign3A_1129 : i32
        %ne3A_1131 = arith.cmpi ne, %sign3A_1123, %sign3A_1130 : i32
        %rem3A_1132 = arith.remsi %add3A_985, %jit3A_1115 : i32
        %ne3A_1133 = arith.constant 0 : i32
        %ne3A_1134 = arith.cmpi ne, %rem3A_1132, %ne3A_1133 : i32
        %and3A_1135 = arith.andi %ne3A_1131, %ne3A_1134 : i1
        %sub3A_1136 = arith.constant 1 : i32
        %sub3A_1137 = arith.subi %div3A_1116, %sub3A_1136 : i32
        %select_n3A_1138 = arith.select %and3A_1135, %sub3A_1137, %div3A_1116 : i32
        %rem3A_1139 = arith.constant 5 : i32
        %rem3A_1140 = arith.remsi %add3A_985, %rem3A_1139 : i32
        %mul3A_1141 = arith.constant 1600 : i32
        %mul3A_1142 = arith.muli %select_n3A_1138, %mul3A_1141 : i32
        %add3A_1143 = arith.constant 600 : i32
        %add3A_1144 = arith.addi %mul3A_1142, %add3A_1143 : i32
        %mul3A_1145 = arith.constant 40 : i32
        %mul3A_1146 = arith.muli %rem3A_1140, %mul3A_1145 : i32
        %add3A_1147 = arith.addi %add3A_1144, %mul3A_1146 : i32
        %dma_start3A_1148 = arith.constant 0 : i32
        %dma_start3A_1149 = arith.constant 3 : i32
        %dma_start3A_1150 = arith.constant 0 : i32
        %dma_start3A_1151 = arith.constant 0 : i32
        %dma_start3A_1152 = tpu.memref_slice %arg7[%dma_start3A_1148, %dma_start3A_1149, %dma_start3A_1150, %dma_start3A_1151] : memref<2x8x40x128xf32, #tpu.memory_space<vmem>> -> memref<1x1x40x128xf32, #tpu.memory_space<vmem>>
        %dma_start3A_1153 = tpu.memref_squeeze %dma_start3A_1152 : memref<1x1x40x128xf32, #tpu.memory_space<vmem>> -> memref<40x128xf32, #tpu.memory_space<vmem>>
        %dma_start3A_1154 = tpu.memref_slice %arg6[%add3A_1147] : memref<6400xi32, #tpu.memory_space<vmem>> -> memref<40xi32, #tpu.memory_space<vmem>>
        %dma_start3A_1155 = arith.constant 0 : i32
        %dma_start3A_1156 = arith.constant 0 : i32
        %dma_start3A_1157 = tpu.memref_slice %arg2[%dma_start3A_1155, %dma_start3A_1156] : memref<1000000x128xf32, #tpu.memory_space<hbm>> -> memref<1000000x128xf32, #tpu.memory_space<hbm>>
        tpu.enqueue_indirect_dma source(%dma_start3A_1157 : memref<1000000x128xf32, #tpu.memory_space<hbm>>) target(%dma_start3A_1153 : memref<40x128xf32, #tpu.memory_space<vmem>>) offsets(%dma_start3A_1154 : memref<40xi32, #tpu.memory_space<vmem>>) semaphore(%arg9 : memref<!tpu.dma_semaphore, #tpu.memory_space<semaphore_mem>>)
        %jit3A_1158 = arith.constant 5 : i32
        %div3A_1159 = arith.divsi %add3A_985, %jit3A_1158 : i32
        %sign3A_1160 = arith.constant 0 : i32
        %sign3A_1161 = arith.cmpi sgt, %add3A_985, %sign3A_1160 : i32
        %sign3A_1162 = arith.extui %sign3A_1161 : i1 to i32
        %sign3A_1163 = arith.constant 0 : i32
        %sign3A_1164 = arith.cmpi slt, %add3A_985, %sign3A_1163 : i32
        %sign3A_1165 = arith.extui %sign3A_1164 : i1 to i32
        %sign3A_1166 = arith.subi %sign3A_1162, %sign3A_1165 : i32
        %sign3A_1167 = arith.constant 0 : i32
        %sign3A_1168 = arith.cmpi sgt, %jit3A_1158, %sign3A_1167 : i32
        %sign3A_1169 = arith.extui %sign3A_1168 : i1 to i32
        %sign3A_1170 = arith.constant 0 : i32
        %sign3A_1171 = arith.cmpi slt, %jit3A_1158, %sign3A_1170 : i32
        %sign3A_1172 = arith.extui %sign3A_1171 : i1 to i32
        %sign3A_1173 = arith.subi %sign3A_1169, %sign3A_1172 : i32
        %ne3A_1174 = arith.cmpi ne, %sign3A_1166, %sign3A_1173 : i32
        %rem3A_1175 = arith.remsi %add3A_985, %jit3A_1158 : i32
        %ne3A_1176 = arith.constant 0 : i32
        %ne3A_1177 = arith.cmpi ne, %rem3A_1175, %ne3A_1176 : i32
        %and3A_1178 = arith.andi %ne3A_1174, %ne3A_1177 : i1
        %sub3A_1179 = arith.constant 1 : i32
        %sub3A_1180 = arith.subi %div3A_1159, %sub3A_1179 : i32
        %select_n3A_1181 = arith.select %and3A_1178, %sub3A_1180, %div3A_1159 : i32
        %rem3A_1182 = arith.constant 5 : i32
        %rem3A_1183 = arith.remsi %add3A_985, %rem3A_1182 : i32
        %mul3A_1184 = arith.constant 1600 : i32
        %mul3A_1185 = arith.muli %select_n3A_1181, %mul3A_1184 : i32
        %add3A_1186 = arith.constant 800 : i32
        %add3A_1187 = arith.addi %mul3A_1185, %add3A_1186 : i32
        %mul3A_1188 = arith.constant 40 : i32
        %mul3A_1189 = arith.muli %rem3A_1183, %mul3A_1188 : i32
        %add3A_1190 = arith.addi %add3A_1187, %mul3A_1189 : i32
        %dma_start3A_1191 = arith.constant 0 : i32
        %dma_start3A_1192 = arith.constant 4 : i32
        %dma_start3A_1193 = arith.constant 0 : i32
        %dma_start3A_1194 = arith.constant 0 : i32
        %dma_start3A_1195 = tpu.memref_slice %arg7[%dma_start3A_1191, %dma_start3A_1192, %dma_start3A_1193, %dma_start3A_1194] : memref<2x8x40x128xf32, #tpu.memory_space<vmem>> -> memref<1x1x40x128xf32, #tpu.memory_space<vmem>>
        %dma_start3A_1196 = tpu.memref_squeeze %dma_start3A_1195 : memref<1x1x40x128xf32, #tpu.memory_space<vmem>> -> memref<40x128xf32, #tpu.memory_space<vmem>>
        %dma_start3A_1197 = tpu.memref_slice %arg6[%add3A_1190] : memref<6400xi32, #tpu.memory_space<vmem>> -> memref<40xi32, #tpu.memory_space<vmem>>
        %dma_start3A_1198 = arith.constant 0 : i32
        %dma_start3A_1199 = arith.constant 0 : i32
        %dma_start3A_1200 = tpu.memref_slice %arg2[%dma_start3A_1198, %dma_start3A_1199] : memref<1000000x128xf32, #tpu.memory_space<hbm>> -> memref<1000000x128xf32, #tpu.memory_space<hbm>>
        tpu.enqueue_indirect_dma source(%dma_start3A_1200 : memref<1000000x128xf32, #tpu.memory_space<hbm>>) target(%dma_start3A_1196 : memref<40x128xf32, #tpu.memory_space<vmem>>) offsets(%dma_start3A_1197 : memref<40xi32, #tpu.memory_space<vmem>>) semaphore(%arg9 : memref<!tpu.dma_semaphore, #tpu.memory_space<semaphore_mem>>)
        %jit3A_1201 = arith.constant 5 : i32
        %div3A_1202 = arith.divsi %add3A_985, %jit3A_1201 : i32
        %sign3A_1203 = arith.constant 0 : i32
        %sign3A_1204 = arith.cmpi sgt, %add3A_985, %sign3A_1203 : i32
        %sign3A_1205 = arith.extui %sign3A_1204 : i1 to i32
        %sign3A_1206 = arith.constant 0 : i32
        %sign3A_1207 = arith.cmpi slt, %add3A_985, %sign3A_1206 : i32
        %sign3A_1208 = arith.extui %sign3A_1207 : i1 to i32
        %sign3A_1209 = arith.subi %sign3A_1205, %sign3A_1208 : i32
        %sign3A_1210 = arith.constant 0 : i32
        %sign3A_1211 = arith.cmpi sgt, %jit3A_1201, %sign3A_1210 : i32
        %sign3A_1212 = arith.extui %sign3A_1211 : i1 to i32
        %sign3A_1213 = arith.constant 0 : i32
        %sign3A_1214 = arith.cmpi slt, %jit3A_1201, %sign3A_1213 : i32
        %sign3A_1215 = arith.extui %sign3A_1214 : i1 to i32
        %sign3A_1216 = arith.subi %sign3A_1212, %sign3A_1215 : i32
        %ne3A_1217 = arith.cmpi ne, %sign3A_1209, %sign3A_1216 : i32
        %rem3A_1218 = arith.remsi %add3A_985, %jit3A_1201 : i32
        %ne3A_1219 = arith.constant 0 : i32
        %ne3A_1220 = arith.cmpi ne, %rem3A_1218, %ne3A_1219 : i32
        %and3A_1221 = arith.andi %ne3A_1217, %ne3A_1220 : i1
        %sub3A_1222 = arith.constant 1 : i32
        %sub3A_1223 = arith.subi %div3A_1202, %sub3A_1222 : i32
        %select_n3A_1224 = arith.select %and3A_1221, %sub3A_1223, %div3A_1202 : i32
        %rem3A_1225 = arith.constant 5 : i32
        %rem3A_1226 = arith.remsi %add3A_985, %rem3A_1225 : i32
        %mul3A_1227 = arith.constant 1600 : i32
        %mul3A_1228 = arith.muli %select_n3A_1224, %mul3A_1227 : i32
        %add3A_1229 = arith.constant 1000 : i32
        %add3A_1230 = arith.addi %mul3A_1228, %add3A_1229 : i32
        %mul3A_1231 = arith.constant 40 : i32
        %mul3A_1232 = arith.muli %rem3A_1226, %mul3A_1231 : i32
        %add3A_1233 = arith.addi %add3A_1230, %mul3A_1232 : i32
        %dma_start3A_1234 = arith.constant 0 : i32
        %dma_start3A_1235 = arith.constant 5 : i32
        %dma_start3A_1236 = arith.constant 0 : i32
        %dma_start3A_1237 = arith.constant 0 : i32
        %dma_start3A_1238 = tpu.memref_slice %arg7[%dma_start3A_1234, %dma_start3A_1235, %dma_start3A_1236, %dma_start3A_1237] : memref<2x8x40x128xf32, #tpu.memory_space<vmem>> -> memref<1x1x40x128xf32, #tpu.memory_space<vmem>>
        %dma_start3A_1239 = tpu.memref_squeeze %dma_start3A_1238 : memref<1x1x40x128xf32, #tpu.memory_space<vmem>> -> memref<40x128xf32, #tpu.memory_space<vmem>>
        %dma_start3A_1240 = tpu.memref_slice %arg6[%add3A_1233] : memref<6400xi32, #tpu.memory_space<vmem>> -> memref<40xi32, #tpu.memory_space<vmem>>
        %dma_start3A_1241 = arith.constant 0 : i32
        %dma_start3A_1242 = arith.constant 0 : i32
        %dma_start3A_1243 = tpu.memref_slice %arg2[%dma_start3A_1241, %dma_start3A_1242] : memref<1000000x128xf32, #tpu.memory_space<hbm>> -> memref<1000000x128xf32, #tpu.memory_space<hbm>>
        tpu.enqueue_indirect_dma source(%dma_start3A_1243 : memref<1000000x128xf32, #tpu.memory_space<hbm>>) target(%dma_start3A_1239 : memref<40x128xf32, #tpu.memory_space<vmem>>) offsets(%dma_start3A_1240 : memref<40xi32, #tpu.memory_space<vmem>>) semaphore(%arg9 : memref<!tpu.dma_semaphore, #tpu.memory_space<semaphore_mem>>)
        %jit3A_1244 = arith.constant 5 : i32
        %div3A_1245 = arith.divsi %add3A_985, %jit3A_1244 : i32
        %sign3A_1246 = arith.constant 0 : i32
        %sign3A_1247 = arith.cmpi sgt, %add3A_985, %sign3A_1246 : i32
        %sign3A_1248 = arith.extui %sign3A_1247 : i1 to i32
        %sign3A_1249 = arith.constant 0 : i32
        %sign3A_1250 = arith.cmpi slt, %add3A_985, %sign3A_1249 : i32
        %sign3A_1251 = arith.extui %sign3A_1250 : i1 to i32
        %sign3A_1252 = arith.subi %sign3A_1248, %sign3A_1251 : i32
        %sign3A_1253 = arith.constant 0 : i32
        %sign3A_1254 = arith.cmpi sgt, %jit3A_1244, %sign3A_1253 : i32
        %sign3A_1255 = arith.extui %sign3A_1254 : i1 to i32
        %sign3A_1256 = arith.constant 0 : i32
        %sign3A_1257 = arith.cmpi slt, %jit3A_1244, %sign3A_1256 : i32
        %sign3A_1258 = arith.extui %sign3A_1257 : i1 to i32
        %sign3A_1259 = arith.subi %sign3A_1255, %sign3A_1258 : i32
        %ne3A_1260 = arith.cmpi ne, %sign3A_1252, %sign3A_1259 : i32
        %rem3A_1261 = arith.remsi %add3A_985, %jit3A_1244 : i32
        %ne3A_1262 = arith.constant 0 : i32
        %ne3A_1263 = arith.cmpi ne, %rem3A_1261, %ne3A_1262 : i32
        %and3A_1264 = arith.andi %ne3A_1260, %ne3A_1263 : i1
        %sub3A_1265 = arith.constant 1 : i32
        %sub3A_1266 = arith.subi %div3A_1245, %sub3A_1265 : i32
        %select_n3A_1267 = arith.select %and3A_1264, %sub3A_1266, %div3A_1245 : i32
        %rem3A_1268 = arith.constant 5 : i32
        %rem3A_1269 = arith.remsi %add3A_985, %rem3A_1268 : i32
        %mul3A_1270 = arith.constant 1600 : i32
        %mul3A_1271 = arith.muli %select_n3A_1267, %mul3A_1270 : i32
        %add3A_1272 = arith.constant 1200 : i32
        %add3A_1273 = arith.addi %mul3A_1271, %add3A_1272 : i32
        %mul3A_1274 = arith.constant 40 : i32
        %mul3A_1275 = arith.muli %rem3A_1269, %mul3A_1274 : i32
        %add3A_1276 = arith.addi %add3A_1273, %mul3A_1275 : i32
        %dma_start3A_1277 = arith.constant 0 : i32
        %dma_start3A_1278 = arith.constant 6 : i32
        %dma_start3A_1279 = arith.constant 0 : i32
        %dma_start3A_1280 = arith.constant 0 : i32
        %dma_start3A_1281 = tpu.memref_slice %arg7[%dma_start3A_1277, %dma_start3A_1278, %dma_start3A_1279, %dma_start3A_1280] : memref<2x8x40x128xf32, #tpu.memory_space<vmem>> -> memref<1x1x40x128xf32, #tpu.memory_space<vmem>>
        %dma_start3A_1282 = tpu.memref_squeeze %dma_start3A_1281 : memref<1x1x40x128xf32, #tpu.memory_space<vmem>> -> memref<40x128xf32, #tpu.memory_space<vmem>>
        %dma_start3A_1283 = tpu.memref_slice %arg6[%add3A_1276] : memref<6400xi32, #tpu.memory_space<vmem>> -> memref<40xi32, #tpu.memory_space<vmem>>
        %dma_start3A_1284 = arith.constant 0 : i32
        %dma_start3A_1285 = arith.constant 0 : i32
        %dma_start3A_1286 = tpu.memref_slice %arg2[%dma_start3A_1284, %dma_start3A_1285] : memref<1000000x128xf32, #tpu.memory_space<hbm>> -> memref<1000000x128xf32, #tpu.memory_space<hbm>>
        tpu.enqueue_indirect_dma source(%dma_start3A_1286 : memref<1000000x128xf32, #tpu.memory_space<hbm>>) target(%dma_start3A_1282 : memref<40x128xf32, #tpu.memory_space<vmem>>) offsets(%dma_start3A_1283 : memref<40xi32, #tpu.memory_space<vmem>>) semaphore(%arg9 : memref<!tpu.dma_semaphore, #tpu.memory_space<semaphore_mem>>)
        %jit3A_1287 = arith.constant 5 : i32
        %div3A_1288 = arith.divsi %add3A_985, %jit3A_1287 : i32
        %sign3A_1289 = arith.constant 0 : i32
        %sign3A_1290 = arith.cmpi sgt, %add3A_985, %sign3A_1289 : i32
        %sign3A_1291 = arith.extui %sign3A_1290 : i1 to i32
        %sign3A_1292 = arith.constant 0 : i32
        %sign3A_1293 = arith.cmpi slt, %add3A_985, %sign3A_1292 : i32
        %sign3A_1294 = arith.extui %sign3A_1293 : i1 to i32
        %sign3A_1295 = arith.subi %sign3A_1291, %sign3A_1294 : i32
        %sign3A_1296 = arith.constant 0 : i32
        %sign3A_1297 = arith.cmpi sgt, %jit3A_1287, %sign3A_1296 : i32
        %sign3A_1298 = arith.extui %sign3A_1297 : i1 to i32
        %sign3A_1299 = arith.constant 0 : i32
        %sign3A_1300 = arith.cmpi slt, %jit3A_1287, %sign3A_1299 : i32
        %sign3A_1301 = arith.extui %sign3A_1300 : i1 to i32
        %sign3A_1302 = arith.subi %sign3A_1298, %sign3A_1301 : i32
        %ne3A_1303 = arith.cmpi ne, %sign3A_1295, %sign3A_1302 : i32
        %rem3A_1304 = arith.remsi %add3A_985, %jit3A_1287 : i32
        %ne3A_1305 = arith.constant 0 : i32
        %ne3A_1306 = arith.cmpi ne, %rem3A_1304, %ne3A_1305 : i32
        %and3A_1307 = arith.andi %ne3A_1303, %ne3A_1306 : i1
        %sub3A_1308 = arith.constant 1 : i32
        %sub3A_1309 = arith.subi %div3A_1288, %sub3A_1308 : i32
        %select_n3A_1310 = arith.select %and3A_1307, %sub3A_1309, %div3A_1288 : i32
        %rem3A_1311 = arith.constant 5 : i32
        %rem3A_1312 = arith.remsi %add3A_985, %rem3A_1311 : i32
        %mul3A_1313 = arith.constant 1600 : i32
        %mul3A_1314 = arith.muli %select_n3A_1310, %mul3A_1313 : i32
        %add3A_1315 = arith.constant 1400 : i32
        %add3A_1316 = arith.addi %mul3A_1314, %add3A_1315 : i32
        %mul3A_1317 = arith.constant 40 : i32
        %mul3A_1318 = arith.muli %rem3A_1312, %mul3A_1317 : i32
        %add3A_1319 = arith.addi %add3A_1316, %mul3A_1318 : i32
        %dma_start3A_1320 = arith.constant 0 : i32
        %dma_start3A_1321 = arith.constant 7 : i32
        %dma_start3A_1322 = arith.constant 0 : i32
        %dma_start3A_1323 = arith.constant 0 : i32
        %dma_start3A_1324 = tpu.memref_slice %arg7[%dma_start3A_1320, %dma_start3A_1321, %dma_start3A_1322, %dma_start3A_1323] : memref<2x8x40x128xf32, #tpu.memory_space<vmem>> -> memref<1x1x40x128xf32, #tpu.memory_space<vmem>>
        %dma_start3A_1325 = tpu.memref_squeeze %dma_start3A_1324 : memref<1x1x40x128xf32, #tpu.memory_space<vmem>> -> memref<40x128xf32, #tpu.memory_space<vmem>>
        %dma_start3A_1326 = tpu.memref_slice %arg6[%add3A_1319] : memref<6400xi32, #tpu.memory_space<vmem>> -> memref<40xi32, #tpu.memory_space<vmem>>
        %dma_start3A_1327 = arith.constant 0 : i32
        %dma_start3A_1328 = arith.constant 0 : i32
        %dma_start3A_1329 = tpu.memref_slice %arg2[%dma_start3A_1327, %dma_start3A_1328] : memref<1000000x128xf32, #tpu.memory_space<hbm>> -> memref<1000000x128xf32, #tpu.memory_space<hbm>>
        tpu.enqueue_indirect_dma source(%dma_start3A_1329 : memref<1000000x128xf32, #tpu.memory_space<hbm>>) target(%dma_start3A_1325 : memref<40x128xf32, #tpu.memory_space<vmem>>) offsets(%dma_start3A_1326 : memref<40xi32, #tpu.memory_space<vmem>>) semaphore(%arg9 : memref<!tpu.dma_semaphore, #tpu.memory_space<semaphore_mem>>)
      } else {
      }
      %jit3A_585 = arith.constant 5 : i32
      %div3A_586 = arith.divsi %add3A_572, %jit3A_585 : i32
      %sign3A_587 = arith.constant 0 : i32
      %sign3A_588 = arith.cmpi sgt, %add3A_572, %sign3A_587 : i32
      %sign3A_589 = arith.extui %sign3A_588 : i1 to i32
      %sign3A_590 = arith.constant 0 : i32
      %sign3A_591 = arith.cmpi slt, %add3A_572, %sign3A_590 : i32
      %sign3A_592 = arith.extui %sign3A_591 : i1 to i32
      %sign3A_593 = arith.subi %sign3A_589, %sign3A_592 : i32
      %sign3A_594 = arith.constant 0 : i32
      %sign3A_595 = arith.cmpi sgt, %jit3A_585, %sign3A_594 : i32
      %sign3A_596 = arith.extui %sign3A_595 : i1 to i32
      %sign3A_597 = arith.constant 0 : i32
      %sign3A_598 = arith.cmpi slt, %jit3A_585, %sign3A_597 : i32
      %sign3A_599 = arith.extui %sign3A_598 : i1 to i32
      %sign3A_600 = arith.subi %sign3A_596, %sign3A_599 : i32
      %ne3A_601 = arith.cmpi ne, %sign3A_593, %sign3A_600 : i32
      %rem3A_602 = arith.remsi %add3A_572, %jit3A_585 : i32
      %ne3A_603 = arith.constant 0 : i32
      %ne3A_604 = arith.cmpi ne, %rem3A_602, %ne3A_603 : i32
      %and3A_605 = arith.andi %ne3A_601, %ne3A_604 : i1
      %sub3A_606 = arith.constant 1 : i32
      %sub3A_607 = arith.subi %div3A_586, %sub3A_606 : i32
      %select_n3A_608 = arith.select %and3A_605, %sub3A_607, %div3A_586 : i32
      %rem3A_609 = arith.constant 5 : i32
      %rem3A_610 = arith.remsi %add3A_572, %rem3A_609 : i32
      %mul3A_611 = arith.constant 1600 : i32
      %mul3A_612 = arith.muli %select_n3A_608, %mul3A_611 : i32
      %add3A_613 = arith.constant 0 : i32
      %add3A_614 = arith.addi %mul3A_612, %add3A_613 : i32
      %mul3A_615 = arith.constant 40 : i32
      %mul3A_616 = arith.muli %rem3A_610, %mul3A_615 : i32
      %add3A_617 = arith.addi %add3A_614, %mul3A_616 : i32
      %dma_wait3A_618 = arith.constant 1 : i32
      %dma_wait3A_619 = arith.constant 0 : i32
      %dma_wait3A_620 = arith.constant 0 : i32
      %dma_wait3A_621 = arith.constant 0 : i32
      %dma_wait3A_622 = tpu.memref_slice %arg7[%dma_wait3A_618, %dma_wait3A_619, %dma_wait3A_620, %dma_wait3A_621] : memref<2x8x40x128xf32, #tpu.memory_space<vmem>> -> memref<1x1x40x128xf32, #tpu.memory_space<vmem>>
      %dma_wait3A_623 = tpu.memref_squeeze %dma_wait3A_622 : memref<1x1x40x128xf32, #tpu.memory_space<vmem>> -> memref<40x128xf32, #tpu.memory_space<vmem>>
      %dma_wait3A_624 = tpu.memref_slice %arg6[%add3A_617] : memref<6400xi32, #tpu.memory_space<vmem>> -> memref<40xi32, #tpu.memory_space<vmem>>
      %dma_wait3A_625 = arith.constant 0 : i32
      %dma_wait3A_626 = arith.constant 0 : i32
      %dma_wait3A_627 = tpu.memref_slice %arg2[%dma_wait3A_625, %dma_wait3A_626] : memref<1000000x128xf32, #tpu.memory_space<hbm>> -> memref<1000000x128xf32, #tpu.memory_space<hbm>>
      tpu.wait_indirect_dma semaphore(%arg10 : memref<!tpu.dma_semaphore, #tpu.memory_space<semaphore_mem>>) src(%dma_wait3A_627 : memref<1000000x128xf32, #tpu.memory_space<hbm>>) dst(%dma_wait3A_623 : memref<40x128xf32, #tpu.memory_space<vmem>>)
      %jit3A_628 = arith.constant 5 : i32
      %div3A_629 = arith.divsi %add3A_572, %jit3A_628 : i32
      %sign3A_630 = arith.constant 0 : i32
      %sign3A_631 = arith.cmpi sgt, %add3A_572, %sign3A_630 : i32
      %sign3A_632 = arith.extui %sign3A_631 : i1 to i32
      %sign3A_633 = arith.constant 0 : i32
      %sign3A_634 = arith.cmpi slt, %add3A_572, %sign3A_633 : i32
      %sign3A_635 = arith.extui %sign3A_634 : i1 to i32
      %sign3A_636 = arith.subi %sign3A_632, %sign3A_635 : i32
      %sign3A_637 = arith.constant 0 : i32
      %sign3A_638 = arith.cmpi sgt, %jit3A_628, %sign3A_637 : i32
      %sign3A_639 = arith.extui %sign3A_638 : i1 to i32
      %sign3A_640 = arith.constant 0 : i32
      %sign3A_641 = arith.cmpi slt, %jit3A_628, %sign3A_640 : i32
      %sign3A_642 = arith.extui %sign3A_641 : i1 to i32
      %sign3A_643 = arith.subi %sign3A_639, %sign3A_642 : i32
      %ne3A_644 = arith.cmpi ne, %sign3A_636, %sign3A_643 : i32
      %rem3A_645 = arith.remsi %add3A_572, %jit3A_628 : i32
      %ne3A_646 = arith.constant 0 : i32
      %ne3A_647 = arith.cmpi ne, %rem3A_645, %ne3A_646 : i32
      %and3A_648 = arith.andi %ne3A_644, %ne3A_647 : i1
      %sub3A_649 = arith.constant 1 : i32
      %sub3A_650 = arith.subi %div3A_629, %sub3A_649 : i32
      %select_n3A_651 = arith.select %and3A_648, %sub3A_650, %div3A_629 : i32
      %rem3A_652 = arith.constant 5 : i32
      %rem3A_653 = arith.remsi %add3A_572, %rem3A_652 : i32
      %mul3A_654 = arith.constant 1600 : i32
      %mul3A_655 = arith.muli %select_n3A_651, %mul3A_654 : i32
      %add3A_656 = arith.constant 200 : i32
      %add3A_657 = arith.addi %mul3A_655, %add3A_656 : i32
      %mul3A_658 = arith.constant 40 : i32
      %mul3A_659 = arith.muli %rem3A_653, %mul3A_658 : i32
      %add3A_660 = arith.addi %add3A_657, %mul3A_659 : i32
      %dma_wait3A_661 = arith.constant 1 : i32
      %dma_wait3A_662 = arith.constant 1 : i32
      %dma_wait3A_663 = arith.constant 0 : i32
      %dma_wait3A_664 = arith.constant 0 : i32
      %dma_wait3A_665 = tpu.memref_slice %arg7[%dma_wait3A_661, %dma_wait3A_662, %dma_wait3A_663, %dma_wait3A_664] : memref<2x8x40x128xf32, #tpu.memory_space<vmem>> -> memref<1x1x40x128xf32, #tpu.memory_space<vmem>>
      %dma_wait3A_666 = tpu.memref_squeeze %dma_wait3A_665 : memref<1x1x40x128xf32, #tpu.memory_space<vmem>> -> memref<40x128xf32, #tpu.memory_space<vmem>>
      %dma_wait3A_667 = tpu.memref_slice %arg6[%add3A_660] : memref<6400xi32, #tpu.memory_space<vmem>> -> memref<40xi32, #tpu.memory_space<vmem>>
      %dma_wait3A_668 = arith.constant 0 : i32
      %dma_wait3A_669 = arith.constant 0 : i32
      %dma_wait3A_670 = tpu.memref_slice %arg2[%dma_wait3A_668, %dma_wait3A_669] : memref<1000000x128xf32, #tpu.memory_space<hbm>> -> memref<1000000x128xf32, #tpu.memory_space<hbm>>
      tpu.wait_indirect_dma semaphore(%arg10 : memref<!tpu.dma_semaphore, #tpu.memory_space<semaphore_mem>>) src(%dma_wait3A_670 : memref<1000000x128xf32, #tpu.memory_space<hbm>>) dst(%dma_wait3A_666 : memref<40x128xf32, #tpu.memory_space<vmem>>)
      %jit3A_671 = arith.constant 5 : i32
      %div3A_672 = arith.divsi %add3A_572, %jit3A_671 : i32
      %sign3A_673 = arith.constant 0 : i32
      %sign3A_674 = arith.cmpi sgt, %add3A_572, %sign3A_673 : i32
      %sign3A_675 = arith.extui %sign3A_674 : i1 to i32
      %sign3A_676 = arith.constant 0 : i32
      %sign3A_677 = arith.cmpi slt, %add3A_572, %sign3A_676 : i32
      %sign3A_678 = arith.extui %sign3A_677 : i1 to i32
      %sign3A_679 = arith.subi %sign3A_675, %sign3A_678 : i32
      %sign3A_680 = arith.constant 0 : i32
      %sign3A_681 = arith.cmpi sgt, %jit3A_671, %sign3A_680 : i32
      %sign3A_682 = arith.extui %sign3A_681 : i1 to i32
      %sign3A_683 = arith.constant 0 : i32
      %sign3A_684 = arith.cmpi slt, %jit3A_671, %sign3A_683 : i32
      %sign3A_685 = arith.extui %sign3A_684 : i1 to i32
      %sign3A_686 = arith.subi %sign3A_682, %sign3A_685 : i32
      %ne3A_687 = arith.cmpi ne, %sign3A_679, %sign3A_686 : i32
      %rem3A_688 = arith.remsi %add3A_572, %jit3A_671 : i32
      %ne3A_689 = arith.constant 0 : i32
      %ne3A_690 = arith.cmpi ne, %rem3A_688, %ne3A_689 : i32
      %and3A_691 = arith.andi %ne3A_687, %ne3A_690 : i1
      %sub3A_692 = arith.constant 1 : i32
      %sub3A_693 = arith.subi %div3A_672, %sub3A_692 : i32
      %select_n3A_694 = arith.select %and3A_691, %sub3A_693, %div3A_672 : i32
      %rem3A_695 = arith.constant 5 : i32
      %rem3A_696 = arith.remsi %add3A_572, %rem3A_695 : i32
      %mul3A_697 = arith.constant 1600 : i32
      %mul3A_698 = arith.muli %select_n3A_694, %mul3A_697 : i32
      %add3A_699 = arith.constant 400 : i32
      %add3A_700 = arith.addi %mul3A_698, %add3A_699 : i32
      %mul3A_701 = arith.constant 40 : i32
      %mul3A_702 = arith.muli %rem3A_696, %mul3A_701 : i32
      %add3A_703 = arith.addi %add3A_700, %mul3A_702 : i32
      %dma_wait3A_704 = arith.constant 1 : i32
      %dma_wait3A_705 = arith.constant 2 : i32
      %dma_wait3A_706 = arith.constant 0 : i32
      %dma_wait3A_707 = arith.constant 0 : i32
      %dma_wait3A_708 = tpu.memref_slice %arg7[%dma_wait3A_704, %dma_wait3A_705, %dma_wait3A_706, %dma_wait3A_707] : memref<2x8x40x128xf32, #tpu.memory_space<vmem>> -> memref<1x1x40x128xf32, #tpu.memory_space<vmem>>
      %dma_wait3A_709 = tpu.memref_squeeze %dma_wait3A_708 : memref<1x1x40x128xf32, #tpu.memory_space<vmem>> -> memref<40x128xf32, #tpu.memory_space<vmem>>
      %dma_wait3A_710 = tpu.memref_slice %arg6[%add3A_703] : memref<6400xi32, #tpu.memory_space<vmem>> -> memref<40xi32, #tpu.memory_space<vmem>>
      %dma_wait3A_711 = arith.constant 0 : i32
      %dma_wait3A_712 = arith.constant 0 : i32
      %dma_wait3A_713 = tpu.memref_slice %arg2[%dma_wait3A_711, %dma_wait3A_712] : memref<1000000x128xf32, #tpu.memory_space<hbm>> -> memref<1000000x128xf32, #tpu.memory_space<hbm>>
      tpu.wait_indirect_dma semaphore(%arg10 : memref<!tpu.dma_semaphore, #tpu.memory_space<semaphore_mem>>) src(%dma_wait3A_713 : memref<1000000x128xf32, #tpu.memory_space<hbm>>) dst(%dma_wait3A_709 : memref<40x128xf32, #tpu.memory_space<vmem>>)
      %jit3A_714 = arith.constant 5 : i32
      %div3A_715 = arith.divsi %add3A_572, %jit3A_714 : i32
      %sign3A_716 = arith.constant 0 : i32
      %sign3A_717 = arith.cmpi sgt, %add3A_572, %sign3A_716 : i32
      %sign3A_718 = arith.extui %sign3A_717 : i1 to i32
      %sign3A_719 = arith.constant 0 : i32
      %sign3A_720 = arith.cmpi slt, %add3A_572, %sign3A_719 : i32
      %sign3A_721 = arith.extui %sign3A_720 : i1 to i32
      %sign3A_722 = arith.subi %sign3A_718, %sign3A_721 : i32
      %sign3A_723 = arith.constant 0 : i32
      %sign3A_724 = arith.cmpi sgt, %jit3A_714, %sign3A_723 : i32
      %sign3A_725 = arith.extui %sign3A_724 : i1 to i32
      %sign3A_726 = arith.constant 0 : i32
      %sign3A_727 = arith.cmpi slt, %jit3A_714, %sign3A_726 : i32
      %sign3A_728 = arith.extui %sign3A_727 : i1 to i32
      %sign3A_729 = arith.subi %sign3A_725, %sign3A_728 : i32
      %ne3A_730 = arith.cmpi ne, %sign3A_722, %sign3A_729 : i32
      %rem3A_731 = arith.remsi %add3A_572, %jit3A_714 : i32
      %ne3A_732 = arith.constant 0 : i32
      %ne3A_733 = arith.cmpi ne, %rem3A_731, %ne3A_732 : i32
      %and3A_734 = arith.andi %ne3A_730, %ne3A_733 : i1
      %sub3A_735 = arith.constant 1 : i32
      %sub3A_736 = arith.subi %div3A_715, %sub3A_735 : i32
      %select_n3A_737 = arith.select %and3A_734, %sub3A_736, %div3A_715 : i32
      %rem3A_738 = arith.constant 5 : i32
      %rem3A_739 = arith.remsi %add3A_572, %rem3A_738 : i32
      %mul3A_740 = arith.constant 1600 : i32
      %mul3A_741 = arith.muli %select_n3A_737, %mul3A_740 : i32
      %add3A_742 = arith.constant 600 : i32
      %add3A_743 = arith.addi %mul3A_741, %add3A_742 : i32
      %mul3A_744 = arith.constant 40 : i32
      %mul3A_745 = arith.muli %rem3A_739, %mul3A_744 : i32
      %add3A_746 = arith.addi %add3A_743, %mul3A_745 : i32
      %dma_wait3A_747 = arith.constant 1 : i32
      %dma_wait3A_748 = arith.constant 3 : i32
      %dma_wait3A_749 = arith.constant 0 : i32
      %dma_wait3A_750 = arith.constant 0 : i32
      %dma_wait3A_751 = tpu.memref_slice %arg7[%dma_wait3A_747, %dma_wait3A_748, %dma_wait3A_749, %dma_wait3A_750] : memref<2x8x40x128xf32, #tpu.memory_space<vmem>> -> memref<1x1x40x128xf32, #tpu.memory_space<vmem>>
      %dma_wait3A_752 = tpu.memref_squeeze %dma_wait3A_751 : memref<1x1x40x128xf32, #tpu.memory_space<vmem>> -> memref<40x128xf32, #tpu.memory_space<vmem>>
      %dma_wait3A_753 = tpu.memref_slice %arg6[%add3A_746] : memref<6400xi32, #tpu.memory_space<vmem>> -> memref<40xi32, #tpu.memory_space<vmem>>
      %dma_wait3A_754 = arith.constant 0 : i32
      %dma_wait3A_755 = arith.constant 0 : i32
      %dma_wait3A_756 = tpu.memref_slice %arg2[%dma_wait3A_754, %dma_wait3A_755] : memref<1000000x128xf32, #tpu.memory_space<hbm>> -> memref<1000000x128xf32, #tpu.memory_space<hbm>>
      tpu.wait_indirect_dma semaphore(%arg10 : memref<!tpu.dma_semaphore, #tpu.memory_space<semaphore_mem>>) src(%dma_wait3A_756 : memref<1000000x128xf32, #tpu.memory_space<hbm>>) dst(%dma_wait3A_752 : memref<40x128xf32, #tpu.memory_space<vmem>>)
      %jit3A_757 = arith.constant 5 : i32
      %div3A_758 = arith.divsi %add3A_572, %jit3A_757 : i32
      %sign3A_759 = arith.constant 0 : i32
      %sign3A_760 = arith.cmpi sgt, %add3A_572, %sign3A_759 : i32
      %sign3A_761 = arith.extui %sign3A_760 : i1 to i32
      %sign3A_762 = arith.constant 0 : i32
      %sign3A_763 = arith.cmpi slt, %add3A_572, %sign3A_762 : i32
      %sign3A_764 = arith.extui %sign3A_763 : i1 to i32
      %sign3A_765 = arith.subi %sign3A_761, %sign3A_764 : i32
      %sign3A_766 = arith.constant 0 : i32
      %sign3A_767 = arith.cmpi sgt, %jit3A_757, %sign3A_766 : i32
      %sign3A_768 = arith.extui %sign3A_767 : i1 to i32
      %sign3A_769 = arith.constant 0 : i32
      %sign3A_770 = arith.cmpi slt, %jit3A_757, %sign3A_769 : i32
      %sign3A_771 = arith.extui %sign3A_770 : i1 to i32
      %sign3A_772 = arith.subi %sign3A_768, %sign3A_771 : i32
      %ne3A_773 = arith.cmpi ne, %sign3A_765, %sign3A_772 : i32
      %rem3A_774 = arith.remsi %add3A_572, %jit3A_757 : i32
      %ne3A_775 = arith.constant 0 : i32
      %ne3A_776 = arith.cmpi ne, %rem3A_774, %ne3A_775 : i32
      %and3A_777 = arith.andi %ne3A_773, %ne3A_776 : i1
      %sub3A_778 = arith.constant 1 : i32
      %sub3A_779 = arith.subi %div3A_758, %sub3A_778 : i32
      %select_n3A_780 = arith.select %and3A_777, %sub3A_779, %div3A_758 : i32
      %rem3A_781 = arith.constant 5 : i32
      %rem3A_782 = arith.remsi %add3A_572, %rem3A_781 : i32
      %mul3A_783 = arith.constant 1600 : i32
      %mul3A_784 = arith.muli %select_n3A_780, %mul3A_783 : i32
      %add3A_785 = arith.constant 800 : i32
      %add3A_786 = arith.addi %mul3A_784, %add3A_785 : i32
      %mul3A_787 = arith.constant 40 : i32
      %mul3A_788 = arith.muli %rem3A_782, %mul3A_787 : i32
      %add3A_789 = arith.addi %add3A_786, %mul3A_788 : i32
      %dma_wait3A_790 = arith.constant 1 : i32
      %dma_wait3A_791 = arith.constant 4 : i32
      %dma_wait3A_792 = arith.constant 0 : i32
      %dma_wait3A_793 = arith.constant 0 : i32
      %dma_wait3A_794 = tpu.memref_slice %arg7[%dma_wait3A_790, %dma_wait3A_791, %dma_wait3A_792, %dma_wait3A_793] : memref<2x8x40x128xf32, #tpu.memory_space<vmem>> -> memref<1x1x40x128xf32, #tpu.memory_space<vmem>>
      %dma_wait3A_795 = tpu.memref_squeeze %dma_wait3A_794 : memref<1x1x40x128xf32, #tpu.memory_space<vmem>> -> memref<40x128xf32, #tpu.memory_space<vmem>>
      %dma_wait3A_796 = tpu.memref_slice %arg6[%add3A_789] : memref<6400xi32, #tpu.memory_space<vmem>> -> memref<40xi32, #tpu.memory_space<vmem>>
      %dma_wait3A_797 = arith.constant 0 : i32
      %dma_wait3A_798 = arith.constant 0 : i32
      %dma_wait3A_799 = tpu.memref_slice %arg2[%dma_wait3A_797, %dma_wait3A_798] : memref<1000000x128xf32, #tpu.memory_space<hbm>> -> memref<1000000x128xf32, #tpu.memory_space<hbm>>
      tpu.wait_indirect_dma semaphore(%arg10 : memref<!tpu.dma_semaphore, #tpu.memory_space<semaphore_mem>>) src(%dma_wait3A_799 : memref<1000000x128xf32, #tpu.memory_space<hbm>>) dst(%dma_wait3A_795 : memref<40x128xf32, #tpu.memory_space<vmem>>)
      %jit3A_800 = arith.constant 5 : i32
      %div3A_801 = arith.divsi %add3A_572, %jit3A_800 : i32
      %sign3A_802 = arith.constant 0 : i32
      %sign3A_803 = arith.cmpi sgt, %add3A_572, %sign3A_802 : i32
      %sign3A_804 = arith.extui %sign3A_803 : i1 to i32
      %sign3A_805 = arith.constant 0 : i32
      %sign3A_806 = arith.cmpi slt, %add3A_572, %sign3A_805 : i32
      %sign3A_807 = arith.extui %sign3A_806 : i1 to i32
      %sign3A_808 = arith.subi %sign3A_804, %sign3A_807 : i32
      %sign3A_809 = arith.constant 0 : i32
      %sign3A_810 = arith.cmpi sgt, %jit3A_800, %sign3A_809 : i32
      %sign3A_811 = arith.extui %sign3A_810 : i1 to i32
      %sign3A_812 = arith.constant 0 : i32
      %sign3A_813 = arith.cmpi slt, %jit3A_800, %sign3A_812 : i32
      %sign3A_814 = arith.extui %sign3A_813 : i1 to i32
      %sign3A_815 = arith.subi %sign3A_811, %sign3A_814 : i32
      %ne3A_816 = arith.cmpi ne, %sign3A_808, %sign3A_815 : i32
      %rem3A_817 = arith.remsi %add3A_572, %jit3A_800 : i32
      %ne3A_818 = arith.constant 0 : i32
      %ne3A_819 = arith.cmpi ne, %rem3A_817, %ne3A_818 : i32
      %and3A_820 = arith.andi %ne3A_816, %ne3A_819 : i1
      %sub3A_821 = arith.constant 1 : i32
      %sub3A_822 = arith.subi %div3A_801, %sub3A_821 : i32
      %select_n3A_823 = arith.select %and3A_820, %sub3A_822, %div3A_801 : i32
      %rem3A_824 = arith.constant 5 : i32
      %rem3A_825 = arith.remsi %add3A_572, %rem3A_824 : i32
      %mul3A_826 = arith.constant 1600 : i32
      %mul3A_827 = arith.muli %select_n3A_823, %mul3A_826 : i32
      %add3A_828 = arith.constant 1000 : i32
      %add3A_829 = arith.addi %mul3A_827, %add3A_828 : i32
      %mul3A_830 = arith.constant 40 : i32
      %mul3A_831 = arith.muli %rem3A_825, %mul3A_830 : i32
      %add3A_832 = arith.addi %add3A_829, %mul3A_831 : i32
      %dma_wait3A_833 = arith.constant 1 : i32
      %dma_wait3A_834 = arith.constant 5 : i32
      %dma_wait3A_835 = arith.constant 0 : i32
      %dma_wait3A_836 = arith.constant 0 : i32
      %dma_wait3A_837 = tpu.memref_slice %arg7[%dma_wait3A_833, %dma_wait3A_834, %dma_wait3A_835, %dma_wait3A_836] : memref<2x8x40x128xf32, #tpu.memory_space<vmem>> -> memref<1x1x40x128xf32, #tpu.memory_space<vmem>>
      %dma_wait3A_838 = tpu.memref_squeeze %dma_wait3A_837 : memref<1x1x40x128xf32, #tpu.memory_space<vmem>> -> memref<40x128xf32, #tpu.memory_space<vmem>>
      %dma_wait3A_839 = tpu.memref_slice %arg6[%add3A_832] : memref<6400xi32, #tpu.memory_space<vmem>> -> memref<40xi32, #tpu.memory_space<vmem>>
      %dma_wait3A_840 = arith.constant 0 : i32
      %dma_wait3A_841 = arith.constant 0 : i32
      %dma_wait3A_842 = tpu.memref_slice %arg2[%dma_wait3A_840, %dma_wait3A_841] : memref<1000000x128xf32, #tpu.memory_space<hbm>> -> memref<1000000x128xf32, #tpu.memory_space<hbm>>
      tpu.wait_indirect_dma semaphore(%arg10 : memref<!tpu.dma_semaphore, #tpu.memory_space<semaphore_mem>>) src(%dma_wait3A_842 : memref<1000000x128xf32, #tpu.memory_space<hbm>>) dst(%dma_wait3A_838 : memref<40x128xf32, #tpu.memory_space<vmem>>)
      %jit3A_843 = arith.constant 5 : i32
      %div3A_844 = arith.divsi %add3A_572, %jit3A_843 : i32
      %sign3A_845 = arith.constant 0 : i32
      %sign3A_846 = arith.cmpi sgt, %add3A_572, %sign3A_845 : i32
      %sign3A_847 = arith.extui %sign3A_846 : i1 to i32
      %sign3A_848 = arith.constant 0 : i32
      %sign3A_849 = arith.cmpi slt, %add3A_572, %sign3A_848 : i32
      %sign3A_850 = arith.extui %sign3A_849 : i1 to i32
      %sign3A_851 = arith.subi %sign3A_847, %sign3A_850 : i32
      %sign3A_852 = arith.constant 0 : i32
      %sign3A_853 = arith.cmpi sgt, %jit3A_843, %sign3A_852 : i32
      %sign3A_854 = arith.extui %sign3A_853 : i1 to i32
      %sign3A_855 = arith.constant 0 : i32
      %sign3A_856 = arith.cmpi slt, %jit3A_843, %sign3A_855 : i32
      %sign3A_857 = arith.extui %sign3A_856 : i1 to i32
      %sign3A_858 = arith.subi %sign3A_854, %sign3A_857 : i32
      %ne3A_859 = arith.cmpi ne, %sign3A_851, %sign3A_858 : i32
      %rem3A_860 = arith.remsi %add3A_572, %jit3A_843 : i32
      %ne3A_861 = arith.constant 0 : i32
      %ne3A_862 = arith.cmpi ne, %rem3A_860, %ne3A_861 : i32
      %and3A_863 = arith.andi %ne3A_859, %ne3A_862 : i1
      %sub3A_864 = arith.constant 1 : i32
      %sub3A_865 = arith.subi %div3A_844, %sub3A_864 : i32
      %select_n3A_866 = arith.select %and3A_863, %sub3A_865, %div3A_844 : i32
      %rem3A_867 = arith.constant 5 : i32
      %rem3A_868 = arith.remsi %add3A_572, %rem3A_867 : i32
      %mul3A_869 = arith.constant 1600 : i32
      %mul3A_870 = arith.muli %select_n3A_866, %mul3A_869 : i32
      %add3A_871 = arith.constant 1200 : i32
      %add3A_872 = arith.addi %mul3A_870, %add3A_871 : i32
      %mul3A_873 = arith.constant 40 : i32
      %mul3A_874 = arith.muli %rem3A_868, %mul3A_873 : i32
      %add3A_875 = arith.addi %add3A_872, %mul3A_874 : i32
      %dma_wait3A_876 = arith.constant 1 : i32
      %dma_wait3A_877 = arith.constant 6 : i32
      %dma_wait3A_878 = arith.constant 0 : i32
      %dma_wait3A_879 = arith.constant 0 : i32
      %dma_wait3A_880 = tpu.memref_slice %arg7[%dma_wait3A_876, %dma_wait3A_877, %dma_wait3A_878, %dma_wait3A_879] : memref<2x8x40x128xf32, #tpu.memory_space<vmem>> -> memref<1x1x40x128xf32, #tpu.memory_space<vmem>>
      %dma_wait3A_881 = tpu.memref_squeeze %dma_wait3A_880 : memref<1x1x40x128xf32, #tpu.memory_space<vmem>> -> memref<40x128xf32, #tpu.memory_space<vmem>>
      %dma_wait3A_882 = tpu.memref_slice %arg6[%add3A_875] : memref<6400xi32, #tpu.memory_space<vmem>> -> memref<40xi32, #tpu.memory_space<vmem>>
      %dma_wait3A_883 = arith.constant 0 : i32
      %dma_wait3A_884 = arith.constant 0 : i32
      %dma_wait3A_885 = tpu.memref_slice %arg2[%dma_wait3A_883, %dma_wait3A_884] : memref<1000000x128xf32, #tpu.memory_space<hbm>> -> memref<1000000x128xf32, #tpu.memory_space<hbm>>
      tpu.wait_indirect_dma semaphore(%arg10 : memref<!tpu.dma_semaphore, #tpu.memory_space<semaphore_mem>>) src(%dma_wait3A_885 : memref<1000000x128xf32, #tpu.memory_space<hbm>>) dst(%dma_wait3A_881 : memref<40x128xf32, #tpu.memory_space<vmem>>)
      %jit3A_886 = arith.constant 5 : i32
      %div3A_887 = arith.divsi %add3A_572, %jit3A_886 : i32
      %sign3A_888 = arith.constant 0 : i32
      %sign3A_889 = arith.cmpi sgt, %add3A_572, %sign3A_888 : i32
      %sign3A_890 = arith.extui %sign3A_889 : i1 to i32
      %sign3A_891 = arith.constant 0 : i32
      %sign3A_892 = arith.cmpi slt, %add3A_572, %sign3A_891 : i32
      %sign3A_893 = arith.extui %sign3A_892 : i1 to i32
      %sign3A_894 = arith.subi %sign3A_890, %sign3A_893 : i32
      %sign3A_895 = arith.constant 0 : i32
      %sign3A_896 = arith.cmpi sgt, %jit3A_886, %sign3A_895 : i32
      %sign3A_897 = arith.extui %sign3A_896 : i1 to i32
      %sign3A_898 = arith.constant 0 : i32
      %sign3A_899 = arith.cmpi slt, %jit3A_886, %sign3A_898 : i32
      %sign3A_900 = arith.extui %sign3A_899 : i1 to i32
      %sign3A_901 = arith.subi %sign3A_897, %sign3A_900 : i32
      %ne3A_902 = arith.cmpi ne, %sign3A_894, %sign3A_901 : i32
      %rem3A_903 = arith.remsi %add3A_572, %jit3A_886 : i32
      %ne3A_904 = arith.constant 0 : i32
      %ne3A_905 = arith.cmpi ne, %rem3A_903, %ne3A_904 : i32
      %and3A_906 = arith.andi %ne3A_902, %ne3A_905 : i1
      %sub3A_907 = arith.constant 1 : i32
      %sub3A_908 = arith.subi %div3A_887, %sub3A_907 : i32
      %select_n3A_909 = arith.select %and3A_906, %sub3A_908, %div3A_887 : i32
      %rem3A_910 = arith.constant 5 : i32
      %rem3A_911 = arith.remsi %add3A_572, %rem3A_910 : i32
      %mul3A_912 = arith.constant 1600 : i32
      %mul3A_913 = arith.muli %select_n3A_909, %mul3A_912 : i32
      %add3A_914 = arith.constant 1400 : i32
      %add3A_915 = arith.addi %mul3A_913, %add3A_914 : i32
      %mul3A_916 = arith.constant 40 : i32
      %mul3A_917 = arith.muli %rem3A_911, %mul3A_916 : i32
      %add3A_918 = arith.addi %add3A_915, %mul3A_917 : i32
      %dma_wait3A_919 = arith.constant 1 : i32
      %dma_wait3A_920 = arith.constant 7 : i32
      %dma_wait3A_921 = arith.constant 0 : i32
      %dma_wait3A_922 = arith.constant 0 : i32
      %dma_wait3A_923 = tpu.memref_slice %arg7[%dma_wait3A_919, %dma_wait3A_920, %dma_wait3A_921, %dma_wait3A_922] : memref<2x8x40x128xf32, #tpu.memory_space<vmem>> -> memref<1x1x40x128xf32, #tpu.memory_space<vmem>>
      %dma_wait3A_924 = tpu.memref_squeeze %dma_wait3A_923 : memref<1x1x40x128xf32, #tpu.memory_space<vmem>> -> memref<40x128xf32, #tpu.memory_space<vmem>>
      %dma_wait3A_925 = tpu.memref_slice %arg6[%add3A_918] : memref<6400xi32, #tpu.memory_space<vmem>> -> memref<40xi32, #tpu.memory_space<vmem>>
      %dma_wait3A_926 = arith.constant 0 : i32
      %dma_wait3A_927 = arith.constant 0 : i32
      %dma_wait3A_928 = tpu.memref_slice %arg2[%dma_wait3A_926, %dma_wait3A_927] : memref<1000000x128xf32, #tpu.memory_space<hbm>> -> memref<1000000x128xf32, #tpu.memory_space<hbm>>
      tpu.wait_indirect_dma semaphore(%arg10 : memref<!tpu.dma_semaphore, #tpu.memory_space<semaphore_mem>>) src(%dma_wait3A_928 : memref<1000000x128xf32, #tpu.memory_space<hbm>>) dst(%dma_wait3A_924 : memref<40x128xf32, #tpu.memory_space<vmem>>)
      %rem3A_929 = arith.constant 5 : i32
      %rem3A_930 = arith.remsi %add3A_572, %rem3A_929 : i32
      %mul3A_931 = arith.constant 40 : i32
      %mul3A_932 = arith.muli %rem3A_930, %mul3A_931 : i32
      %parallel_loop3A_933 = arith.constant 0 : i32
      %parallel_loop3A_934 = arith.constant 40 : i32
      %parallel_loop3A_935 = arith.constant 1 : i32
      scf.for %parallel_loop3A_984 = %parallel_loop3A_933 to %parallel_loop3A_934 step %parallel_loop3A_935  : i32 {
        %parallel_loop3A_985 = arith.addi %mul3A_932, %parallel_loop3A_984 : i32
        %parallel_loop3A_986 = arith.index_cast %parallel_loop3A_985 : i32 to index
        %parallel_loop3A_987 = arith.constant 0 : index
        %parallel_loop3A_988 = tpu.vector_load %arg8[%parallel_loop3A_986, %parallel_loop3A_987] {strides = array<i32>} : memref<200x128xf32, #tpu.memory_space<vmem>>, vector<1x16xf32>,
        %parallel_loop3A_989 = vector.shape_cast %parallel_loop3A_988 : vector<1x16xf32> to vector<16xf32>
        %parallel_loop3A_990 = arith.constant 1 : i32
        %parallel_loop3A_991 = arith.constant 0 : i32
        %parallel_loop3A_992 = arith.index_cast %parallel_loop3A_990 : i32 to index
        %parallel_loop3A_993 = arith.index_cast %parallel_loop3A_991 : i32 to index
        %parallel_loop3A_994 = arith.index_cast %parallel_loop3A_984 : i32 to index
        %parallel_loop3A_995 = arith.constant 0 : index
        %parallel_loop3A_996 = tpu.vector_load %arg7[%parallel_loop3A_992, %parallel_loop3A_993, %parallel_loop3A_994, %parallel_loop3A_995] {strides = array<i32>} : memref<2x8x40x128xf32, #tpu.memory_space<vmem>>, vector<1x1x1x16xf32>,
        %parallel_loop3A_997 = vector.shape_cast %parallel_loop3A_996 : vector<1x1x1x16xf32> to vector<16xf32>
        %parallel_loop3A_998 = arith.constant 11.3137083 : f32
        %parallel_loop3A_999 = vector.broadcast %parallel_loop3A_998 : f32 to vector<16xf32>
        %parallel_loop3A_1000 = arith.mulf %parallel_loop3A_997, %parallel_loop3A_999 : vector<16xf32>
        %parallel_loop3A_1001 = arith.addf %parallel_loop3A_1000, %parallel_loop3A_989 : vector<16xf32>
        %parallel_loop3A_1002 = arith.constant 1 : i32
        %parallel_loop3A_1003 = arith.constant 0 : i32
        %parallel_loop3A_1004 = arith.index_cast %parallel_loop3A_1002 : i32 to index
        %parallel_loop3A_1005 = arith.index_cast %parallel_loop3A_1003 : i32 to index
        %parallel_loop3A_1006 = arith.index_cast %parallel_loop3A_984 : i32 to index
        %parallel_loop3A_1007 = arith.constant 0 : index
        %parallel_loop3A_1008 = tpu.vector_load %arg7[%parallel_loop3A_1004, %parallel_loop3A_1005, %parallel_loop3A_1006, %parallel_loop3A_1007] {strides = array<i32>} : memref<2x8x40x128xf32, #tpu.memory_space<vmem>>, vector<1x1x1x16xf32>,
        %parallel_loop3A_1009 = vector.shape_cast %parallel_loop3A_1008 : vector<1x1x1x16xf32> to vector<16xf32>
        %parallel_loop3A_1010 = vector.shape_cast %parallel_loop3A_1001 : vector<16xf32> to vector<1x1x1x16xf32>
        tpu.vector_store %arg7[%parallel_loop3A_1004, %parallel_loop3A_1005, %parallel_loop3A_1006, %parallel_loop3A_1007], %parallel_loop3A_1010 {strides = array<i32>} : memref<2x8x40x128xf32, #tpu.memory_space<vmem>>, vector<1x1x1x16xf32>,
        %parallel_loop3A_1011 = arith.constant 1 : i32
        %parallel_loop3A_1012 = arith.constant 1 : i32
        %parallel_loop3A_1013 = arith.index_cast %parallel_loop3A_1011 : i32 to index
        %parallel_loop3A_1014 = arith.index_cast %parallel_loop3A_1012 : i32 to index
        %parallel_loop3A_1015 = arith.index_cast %parallel_loop3A_984 : i32 to index
        %parallel_loop3A_1016 = arith.constant 0 : index
        %parallel_loop3A_1017 = tpu.vector_load %arg7[%parallel_loop3A_1013, %parallel_loop3A_1014, %parallel_loop3A_1015, %parallel_loop3A_1016] {strides = array<i32>} : memref<2x8x40x128xf32, #tpu.memory_space<vmem>>, vector<1x1x1x16xf32>,
        %parallel_loop3A_1018 = vector.shape_cast %parallel_loop3A_1017 : vector<1x1x1x16xf32> to vector<16xf32>
        %parallel_loop3A_1019 = arith.constant 11.3137083 : f32
        %parallel_loop3A_1020 = vector.broadcast %parallel_loop3A_1019 : f32 to vector<16xf32>
        %parallel_loop3A_1021 = arith.mulf %parallel_loop3A_1018, %parallel_loop3A_1020 : vector<16xf32>
        %parallel_loop3A_1022 = arith.addf %parallel_loop3A_1021, %parallel_loop3A_989 : vector<16xf32>
        %parallel_loop3A_1023 = arith.constant 1 : i32
        %parallel_loop3A_1024 = arith.constant 1 : i32
        %parallel_loop3A_1025 = arith.index_cast %parallel_loop3A_1023 : i32 to index
        %parallel_loop3A_1026 = arith.index_cast %parallel_loop3A_1024 : i32 to index
        %parallel_loop3A_1027 = arith.index_cast %parallel_loop3A_984 : i32 to index
        %parallel_loop3A_1028 = arith.constant 0 : index
        %parallel_loop3A_1029 = tpu.vector_load %arg7[%parallel_loop3A_1025, %parallel_loop3A_1026, %parallel_loop3A_1027, %parallel_loop3A_1028] {strides = array<i32>} : memref<2x8x40x128xf32, #tpu.memory_space<vmem>>, vector<1x1x1x16xf32>,
        %parallel_loop3A_1030 = vector.shape_cast %parallel_loop3A_1029 : vector<1x1x1x16xf32> to vector<16xf32>
        %parallel_loop3A_1031 = vector.shape_cast %parallel_loop3A_1022 : vector<16xf32> to vector<1x1x1x16xf32>
        tpu.vector_store %arg7[%parallel_loop3A_1025, %parallel_loop3A_1026, %parallel_loop3A_1027, %parallel_loop3A_1028], %parallel_loop3A_1031 {strides = array<i32>} : memref<2x8x40x128xf32, #tpu.memory_space<vmem>>, vector<1x1x1x16xf32>,
        %parallel_loop3A_1032 = arith.constant 1 : i32
        %parallel_loop3A_1033 = arith.constant 2 : i32
        %parallel_loop3A_1034 = arith.index_cast %parallel_loop3A_1032 : i32 to index
        %parallel_loop3A_1035 = arith.index_cast %parallel_loop3A_1033 : i32 to index
        %parallel_loop3A_1036 = arith.index_cast %parallel_loop3A_984 : i32 to index
        %parallel_loop3A_1037 = arith.constant 0 : index
        %parallel_loop3A_1038 = tpu.vector_load %arg7[%parallel_loop3A_1034, %parallel_loop3A_1035, %parallel_loop3A_1036, %parallel_loop3A_1037] {strides = array<i32>} : memref<2x8x40x128xf32, #tpu.memory_space<vmem>>, vector<1x1x1x16xf32>,
        %parallel_loop3A_1039 = vector.shape_cast %parallel_loop3A_1038 : vector<1x1x1x16xf32> to vector<16xf32>
        %parallel_loop3A_1040 = arith.constant 11.3137083 : f32
        %parallel_loop3A_1041 = vector.broadcast %parallel_loop3A_1040 : f32 to vector<16xf32>
        %parallel_loop3A_1042 = arith.mulf %parallel_loop3A_1039, %parallel_loop3A_1041 : vector<16xf32>
        %parallel_loop3A_1043 = arith.addf %parallel_loop3A_1042, %parallel_loop3A_989 : vector<16xf32>
        %parallel_loop3A_1044 = arith.constant 1 : i32
        %parallel_loop3A_1045 = arith.constant 2 : i32
        %parallel_loop3A_1046 = arith.index_cast %parallel_loop3A_1044 : i32 to index
        %parallel_loop3A_1047 = arith.index_cast %parallel_loop3A_1045 : i32 to index
        %parallel_loop3A_1048 = arith.index_cast %parallel_loop3A_984 : i32 to index
        %parallel_loop3A_1049 = arith.constant 0 : index
        %parallel_loop3A_1050 = tpu.vector_load %arg7[%parallel_loop3A_1046, %parallel_loop3A_1047, %parallel_loop3A_1048, %parallel_loop3A_1049] {strides = array<i32>} : memref<2x8x40x128xf32, #tpu.memory_space<vmem>>, vector<1x1x1x16xf32>,
        %parallel_loop3A_1051 = vector.shape_cast %parallel_loop3A_1050 : vector<1x1x1x16xf32> to vector<16xf32>
        %parallel_loop3A_1052 = vector.shape_cast %parallel_loop3A_1043 : vector<16xf32> to vector<1x1x1x16xf32>
        tpu.vector_store %arg7[%parallel_loop3A_1046, %parallel_loop3A_1047, %parallel_loop3A_1048, %parallel_loop3A_1049], %parallel_loop3A_1052 {strides = array<i32>} : memref<2x8x40x128xf32, #tpu.memory_space<vmem>>, vector<1x1x1x16xf32>,
        %parallel_loop3A_1053 = arith.constant 1 : i32
        %parallel_loop3A_1054 = arith.constant 3 : i32
        %parallel_loop3A_1055 = arith.index_cast %parallel_loop3A_1053 : i32 to index
        %parallel_loop3A_1056 = arith.index_cast %parallel_loop3A_1054 : i32 to index
        %parallel_loop3A_1057 = arith.index_cast %parallel_loop3A_984 : i32 to index
        %parallel_loop3A_1058 = arith.constant 0 : index
        %parallel_loop3A_1059 = tpu.vector_load %arg7[%parallel_loop3A_1055, %parallel_loop3A_1056, %parallel_loop3A_1057, %parallel_loop3A_1058] {strides = array<i32>} : memref<2x8x40x128xf32, #tpu.memory_space<vmem>>, vector<1x1x1x16xf32>,
        %parallel_loop3A_1060 = vector.shape_cast %parallel_loop3A_1059 : vector<1x1x1x16xf32> to vector<16xf32>
        %parallel_loop3A_1061 = arith.constant 11.3137083 : f32
        %parallel_loop3A_1062 = vector.broadcast %parallel_loop3A_1061 : f32 to vector<16xf32>
        %parallel_loop3A_1063 = arith.mulf %parallel_loop3A_1060, %parallel_loop3A_1062 : vector<16xf32>
        %parallel_loop3A_1064 = arith.addf %parallel_loop3A_1063, %parallel_loop3A_989 : vector<16xf32>
        %parallel_loop3A_1065 = arith.constant 1 : i32
        %parallel_loop3A_1066 = arith.constant 3 : i32
        %parallel_loop3A_1067 = arith.index_cast %parallel_loop3A_1065 : i32 to index
        %parallel_loop3A_1068 = arith.index_cast %parallel_loop3A_1066 : i32 to index
        %parallel_loop3A_1069 = arith.index_cast %parallel_loop3A_984 : i32 to index
        %parallel_loop3A_1070 = arith.constant 0 : index
        %parallel_loop3A_1071 = tpu.vector_load %arg7[%parallel_loop3A_1067, %parallel_loop3A_1068, %parallel_loop3A_1069, %parallel_loop3A_1070] {strides = array<i32>} : memref<2x8x40x128xf32, #tpu.memory_space<vmem>>, vector<1x1x1x16xf32>,
        %parallel_loop3A_1072 = vector.shape_cast %parallel_loop3A_1071 : vector<1x1x1x16xf32> to vector<16xf32>
        %parallel_loop3A_1073 = vector.shape_cast %parallel_loop3A_1064 : vector<16xf32> to vector<1x1x1x16xf32>
        tpu.vector_store %arg7[%parallel_loop3A_1067, %parallel_loop3A_1068, %parallel_loop3A_1069, %parallel_loop3A_1070], %parallel_loop3A_1073 {strides = array<i32>} : memref<2x8x40x128xf32, #tpu.memory_space<vmem>>, vector<1x1x1x16xf32>,
        %parallel_loop3A_1074 = arith.constant 1 : i32
        %parallel_loop3A_1075 = arith.constant 4 : i32
        %parallel_loop3A_1076 = arith.index_cast %parallel_loop3A_1074 : i32 to index
        %parallel_loop3A_1077 = arith.index_cast %parallel_loop3A_1075 : i32 to index
        %parallel_loop3A_1078 = arith.index_cast %parallel_loop3A_984 : i32 to index
        %parallel_loop3A_1079 = arith.constant 0 : index
        %parallel_loop3A_1080 = tpu.vector_load %arg7[%parallel_loop3A_1076, %parallel_loop3A_1077, %parallel_loop3A_1078, %parallel_loop3A_1079] {strides = array<i32>} : memref<2x8x40x128xf32, #tpu.memory_space<vmem>>, vector<1x1x1x16xf32>,
        %parallel_loop3A_1081 = vector.shape_cast %parallel_loop3A_1080 : vector<1x1x1x16xf32> to vector<16xf32>
        %parallel_loop3A_1082 = arith.constant 11.3137083 : f32
        %parallel_loop3A_1083 = vector.broadcast %parallel_loop3A_1082 : f32 to vector<16xf32>
        %parallel_loop3A_1084 = arith.mulf %parallel_loop3A_1081, %parallel_loop3A_1083 : vector<16xf32>
        %parallel_loop3A_1085 = arith.addf %parallel_loop3A_1084, %parallel_loop3A_989 : vector<16xf32>
        %parallel_loop3A_1086 = arith.constant 1 : i32
        %parallel_loop3A_1087 = arith.constant 4 : i32
        %parallel_loop3A_1088 = arith.index_cast %parallel_loop3A_1086 : i32 to index
        %parallel_loop3A_1089 = arith.index_cast %parallel_loop3A_1087 : i32 to index
        %parallel_loop3A_1090 = arith.index_cast %parallel_loop3A_984 : i32 to index
        %parallel_loop3A_1091 = arith.constant 0 : index
        %parallel_loop3A_1092 = tpu.vector_load %arg7[%parallel_loop3A_1088, %parallel_loop3A_1089, %parallel_loop3A_1090, %parallel_loop3A_1091] {strides = array<i32>} : memref<2x8x40x128xf32, #tpu.memory_space<vmem>>, vector<1x1x1x16xf32>,
        %parallel_loop3A_1093 = vector.shape_cast %parallel_loop3A_1092 : vector<1x1x1x16xf32> to vector<16xf32>
        %parallel_loop3A_1094 = vector.shape_cast %parallel_loop3A_1085 : vector<16xf32> to vector<1x1x1x16xf32>
        tpu.vector_store %arg7[%parallel_loop3A_1088, %parallel_loop3A_1089, %parallel_loop3A_1090, %parallel_loop3A_1091], %parallel_loop3A_1094 {strides = array<i32>} : memref<2x8x40x128xf32, #tpu.memory_space<vmem>>, vector<1x1x1x16xf32>,
        %parallel_loop3A_1095 = arith.constant 1 : i32
        %parallel_loop3A_1096 = arith.constant 5 : i32
        %parallel_loop3A_1097 = arith.index_cast %parallel_loop3A_1095 : i32 to index
        %parallel_loop3A_1098 = arith.index_cast %parallel_loop3A_1096 : i32 to index
        %parallel_loop3A_1099 = arith.index_cast %parallel_loop3A_984 : i32 to index
        %parallel_loop3A_1100 = arith.constant 0 : index
        %parallel_loop3A_1101 = tpu.vector_load %arg7[%parallel_loop3A_1097, %parallel_loop3A_1098, %parallel_loop3A_1099, %parallel_loop3A_1100] {strides = array<i32>} : memref<2x8x40x128xf32, #tpu.memory_space<vmem>>, vector<1x1x1x16xf32>,
        %parallel_loop3A_1102 = vector.shape_cast %parallel_loop3A_1101 : vector<1x1x1x16xf32> to vector<16xf32>
        %parallel_loop3A_1103 = arith.constant 11.3137083 : f32
        %parallel_loop3A_1104 = vector.broadcast %parallel_loop3A_1103 : f32 to vector<16xf32>
        %parallel_loop3A_1105 = arith.mulf %parallel_loop3A_1102, %parallel_loop3A_1104 : vector<16xf32>
        %parallel_loop3A_1106 = arith.addf %parallel_loop3A_1105, %parallel_loop3A_989 : vector<16xf32>
        %parallel_loop3A_1107 = arith.constant 1 : i32
        %parallel_loop3A_1108 = arith.constant 5 : i32
        %parallel_loop3A_1109 = arith.index_cast %parallel_loop3A_1107 : i32 to index
        %parallel_loop3A_1110 = arith.index_cast %parallel_loop3A_1108 : i32 to index
        %parallel_loop3A_1111 = arith.index_cast %parallel_loop3A_984 : i32 to index
        %parallel_loop3A_1112 = arith.constant 0 : index
        %parallel_loop3A_1113 = tpu.vector_load %arg7[%parallel_loop3A_1109, %parallel_loop3A_1110, %parallel_loop3A_1111, %parallel_loop3A_1112] {strides = array<i32>} : memref<2x8x40x128xf32, #tpu.memory_space<vmem>>, vector<1x1x1x16xf32>,
        %parallel_loop3A_1114 = vector.shape_cast %parallel_loop3A_1113 : vector<1x1x1x16xf32> to vector<16xf32>
        %parallel_loop3A_1115 = vector.shape_cast %parallel_loop3A_1106 : vector<16xf32> to vector<1x1x1x16xf32>
        tpu.vector_store %arg7[%parallel_loop3A_1109, %parallel_loop3A_1110, %parallel_loop3A_1111, %parallel_loop3A_1112], %parallel_loop3A_1115 {strides = array<i32>} : memref<2x8x40x128xf32, #tpu.memory_space<vmem>>, vector<1x1x1x16xf32>,
        %parallel_loop3A_1116 = arith.constant 1 : i32
        %parallel_loop3A_1117 = arith.constant 6 : i32
        %parallel_loop3A_1118 = arith.index_cast %parallel_loop3A_1116 : i32 to index
        %parallel_loop3A_1119 = arith.index_cast %parallel_loop3A_1117 : i32 to index
        %parallel_loop3A_1120 = arith.index_cast %parallel_loop3A_984 : i32 to index
        %parallel_loop3A_1121 = arith.constant 0 : index
        %parallel_loop3A_1122 = tpu.vector_load %arg7[%parallel_loop3A_1118, %parallel_loop3A_1119, %parallel_loop3A_1120, %parallel_loop3A_1121] {strides = array<i32>} : memref<2x8x40x128xf32, #tpu.memory_space<vmem>>, vector<1x1x1x16xf32>,
        %parallel_loop3A_1123 = vector.shape_cast %parallel_loop3A_1122 : vector<1x1x1x16xf32> to vector<16xf32>
        %parallel_loop3A_1124 = arith.constant 11.3137083 : f32
        %parallel_loop3A_1125 = vector.broadcast %parallel_loop3A_1124 : f32 to vector<16xf32>
        %parallel_loop3A_1126 = arith.mulf %parallel_loop3A_1123, %parallel_loop3A_1125 : vector<16xf32>
        %parallel_loop3A_1127 = arith.addf %parallel_loop3A_1126, %parallel_loop3A_989 : vector<16xf32>
        %parallel_loop3A_1128 = arith.constant 1 : i32
        %parallel_loop3A_1129 = arith.constant 6 : i32
        %parallel_loop3A_1130 = arith.index_cast %parallel_loop3A_1128 : i32 to index
        %parallel_loop3A_1131 = arith.index_cast %parallel_loop3A_1129 : i32 to index
        %parallel_loop3A_1132 = arith.index_cast %parallel_loop3A_984 : i32 to index
        %parallel_loop3A_1133 = arith.constant 0 : index
        %parallel_loop3A_1134 = tpu.vector_load %arg7[%parallel_loop3A_1130, %parallel_loop3A_1131, %parallel_loop3A_1132, %parallel_loop3A_1133] {strides = array<i32>} : memref<2x8x40x128xf32, #tpu.memory_space<vmem>>, vector<1x1x1x16xf32>,
        %parallel_loop3A_1135 = vector.shape_cast %parallel_loop3A_1134 : vector<1x1x1x16xf32> to vector<16xf32>
        %parallel_loop3A_1136 = vector.shape_cast %parallel_loop3A_1127 : vector<16xf32> to vector<1x1x1x16xf32>
        tpu.vector_store %arg7[%parallel_loop3A_1130, %parallel_loop3A_1131, %parallel_loop3A_1132, %parallel_loop3A_1133], %parallel_loop3A_1136 {strides = array<i32>} : memref<2x8x40x128xf32, #tpu.memory_space<vmem>>, vector<1x1x1x16xf32>,
        %parallel_loop3A_1137 = arith.constant 1 : i32
        %parallel_loop3A_1138 = arith.constant 7 : i32
        %parallel_loop3A_1139 = arith.index_cast %parallel_loop3A_1137 : i32 to index
        %parallel_loop3A_1140 = arith.index_cast %parallel_loop3A_1138 : i32 to index
        %parallel_loop3A_1141 = arith.index_cast %parallel_loop3A_984 : i32 to index
        %parallel_loop3A_1142 = arith.constant 0 : index
        %parallel_loop3A_1143 = tpu.vector_load %arg7[%parallel_loop3A_1139, %parallel_loop3A_1140, %parallel_loop3A_1141, %parallel_loop3A_1142] {strides = array<i32>} : memref<2x8x40x128xf32, #tpu.memory_space<vmem>>, vector<1x1x1x16xf32>,
        %parallel_loop3A_1144 = vector.shape_cast %parallel_loop3A_1143 : vector<1x1x1x16xf32> to vector<16xf32>
        %parallel_loop3A_1145 = arith.constant 11.3137083 : f32
        %parallel_loop3A_1146 = vector.broadcast %parallel_loop3A_1145 : f32 to vector<16xf32>
        %parallel_loop3A_1147 = arith.mulf %parallel_loop3A_1144, %parallel_loop3A_1146 : vector<16xf32>
        %parallel_loop3A_1148 = arith.addf %parallel_loop3A_1147, %parallel_loop3A_989 : vector<16xf32>
        %parallel_loop3A_1149 = arith.constant 1 : i32
        %parallel_loop3A_1150 = arith.constant 7 : i32
        %parallel_loop3A_1151 = arith.index_cast %parallel_loop3A_1149 : i32 to index
        %parallel_loop3A_1152 = arith.index_cast %parallel_loop3A_1150 : i32 to index
        %parallel_loop3A_1153 = arith.index_cast %parallel_loop3A_984 : i32 to index
        %parallel_loop3A_1154 = arith.constant 0 : index
        %parallel_loop3A_1155 = tpu.vector_load %arg7[%parallel_loop3A_1151, %parallel_loop3A_1152, %parallel_loop3A_1153, %parallel_loop3A_1154] {strides = array<i32>} : memref<2x8x40x128xf32, #tpu.memory_space<vmem>>, vector<1x1x1x16xf32>,
        %parallel_loop3A_1156 = vector.shape_cast %parallel_loop3A_1155 : vector<1x1x1x16xf32> to vector<16xf32>
        %parallel_loop3A_1157 = vector.shape_cast %parallel_loop3A_1148 : vector<16xf32> to vector<1x1x1x16xf32>
        tpu.vector_store %arg7[%parallel_loop3A_1151, %parallel_loop3A_1152, %parallel_loop3A_1153, %parallel_loop3A_1154], %parallel_loop3A_1157 {strides = array<i32>} : memref<2x8x40x128xf32, #tpu.memory_space<vmem>>, vector<1x1x1x16xf32>,
        %parallel_loop3A_1158 = arith.addi %mul3A_932, %parallel_loop3A_984 : i32
        %parallel_loop3A_1159 = arith.index_cast %parallel_loop3A_1158 : i32 to index
        %parallel_loop3A_1160 = arith.constant 16 : index
        %parallel_loop3A_1161 = tpu.vector_load %arg8[%parallel_loop3A_1159, %parallel_loop3A_1160] {strides = array<i32>} : memref<200x128xf32, #tpu.memory_space<vmem>>, vector<1x16xf32>,
        %parallel_loop3A_1162 = vector.shape_cast %parallel_loop3A_1161 : vector<1x16xf32> to vector<16xf32>
        %parallel_loop3A_1163 = arith.constant 1 : i32
        %parallel_loop3A_1164 = arith.constant 0 : i32
        %parallel_loop3A_1165 = arith.index_cast %parallel_loop3A_1163 : i32 to index
        %parallel_loop3A_1166 = arith.index_cast %parallel_loop3A_1164 : i32 to index
        %parallel_loop3A_1167 = arith.index_cast %parallel_loop3A_984 : i32 to index
        %parallel_loop3A_1168 = arith.constant 16 : index
        %parallel_loop3A_1169 = tpu.vector_load %arg7[%parallel_loop3A_1165, %parallel_loop3A_1166, %parallel_loop3A_1167, %parallel_loop3A_1168] {strides = array<i32>} : memref<2x8x40x128xf32, #tpu.memory_space<vmem>>, vector<1x1x1x16xf32>,
        %parallel_loop3A_1170 = vector.shape_cast %parallel_loop3A_1169 : vector<1x1x1x16xf32> to vector<16xf32>
        %parallel_loop3A_1171 = arith.constant 11.3137083 : f32
        %parallel_loop3A_1172 = vector.broadcast %parallel_loop3A_1171 : f32 to vector<16xf32>
        %parallel_loop3A_1173 = arith.mulf %parallel_loop3A_1170, %parallel_loop3A_1172 : vector<16xf32>
        %parallel_loop3A_1174 = arith.addf %parallel_loop3A_1173, %parallel_loop3A_1162 : vector<16xf32>
        %parallel_loop3A_1175 = arith.constant 1 : i32
        %parallel_loop3A_1176 = arith.constant 0 : i32
        %parallel_loop3A_1177 = arith.index_cast %parallel_loop3A_1175 : i32 to index
        %parallel_loop3A_1178 = arith.index_cast %parallel_loop3A_1176 : i32 to index
        %parallel_loop3A_1179 = arith.index_cast %parallel_loop3A_984 : i32 to index
        %parallel_loop3A_1180 = arith.constant 16 : index
        %parallel_loop3A_1181 = tpu.vector_load %arg7[%parallel_loop3A_1177, %parallel_loop3A_1178, %parallel_loop3A_1179, %parallel_loop3A_1180] {strides = array<i32>} : memref<2x8x40x128xf32, #tpu.memory_space<vmem>>, vector<1x1x1x16xf32>,
        %parallel_loop3A_1182 = vector.shape_cast %parallel_loop3A_1181 : vector<1x1x1x16xf32> to vector<16xf32>
        %parallel_loop3A_1183 = vector.shape_cast %parallel_loop3A_1174 : vector<16xf32> to vector<1x1x1x16xf32>
        tpu.vector_store %arg7[%parallel_loop3A_1177, %parallel_loop3A_1178, %parallel_loop3A_1179, %parallel_loop3A_1180], %parallel_loop3A_1183 {strides = array<i32>} : memref<2x8x40x128xf32, #tpu.memory_space<vmem>>, vector<1x1x1x16xf32>,
        %parallel_loop3A_1184 = arith.constant 1 : i32
        %parallel_loop3A_1185 = arith.constant 1 : i32
        %parallel_loop3A_1186 = arith.index_cast %parallel_loop3A_1184 : i32 to index
        %parallel_loop3A_1187 = arith.index_cast %parallel_loop3A_1185 : i32 to index
        %parallel_loop3A_1188 = arith.index_cast %parallel_loop3A_984 : i32 to index
        %parallel_loop3A_1189 = arith.constant 16 : index
        %parallel_loop3A_1190 = tpu.vector_load %arg7[%parallel_loop3A_1186, %parallel_loop3A_1187, %parallel_loop3A_1188, %parallel_loop3A_1189] {strides = array<i32>} : memref<2x8x40x128xf32, #tpu.memory_space<vmem>>, vector<1x1x1x16xf32>,
        %parallel_loop3A_1191 = vector.shape_cast %parallel_loop3A_1190 : vector<1x1x1x16xf32> to vector<16xf32>
        %parallel_loop3A_1192 = arith.constant 11.3137083 : f32
        %parallel_loop3A_1193 = vector.broadcast %parallel_loop3A_1192 : f32 to vector<16xf32>
        %parallel_loop3A_1194 = arith.mulf %parallel_loop3A_1191, %parallel_loop3A_1193 : vector<16xf32>
        %parallel_loop3A_1195 = arith.addf %parallel_loop3A_1194, %parallel_loop3A_1162 : vector<16xf32>
        %parallel_loop3A_1196 = arith.constant 1 : i32
        %parallel_loop3A_1197 = arith.constant 1 : i32
        %parallel_loop3A_1198 = arith.index_cast %parallel_loop3A_1196 : i32 to index
        %parallel_loop3A_1199 = arith.index_cast %parallel_loop3A_1197 : i32 to index
        %parallel_loop3A_1200 = arith.index_cast %parallel_loop3A_984 : i32 to index
        %parallel_loop3A_1201 = arith.constant 16 : index
        %parallel_loop3A_1202 = tpu.vector_load %arg7[%parallel_loop3A_1198, %parallel_loop3A_1199, %parallel_loop3A_1200, %parallel_loop3A_1201] {strides = array<i32>} : memref<2x8x40x128xf32, #tpu.memory_space<vmem>>, vector<1x1x1x16xf32>,
        %parallel_loop3A_1203 = vector.shape_cast %parallel_loop3A_1202 : vector<1x1x1x16xf32> to vector<16xf32>
        %parallel_loop3A_1204 = vector.shape_cast %parallel_loop3A_1195 : vector<16xf32> to vector<1x1x1x16xf32>
        tpu.vector_store %arg7[%parallel_loop3A_1198, %parallel_loop3A_1199, %parallel_loop3A_1200, %parallel_loop3A_1201], %parallel_loop3A_1204 {strides = array<i32>} : memref<2x8x40x128xf32, #tpu.memory_space<vmem>>, vector<1x1x1x16xf32>,
        %parallel_loop3A_1205 = arith.constant 1 : i32
        %parallel_loop3A_1206 = arith.constant 2 : i32
        %parallel_loop3A_1207 = arith.index_cast %parallel_loop3A_1205 : i32 to index
        %parallel_loop3A_1208 = arith.index_cast %parallel_loop3A_1206 : i32 to index
        %parallel_loop3A_1209 = arith.index_cast %parallel_loop3A_984 : i32 to index
        %parallel_loop3A_1210 = arith.constant 16 : index
        %parallel_loop3A_1211 = tpu.vector_load %arg7[%parallel_loop3A_1207, %parallel_loop3A_1208, %parallel_loop3A_1209, %parallel_loop3A_1210] {strides = array<i32>} : memref<2x8x40x128xf32, #tpu.memory_space<vmem>>, vector<1x1x1x16xf32>,
        %parallel_loop3A_1212 = vector.shape_cast %parallel_loop3A_1211 : vector<1x1x1x16xf32> to vector<16xf32>
        %parallel_loop3A_1213 = arith.constant 11.3137083 : f32
        %parallel_loop3A_1214 = vector.broadcast %parallel_loop3A_1213 : f32 to vector<16xf32>
        %parallel_loop3A_1215 = arith.mulf %parallel_loop3A_1212, %parallel_loop3A_1214 : vector<16xf32>
        %parallel_loop3A_1216 = arith.addf %parallel_loop3A_1215, %parallel_loop3A_1162 : vector<16xf32>
        %parallel_loop3A_1217 = arith.constant 1 : i32
        %parallel_loop3A_1218 = arith.constant 2 : i32
        %parallel_loop3A_1219 = arith.index_cast %parallel_loop3A_1217 : i32 to index
        %parallel_loop3A_1220 = arith.index_cast %parallel_loop3A_1218 : i32 to index
        %parallel_loop3A_1221 = arith.index_cast %parallel_loop3A_984 : i32 to index
        %parallel_loop3A_1222 = arith.constant 16 : index
        %parallel_loop3A_1223 = tpu.vector_load %arg7[%parallel_loop3A_1219, %parallel_loop3A_1220, %parallel_loop3A_1221, %parallel_loop3A_1222] {strides = array<i32>} : memref<2x8x40x128xf32, #tpu.memory_space<vmem>>, vector<1x1x1x16xf32>,
        %parallel_loop3A_1224 = vector.shape_cast %parallel_loop3A_1223 : vector<1x1x1x16xf32> to vector<16xf32>
        %parallel_loop3A_1225 = vector.shape_cast %parallel_loop3A_1216 : vector<16xf32> to vector<1x1x1x16xf32>
        tpu.vector_store %arg7[%parallel_loop3A_1219, %parallel_loop3A_1220, %parallel_loop3A_1221, %parallel_loop3A_1222], %parallel_loop3A_1225 {strides = array<i32>} : memref<2x8x40x128xf32, #tpu.memory_space<vmem>>, vector<1x1x1x16xf32>,
        %parallel_loop3A_1226 = arith.constant 1 : i32
        %parallel_loop3A_1227 = arith.constant 3 : i32
        %parallel_loop3A_1228 = arith.index_cast %parallel_loop3A_1226 : i32 to index
        %parallel_loop3A_1229 = arith.index_cast %parallel_loop3A_1227 : i32 to index
        %parallel_loop3A_1230 = arith.index_cast %parallel_loop3A_984 : i32 to index
        %parallel_loop3A_1231 = arith.constant 16 : index
        %parallel_loop3A_1232 = tpu.vector_load %arg7[%parallel_loop3A_1228, %parallel_loop3A_1229, %parallel_loop3A_1230, %parallel_loop3A_1231] {strides = array<i32>} : memref<2x8x40x128xf32, #tpu.memory_space<vmem>>, vector<1x1x1x16xf32>,
        %parallel_loop3A_1233 = vector.shape_cast %parallel_loop3A_1232 : vector<1x1x1x16xf32> to vector<16xf32>
        %parallel_loop3A_1234 = arith.constant 11.3137083 : f32
        %parallel_loop3A_1235 = vector.broadcast %parallel_loop3A_1234 : f32 to vector<16xf32>
        %parallel_loop3A_1236 = arith.mulf %parallel_loop3A_1233, %parallel_loop3A_1235 : vector<16xf32>
        %parallel_loop3A_1237 = arith.addf %parallel_loop3A_1236, %parallel_loop3A_1162 : vector<16xf32>
        %parallel_loop3A_1238 = arith.constant 1 : i32
        %parallel_loop3A_1239 = arith.constant 3 : i32
        %parallel_loop3A_1240 = arith.index_cast %parallel_loop3A_1238 : i32 to index
        %parallel_loop3A_1241 = arith.index_cast %parallel_loop3A_1239 : i32 to index
        %parallel_loop3A_1242 = arith.index_cast %parallel_loop3A_984 : i32 to index
        %parallel_loop3A_1243 = arith.constant 16 : index
        %parallel_loop3A_1244 = tpu.vector_load %arg7[%parallel_loop3A_1240, %parallel_loop3A_1241, %parallel_loop3A_1242, %parallel_loop3A_1243] {strides = array<i32>} : memref<2x8x40x128xf32, #tpu.memory_space<vmem>>, vector<1x1x1x16xf32>,
        %parallel_loop3A_1245 = vector.shape_cast %parallel_loop3A_1244 : vector<1x1x1x16xf32> to vector<16xf32>
        %parallel_loop3A_1246 = vector.shape_cast %parallel_loop3A_1237 : vector<16xf32> to vector<1x1x1x16xf32>
        tpu.vector_store %arg7[%parallel_loop3A_1240, %parallel_loop3A_1241, %parallel_loop3A_1242, %parallel_loop3A_1243], %parallel_loop3A_1246 {strides = array<i32>} : memref<2x8x40x128xf32, #tpu.memory_space<vmem>>, vector<1x1x1x16xf32>,
        %parallel_loop3A_1247 = arith.constant 1 : i32
        %parallel_loop3A_1248 = arith.constant 4 : i32
        %parallel_loop3A_1249 = arith.index_cast %parallel_loop3A_1247 : i32 to index
        %parallel_loop3A_1250 = arith.index_cast %parallel_loop3A_1248 : i32 to index
        %parallel_loop3A_1251 = arith.index_cast %parallel_loop3A_984 : i32 to index
        %parallel_loop3A_1252 = arith.constant 16 : index
        %parallel_loop3A_1253 = tpu.vector_load %arg7[%parallel_loop3A_1249, %parallel_loop3A_1250, %parallel_loop3A_1251, %parallel_loop3A_1252] {strides = array<i32>} : memref<2x8x40x128xf32, #tpu.memory_space<vmem>>, vector<1x1x1x16xf32>,
        %parallel_loop3A_1254 = vector.shape_cast %parallel_loop3A_1253 : vector<1x1x1x16xf32> to vector<16xf32>
        %parallel_loop3A_1255 = arith.constant 11.3137083 : f32
        %parallel_loop3A_1256 = vector.broadcast %parallel_loop3A_1255 : f32 to vector<16xf32>
        %parallel_loop3A_1257 = arith.mulf %parallel_loop3A_1254, %parallel_loop3A_1256 : vector<16xf32>
        %parallel_loop3A_1258 = arith.addf %parallel_loop3A_1257, %parallel_loop3A_1162 : vector<16xf32>
        %parallel_loop3A_1259 = arith.constant 1 : i32
        %parallel_loop3A_1260 = arith.constant 4 : i32
        %parallel_loop3A_1261 = arith.index_cast %parallel_loop3A_1259 : i32 to index
        %parallel_loop3A_1262 = arith.index_cast %parallel_loop3A_1260 : i32 to index
        %parallel_loop3A_1263 = arith.index_cast %parallel_loop3A_984 : i32 to index
        %parallel_loop3A_1264 = arith.constant 16 : index
        %parallel_loop3A_1265 = tpu.vector_load %arg7[%parallel_loop3A_1261, %parallel_loop3A_1262, %parallel_loop3A_1263, %parallel_loop3A_1264] {strides = array<i32>} : memref<2x8x40x128xf32, #tpu.memory_space<vmem>>, vector<1x1x1x16xf32>,
        %parallel_loop3A_1266 = vector.shape_cast %parallel_loop3A_1265 : vector<1x1x1x16xf32> to vector<16xf32>
        %parallel_loop3A_1267 = vector.shape_cast %parallel_loop3A_1258 : vector<16xf32> to vector<1x1x1x16xf32>
        tpu.vector_store %arg7[%parallel_loop3A_1261, %parallel_loop3A_1262, %parallel_loop3A_1263, %parallel_loop3A_1264], %parallel_loop3A_1267 {strides = array<i32>} : memref<2x8x40x128xf32, #tpu.memory_space<vmem>>, vector<1x1x1x16xf32>,
        %parallel_loop3A_1268 = arith.constant 1 : i32
        %parallel_loop3A_1269 = arith.constant 5 : i32
        %parallel_loop3A_1270 = arith.index_cast %parallel_loop3A_1268 : i32 to index
        %parallel_loop3A_1271 = arith.index_cast %parallel_loop3A_1269 : i32 to index
        %parallel_loop3A_1272 = arith.index_cast %parallel_loop3A_984 : i32 to index
        %parallel_loop3A_1273 = arith.constant 16 : index
        %parallel_loop3A_1274 = tpu.vector_load %arg7[%parallel_loop3A_1270, %parallel_loop3A_1271, %parallel_loop3A_1272, %parallel_loop3A_1273] {strides = array<i32>} : memref<2x8x40x128xf32, #tpu.memory_space<vmem>>, vector<1x1x1x16xf32>,
        %parallel_loop3A_1275 = vector.shape_cast %parallel_loop3A_1274 : vector<1x1x1x16xf32> to vector<16xf32>
        %parallel_loop3A_1276 = arith.constant 11.3137083 : f32
        %parallel_loop3A_1277 = vector.broadcast %parallel_loop3A_1276 : f32 to vector<16xf32>
        %parallel_loop3A_1278 = arith.mulf %parallel_loop3A_1275, %parallel_loop3A_1277 : vector<16xf32>
        %parallel_loop3A_1279 = arith.addf %parallel_loop3A_1278, %parallel_loop3A_1162 : vector<16xf32>
        %parallel_loop3A_1280 = arith.constant 1 : i32
        %parallel_loop3A_1281 = arith.constant 5 : i32
        %parallel_loop3A_1282 = arith.index_cast %parallel_loop3A_1280 : i32 to index
        %parallel_loop3A_1283 = arith.index_cast %parallel_loop3A_1281 : i32 to index
        %parallel_loop3A_1284 = arith.index_cast %parallel_loop3A_984 : i32 to index
        %parallel_loop3A_1285 = arith.constant 16 : index
        %parallel_loop3A_1286 = tpu.vector_load %arg7[%parallel_loop3A_1282, %parallel_loop3A_1283, %parallel_loop3A_1284, %parallel_loop3A_1285] {strides = array<i32>} : memref<2x8x40x128xf32, #tpu.memory_space<vmem>>, vector<1x1x1x16xf32>,
        %parallel_loop3A_1287 = vector.shape_cast %parallel_loop3A_1286 : vector<1x1x1x16xf32> to vector<16xf32>
        %parallel_loop3A_1288 = vector.shape_cast %parallel_loop3A_1279 : vector<16xf32> to vector<1x1x1x16xf32>
        tpu.vector_store %arg7[%parallel_loop3A_1282, %parallel_loop3A_1283, %parallel_loop3A_1284, %parallel_loop3A_1285], %parallel_loop3A_1288 {strides = array<i32>} : memref<2x8x40x128xf32, #tpu.memory_space<vmem>>, vector<1x1x1x16xf32>,
        %parallel_loop3A_1289 = arith.constant 1 : i32
        %parallel_loop3A_1290 = arith.constant 6 : i32
        %parallel_loop3A_1291 = arith.index_cast %parallel_loop3A_1289 : i32 to index
        %parallel_loop3A_1292 = arith.index_cast %parallel_loop3A_1290 : i32 to index
        %parallel_loop3A_1293 = arith.index_cast %parallel_loop3A_984 : i32 to index
        %parallel_loop3A_1294 = arith.constant 16 : index
        %parallel_loop3A_1295 = tpu.vector_load %arg7[%parallel_loop3A_1291, %parallel_loop3A_1292, %parallel_loop3A_1293, %parallel_loop3A_1294] {strides = array<i32>} : memref<2x8x40x128xf32, #tpu.memory_space<vmem>>, vector<1x1x1x16xf32>,
        %parallel_loop3A_1296 = vector.shape_cast %parallel_loop3A_1295 : vector<1x1x1x16xf32> to vector<16xf32>
        %parallel_loop3A_1297 = arith.constant 11.3137083 : f32
        %parallel_loop3A_1298 = vector.broadcast %parallel_loop3A_1297 : f32 to vector<16xf32>
        %parallel_loop3A_1299 = arith.mulf %parallel_loop3A_1296, %parallel_loop3A_1298 : vector<16xf32>
        %parallel_loop3A_1300 = arith.addf %parallel_loop3A_1299, %parallel_loop3A_1162 : vector<16xf32>
        %parallel_loop3A_1301 = arith.constant 1 : i32
        %parallel_loop3A_1302 = arith.constant 6 : i32
        %parallel_loop3A_1303 = arith.index_cast %parallel_loop3A_1301 : i32 to index
        %parallel_loop3A_1304 = arith.index_cast %parallel_loop3A_1302 : i32 to index
        %parallel_loop3A_1305 = arith.index_cast %parallel_loop3A_984 : i32 to index
        %parallel_loop3A_1306 = arith.constant 16 : index
        %parallel_loop3A_1307 = tpu.vector_load %arg7[%parallel_loop3A_1303, %parallel_loop3A_1304, %parallel_loop3A_1305, %parallel_loop3A_1306] {strides = array<i32>} : memref<2x8x40x128xf32, #tpu.memory_space<vmem>>, vector<1x1x1x16xf32>,
        %parallel_loop3A_1308 = vector.shape_cast %parallel_loop3A_1307 : vector<1x1x1x16xf32> to vector<16xf32>
        %parallel_loop3A_1309 = vector.shape_cast %parallel_loop3A_1300 : vector<16xf32> to vector<1x1x1x16xf32>
        tpu.vector_store %arg7[%parallel_loop3A_1303, %parallel_loop3A_1304, %parallel_loop3A_1305, %parallel_loop3A_1306], %parallel_loop3A_1309 {strides = array<i32>} : memref<2x8x40x128xf32, #tpu.memory_space<vmem>>, vector<1x1x1x16xf32>,
        %parallel_loop3A_1310 = arith.constant 1 : i32
        %parallel_loop3A_1311 = arith.constant 7 : i32
        %parallel_loop3A_1312 = arith.index_cast %parallel_loop3A_1310 : i32 to index
        %parallel_loop3A_1313 = arith.index_cast %parallel_loop3A_1311 : i32 to index
        %parallel_loop3A_1314 = arith.index_cast %parallel_loop3A_984 : i32 to index
        %parallel_loop3A_1315 = arith.constant 16 : index
        %parallel_loop3A_1316 = tpu.vector_load %arg7[%parallel_loop3A_1312, %parallel_loop3A_1313, %parallel_loop3A_1314, %parallel_loop3A_1315] {strides = array<i32>} : memref<2x8x40x128xf32, #tpu.memory_space<vmem>>, vector<1x1x1x16xf32>,
        %parallel_loop3A_1317 = vector.shape_cast %parallel_loop3A_1316 : vector<1x1x1x16xf32> to vector<16xf32>
        %parallel_loop3A_1318 = arith.constant 11.3137083 : f32
        %parallel_loop3A_1319 = vector.broadcast %parallel_loop3A_1318 : f32 to vector<16xf32>
        %parallel_loop3A_1320 = arith.mulf %parallel_loop3A_1317, %parallel_loop3A_1319 : vector<16xf32>
        %parallel_loop3A_1321 = arith.addf %parallel_loop3A_1320, %parallel_loop3A_1162 : vector<16xf32>
        %parallel_loop3A_1322 = arith.constant 1 : i32
        %parallel_loop3A_1323 = arith.constant 7 : i32
        %parallel_loop3A_1324 = arith.index_cast %parallel_loop3A_1322 : i32 to index
        %parallel_loop3A_1325 = arith.index_cast %parallel_loop3A_1323 : i32 to index
        %parallel_loop3A_1326 = arith.index_cast %parallel_loop3A_984 : i32 to index
        %parallel_loop3A_1327 = arith.constant 16 : index
        %parallel_loop3A_1328 = tpu.vector_load %arg7[%parallel_loop3A_1324, %parallel_loop3A_1325, %parallel_loop3A_1326, %parallel_loop3A_1327] {strides = array<i32>} : memref<2x8x40x128xf32, #tpu.memory_space<vmem>>, vector<1x1x1x16xf32>,
        %parallel_loop3A_1329 = vector.shape_cast %parallel_loop3A_1328 : vector<1x1x1x16xf32> to vector<16xf32>
        %parallel_loop3A_1330 = vector.shape_cast %parallel_loop3A_1321 : vector<16xf32> to vector<1x1x1x16xf32>
        tpu.vector_store %arg7[%parallel_loop3A_1324, %parallel_loop3A_1325, %parallel_loop3A_1326, %parallel_loop3A_1327], %parallel_loop3A_1330 {strides = array<i32>} : memref<2x8x40x128xf32, #tpu.memory_space<vmem>>, vector<1x1x1x16xf32>,
        %parallel_loop3A_1331 = arith.addi %mul3A_932, %parallel_loop3A_984 : i32
        %parallel_loop3A_1332 = arith.index_cast %parallel_loop3A_1331 : i32 to index
        %parallel_loop3A_1333 = arith.constant 32 : index
        %parallel_loop3A_1334 = tpu.vector_load %arg8[%parallel_loop3A_1332, %parallel_loop3A_1333] {strides = array<i32>} : memref<200x128xf32, #tpu.memory_space<vmem>>, vector<1x16xf32>,
        %parallel_loop3A_1335 = vector.shape_cast %parallel_loop3A_1334 : vector<1x16xf32> to vector<16xf32>
        %parallel_loop3A_1336 = arith.constant 1 : i32
        %parallel_loop3A_1337 = arith.constant 0 : i32
        %parallel_loop3A_1338 = arith.index_cast %parallel_loop3A_1336 : i32 to index
        %parallel_loop3A_1339 = arith.index_cast %parallel_loop3A_1337 : i32 to index
        %parallel_loop3A_1340 = arith.index_cast %parallel_loop3A_984 : i32 to index
        %parallel_loop3A_1341 = arith.constant 32 : index
        %parallel_loop3A_1342 = tpu.vector_load %arg7[%parallel_loop3A_1338, %parallel_loop3A_1339, %parallel_loop3A_1340, %parallel_loop3A_1341] {strides = array<i32>} : memref<2x8x40x128xf32, #tpu.memory_space<vmem>>, vector<1x1x1x16xf32>,
        %parallel_loop3A_1343 = vector.shape_cast %parallel_loop3A_1342 : vector<1x1x1x16xf32> to vector<16xf32>
        %parallel_loop3A_1344 = arith.constant 11.3137083 : f32
        %parallel_loop3A_1345 = vector.broadcast %parallel_loop3A_1344 : f32 to vector<16xf32>
        %parallel_loop3A_1346 = arith.mulf %parallel_loop3A_1343, %parallel_loop3A_1345 : vector<16xf32>
        %parallel_loop3A_1347 = arith.addf %parallel_loop3A_1346, %parallel_loop3A_1335 : vector<16xf32>
        %parallel_loop3A_1348 = arith.constant 1 : i32
        %parallel_loop3A_1349 = arith.constant 0 : i32
        %parallel_loop3A_1350 = arith.index_cast %parallel_loop3A_1348 : i32 to index
        %parallel_loop3A_1351 = arith.index_cast %parallel_loop3A_1349 : i32 to index
        %parallel_loop3A_1352 = arith.index_cast %parallel_loop3A_984 : i32 to index
        %parallel_loop3A_1353 = arith.constant 32 : index
        %parallel_loop3A_1354 = tpu.vector_load %arg7[%parallel_loop3A_1350, %parallel_loop3A_1351, %parallel_loop3A_1352, %parallel_loop3A_1353] {strides = array<i32>} : memref<2x8x40x128xf32, #tpu.memory_space<vmem>>, vector<1x1x1x16xf32>,
        %parallel_loop3A_1355 = vector.shape_cast %parallel_loop3A_1354 : vector<1x1x1x16xf32> to vector<16xf32>
        %parallel_loop3A_1356 = vector.shape_cast %parallel_loop3A_1347 : vector<16xf32> to vector<1x1x1x16xf32>
        tpu.vector_store %arg7[%parallel_loop3A_1350, %parallel_loop3A_1351, %parallel_loop3A_1352, %parallel_loop3A_1353], %parallel_loop3A_1356 {strides = array<i32>} : memref<2x8x40x128xf32, #tpu.memory_space<vmem>>, vector<1x1x1x16xf32>,
        %parallel_loop3A_1357 = arith.constant 1 : i32
        %parallel_loop3A_1358 = arith.constant 1 : i32
        %parallel_loop3A_1359 = arith.index_cast %parallel_loop3A_1357 : i32 to index
        %parallel_loop3A_1360 = arith.index_cast %parallel_loop3A_1358 : i32 to index
        %parallel_loop3A_1361 = arith.index_cast %parallel_loop3A_984 : i32 to index
        %parallel_loop3A_1362 = arith.constant 32 : index
        %parallel_loop3A_1363 = tpu.vector_load %arg7[%parallel_loop3A_1359, %parallel_loop3A_1360, %parallel_loop3A_1361, %parallel_loop3A_1362] {strides = array<i32>} : memref<2x8x40x128xf32, #tpu.memory_space<vmem>>, vector<1x1x1x16xf32>,
        %parallel_loop3A_1364 = vector.shape_cast %parallel_loop3A_1363 : vector<1x1x1x16xf32> to vector<16xf32>
        %parallel_loop3A_1365 = arith.constant 11.3137083 : f32
        %parallel_loop3A_1366 = vector.broadcast %parallel_loop3A_1365 : f32 to vector<16xf32>
        %parallel_loop3A_1367 = arith.mulf %parallel_loop3A_1364, %parallel_loop3A_1366 : vector<16xf32>
        %parallel_loop3A_1368 = arith.addf %parallel_loop3A_1367, %parallel_loop3A_1335 : vector<16xf32>
        %parallel_loop3A_1369 = arith.constant 1 : i32
        %parallel_loop3A_1370 = arith.constant 1 : i32
        %parallel_loop3A_1371 = arith.index_cast %parallel_loop3A_1369 : i32 to index
        %parallel_loop3A_1372 = arith.index_cast %parallel_loop3A_1370 : i32 to index
        %parallel_loop3A_1373 = arith.index_cast %parallel_loop3A_984 : i32 to index
        %parallel_loop3A_1374 = arith.constant 32 : index
        %parallel_loop3A_1375 = tpu.vector_load %arg7[%parallel_loop3A_1371, %parallel_loop3A_1372, %parallel_loop3A_1373, %parallel_loop3A_1374] {strides = array<i32>} : memref<2x8x40x128xf32, #tpu.memory_space<vmem>>, vector<1x1x1x16xf32>,
        %parallel_loop3A_1376 = vector.shape_cast %parallel_loop3A_1375 : vector<1x1x1x16xf32> to vector<16xf32>
        %parallel_loop3A_1377 = vector.shape_cast %parallel_loop3A_1368 : vector<16xf32> to vector<1x1x1x16xf32>
        tpu.vector_store %arg7[%parallel_loop3A_1371, %parallel_loop3A_1372, %parallel_loop3A_1373, %parallel_loop3A_1374], %parallel_loop3A_1377 {strides = array<i32>} : memref<2x8x40x128xf32, #tpu.memory_space<vmem>>, vector<1x1x1x16xf32>,
        %parallel_loop3A_1378 = arith.constant 1 : i32
        %parallel_loop3A_1379 = arith.constant 2 : i32
        %parallel_loop3A_1380 = arith.index_cast %parallel_loop3A_1378 : i32 to index
        %parallel_loop3A_1381 = arith.index_cast %parallel_loop3A_1379 : i32 to index
        %parallel_loop3A_1382 = arith.index_cast %parallel_loop3A_984 : i32 to index
        %parallel_loop3A_1383 = arith.constant 32 : index
        %parallel_loop3A_1384 = tpu.vector_load %arg7[%parallel_loop3A_1380, %parallel_loop3A_1381, %parallel_loop3A_1382, %parallel_loop3A_1383] {strides = array<i32>} : memref<2x8x40x128xf32, #tpu.memory_space<vmem>>, vector<1x1x1x16xf32>,
        %parallel_loop3A_1385 = vector.shape_cast %parallel_loop3A_1384 : vector<1x1x1x16xf32> to vector<16xf32>
        %parallel_loop3A_1386 = arith.constant 11.3137083 : f32
        %parallel_loop3A_1387 = vector.broadcast %parallel_loop3A_1386 : f32 to vector<16xf32>
        %parallel_loop3A_1388 = arith.mulf %parallel_loop3A_1385, %parallel_loop3A_1387 : vector<16xf32>
        %parallel_loop3A_1389 = arith.addf %parallel_loop3A_1388, %parallel_loop3A_1335 : vector<16xf32>
        %parallel_loop3A_1390 = arith.constant 1 : i32
        %parallel_loop3A_1391 = arith.constant 2 : i32
        %parallel_loop3A_1392 = arith.index_cast %parallel_loop3A_1390 : i32 to index
        %parallel_loop3A_1393 = arith.index_cast %parallel_loop3A_1391 : i32 to index
        %parallel_loop3A_1394 = arith.index_cast %parallel_loop3A_984 : i32 to index
        %parallel_loop3A_1395 = arith.constant 32 : index
        %parallel_loop3A_1396 = tpu.vector_load %arg7[%parallel_loop3A_1392, %parallel_loop3A_1393, %parallel_loop3A_1394, %parallel_loop3A_1395] {strides = array<i32>} : memref<2x8x40x128xf32, #tpu.memory_space<vmem>>, vector<1x1x1x16xf32>,
        %parallel_loop3A_1397 = vector.shape_cast %parallel_loop3A_1396 : vector<1x1x1x16xf32> to vector<16xf32>
        %parallel_loop3A_1398 = vector.shape_cast %parallel_loop3A_1389 : vector<16xf32> to vector<1x1x1x16xf32>
        tpu.vector_store %arg7[%parallel_loop3A_1392, %parallel_loop3A_1393, %parallel_loop3A_1394, %parallel_loop3A_1395], %parallel_loop3A_1398 {strides = array<i32>} : memref<2x8x40x128xf32, #tpu.memory_space<vmem>>, vector<1x1x1x16xf32>,
        %parallel_loop3A_1399 = arith.constant 1 : i32
        %parallel_loop3A_1400 = arith.constant 3 : i32
        %parallel_loop3A_1401 = arith.index_cast %parallel_loop3A_1399 : i32 to index
        %parallel_loop3A_1402 = arith.index_cast %parallel_loop3A_1400 : i32 to index
        %parallel_loop3A_1403 = arith.index_cast %parallel_loop3A_984 : i32 to index
        %parallel_loop3A_1404 = arith.constant 32 : index
        %parallel_loop3A_1405 = tpu.vector_load %arg7[%parallel_loop3A_1401, %parallel_loop3A_1402, %parallel_loop3A_1403, %parallel_loop3A_1404] {strides = array<i32>} : memref<2x8x40x128xf32, #tpu.memory_space<vmem>>, vector<1x1x1x16xf32>,
        %parallel_loop3A_1406 = vector.shape_cast %parallel_loop3A_1405 : vector<1x1x1x16xf32> to vector<16xf32>
        %parallel_loop3A_1407 = arith.constant 11.3137083 : f32
        %parallel_loop3A_1408 = vector.broadcast %parallel_loop3A_1407 : f32 to vector<16xf32>
        %parallel_loop3A_1409 = arith.mulf %parallel_loop3A_1406, %parallel_loop3A_1408 : vector<16xf32>
        %parallel_loop3A_1410 = arith.addf %parallel_loop3A_1409, %parallel_loop3A_1335 : vector<16xf32>
        %parallel_loop3A_1411 = arith.constant 1 : i32
        %parallel_loop3A_1412 = arith.constant 3 : i32
        %parallel_loop3A_1413 = arith.index_cast %parallel_loop3A_1411 : i32 to index
        %parallel_loop3A_1414 = arith.index_cast %parallel_loop3A_1412 : i32 to index
        %parallel_loop3A_1415 = arith.index_cast %parallel_loop3A_984 : i32 to index
        %parallel_loop3A_1416 = arith.constant 32 : index
        %parallel_loop3A_1417 = tpu.vector_load %arg7[%parallel_loop3A_1413, %parallel_loop3A_1414, %parallel_loop3A_1415, %parallel_loop3A_1416] {strides = array<i32>} : memref<2x8x40x128xf32, #tpu.memory_space<vmem>>, vector<1x1x1x16xf32>,
        %parallel_loop3A_1418 = vector.shape_cast %parallel_loop3A_1417 : vector<1x1x1x16xf32> to vector<16xf32>
        %parallel_loop3A_1419 = vector.shape_cast %parallel_loop3A_1410 : vector<16xf32> to vector<1x1x1x16xf32>
        tpu.vector_store %arg7[%parallel_loop3A_1413, %parallel_loop3A_1414, %parallel_loop3A_1415, %parallel_loop3A_1416], %parallel_loop3A_1419 {strides = array<i32>} : memref<2x8x40x128xf32, #tpu.memory_space<vmem>>, vector<1x1x1x16xf32>,
        %parallel_loop3A_1420 = arith.constant 1 : i32
        %parallel_loop3A_1421 = arith.constant 4 : i32
        %parallel_loop3A_1422 = arith.index_cast %parallel_loop3A_1420 : i32 to index
        %parallel_loop3A_1423 = arith.index_cast %parallel_loop3A_1421 : i32 to index
        %parallel_loop3A_1424 = arith.index_cast %parallel_loop3A_984 : i32 to index
        %parallel_loop3A_1425 = arith.constant 32 : index
        %parallel_loop3A_1426 = tpu.vector_load %arg7[%parallel_loop3A_1422, %parallel_loop3A_1423, %parallel_loop3A_1424, %parallel_loop3A_1425] {strides = array<i32>} : memref<2x8x40x128xf32, #tpu.memory_space<vmem>>, vector<1x1x1x16xf32>,
        %parallel_loop3A_1427 = vector.shape_cast %parallel_loop3A_1426 : vector<1x1x1x16xf32> to vector<16xf32>
        %parallel_loop3A_1428 = arith.constant 11.3137083 : f32
        %parallel_loop3A_1429 = vector.broadcast %parallel_loop3A_1428 : f32 to vector<16xf32>
        %parallel_loop3A_1430 = arith.mulf %parallel_loop3A_1427, %parallel_loop3A_1429 : vector<16xf32>
        %parallel_loop3A_1431 = arith.addf %parallel_loop3A_1430, %parallel_loop3A_1335 : vector<16xf32>
        %parallel_loop3A_1432 = arith.constant 1 : i32
        %parallel_loop3A_1433 = arith.constant 4 : i32
        %parallel_loop3A_1434 = arith.index_cast %parallel_loop3A_1432 : i32 to index
        %parallel_loop3A_1435 = arith.index_cast %parallel_loop3A_1433 : i32 to index
        %parallel_loop3A_1436 = arith.index_cast %parallel_loop3A_984 : i32 to index
        %parallel_loop3A_1437 = arith.constant 32 : index
        %parallel_loop3A_1438 = tpu.vector_load %arg7[%parallel_loop3A_1434, %parallel_loop3A_1435, %parallel_loop3A_1436, %parallel_loop3A_1437] {strides = array<i32>} : memref<2x8x40x128xf32, #tpu.memory_space<vmem>>, vector<1x1x1x16xf32>,
        %parallel_loop3A_1439 = vector.shape_cast %parallel_loop3A_1438 : vector<1x1x1x16xf32> to vector<16xf32>
        %parallel_loop3A_1440 = vector.shape_cast %parallel_loop3A_1431 : vector<16xf32> to vector<1x1x1x16xf32>
        tpu.vector_store %arg7[%parallel_loop3A_1434, %parallel_loop3A_1435, %parallel_loop3A_1436, %parallel_loop3A_1437], %parallel_loop3A_1440 {strides = array<i32>} : memref<2x8x40x128xf32, #tpu.memory_space<vmem>>, vector<1x1x1x16xf32>,
        %parallel_loop3A_1441 = arith.constant 1 : i32
        %parallel_loop3A_1442 = arith.constant 5 : i32
        %parallel_loop3A_1443 = arith.index_cast %parallel_loop3A_1441 : i32 to index
        %parallel_loop3A_1444 = arith.index_cast %parallel_loop3A_1442 : i32 to index
        %parallel_loop3A_1445 = arith.index_cast %parallel_loop3A_984 : i32 to index
        %parallel_loop3A_1446 = arith.constant 32 : index
        %parallel_loop3A_1447 = tpu.vector_load %arg7[%parallel_loop3A_1443, %parallel_loop3A_1444, %parallel_loop3A_1445, %parallel_loop3A_1446] {strides = array<i32>} : memref<2x8x40x128xf32, #tpu.memory_space<vmem>>, vector<1x1x1x16xf32>,
        %parallel_loop3A_1448 = vector.shape_cast %parallel_loop3A_1447 : vector<1x1x1x16xf32> to vector<16xf32>
        %parallel_loop3A_1449 = arith.constant 11.3137083 : f32
        %parallel_loop3A_1450 = vector.broadcast %parallel_loop3A_1449 : f32 to vector<16xf32>
        %parallel_loop3A_1451 = arith.mulf %parallel_loop3A_1448, %parallel_loop3A_1450 : vector<16xf32>
        %parallel_loop3A_1452 = arith.addf %parallel_loop3A_1451, %parallel_loop3A_1335 : vector<16xf32>
        %parallel_loop3A_1453 = arith.constant 1 : i32
        %parallel_loop3A_1454 = arith.constant 5 : i32
        %parallel_loop3A_1455 = arith.index_cast %parallel_loop3A_1453 : i32 to index
        %parallel_loop3A_1456 = arith.index_cast %parallel_loop3A_1454 : i32 to index
        %parallel_loop3A_1457 = arith.index_cast %parallel_loop3A_984 : i32 to index
        %parallel_loop3A_1458 = arith.constant 32 : index
        %parallel_loop3A_1459 = tpu.vector_load %arg7[%parallel_loop3A_1455, %parallel_loop3A_1456, %parallel_loop3A_1457, %parallel_loop3A_1458] {strides = array<i32>} : memref<2x8x40x128xf32, #tpu.memory_space<vmem>>, vector<1x1x1x16xf32>,
        %parallel_loop3A_1460 = vector.shape_cast %parallel_loop3A_1459 : vector<1x1x1x16xf32> to vector<16xf32>
        %parallel_loop3A_1461 = vector.shape_cast %parallel_loop3A_1452 : vector<16xf32> to vector<1x1x1x16xf32>
        tpu.vector_store %arg7[%parallel_loop3A_1455, %parallel_loop3A_1456, %parallel_loop3A_1457, %parallel_loop3A_1458], %parallel_loop3A_1461 {strides = array<i32>} : memref<2x8x40x128xf32, #tpu.memory_space<vmem>>, vector<1x1x1x16xf32>,
        %parallel_loop3A_1462 = arith.constant 1 : i32
        %parallel_loop3A_1463 = arith.constant 6 : i32
        %parallel_loop3A_1464 = arith.index_cast %parallel_loop3A_1462 : i32 to index
        %parallel_loop3A_1465 = arith.index_cast %parallel_loop3A_1463 : i32 to index
        %parallel_loop3A_1466 = arith.index_cast %parallel_loop3A_984 : i32 to index
        %parallel_loop3A_1467 = arith.constant 32 : index
        %parallel_loop3A_1468 = tpu.vector_load %arg7[%parallel_loop3A_1464, %parallel_loop3A_1465, %parallel_loop3A_1466, %parallel_loop3A_1467] {strides = array<i32>} : memref<2x8x40x128xf32, #tpu.memory_space<vmem>>, vector<1x1x1x16xf32>,
        %parallel_loop3A_1469 = vector.shape_cast %parallel_loop3A_1468 : vector<1x1x1x16xf32> to vector<16xf32>
        %parallel_loop3A_1470 = arith.constant 11.3137083 : f32
        %parallel_loop3A_1471 = vector.broadcast %parallel_loop3A_1470 : f32 to vector<16xf32>
        %parallel_loop3A_1472 = arith.mulf %parallel_loop3A_1469, %parallel_loop3A_1471 : vector<16xf32>
        %parallel_loop3A_1473 = arith.addf %parallel_loop3A_1472, %parallel_loop3A_1335 : vector<16xf32>
        %parallel_loop3A_1474 = arith.constant 1 : i32
        %parallel_loop3A_1475 = arith.constant 6 : i32
        %parallel_loop3A_1476 = arith.index_cast %parallel_loop3A_1474 : i32 to index
        %parallel_loop3A_1477 = arith.index_cast %parallel_loop3A_1475 : i32 to index
        %parallel_loop3A_1478 = arith.index_cast %parallel_loop3A_984 : i32 to index
        %parallel_loop3A_1479 = arith.constant 32 : index
        %parallel_loop3A_1480 = tpu.vector_load %arg7[%parallel_loop3A_1476, %parallel_loop3A_1477, %parallel_loop3A_1478, %parallel_loop3A_1479] {strides = array<i32>} : memref<2x8x40x128xf32, #tpu.memory_space<vmem>>, vector<1x1x1x16xf32>,
        %parallel_loop3A_1481 = vector.shape_cast %parallel_loop3A_1480 : vector<1x1x1x16xf32> to vector<16xf32>
        %parallel_loop3A_1482 = vector.shape_cast %parallel_loop3A_1473 : vector<16xf32> to vector<1x1x1x16xf32>
        tpu.vector_store %arg7[%parallel_loop3A_1476, %parallel_loop3A_1477, %parallel_loop3A_1478, %parallel_loop3A_1479], %parallel_loop3A_1482 {strides = array<i32>} : memref<2x8x40x128xf32, #tpu.memory_space<vmem>>, vector<1x1x1x16xf32>,
        %parallel_loop3A_1483 = arith.constant 1 : i32
        %parallel_loop3A_1484 = arith.constant 7 : i32
        %parallel_loop3A_1485 = arith.index_cast %parallel_loop3A_1483 : i32 to index
        %parallel_loop3A_1486 = arith.index_cast %parallel_loop3A_1484 : i32 to index
        %parallel_loop3A_1487 = arith.index_cast %parallel_loop3A_984 : i32 to index
        %parallel_loop3A_1488 = arith.constant 32 : index
        %parallel_loop3A_1489 = tpu.vector_load %arg7[%parallel_loop3A_1485, %parallel_loop3A_1486, %parallel_loop3A_1487, %parallel_loop3A_1488] {strides = array<i32>} : memref<2x8x40x128xf32, #tpu.memory_space<vmem>>, vector<1x1x1x16xf32>,
        %parallel_loop3A_1490 = vector.shape_cast %parallel_loop3A_1489 : vector<1x1x1x16xf32> to vector<16xf32>
        %parallel_loop3A_1491 = arith.constant 11.3137083 : f32
        %parallel_loop3A_1492 = vector.broadcast %parallel_loop3A_1491 : f32 to vector<16xf32>
        %parallel_loop3A_1493 = arith.mulf %parallel_loop3A_1490, %parallel_loop3A_1492 : vector<16xf32>
        %parallel_loop3A_1494 = arith.addf %parallel_loop3A_1493, %parallel_loop3A_1335 : vector<16xf32>
        %parallel_loop3A_1495 = arith.constant 1 : i32
        %parallel_loop3A_1496 = arith.constant 7 : i32
        %parallel_loop3A_1497 = arith.index_cast %parallel_loop3A_1495 : i32 to index
        %parallel_loop3A_1498 = arith.index_cast %parallel_loop3A_1496 : i32 to index
        %parallel_loop3A_1499 = arith.index_cast %parallel_loop3A_984 : i32 to index
        %parallel_loop3A_1500 = arith.constant 32 : index
        %parallel_loop3A_1501 = tpu.vector_load %arg7[%parallel_loop3A_1497, %parallel_loop3A_1498, %parallel_loop3A_1499, %parallel_loop3A_1500] {strides = array<i32>} : memref<2x8x40x128xf32, #tpu.memory_space<vmem>>, vector<1x1x1x16xf32>,
        %parallel_loop3A_1502 = vector.shape_cast %parallel_loop3A_1501 : vector<1x1x1x16xf32> to vector<16xf32>
        %parallel_loop3A_1503 = vector.shape_cast %parallel_loop3A_1494 : vector<16xf32> to vector<1x1x1x16xf32>
        tpu.vector_store %arg7[%parallel_loop3A_1497, %parallel_loop3A_1498, %parallel_loop3A_1499, %parallel_loop3A_1500], %parallel_loop3A_1503 {strides = array<i32>} : memref<2x8x40x128xf32, #tpu.memory_space<vmem>>, vector<1x1x1x16xf32>,
        %parallel_loop3A_1504 = arith.addi %mul3A_932, %parallel_loop3A_984 : i32
        %parallel_loop3A_1505 = arith.index_cast %parallel_loop3A_1504 : i32 to index
        %parallel_loop3A_1506 = arith.constant 48 : index
        %parallel_loop3A_1507 = tpu.vector_load %arg8[%parallel_loop3A_1505, %parallel_loop3A_1506] {strides = array<i32>} : memref<200x128xf32, #tpu.memory_space<vmem>>, vector<1x16xf32>,
        %parallel_loop3A_1508 = vector.shape_cast %parallel_loop3A_1507 : vector<1x16xf32> to vector<16xf32>
        %parallel_loop3A_1509 = arith.constant 1 : i32
        %parallel_loop3A_1510 = arith.constant 0 : i32
        %parallel_loop3A_1511 = arith.index_cast %parallel_loop3A_1509 : i32 to index
        %parallel_loop3A_1512 = arith.index_cast %parallel_loop3A_1510 : i32 to index
        %parallel_loop3A_1513 = arith.index_cast %parallel_loop3A_984 : i32 to index
        %parallel_loop3A_1514 = arith.constant 48 : index
        %parallel_loop3A_1515 = tpu.vector_load %arg7[%parallel_loop3A_1511, %parallel_loop3A_1512, %parallel_loop3A_1513, %parallel_loop3A_1514] {strides = array<i32>} : memref<2x8x40x128xf32, #tpu.memory_space<vmem>>, vector<1x1x1x16xf32>,
        %parallel_loop3A_1516 = vector.shape_cast %parallel_loop3A_1515 : vector<1x1x1x16xf32> to vector<16xf32>
        %parallel_loop3A_1517 = arith.constant 11.3137083 : f32
        %parallel_loop3A_1518 = vector.broadcast %parallel_loop3A_1517 : f32 to vector<16xf32>
        %parallel_loop3A_1519 = arith.mulf %parallel_loop3A_1516, %parallel_loop3A_1518 : vector<16xf32>
        %parallel_loop3A_1520 = arith.addf %parallel_loop3A_1519, %parallel_loop3A_1508 : vector<16xf32>
        %parallel_loop3A_1521 = arith.constant 1 : i32
        %parallel_loop3A_1522 = arith.constant 0 : i32
        %parallel_loop3A_1523 = arith.index_cast %parallel_loop3A_1521 : i32 to index
        %parallel_loop3A_1524 = arith.index_cast %parallel_loop3A_1522 : i32 to index
        %parallel_loop3A_1525 = arith.index_cast %parallel_loop3A_984 : i32 to index
        %parallel_loop3A_1526 = arith.constant 48 : index
        %parallel_loop3A_1527 = tpu.vector_load %arg7[%parallel_loop3A_1523, %parallel_loop3A_1524, %parallel_loop3A_1525, %parallel_loop3A_1526] {strides = array<i32>} : memref<2x8x40x128xf32, #tpu.memory_space<vmem>>, vector<1x1x1x16xf32>,
        %parallel_loop3A_1528 = vector.shape_cast %parallel_loop3A_1527 : vector<1x1x1x16xf32> to vector<16xf32>
        %parallel_loop3A_1529 = vector.shape_cast %parallel_loop3A_1520 : vector<16xf32> to vector<1x1x1x16xf32>
        tpu.vector_store %arg7[%parallel_loop3A_1523, %parallel_loop3A_1524, %parallel_loop3A_1525, %parallel_loop3A_1526], %parallel_loop3A_1529 {strides = array<i32>} : memref<2x8x40x128xf32, #tpu.memory_space<vmem>>, vector<1x1x1x16xf32>,
        %parallel_loop3A_1530 = arith.constant 1 : i32
        %parallel_loop3A_1531 = arith.constant 1 : i32
        %parallel_loop3A_1532 = arith.index_cast %parallel_loop3A_1530 : i32 to index
        %parallel_loop3A_1533 = arith.index_cast %parallel_loop3A_1531 : i32 to index
        %parallel_loop3A_1534 = arith.index_cast %parallel_loop3A_984 : i32 to index
        %parallel_loop3A_1535 = arith.constant 48 : index
        %parallel_loop3A_1536 = tpu.vector_load %arg7[%parallel_loop3A_1532, %parallel_loop3A_1533, %parallel_loop3A_1534, %parallel_loop3A_1535] {strides = array<i32>} : memref<2x8x40x128xf32, #tpu.memory_space<vmem>>, vector<1x1x1x16xf32>,
        %parallel_loop3A_1537 = vector.shape_cast %parallel_loop3A_1536 : vector<1x1x1x16xf32> to vector<16xf32>
        %parallel_loop3A_1538 = arith.constant 11.3137083 : f32
        %parallel_loop3A_1539 = vector.broadcast %parallel_loop3A_1538 : f32 to vector<16xf32>
        %parallel_loop3A_1540 = arith.mulf %parallel_loop3A_1537, %parallel_loop3A_1539 : vector<16xf32>
        %parallel_loop3A_1541 = arith.addf %parallel_loop3A_1540, %parallel_loop3A_1508 : vector<16xf32>
        %parallel_loop3A_1542 = arith.constant 1 : i32
        %parallel_loop3A_1543 = arith.constant 1 : i32
        %parallel_loop3A_1544 = arith.index_cast %parallel_loop3A_1542 : i32 to index
        %parallel_loop3A_1545 = arith.index_cast %parallel_loop3A_1543 : i32 to index
        %parallel_loop3A_1546 = arith.index_cast %parallel_loop3A_984 : i32 to index
        %parallel_loop3A_1547 = arith.constant 48 : index
        %parallel_loop3A_1548 = tpu.vector_load %arg7[%parallel_loop3A_1544, %parallel_loop3A_1545, %parallel_loop3A_1546, %parallel_loop3A_1547] {strides = array<i32>} : memref<2x8x40x128xf32, #tpu.memory_space<vmem>>, vector<1x1x1x16xf32>,
        %parallel_loop3A_1549 = vector.shape_cast %parallel_loop3A_1548 : vector<1x1x1x16xf32> to vector<16xf32>
        %parallel_loop3A_1550 = vector.shape_cast %parallel_loop3A_1541 : vector<16xf32> to vector<1x1x1x16xf32>
        tpu.vector_store %arg7[%parallel_loop3A_1544, %parallel_loop3A_1545, %parallel_loop3A_1546, %parallel_loop3A_1547], %parallel_loop3A_1550 {strides = array<i32>} : memref<2x8x40x128xf32, #tpu.memory_space<vmem>>, vector<1x1x1x16xf32>,
        %parallel_loop3A_1551 = arith.constant 1 : i32
        %parallel_loop3A_1552 = arith.constant 2 : i32
        %parallel_loop3A_1553 = arith.index_cast %parallel_loop3A_1551 : i32 to index
        %parallel_loop3A_1554 = arith.index_cast %parallel_loop3A_1552 : i32 to index
        %parallel_loop3A_1555 = arith.index_cast %parallel_loop3A_984 : i32 to index
        %parallel_loop3A_1556 = arith.constant 48 : index
        %parallel_loop3A_1557 = tpu.vector_load %arg7[%parallel_loop3A_1553, %parallel_loop3A_1554, %parallel_loop3A_1555, %parallel_loop3A_1556] {strides = array<i32>} : memref<2x8x40x128xf32, #tpu.memory_space<vmem>>, vector<1x1x1x16xf32>,
        %parallel_loop3A_1558 = vector.shape_cast %parallel_loop3A_1557 : vector<1x1x1x16xf32> to vector<16xf32>
        %parallel_loop3A_1559 = arith.constant 11.3137083 : f32
        %parallel_loop3A_1560 = vector.broadcast %parallel_loop3A_1559 : f32 to vector<16xf32>
        %parallel_loop3A_1561 = arith.mulf %parallel_loop3A_1558, %parallel_loop3A_1560 : vector<16xf32>
        %parallel_loop3A_1562 = arith.addf %parallel_loop3A_1561, %parallel_loop3A_1508 : vector<16xf32>
        %parallel_loop3A_1563 = arith.constant 1 : i32
        %parallel_loop3A_1564 = arith.constant 2 : i32
        %parallel_loop3A_1565 = arith.index_cast %parallel_loop3A_1563 : i32 to index
        %parallel_loop3A_1566 = arith.index_cast %parallel_loop3A_1564 : i32 to index
        %parallel_loop3A_1567 = arith.index_cast %parallel_loop3A_984 : i32 to index
        %parallel_loop3A_1568 = arith.constant 48 : index
        %parallel_loop3A_1569 = tpu.vector_load %arg7[%parallel_loop3A_1565, %parallel_loop3A_1566, %parallel_loop3A_1567, %parallel_loop3A_1568] {strides = array<i32>} : memref<2x8x40x128xf32, #tpu.memory_space<vmem>>, vector<1x1x1x16xf32>,
        %parallel_loop3A_1570 = vector.shape_cast %parallel_loop3A_1569 : vector<1x1x1x16xf32> to vector<16xf32>
        %parallel_loop3A_1571 = vector.shape_cast %parallel_loop3A_1562 : vector<16xf32> to vector<1x1x1x16xf32>
        tpu.vector_store %arg7[%parallel_loop3A_1565, %parallel_loop3A_1566, %parallel_loop3A_1567, %parallel_loop3A_1568], %parallel_loop3A_1571 {strides = array<i32>} : memref<2x8x40x128xf32, #tpu.memory_space<vmem>>, vector<1x1x1x16xf32>,
        %parallel_loop3A_1572 = arith.constant 1 : i32
        %parallel_loop3A_1573 = arith.constant 3 : i32
        %parallel_loop3A_1574 = arith.index_cast %parallel_loop3A_1572 : i32 to index
        %parallel_loop3A_1575 = arith.index_cast %parallel_loop3A_1573 : i32 to index
        %parallel_loop3A_1576 = arith.index_cast %parallel_loop3A_984 : i32 to index
        %parallel_loop3A_1577 = arith.constant 48 : index
        %parallel_loop3A_1578 = tpu.vector_load %arg7[%parallel_loop3A_1574, %parallel_loop3A_1575, %parallel_loop3A_1576, %parallel_loop3A_1577] {strides = array<i32>} : memref<2x8x40x128xf32, #tpu.memory_space<vmem>>, vector<1x1x1x16xf32>,
        %parallel_loop3A_1579 = vector.shape_cast %parallel_loop3A_1578 : vector<1x1x1x16xf32> to vector<16xf32>
        %parallel_loop3A_1580 = arith.constant 11.3137083 : f32
        %parallel_loop3A_1581 = vector.broadcast %parallel_loop3A_1580 : f32 to vector<16xf32>
        %parallel_loop3A_1582 = arith.mulf %parallel_loop3A_1579, %parallel_loop3A_1581 : vector<16xf32>
        %parallel_loop3A_1583 = arith.addf %parallel_loop3A_1582, %parallel_loop3A_1508 : vector<16xf32>
        %parallel_loop3A_1584 = arith.constant 1 : i32
        %parallel_loop3A_1585 = arith.constant 3 : i32
        %parallel_loop3A_1586 = arith.index_cast %parallel_loop3A_1584 : i32 to index
        %parallel_loop3A_1587 = arith.index_cast %parallel_loop3A_1585 : i32 to index
        %parallel_loop3A_1588 = arith.index_cast %parallel_loop3A_984 : i32 to index
        %parallel_loop3A_1589 = arith.constant 48 : index
        %parallel_loop3A_1590 = tpu.vector_load %arg7[%parallel_loop3A_1586, %parallel_loop3A_1587, %parallel_loop3A_1588, %parallel_loop3A_1589] {strides = array<i32>} : memref<2x8x40x128xf32, #tpu.memory_space<vmem>>, vector<1x1x1x16xf32>,
        %parallel_loop3A_1591 = vector.shape_cast %parallel_loop3A_1590 : vector<1x1x1x16xf32> to vector<16xf32>
        %parallel_loop3A_1592 = vector.shape_cast %parallel_loop3A_1583 : vector<16xf32> to vector<1x1x1x16xf32>
        tpu.vector_store %arg7[%parallel_loop3A_1586, %parallel_loop3A_1587, %parallel_loop3A_1588, %parallel_loop3A_1589], %parallel_loop3A_1592 {strides = array<i32>} : memref<2x8x40x128xf32, #tpu.memory_space<vmem>>, vector<1x1x1x16xf32>,
        %parallel_loop3A_1593 = arith.constant 1 : i32
        %parallel_loop3A_1594 = arith.constant 4 : i32
        %parallel_loop3A_1595 = arith.index_cast %parallel_loop3A_1593 : i32 to index
        %parallel_loop3A_1596 = arith.index_cast %parallel_loop3A_1594 : i32 to index
        %parallel_loop3A_1597 = arith.index_cast %parallel_loop3A_984 : i32 to index
        %parallel_loop3A_1598 = arith.constant 48 : index
        %parallel_loop3A_1599 = tpu.vector_load %arg7[%parallel_loop3A_1595, %parallel_loop3A_1596, %parallel_loop3A_1597, %parallel_loop3A_1598] {strides = array<i32>} : memref<2x8x40x128xf32, #tpu.memory_space<vmem>>, vector<1x1x1x16xf32>,
        %parallel_loop3A_1600 = vector.shape_cast %parallel_loop3A_1599 : vector<1x1x1x16xf32> to vector<16xf32>
        %parallel_loop3A_1601 = arith.constant 11.3137083 : f32
        %parallel_loop3A_1602 = vector.broadcast %parallel_loop3A_1601 : f32 to vector<16xf32>
        %parallel_loop3A_1603 = arith.mulf %parallel_loop3A_1600, %parallel_loop3A_1602 : vector<16xf32>
        %parallel_loop3A_1604 = arith.addf %parallel_loop3A_1603, %parallel_loop3A_1508 : vector<16xf32>
        %parallel_loop3A_1605 = arith.constant 1 : i32
        %parallel_loop3A_1606 = arith.constant 4 : i32
        %parallel_loop3A_1607 = arith.index_cast %parallel_loop3A_1605 : i32 to index
        %parallel_loop3A_1608 = arith.index_cast %parallel_loop3A_1606 : i32 to index
        %parallel_loop3A_1609 = arith.index_cast %parallel_loop3A_984 : i32 to index
        %parallel_loop3A_1610 = arith.constant 48 : index
        %parallel_loop3A_1611 = tpu.vector_load %arg7[%parallel_loop3A_1607, %parallel_loop3A_1608, %parallel_loop3A_1609, %parallel_loop3A_1610] {strides = array<i32>} : memref<2x8x40x128xf32, #tpu.memory_space<vmem>>, vector<1x1x1x16xf32>,
        %parallel_loop3A_1612 = vector.shape_cast %parallel_loop3A_1611 : vector<1x1x1x16xf32> to vector<16xf32>
        %parallel_loop3A_1613 = vector.shape_cast %parallel_loop3A_1604 : vector<16xf32> to vector<1x1x1x16xf32>
        tpu.vector_store %arg7[%parallel_loop3A_1607, %parallel_loop3A_1608, %parallel_loop3A_1609, %parallel_loop3A_1610], %parallel_loop3A_1613 {strides = array<i32>} : memref<2x8x40x128xf32, #tpu.memory_space<vmem>>, vector<1x1x1x16xf32>,
        %parallel_loop3A_1614 = arith.constant 1 : i32
        %parallel_loop3A_1615 = arith.constant 5 : i32
        %parallel_loop3A_1616 = arith.index_cast %parallel_loop3A_1614 : i32 to index
        %parallel_loop3A_1617 = arith.index_cast %parallel_loop3A_1615 : i32 to index
        %parallel_loop3A_1618 = arith.index_cast %parallel_loop3A_984 : i32 to index
        %parallel_loop3A_1619 = arith.constant 48 : index
        %parallel_loop3A_1620 = tpu.vector_load %arg7[%parallel_loop3A_1616, %parallel_loop3A_1617, %parallel_loop3A_1618, %parallel_loop3A_1619] {strides = array<i32>} : memref<2x8x40x128xf32, #tpu.memory_space<vmem>>, vector<1x1x1x16xf32>,
        %parallel_loop3A_1621 = vector.shape_cast %parallel_loop3A_1620 : vector<1x1x1x16xf32> to vector<16xf32>
        %parallel_loop3A_1622 = arith.constant 11.3137083 : f32
        %parallel_loop3A_1623 = vector.broadcast %parallel_loop3A_1622 : f32 to vector<16xf32>
        %parallel_loop3A_1624 = arith.mulf %parallel_loop3A_1621, %parallel_loop3A_1623 : vector<16xf32>
        %parallel_loop3A_1625 = arith.addf %parallel_loop3A_1624, %parallel_loop3A_1508 : vector<16xf32>
        %parallel_loop3A_1626 = arith.constant 1 : i32
        %parallel_loop3A_1627 = arith.constant 5 : i32
        %parallel_loop3A_1628 = arith.index_cast %parallel_loop3A_1626 : i32 to index
        %parallel_loop3A_1629 = arith.index_cast %parallel_loop3A_1627 : i32 to index
        %parallel_loop3A_1630 = arith.index_cast %parallel_loop3A_984 : i32 to index
        %parallel_loop3A_1631 = arith.constant 48 : index
        %parallel_loop3A_1632 = tpu.vector_load %arg7[%parallel_loop3A_1628, %parallel_loop3A_1629, %parallel_loop3A_1630, %parallel_loop3A_1631] {strides = array<i32>} : memref<2x8x40x128xf32, #tpu.memory_space<vmem>>, vector<1x1x1x16xf32>,
        %parallel_loop3A_1633 = vector.shape_cast %parallel_loop3A_1632 : vector<1x1x1x16xf32> to vector<16xf32>
        %parallel_loop3A_1634 = vector.shape_cast %parallel_loop3A_1625 : vector<16xf32> to vector<1x1x1x16xf32>
        tpu.vector_store %arg7[%parallel_loop3A_1628, %parallel_loop3A_1629, %parallel_loop3A_1630, %parallel_loop3A_1631], %parallel_loop3A_1634 {strides = array<i32>} : memref<2x8x40x128xf32, #tpu.memory_space<vmem>>, vector<1x1x1x16xf32>,
        %parallel_loop3A_1635 = arith.constant 1 : i32
        %parallel_loop3A_1636 = arith.constant 6 : i32
        %parallel_loop3A_1637 = arith.index_cast %parallel_loop3A_1635 : i32 to index
        %parallel_loop3A_1638 = arith.index_cast %parallel_loop3A_1636 : i32 to index
        %parallel_loop3A_1639 = arith.index_cast %parallel_loop3A_984 : i32 to index
        %parallel_loop3A_1640 = arith.constant 48 : index
        %parallel_loop3A_1641 = tpu.vector_load %arg7[%parallel_loop3A_1637, %parallel_loop3A_1638, %parallel_loop3A_1639, %parallel_loop3A_1640] {strides = array<i32>} : memref<2x8x40x128xf32, #tpu.memory_space<vmem>>, vector<1x1x1x16xf32>,
        %parallel_loop3A_1642 = vector.shape_cast %parallel_loop3A_1641 : vector<1x1x1x16xf32> to vector<16xf32>
        %parallel_loop3A_1643 = arith.constant 11.3137083 : f32
        %parallel_loop3A_1644 = vector.broadcast %parallel_loop3A_1643 : f32 to vector<16xf32>
        %parallel_loop3A_1645 = arith.mulf %parallel_loop3A_1642, %parallel_loop3A_1644 : vector<16xf32>
        %parallel_loop3A_1646 = arith.addf %parallel_loop3A_1645, %parallel_loop3A_1508 : vector<16xf32>
        %parallel_loop3A_1647 = arith.constant 1 : i32
        %parallel_loop3A_1648 = arith.constant 6 : i32
        %parallel_loop3A_1649 = arith.index_cast %parallel_loop3A_1647 : i32 to index
        %parallel_loop3A_1650 = arith.index_cast %parallel_loop3A_1648 : i32 to index
        %parallel_loop3A_1651 = arith.index_cast %parallel_loop3A_984 : i32 to index
        %parallel_loop3A_1652 = arith.constant 48 : index
        %parallel_loop3A_1653 = tpu.vector_load %arg7[%parallel_loop3A_1649, %parallel_loop3A_1650, %parallel_loop3A_1651, %parallel_loop3A_1652] {strides = array<i32>} : memref<2x8x40x128xf32, #tpu.memory_space<vmem>>, vector<1x1x1x16xf32>,
        %parallel_loop3A_1654 = vector.shape_cast %parallel_loop3A_1653 : vector<1x1x1x16xf32> to vector<16xf32>
        %parallel_loop3A_1655 = vector.shape_cast %parallel_loop3A_1646 : vector<16xf32> to vector<1x1x1x16xf32>
        tpu.vector_store %arg7[%parallel_loop3A_1649, %parallel_loop3A_1650, %parallel_loop3A_1651, %parallel_loop3A_1652], %parallel_loop3A_1655 {strides = array<i32>} : memref<2x8x40x128xf32, #tpu.memory_space<vmem>>, vector<1x1x1x16xf32>,
        %parallel_loop3A_1656 = arith.constant 1 : i32
        %parallel_loop3A_1657 = arith.constant 7 : i32
        %parallel_loop3A_1658 = arith.index_cast %parallel_loop3A_1656 : i32 to index
        %parallel_loop3A_1659 = arith.index_cast %parallel_loop3A_1657 : i32 to index
        %parallel_loop3A_1660 = arith.index_cast %parallel_loop3A_984 : i32 to index
        %parallel_loop3A_1661 = arith.constant 48 : index
        %parallel_loop3A_1662 = tpu.vector_load %arg7[%parallel_loop3A_1658, %parallel_loop3A_1659, %parallel_loop3A_1660, %parallel_loop3A_1661] {strides = array<i32>} : memref<2x8x40x128xf32, #tpu.memory_space<vmem>>, vector<1x1x1x16xf32>,
        %parallel_loop3A_1663 = vector.shape_cast %parallel_loop3A_1662 : vector<1x1x1x16xf32> to vector<16xf32>
        %parallel_loop3A_1664 = arith.constant 11.3137083 : f32
        %parallel_loop3A_1665 = vector.broadcast %parallel_loop3A_1664 : f32 to vector<16xf32>
        %parallel_loop3A_1666 = arith.mulf %parallel_loop3A_1663, %parallel_loop3A_1665 : vector<16xf32>
        %parallel_loop3A_1667 = arith.addf %parallel_loop3A_1666, %parallel_loop3A_1508 : vector<16xf32>
        %parallel_loop3A_1668 = arith.constant 1 : i32
        %parallel_loop3A_1669 = arith.constant 7 : i32
        %parallel_loop3A_1670 = arith.index_cast %parallel_loop3A_1668 : i32 to index
        %parallel_loop3A_1671 = arith.index_cast %parallel_loop3A_1669 : i32 to index
        %parallel_loop3A_1672 = arith.index_cast %parallel_loop3A_984 : i32 to index
        %parallel_loop3A_1673 = arith.constant 48 : index
        %parallel_loop3A_1674 = tpu.vector_load %arg7[%parallel_loop3A_1670, %parallel_loop3A_1671, %parallel_loop3A_1672, %parallel_loop3A_1673] {strides = array<i32>} : memref<2x8x40x128xf32, #tpu.memory_space<vmem>>, vector<1x1x1x16xf32>,
        %parallel_loop3A_1675 = vector.shape_cast %parallel_loop3A_1674 : vector<1x1x1x16xf32> to vector<16xf32>
        %parallel_loop3A_1676 = vector.shape_cast %parallel_loop3A_1667 : vector<16xf32> to vector<1x1x1x16xf32>
        tpu.vector_store %arg7[%parallel_loop3A_1670, %parallel_loop3A_1671, %parallel_loop3A_1672, %parallel_loop3A_1673], %parallel_loop3A_1676 {strides = array<i32>} : memref<2x8x40x128xf32, #tpu.memory_space<vmem>>, vector<1x1x1x16xf32>,
        %parallel_loop3A_1677 = arith.addi %mul3A_932, %parallel_loop3A_984 : i32
        %parallel_loop3A_1678 = arith.index_cast %parallel_loop3A_1677 : i32 to index
        %parallel_loop3A_1679 = arith.constant 64 : index
        %parallel_loop3A_1680 = tpu.vector_load %arg8[%parallel_loop3A_1678, %parallel_loop3A_1679] {strides = array<i32>} : memref<200x128xf32, #tpu.memory_space<vmem>>, vector<1x16xf32>,
        %parallel_loop3A_1681 = vector.shape_cast %parallel_loop3A_1680 : vector<1x16xf32> to vector<16xf32>
        %parallel_loop3A_1682 = arith.constant 1 : i32
        %parallel_loop3A_1683 = arith.constant 0 : i32
        %parallel_loop3A_1684 = arith.index_cast %parallel_loop3A_1682 : i32 to index
        %parallel_loop3A_1685 = arith.index_cast %parallel_loop3A_1683 : i32 to index
        %parallel_loop3A_1686 = arith.index_cast %parallel_loop3A_984 : i32 to index
        %parallel_loop3A_1687 = arith.constant 64 : index
        %parallel_loop3A_1688 = tpu.vector_load %arg7[%parallel_loop3A_1684, %parallel_loop3A_1685, %parallel_loop3A_1686, %parallel_loop3A_1687] {strides = array<i32>} : memref<2x8x40x128xf32, #tpu.memory_space<vmem>>, vector<1x1x1x16xf32>,
        %parallel_loop3A_1689 = vector.shape_cast %parallel_loop3A_1688 : vector<1x1x1x16xf32> to vector<16xf32>
        %parallel_loop3A_1690 = arith.constant 11.3137083 : f32
        %parallel_loop3A_1691 = vector.broadcast %parallel_loop3A_1690 : f32 to vector<16xf32>
        %parallel_loop3A_1692 = arith.mulf %parallel_loop3A_1689, %parallel_loop3A_1691 : vector<16xf32>
        %parallel_loop3A_1693 = arith.addf %parallel_loop3A_1692, %parallel_loop3A_1681 : vector<16xf32>
        %parallel_loop3A_1694 = arith.constant 1 : i32
        %parallel_loop3A_1695 = arith.constant 0 : i32
        %parallel_loop3A_1696 = arith.index_cast %parallel_loop3A_1694 : i32 to index
        %parallel_loop3A_1697 = arith.index_cast %parallel_loop3A_1695 : i32 to index
        %parallel_loop3A_1698 = arith.index_cast %parallel_loop3A_984 : i32 to index
        %parallel_loop3A_1699 = arith.constant 64 : index
        %parallel_loop3A_1700 = tpu.vector_load %arg7[%parallel_loop3A_1696, %parallel_loop3A_1697, %parallel_loop3A_1698, %parallel_loop3A_1699] {strides = array<i32>} : memref<2x8x40x128xf32, #tpu.memory_space<vmem>>, vector<1x1x1x16xf32>,
        %parallel_loop3A_1701 = vector.shape_cast %parallel_loop3A_1700 : vector<1x1x1x16xf32> to vector<16xf32>
        %parallel_loop3A_1702 = vector.shape_cast %parallel_loop3A_1693 : vector<16xf32> to vector<1x1x1x16xf32>
        tpu.vector_store %arg7[%parallel_loop3A_1696, %parallel_loop3A_1697, %parallel_loop3A_1698, %parallel_loop3A_1699], %parallel_loop3A_1702 {strides = array<i32>} : memref<2x8x40x128xf32, #tpu.memory_space<vmem>>, vector<1x1x1x16xf32>,
        %parallel_loop3A_1703 = arith.constant 1 : i32
        %parallel_loop3A_1704 = arith.constant 1 : i32
        %parallel_loop3A_1705 = arith.index_cast %parallel_loop3A_1703 : i32 to index
        %parallel_loop3A_1706 = arith.index_cast %parallel_loop3A_1704 : i32 to index
        %parallel_loop3A_1707 = arith.index_cast %parallel_loop3A_984 : i32 to index
        %parallel_loop3A_1708 = arith.constant 64 : index
        %parallel_loop3A_1709 = tpu.vector_load %arg7[%parallel_loop3A_1705, %parallel_loop3A_1706, %parallel_loop3A_1707, %parallel_loop3A_1708] {strides = array<i32>} : memref<2x8x40x128xf32, #tpu.memory_space<vmem>>, vector<1x1x1x16xf32>,
        %parallel_loop3A_1710 = vector.shape_cast %parallel_loop3A_1709 : vector<1x1x1x16xf32> to vector<16xf32>
        %parallel_loop3A_1711 = arith.constant 11.3137083 : f32
        %parallel_loop3A_1712 = vector.broadcast %parallel_loop3A_1711 : f32 to vector<16xf32>
        %parallel_loop3A_1713 = arith.mulf %parallel_loop3A_1710, %parallel_loop3A_1712 : vector<16xf32>
        %parallel_loop3A_1714 = arith.addf %parallel_loop3A_1713, %parallel_loop3A_1681 : vector<16xf32>
        %parallel_loop3A_1715 = arith.constant 1 : i32
        %parallel_loop3A_1716 = arith.constant 1 : i32
        %parallel_loop3A_1717 = arith.index_cast %parallel_loop3A_1715 : i32 to index
        %parallel_loop3A_1718 = arith.index_cast %parallel_loop3A_1716 : i32 to index
        %parallel_loop3A_1719 = arith.index_cast %parallel_loop3A_984 : i32 to index
        %parallel_loop3A_1720 = arith.constant 64 : index
        %parallel_loop3A_1721 = tpu.vector_load %arg7[%parallel_loop3A_1717, %parallel_loop3A_1718, %parallel_loop3A_1719, %parallel_loop3A_1720] {strides = array<i32>} : memref<2x8x40x128xf32, #tpu.memory_space<vmem>>, vector<1x1x1x16xf32>,
        %parallel_loop3A_1722 = vector.shape_cast %parallel_loop3A_1721 : vector<1x1x1x16xf32> to vector<16xf32>
        %parallel_loop3A_1723 = vector.shape_cast %parallel_loop3A_1714 : vector<16xf32> to vector<1x1x1x16xf32>
        tpu.vector_store %arg7[%parallel_loop3A_1717, %parallel_loop3A_1718, %parallel_loop3A_1719, %parallel_loop3A_1720], %parallel_loop3A_1723 {strides = array<i32>} : memref<2x8x40x128xf32, #tpu.memory_space<vmem>>, vector<1x1x1x16xf32>,
        %parallel_loop3A_1724 = arith.constant 1 : i32
        %parallel_loop3A_1725 = arith.constant 2 : i32
        %parallel_loop3A_1726 = arith.index_cast %parallel_loop3A_1724 : i32 to index
        %parallel_loop3A_1727 = arith.index_cast %parallel_loop3A_1725 : i32 to index
        %parallel_loop3A_1728 = arith.index_cast %parallel_loop3A_984 : i32 to index
        %parallel_loop3A_1729 = arith.constant 64 : index
        %parallel_loop3A_1730 = tpu.vector_load %arg7[%parallel_loop3A_1726, %parallel_loop3A_1727, %parallel_loop3A_1728, %parallel_loop3A_1729] {strides = array<i32>} : memref<2x8x40x128xf32, #tpu.memory_space<vmem>>, vector<1x1x1x16xf32>,
        %parallel_loop3A_1731 = vector.shape_cast %parallel_loop3A_1730 : vector<1x1x1x16xf32> to vector<16xf32>
        %parallel_loop3A_1732 = arith.constant 11.3137083 : f32
        %parallel_loop3A_1733 = vector.broadcast %parallel_loop3A_1732 : f32 to vector<16xf32>
        %parallel_loop3A_1734 = arith.mulf %parallel_loop3A_1731, %parallel_loop3A_1733 : vector<16xf32>
        %parallel_loop3A_1735 = arith.addf %parallel_loop3A_1734, %parallel_loop3A_1681 : vector<16xf32>
        %parallel_loop3A_1736 = arith.constant 1 : i32
        %parallel_loop3A_1737 = arith.constant 2 : i32
        %parallel_loop3A_1738 = arith.index_cast %parallel_loop3A_1736 : i32 to index
        %parallel_loop3A_1739 = arith.index_cast %parallel_loop3A_1737 : i32 to index
        %parallel_loop3A_1740 = arith.index_cast %parallel_loop3A_984 : i32 to index
        %parallel_loop3A_1741 = arith.constant 64 : index
        %parallel_loop3A_1742 = tpu.vector_load %arg7[%parallel_loop3A_1738, %parallel_loop3A_1739, %parallel_loop3A_1740, %parallel_loop3A_1741] {strides = array<i32>} : memref<2x8x40x128xf32, #tpu.memory_space<vmem>>, vector<1x1x1x16xf32>,
        %parallel_loop3A_1743 = vector.shape_cast %parallel_loop3A_1742 : vector<1x1x1x16xf32> to vector<16xf32>
        %parallel_loop3A_1744 = vector.shape_cast %parallel_loop3A_1735 : vector<16xf32> to vector<1x1x1x16xf32>
        tpu.vector_store %arg7[%parallel_loop3A_1738, %parallel_loop3A_1739, %parallel_loop3A_1740, %parallel_loop3A_1741], %parallel_loop3A_1744 {strides = array<i32>} : memref<2x8x40x128xf32, #tpu.memory_space<vmem>>, vector<1x1x1x16xf32>,
        %parallel_loop3A_1745 = arith.constant 1 : i32
        %parallel_loop3A_1746 = arith.constant 3 : i32
        %parallel_loop3A_1747 = arith.index_cast %parallel_loop3A_1745 : i32 to index
        %parallel_loop3A_1748 = arith.index_cast %parallel_loop3A_1746 : i32 to index
        %parallel_loop3A_1749 = arith.index_cast %parallel_loop3A_984 : i32 to index
        %parallel_loop3A_1750 = arith.constant 64 : index
        %parallel_loop3A_1751 = tpu.vector_load %arg7[%parallel_loop3A_1747, %parallel_loop3A_1748, %parallel_loop3A_1749, %parallel_loop3A_1750] {strides = array<i32>} : memref<2x8x40x128xf32, #tpu.memory_space<vmem>>, vector<1x1x1x16xf32>,
        %parallel_loop3A_1752 = vector.shape_cast %parallel_loop3A_1751 : vector<1x1x1x16xf32> to vector<16xf32>
        %parallel_loop3A_1753 = arith.constant 11.3137083 : f32
        %parallel_loop3A_1754 = vector.broadcast %parallel_loop3A_1753 : f32 to vector<16xf32>
        %parallel_loop3A_1755 = arith.mulf %parallel_loop3A_1752, %parallel_loop3A_1754 : vector<16xf32>
        %parallel_loop3A_1756 = arith.addf %parallel_loop3A_1755, %parallel_loop3A_1681 : vector<16xf32>
        %parallel_loop3A_1757 = arith.constant 1 : i32
        %parallel_loop3A_1758 = arith.constant 3 : i32
        %parallel_loop3A_1759 = arith.index_cast %parallel_loop3A_1757 : i32 to index
        %parallel_loop3A_1760 = arith.index_cast %parallel_loop3A_1758 : i32 to index
        %parallel_loop3A_1761 = arith.index_cast %parallel_loop3A_984 : i32 to index
        %parallel_loop3A_1762 = arith.constant 64 : index
        %parallel_loop3A_1763 = tpu.vector_load %arg7[%parallel_loop3A_1759, %parallel_loop3A_1760, %parallel_loop3A_1761, %parallel_loop3A_1762] {strides = array<i32>} : memref<2x8x40x128xf32, #tpu.memory_space<vmem>>, vector<1x1x1x16xf32>,
        %parallel_loop3A_1764 = vector.shape_cast %parallel_loop3A_1763 : vector<1x1x1x16xf32> to vector<16xf32>
        %parallel_loop3A_1765 = vector.shape_cast %parallel_loop3A_1756 : vector<16xf32> to vector<1x1x1x16xf32>
        tpu.vector_store %arg7[%parallel_loop3A_1759, %parallel_loop3A_1760, %parallel_loop3A_1761, %parallel_loop3A_1762], %parallel_loop3A_1765 {strides = array<i32>} : memref<2x8x40x128xf32, #tpu.memory_space<vmem>>, vector<1x1x1x16xf32>,
        %parallel_loop3A_1766 = arith.constant 1 : i32
        %parallel_loop3A_1767 = arith.constant 4 : i32
        %parallel_loop3A_1768 = arith.index_cast %parallel_loop3A_1766 : i32 to index
        %parallel_loop3A_1769 = arith.index_cast %parallel_loop3A_1767 : i32 to index
        %parallel_loop3A_1770 = arith.index_cast %parallel_loop3A_984 : i32 to index
        %parallel_loop3A_1771 = arith.constant 64 : index
        %parallel_loop3A_1772 = tpu.vector_load %arg7[%parallel_loop3A_1768, %parallel_loop3A_1769, %parallel_loop3A_1770, %parallel_loop3A_1771] {strides = array<i32>} : memref<2x8x40x128xf32, #tpu.memory_space<vmem>>, vector<1x1x1x16xf32>,
        %parallel_loop3A_1773 = vector.shape_cast %parallel_loop3A_1772 : vector<1x1x1x16xf32> to vector<16xf32>
        %parallel_loop3A_1774 = arith.constant 11.3137083 : f32
        %parallel_loop3A_1775 = vector.broadcast %parallel_loop3A_1774 : f32 to vector<16xf32>
        %parallel_loop3A_1776 = arith.mulf %parallel_loop3A_1773, %parallel_loop3A_1775 : vector<16xf32>
        %parallel_loop3A_1777 = arith.addf %parallel_loop3A_1776, %parallel_loop3A_1681 : vector<16xf32>
        %parallel_loop3A_1778 = arith.constant 1 : i32
        %parallel_loop3A_1779 = arith.constant 4 : i32
        %parallel_loop3A_1780 = arith.index_cast %parallel_loop3A_1778 : i32 to index
        %parallel_loop3A_1781 = arith.index_cast %parallel_loop3A_1779 : i32 to index
        %parallel_loop3A_1782 = arith.index_cast %parallel_loop3A_984 : i32 to index
        %parallel_loop3A_1783 = arith.constant 64 : index
        %parallel_loop3A_1784 = tpu.vector_load %arg7[%parallel_loop3A_1780, %parallel_loop3A_1781, %parallel_loop3A_1782, %parallel_loop3A_1783] {strides = array<i32>} : memref<2x8x40x128xf32, #tpu.memory_space<vmem>>, vector<1x1x1x16xf32>,
        %parallel_loop3A_1785 = vector.shape_cast %parallel_loop3A_1784 : vector<1x1x1x16xf32> to vector<16xf32>
        %parallel_loop3A_1786 = vector.shape_cast %parallel_loop3A_1777 : vector<16xf32> to vector<1x1x1x16xf32>
        tpu.vector_store %arg7[%parallel_loop3A_1780, %parallel_loop3A_1781, %parallel_loop3A_1782, %parallel_loop3A_1783], %parallel_loop3A_1786 {strides = array<i32>} : memref<2x8x40x128xf32, #tpu.memory_space<vmem>>, vector<1x1x1x16xf32>,
        %parallel_loop3A_1787 = arith.constant 1 : i32
        %parallel_loop3A_1788 = arith.constant 5 : i32
        %parallel_loop3A_1789 = arith.index_cast %parallel_loop3A_1787 : i32 to index
        %parallel_loop3A_1790 = arith.index_cast %parallel_loop3A_1788 : i32 to index
        %parallel_loop3A_1791 = arith.index_cast %parallel_loop3A_984 : i32 to index
        %parallel_loop3A_1792 = arith.constant 64 : index
        %parallel_loop3A_1793 = tpu.vector_load %arg7[%parallel_loop3A_1789, %parallel_loop3A_1790, %parallel_loop3A_1791, %parallel_loop3A_1792] {strides = array<i32>} : memref<2x8x40x128xf32, #tpu.memory_space<vmem>>, vector<1x1x1x16xf32>,
        %parallel_loop3A_1794 = vector.shape_cast %parallel_loop3A_1793 : vector<1x1x1x16xf32> to vector<16xf32>
        %parallel_loop3A_1795 = arith.constant 11.3137083 : f32
        %parallel_loop3A_1796 = vector.broadcast %parallel_loop3A_1795 : f32 to vector<16xf32>
        %parallel_loop3A_1797 = arith.mulf %parallel_loop3A_1794, %parallel_loop3A_1796 : vector<16xf32>
        %parallel_loop3A_1798 = arith.addf %parallel_loop3A_1797, %parallel_loop3A_1681 : vector<16xf32>
        %parallel_loop3A_1799 = arith.constant 1 : i32
        %parallel_loop3A_1800 = arith.constant 5 : i32
        %parallel_loop3A_1801 = arith.index_cast %parallel_loop3A_1799 : i32 to index
        %parallel_loop3A_1802 = arith.index_cast %parallel_loop3A_1800 : i32 to index
        %parallel_loop3A_1803 = arith.index_cast %parallel_loop3A_984 : i32 to index
        %parallel_loop3A_1804 = arith.constant 64 : index
        %parallel_loop3A_1805 = tpu.vector_load %arg7[%parallel_loop3A_1801, %parallel_loop3A_1802, %parallel_loop3A_1803, %parallel_loop3A_1804] {strides = array<i32>} : memref<2x8x40x128xf32, #tpu.memory_space<vmem>>, vector<1x1x1x16xf32>,
        %parallel_loop3A_1806 = vector.shape_cast %parallel_loop3A_1805 : vector<1x1x1x16xf32> to vector<16xf32>
        %parallel_loop3A_1807 = vector.shape_cast %parallel_loop3A_1798 : vector<16xf32> to vector<1x1x1x16xf32>
        tpu.vector_store %arg7[%parallel_loop3A_1801, %parallel_loop3A_1802, %parallel_loop3A_1803, %parallel_loop3A_1804], %parallel_loop3A_1807 {strides = array<i32>} : memref<2x8x40x128xf32, #tpu.memory_space<vmem>>, vector<1x1x1x16xf32>,
        %parallel_loop3A_1808 = arith.constant 1 : i32
        %parallel_loop3A_1809 = arith.constant 6 : i32
        %parallel_loop3A_1810 = arith.index_cast %parallel_loop3A_1808 : i32 to index
        %parallel_loop3A_1811 = arith.index_cast %parallel_loop3A_1809 : i32 to index
        %parallel_loop3A_1812 = arith.index_cast %parallel_loop3A_984 : i32 to index
        %parallel_loop3A_1813 = arith.constant 64 : index
        %parallel_loop3A_1814 = tpu.vector_load %arg7[%parallel_loop3A_1810, %parallel_loop3A_1811, %parallel_loop3A_1812, %parallel_loop3A_1813] {strides = array<i32>} : memref<2x8x40x128xf32, #tpu.memory_space<vmem>>, vector<1x1x1x16xf32>,
        %parallel_loop3A_1815 = vector.shape_cast %parallel_loop3A_1814 : vector<1x1x1x16xf32> to vector<16xf32>
        %parallel_loop3A_1816 = arith.constant 11.3137083 : f32
        %parallel_loop3A_1817 = vector.broadcast %parallel_loop3A_1816 : f32 to vector<16xf32>
        %parallel_loop3A_1818 = arith.mulf %parallel_loop3A_1815, %parallel_loop3A_1817 : vector<16xf32>
        %parallel_loop3A_1819 = arith.addf %parallel_loop3A_1818, %parallel_loop3A_1681 : vector<16xf32>
        %parallel_loop3A_1820 = arith.constant 1 : i32
        %parallel_loop3A_1821 = arith.constant 6 : i32
        %parallel_loop3A_1822 = arith.index_cast %parallel_loop3A_1820 : i32 to index
        %parallel_loop3A_1823 = arith.index_cast %parallel_loop3A_1821 : i32 to index
        %parallel_loop3A_1824 = arith.index_cast %parallel_loop3A_984 : i32 to index
        %parallel_loop3A_1825 = arith.constant 64 : index
        %parallel_loop3A_1826 = tpu.vector_load %arg7[%parallel_loop3A_1822, %parallel_loop3A_1823, %parallel_loop3A_1824, %parallel_loop3A_1825] {strides = array<i32>} : memref<2x8x40x128xf32, #tpu.memory_space<vmem>>, vector<1x1x1x16xf32>,
        %parallel_loop3A_1827 = vector.shape_cast %parallel_loop3A_1826 : vector<1x1x1x16xf32> to vector<16xf32>
        %parallel_loop3A_1828 = vector.shape_cast %parallel_loop3A_1819 : vector<16xf32> to vector<1x1x1x16xf32>
        tpu.vector_store %arg7[%parallel_loop3A_1822, %parallel_loop3A_1823, %parallel_loop3A_1824, %parallel_loop3A_1825], %parallel_loop3A_1828 {strides = array<i32>} : memref<2x8x40x128xf32, #tpu.memory_space<vmem>>, vector<1x1x1x16xf32>,
        %parallel_loop3A_1829 = arith.constant 1 : i32
        %parallel_loop3A_1830 = arith.constant 7 : i32
        %parallel_loop3A_1831 = arith.index_cast %parallel_loop3A_1829 : i32 to index
        %parallel_loop3A_1832 = arith.index_cast %parallel_loop3A_1830 : i32 to index
        %parallel_loop3A_1833 = arith.index_cast %parallel_loop3A_984 : i32 to index
        %parallel_loop3A_1834 = arith.constant 64 : index
        %parallel_loop3A_1835 = tpu.vector_load %arg7[%parallel_loop3A_1831, %parallel_loop3A_1832, %parallel_loop3A_1833, %parallel_loop3A_1834] {strides = array<i32>} : memref<2x8x40x128xf32, #tpu.memory_space<vmem>>, vector<1x1x1x16xf32>,
        %parallel_loop3A_1836 = vector.shape_cast %parallel_loop3A_1835 : vector<1x1x1x16xf32> to vector<16xf32>
        %parallel_loop3A_1837 = arith.constant 11.3137083 : f32
        %parallel_loop3A_1838 = vector.broadcast %parallel_loop3A_1837 : f32 to vector<16xf32>
        %parallel_loop3A_1839 = arith.mulf %parallel_loop3A_1836, %parallel_loop3A_1838 : vector<16xf32>
        %parallel_loop3A_1840 = arith.addf %parallel_loop3A_1839, %parallel_loop3A_1681 : vector<16xf32>
        %parallel_loop3A_1841 = arith.constant 1 : i32
        %parallel_loop3A_1842 = arith.constant 7 : i32
        %parallel_loop3A_1843 = arith.index_cast %parallel_loop3A_1841 : i32 to index
        %parallel_loop3A_1844 = arith.index_cast %parallel_loop3A_1842 : i32 to index
        %parallel_loop3A_1845 = arith.index_cast %parallel_loop3A_984 : i32 to index
        %parallel_loop3A_1846 = arith.constant 64 : index
        %parallel_loop3A_1847 = tpu.vector_load %arg7[%parallel_loop3A_1843, %parallel_loop3A_1844, %parallel_loop3A_1845, %parallel_loop3A_1846] {strides = array<i32>} : memref<2x8x40x128xf32, #tpu.memory_space<vmem>>, vector<1x1x1x16xf32>,
        %parallel_loop3A_1848 = vector.shape_cast %parallel_loop3A_1847 : vector<1x1x1x16xf32> to vector<16xf32>
        %parallel_loop3A_1849 = vector.shape_cast %parallel_loop3A_1840 : vector<16xf32> to vector<1x1x1x16xf32>
        tpu.vector_store %arg7[%parallel_loop3A_1843, %parallel_loop3A_1844, %parallel_loop3A_1845, %parallel_loop3A_1846], %parallel_loop3A_1849 {strides = array<i32>} : memref<2x8x40x128xf32, #tpu.memory_space<vmem>>, vector<1x1x1x16xf32>,
        %parallel_loop3A_1850 = arith.addi %mul3A_932, %parallel_loop3A_984 : i32
        %parallel_loop3A_1851 = arith.index_cast %parallel_loop3A_1850 : i32 to index
        %parallel_loop3A_1852 = arith.constant 80 : index
        %parallel_loop3A_1853 = tpu.vector_load %arg8[%parallel_loop3A_1851, %parallel_loop3A_1852] {strides = array<i32>} : memref<200x128xf32, #tpu.memory_space<vmem>>, vector<1x16xf32>,
        %parallel_loop3A_1854 = vector.shape_cast %parallel_loop3A_1853 : vector<1x16xf32> to vector<16xf32>
        %parallel_loop3A_1855 = arith.constant 1 : i32
        %parallel_loop3A_1856 = arith.constant 0 : i32
        %parallel_loop3A_1857 = arith.index_cast %parallel_loop3A_1855 : i32 to index
        %parallel_loop3A_1858 = arith.index_cast %parallel_loop3A_1856 : i32 to index
        %parallel_loop3A_1859 = arith.index_cast %parallel_loop3A_984 : i32 to index
        %parallel_loop3A_1860 = arith.constant 80 : index
        %parallel_loop3A_1861 = tpu.vector_load %arg7[%parallel_loop3A_1857, %parallel_loop3A_1858, %parallel_loop3A_1859, %parallel_loop3A_1860] {strides = array<i32>} : memref<2x8x40x128xf32, #tpu.memory_space<vmem>>, vector<1x1x1x16xf32>,
        %parallel_loop3A_1862 = vector.shape_cast %parallel_loop3A_1861 : vector<1x1x1x16xf32> to vector<16xf32>
        %parallel_loop3A_1863 = arith.constant 11.3137083 : f32
        %parallel_loop3A_1864 = vector.broadcast %parallel_loop3A_1863 : f32 to vector<16xf32>
        %parallel_loop3A_1865 = arith.mulf %parallel_loop3A_1862, %parallel_loop3A_1864 : vector<16xf32>
        %parallel_loop3A_1866 = arith.addf %parallel_loop3A_1865, %parallel_loop3A_1854 : vector<16xf32>
        %parallel_loop3A_1867 = arith.constant 1 : i32
        %parallel_loop3A_1868 = arith.constant 0 : i32
        %parallel_loop3A_1869 = arith.index_cast %parallel_loop3A_1867 : i32 to index
        %parallel_loop3A_1870 = arith.index_cast %parallel_loop3A_1868 : i32 to index
        %parallel_loop3A_1871 = arith.index_cast %parallel_loop3A_984 : i32 to index
        %parallel_loop3A_1872 = arith.constant 80 : index
        %parallel_loop3A_1873 = tpu.vector_load %arg7[%parallel_loop3A_1869, %parallel_loop3A_1870, %parallel_loop3A_1871, %parallel_loop3A_1872] {strides = array<i32>} : memref<2x8x40x128xf32, #tpu.memory_space<vmem>>, vector<1x1x1x16xf32>,
        %parallel_loop3A_1874 = vector.shape_cast %parallel_loop3A_1873 : vector<1x1x1x16xf32> to vector<16xf32>
        %parallel_loop3A_1875 = vector.shape_cast %parallel_loop3A_1866 : vector<16xf32> to vector<1x1x1x16xf32>
        tpu.vector_store %arg7[%parallel_loop3A_1869, %parallel_loop3A_1870, %parallel_loop3A_1871, %parallel_loop3A_1872], %parallel_loop3A_1875 {strides = array<i32>} : memref<2x8x40x128xf32, #tpu.memory_space<vmem>>, vector<1x1x1x16xf32>,
        %parallel_loop3A_1876 = arith.constant 1 : i32
        %parallel_loop3A_1877 = arith.constant 1 : i32
        %parallel_loop3A_1878 = arith.index_cast %parallel_loop3A_1876 : i32 to index
        %parallel_loop3A_1879 = arith.index_cast %parallel_loop3A_1877 : i32 to index
        %parallel_loop3A_1880 = arith.index_cast %parallel_loop3A_984 : i32 to index
        %parallel_loop3A_1881 = arith.constant 80 : index
        %parallel_loop3A_1882 = tpu.vector_load %arg7[%parallel_loop3A_1878, %parallel_loop3A_1879, %parallel_loop3A_1880, %parallel_loop3A_1881] {strides = array<i32>} : memref<2x8x40x128xf32, #tpu.memory_space<vmem>>, vector<1x1x1x16xf32>,
        %parallel_loop3A_1883 = vector.shape_cast %parallel_loop3A_1882 : vector<1x1x1x16xf32> to vector<16xf32>
        %parallel_loop3A_1884 = arith.constant 11.3137083 : f32
        %parallel_loop3A_1885 = vector.broadcast %parallel_loop3A_1884 : f32 to vector<16xf32>
        %parallel_loop3A_1886 = arith.mulf %parallel_loop3A_1883, %parallel_loop3A_1885 : vector<16xf32>
        %parallel_loop3A_1887 = arith.addf %parallel_loop3A_1886, %parallel_loop3A_1854 : vector<16xf32>
        %parallel_loop3A_1888 = arith.constant 1 : i32
        %parallel_loop3A_1889 = arith.constant 1 : i32
        %parallel_loop3A_1890 = arith.index_cast %parallel_loop3A_1888 : i32 to index
        %parallel_loop3A_1891 = arith.index_cast %parallel_loop3A_1889 : i32 to index
        %parallel_loop3A_1892 = arith.index_cast %parallel_loop3A_984 : i32 to index
        %parallel_loop3A_1893 = arith.constant 80 : index
        %parallel_loop3A_1894 = tpu.vector_load %arg7[%parallel_loop3A_1890, %parallel_loop3A_1891, %parallel_loop3A_1892, %parallel_loop3A_1893] {strides = array<i32>} : memref<2x8x40x128xf32, #tpu.memory_space<vmem>>, vector<1x1x1x16xf32>,
        %parallel_loop3A_1895 = vector.shape_cast %parallel_loop3A_1894 : vector<1x1x1x16xf32> to vector<16xf32>
        %parallel_loop3A_1896 = vector.shape_cast %parallel_loop3A_1887 : vector<16xf32> to vector<1x1x1x16xf32>
        tpu.vector_store %arg7[%parallel_loop3A_1890, %parallel_loop3A_1891, %parallel_loop3A_1892, %parallel_loop3A_1893], %parallel_loop3A_1896 {strides = array<i32>} : memref<2x8x40x128xf32, #tpu.memory_space<vmem>>, vector<1x1x1x16xf32>,
        %parallel_loop3A_1897 = arith.constant 1 : i32
        %parallel_loop3A_1898 = arith.constant 2 : i32
        %parallel_loop3A_1899 = arith.index_cast %parallel_loop3A_1897 : i32 to index
        %parallel_loop3A_1900 = arith.index_cast %parallel_loop3A_1898 : i32 to index
        %parallel_loop3A_1901 = arith.index_cast %parallel_loop3A_984 : i32 to index
        %parallel_loop3A_1902 = arith.constant 80 : index
        %parallel_loop3A_1903 = tpu.vector_load %arg7[%parallel_loop3A_1899, %parallel_loop3A_1900, %parallel_loop3A_1901, %parallel_loop3A_1902] {strides = array<i32>} : memref<2x8x40x128xf32, #tpu.memory_space<vmem>>, vector<1x1x1x16xf32>,
        %parallel_loop3A_1904 = vector.shape_cast %parallel_loop3A_1903 : vector<1x1x1x16xf32> to vector<16xf32>
        %parallel_loop3A_1905 = arith.constant 11.3137083 : f32
        %parallel_loop3A_1906 = vector.broadcast %parallel_loop3A_1905 : f32 to vector<16xf32>
        %parallel_loop3A_1907 = arith.mulf %parallel_loop3A_1904, %parallel_loop3A_1906 : vector<16xf32>
        %parallel_loop3A_1908 = arith.addf %parallel_loop3A_1907, %parallel_loop3A_1854 : vector<16xf32>
        %parallel_loop3A_1909 = arith.constant 1 : i32
        %parallel_loop3A_1910 = arith.constant 2 : i32
        %parallel_loop3A_1911 = arith.index_cast %parallel_loop3A_1909 : i32 to index
        %parallel_loop3A_1912 = arith.index_cast %parallel_loop3A_1910 : i32 to index
        %parallel_loop3A_1913 = arith.index_cast %parallel_loop3A_984 : i32 to index
        %parallel_loop3A_1914 = arith.constant 80 : index
        %parallel_loop3A_1915 = tpu.vector_load %arg7[%parallel_loop3A_1911, %parallel_loop3A_1912, %parallel_loop3A_1913, %parallel_loop3A_1914] {strides = array<i32>} : memref<2x8x40x128xf32, #tpu.memory_space<vmem>>, vector<1x1x1x16xf32>,
        %parallel_loop3A_1916 = vector.shape_cast %parallel_loop3A_1915 : vector<1x1x1x16xf32> to vector<16xf32>
        %parallel_loop3A_1917 = vector.shape_cast %parallel_loop3A_1908 : vector<16xf32> to vector<1x1x1x16xf32>
        tpu.vector_store %arg7[%parallel_loop3A_1911, %parallel_loop3A_1912, %parallel_loop3A_1913, %parallel_loop3A_1914], %parallel_loop3A_1917 {strides = array<i32>} : memref<2x8x40x128xf32, #tpu.memory_space<vmem>>, vector<1x1x1x16xf32>,
        %parallel_loop3A_1918 = arith.constant 1 : i32
        %parallel_loop3A_1919 = arith.constant 3 : i32
        %parallel_loop3A_1920 = arith.index_cast %parallel_loop3A_1918 : i32 to index
        %parallel_loop3A_1921 = arith.index_cast %parallel_loop3A_1919 : i32 to index
        %parallel_loop3A_1922 = arith.index_cast %parallel_loop3A_984 : i32 to index
        %parallel_loop3A_1923 = arith.constant 80 : index
        %parallel_loop3A_1924 = tpu.vector_load %arg7[%parallel_loop3A_1920, %parallel_loop3A_1921, %parallel_loop3A_1922, %parallel_loop3A_1923] {strides = array<i32>} : memref<2x8x40x128xf32, #tpu.memory_space<vmem>>, vector<1x1x1x16xf32>,
        %parallel_loop3A_1925 = vector.shape_cast %parallel_loop3A_1924 : vector<1x1x1x16xf32> to vector<16xf32>
        %parallel_loop3A_1926 = arith.constant 11.3137083 : f32
        %parallel_loop3A_1927 = vector.broadcast %parallel_loop3A_1926 : f32 to vector<16xf32>
        %parallel_loop3A_1928 = arith.mulf %parallel_loop3A_1925, %parallel_loop3A_1927 : vector<16xf32>
        %parallel_loop3A_1929 = arith.addf %parallel_loop3A_1928, %parallel_loop3A_1854 : vector<16xf32>
        %parallel_loop3A_1930 = arith.constant 1 : i32
        %parallel_loop3A_1931 = arith.constant 3 : i32
        %parallel_loop3A_1932 = arith.index_cast %parallel_loop3A_1930 : i32 to index
        %parallel_loop3A_1933 = arith.index_cast %parallel_loop3A_1931 : i32 to index
        %parallel_loop3A_1934 = arith.index_cast %parallel_loop3A_984 : i32 to index
        %parallel_loop3A_1935 = arith.constant 80 : index
        %parallel_loop3A_1936 = tpu.vector_load %arg7[%parallel_loop3A_1932, %parallel_loop3A_1933, %parallel_loop3A_1934, %parallel_loop3A_1935] {strides = array<i32>} : memref<2x8x40x128xf32, #tpu.memory_space<vmem>>, vector<1x1x1x16xf32>,
        %parallel_loop3A_1937 = vector.shape_cast %parallel_loop3A_1936 : vector<1x1x1x16xf32> to vector<16xf32>
        %parallel_loop3A_1938 = vector.shape_cast %parallel_loop3A_1929 : vector<16xf32> to vector<1x1x1x16xf32>
        tpu.vector_store %arg7[%parallel_loop3A_1932, %parallel_loop3A_1933, %parallel_loop3A_1934, %parallel_loop3A_1935], %parallel_loop3A_1938 {strides = array<i32>} : memref<2x8x40x128xf32, #tpu.memory_space<vmem>>, vector<1x1x1x16xf32>,
        %parallel_loop3A_1939 = arith.constant 1 : i32
        %parallel_loop3A_1940 = arith.constant 4 : i32
        %parallel_loop3A_1941 = arith.index_cast %parallel_loop3A_1939 : i32 to index
        %parallel_loop3A_1942 = arith.index_cast %parallel_loop3A_1940 : i32 to index
        %parallel_loop3A_1943 = arith.index_cast %parallel_loop3A_984 : i32 to index
        %parallel_loop3A_1944 = arith.constant 80 : index
        %parallel_loop3A_1945 = tpu.vector_load %arg7[%parallel_loop3A_1941, %parallel_loop3A_1942, %parallel_loop3A_1943, %parallel_loop3A_1944] {strides = array<i32>} : memref<2x8x40x128xf32, #tpu.memory_space<vmem>>, vector<1x1x1x16xf32>,
        %parallel_loop3A_1946 = vector.shape_cast %parallel_loop3A_1945 : vector<1x1x1x16xf32> to vector<16xf32>
        %parallel_loop3A_1947 = arith.constant 11.3137083 : f32
        %parallel_loop3A_1948 = vector.broadcast %parallel_loop3A_1947 : f32 to vector<16xf32>
        %parallel_loop3A_1949 = arith.mulf %parallel_loop3A_1946, %parallel_loop3A_1948 : vector<16xf32>
        %parallel_loop3A_1950 = arith.addf %parallel_loop3A_1949, %parallel_loop3A_1854 : vector<16xf32>
        %parallel_loop3A_1951 = arith.constant 1 : i32
        %parallel_loop3A_1952 = arith.constant 4 : i32
        %parallel_loop3A_1953 = arith.index_cast %parallel_loop3A_1951 : i32 to index
        %parallel_loop3A_1954 = arith.index_cast %parallel_loop3A_1952 : i32 to index
        %parallel_loop3A_1955 = arith.index_cast %parallel_loop3A_984 : i32 to index
        %parallel_loop3A_1956 = arith.constant 80 : index
        %parallel_loop3A_1957 = tpu.vector_load %arg7[%parallel_loop3A_1953, %parallel_loop3A_1954, %parallel_loop3A_1955, %parallel_loop3A_1956] {strides = array<i32>} : memref<2x8x40x128xf32, #tpu.memory_space<vmem>>, vector<1x1x1x16xf32>,
        %parallel_loop3A_1958 = vector.shape_cast %parallel_loop3A_1957 : vector<1x1x1x16xf32> to vector<16xf32>
        %parallel_loop3A_1959 = vector.shape_cast %parallel_loop3A_1950 : vector<16xf32> to vector<1x1x1x16xf32>
        tpu.vector_store %arg7[%parallel_loop3A_1953, %parallel_loop3A_1954, %parallel_loop3A_1955, %parallel_loop3A_1956], %parallel_loop3A_1959 {strides = array<i32>} : memref<2x8x40x128xf32, #tpu.memory_space<vmem>>, vector<1x1x1x16xf32>,
        %parallel_loop3A_1960 = arith.constant 1 : i32
        %parallel_loop3A_1961 = arith.constant 5 : i32
        %parallel_loop3A_1962 = arith.index_cast %parallel_loop3A_1960 : i32 to index
        %parallel_loop3A_1963 = arith.index_cast %parallel_loop3A_1961 : i32 to index
        %parallel_loop3A_1964 = arith.index_cast %parallel_loop3A_984 : i32 to index
        %parallel_loop3A_1965 = arith.constant 80 : index
        %parallel_loop3A_1966 = tpu.vector_load %arg7[%parallel_loop3A_1962, %parallel_loop3A_1963, %parallel_loop3A_1964, %parallel_loop3A_1965] {strides = array<i32>} : memref<2x8x40x128xf32, #tpu.memory_space<vmem>>, vector<1x1x1x16xf32>,
        %parallel_loop3A_1967 = vector.shape_cast %parallel_loop3A_1966 : vector<1x1x1x16xf32> to vector<16xf32>
        %parallel_loop3A_1968 = arith.constant 11.3137083 : f32
        %parallel_loop3A_1969 = vector.broadcast %parallel_loop3A_1968 : f32 to vector<16xf32>
        %parallel_loop3A_1970 = arith.mulf %parallel_loop3A_1967, %parallel_loop3A_1969 : vector<16xf32>
        %parallel_loop3A_1971 = arith.addf %parallel_loop3A_1970, %parallel_loop3A_1854 : vector<16xf32>
        %parallel_loop3A_1972 = arith.constant 1 : i32
        %parallel_loop3A_1973 = arith.constant 5 : i32
        %parallel_loop3A_1974 = arith.index_cast %parallel_loop3A_1972 : i32 to index
        %parallel_loop3A_1975 = arith.index_cast %parallel_loop3A_1973 : i32 to index
        %parallel_loop3A_1976 = arith.index_cast %parallel_loop3A_984 : i32 to index
        %parallel_loop3A_1977 = arith.constant 80 : index
        %parallel_loop3A_1978 = tpu.vector_load %arg7[%parallel_loop3A_1974, %parallel_loop3A_1975, %parallel_loop3A_1976, %parallel_loop3A_1977] {strides = array<i32>} : memref<2x8x40x128xf32, #tpu.memory_space<vmem>>, vector<1x1x1x16xf32>,
        %parallel_loop3A_1979 = vector.shape_cast %parallel_loop3A_1978 : vector<1x1x1x16xf32> to vector<16xf32>
        %parallel_loop3A_1980 = vector.shape_cast %parallel_loop3A_1971 : vector<16xf32> to vector<1x1x1x16xf32>
        tpu.vector_store %arg7[%parallel_loop3A_1974, %parallel_loop3A_1975, %parallel_loop3A_1976, %parallel_loop3A_1977], %parallel_loop3A_1980 {strides = array<i32>} : memref<2x8x40x128xf32, #tpu.memory_space<vmem>>, vector<1x1x1x16xf32>,
        %parallel_loop3A_1981 = arith.constant 1 : i32
        %parallel_loop3A_1982 = arith.constant 6 : i32
        %parallel_loop3A_1983 = arith.index_cast %parallel_loop3A_1981 : i32 to index
        %parallel_loop3A_1984 = arith.index_cast %parallel_loop3A_1982 : i32 to index
        %parallel_loop3A_1985 = arith.index_cast %parallel_loop3A_984 : i32 to index
        %parallel_loop3A_1986 = arith.constant 80 : index
        %parallel_loop3A_1987 = tpu.vector_load %arg7[%parallel_loop3A_1983, %parallel_loop3A_1984, %parallel_loop3A_1985, %parallel_loop3A_1986] {strides = array<i32>} : memref<2x8x40x128xf32, #tpu.memory_space<vmem>>, vector<1x1x1x16xf32>,
        %parallel_loop3A_1988 = vector.shape_cast %parallel_loop3A_1987 : vector<1x1x1x16xf32> to vector<16xf32>
        %parallel_loop3A_1989 = arith.constant 11.3137083 : f32
        %parallel_loop3A_1990 = vector.broadcast %parallel_loop3A_1989 : f32 to vector<16xf32>
        %parallel_loop3A_1991 = arith.mulf %parallel_loop3A_1988, %parallel_loop3A_1990 : vector<16xf32>
        %parallel_loop3A_1992 = arith.addf %parallel_loop3A_1991, %parallel_loop3A_1854 : vector<16xf32>
        %parallel_loop3A_1993 = arith.constant 1 : i32
        %parallel_loop3A_1994 = arith.constant 6 : i32
        %parallel_loop3A_1995 = arith.index_cast %parallel_loop3A_1993 : i32 to index
        %parallel_loop3A_1996 = arith.index_cast %parallel_loop3A_1994 : i32 to index
        %parallel_loop3A_1997 = arith.index_cast %parallel_loop3A_984 : i32 to index
        %parallel_loop3A_1998 = arith.constant 80 : index
        %parallel_loop3A_1999 = tpu.vector_load %arg7[%parallel_loop3A_1995, %parallel_loop3A_1996, %parallel_loop3A_1997, %parallel_loop3A_1998] {strides = array<i32>} : memref<2x8x40x128xf32, #tpu.memory_space<vmem>>, vector<1x1x1x16xf32>,
        %parallel_loop3A_2000 = vector.shape_cast %parallel_loop3A_1999 : vector<1x1x1x16xf32> to vector<16xf32>
        %parallel_loop3A_2001 = vector.shape_cast %parallel_loop3A_1992 : vector<16xf32> to vector<1x1x1x16xf32>
        tpu.vector_store %arg7[%parallel_loop3A_1995, %parallel_loop3A_1996, %parallel_loop3A_1997, %parallel_loop3A_1998], %parallel_loop3A_2001 {strides = array<i32>} : memref<2x8x40x128xf32, #tpu.memory_space<vmem>>, vector<1x1x1x16xf32>,
        %parallel_loop3A_2002 = arith.constant 1 : i32
        %parallel_loop3A_2003 = arith.constant 7 : i32
        %parallel_loop3A_2004 = arith.index_cast %parallel_loop3A_2002 : i32 to index
        %parallel_loop3A_2005 = arith.index_cast %parallel_loop3A_2003 : i32 to index
        %parallel_loop3A_2006 = arith.index_cast %parallel_loop3A_984 : i32 to index
        %parallel_loop3A_2007 = arith.constant 80 : index
        %parallel_loop3A_2008 = tpu.vector_load %arg7[%parallel_loop3A_2004, %parallel_loop3A_2005, %parallel_loop3A_2006, %parallel_loop3A_2007] {strides = array<i32>} : memref<2x8x40x128xf32, #tpu.memory_space<vmem>>, vector<1x1x1x16xf32>,
        %parallel_loop3A_2009 = vector.shape_cast %parallel_loop3A_2008 : vector<1x1x1x16xf32> to vector<16xf32>
        %parallel_loop3A_2010 = arith.constant 11.3137083 : f32
        %parallel_loop3A_2011 = vector.broadcast %parallel_loop3A_2010 : f32 to vector<16xf32>
        %parallel_loop3A_2012 = arith.mulf %parallel_loop3A_2009, %parallel_loop3A_2011 : vector<16xf32>
        %parallel_loop3A_2013 = arith.addf %parallel_loop3A_2012, %parallel_loop3A_1854 : vector<16xf32>
        %parallel_loop3A_2014 = arith.constant 1 : i32
        %parallel_loop3A_2015 = arith.constant 7 : i32
        %parallel_loop3A_2016 = arith.index_cast %parallel_loop3A_2014 : i32 to index
        %parallel_loop3A_2017 = arith.index_cast %parallel_loop3A_2015 : i32 to index
        %parallel_loop3A_2018 = arith.index_cast %parallel_loop3A_984 : i32 to index
        %parallel_loop3A_2019 = arith.constant 80 : index
        %parallel_loop3A_2020 = tpu.vector_load %arg7[%parallel_loop3A_2016, %parallel_loop3A_2017, %parallel_loop3A_2018, %parallel_loop3A_2019] {strides = array<i32>} : memref<2x8x40x128xf32, #tpu.memory_space<vmem>>, vector<1x1x1x16xf32>,
        %parallel_loop3A_2021 = vector.shape_cast %parallel_loop3A_2020 : vector<1x1x1x16xf32> to vector<16xf32>
        %parallel_loop3A_2022 = vector.shape_cast %parallel_loop3A_2013 : vector<16xf32> to vector<1x1x1x16xf32>
        tpu.vector_store %arg7[%parallel_loop3A_2016, %parallel_loop3A_2017, %parallel_loop3A_2018, %parallel_loop3A_2019], %parallel_loop3A_2022 {strides = array<i32>} : memref<2x8x40x128xf32, #tpu.memory_space<vmem>>, vector<1x1x1x16xf32>,
        %parallel_loop3A_2023 = arith.addi %mul3A_932, %parallel_loop3A_984 : i32
        %parallel_loop3A_2024 = arith.index_cast %parallel_loop3A_2023 : i32 to index
        %parallel_loop3A_2025 = arith.constant 96 : index
        %parallel_loop3A_2026 = tpu.vector_load %arg8[%parallel_loop3A_2024, %parallel_loop3A_2025] {strides = array<i32>} : memref<200x128xf32, #tpu.memory_space<vmem>>, vector<1x16xf32>,
        %parallel_loop3A_2027 = vector.shape_cast %parallel_loop3A_2026 : vector<1x16xf32> to vector<16xf32>
        %parallel_loop3A_2028 = arith.constant 1 : i32
        %parallel_loop3A_2029 = arith.constant 0 : i32
        %parallel_loop3A_2030 = arith.index_cast %parallel_loop3A_2028 : i32 to index
        %parallel_loop3A_2031 = arith.index_cast %parallel_loop3A_2029 : i32 to index
        %parallel_loop3A_2032 = arith.index_cast %parallel_loop3A_984 : i32 to index
        %parallel_loop3A_2033 = arith.constant 96 : index
        %parallel_loop3A_2034 = tpu.vector_load %arg7[%parallel_loop3A_2030, %parallel_loop3A_2031, %parallel_loop3A_2032, %parallel_loop3A_2033] {strides = array<i32>} : memref<2x8x40x128xf32, #tpu.memory_space<vmem>>, vector<1x1x1x16xf32>,
        %parallel_loop3A_2035 = vector.shape_cast %parallel_loop3A_2034 : vector<1x1x1x16xf32> to vector<16xf32>
        %parallel_loop3A_2036 = arith.constant 11.3137083 : f32
        %parallel_loop3A_2037 = vector.broadcast %parallel_loop3A_2036 : f32 to vector<16xf32>
        %parallel_loop3A_2038 = arith.mulf %parallel_loop3A_2035, %parallel_loop3A_2037 : vector<16xf32>
        %parallel_loop3A_2039 = arith.addf %parallel_loop3A_2038, %parallel_loop3A_2027 : vector<16xf32>
        %parallel_loop3A_2040 = arith.constant 1 : i32
        %parallel_loop3A_2041 = arith.constant 0 : i32
        %parallel_loop3A_2042 = arith.index_cast %parallel_loop3A_2040 : i32 to index
        %parallel_loop3A_2043 = arith.index_cast %parallel_loop3A_2041 : i32 to index
        %parallel_loop3A_2044 = arith.index_cast %parallel_loop3A_984 : i32 to index
        %parallel_loop3A_2045 = arith.constant 96 : index
        %parallel_loop3A_2046 = tpu.vector_load %arg7[%parallel_loop3A_2042, %parallel_loop3A_2043, %parallel_loop3A_2044, %parallel_loop3A_2045] {strides = array<i32>} : memref<2x8x40x128xf32, #tpu.memory_space<vmem>>, vector<1x1x1x16xf32>,
        %parallel_loop3A_2047 = vector.shape_cast %parallel_loop3A_2046 : vector<1x1x1x16xf32> to vector<16xf32>
        %parallel_loop3A_2048 = vector.shape_cast %parallel_loop3A_2039 : vector<16xf32> to vector<1x1x1x16xf32>
        tpu.vector_store %arg7[%parallel_loop3A_2042, %parallel_loop3A_2043, %parallel_loop3A_2044, %parallel_loop3A_2045], %parallel_loop3A_2048 {strides = array<i32>} : memref<2x8x40x128xf32, #tpu.memory_space<vmem>>, vector<1x1x1x16xf32>,
        %parallel_loop3A_2049 = arith.constant 1 : i32
        %parallel_loop3A_2050 = arith.constant 1 : i32
        %parallel_loop3A_2051 = arith.index_cast %parallel_loop3A_2049 : i32 to index
        %parallel_loop3A_2052 = arith.index_cast %parallel_loop3A_2050 : i32 to index
        %parallel_loop3A_2053 = arith.index_cast %parallel_loop3A_984 : i32 to index
        %parallel_loop3A_2054 = arith.constant 96 : index
        %parallel_loop3A_2055 = tpu.vector_load %arg7[%parallel_loop3A_2051, %parallel_loop3A_2052, %parallel_loop3A_2053, %parallel_loop3A_2054] {strides = array<i32>} : memref<2x8x40x128xf32, #tpu.memory_space<vmem>>, vector<1x1x1x16xf32>,
        %parallel_loop3A_2056 = vector.shape_cast %parallel_loop3A_2055 : vector<1x1x1x16xf32> to vector<16xf32>
        %parallel_loop3A_2057 = arith.constant 11.3137083 : f32
        %parallel_loop3A_2058 = vector.broadcast %parallel_loop3A_2057 : f32 to vector<16xf32>
        %parallel_loop3A_2059 = arith.mulf %parallel_loop3A_2056, %parallel_loop3A_2058 : vector<16xf32>
        %parallel_loop3A_2060 = arith.addf %parallel_loop3A_2059, %parallel_loop3A_2027 : vector<16xf32>
        %parallel_loop3A_2061 = arith.constant 1 : i32
        %parallel_loop3A_2062 = arith.constant 1 : i32
        %parallel_loop3A_2063 = arith.index_cast %parallel_loop3A_2061 : i32 to index
        %parallel_loop3A_2064 = arith.index_cast %parallel_loop3A_2062 : i32 to index
        %parallel_loop3A_2065 = arith.index_cast %parallel_loop3A_984 : i32 to index
        %parallel_loop3A_2066 = arith.constant 96 : index
        %parallel_loop3A_2067 = tpu.vector_load %arg7[%parallel_loop3A_2063, %parallel_loop3A_2064, %parallel_loop3A_2065, %parallel_loop3A_2066] {strides = array<i32>} : memref<2x8x40x128xf32, #tpu.memory_space<vmem>>, vector<1x1x1x16xf32>,
        %parallel_loop3A_2068 = vector.shape_cast %parallel_loop3A_2067 : vector<1x1x1x16xf32> to vector<16xf32>
        %parallel_loop3A_2069 = vector.shape_cast %parallel_loop3A_2060 : vector<16xf32> to vector<1x1x1x16xf32>
        tpu.vector_store %arg7[%parallel_loop3A_2063, %parallel_loop3A_2064, %parallel_loop3A_2065, %parallel_loop3A_2066], %parallel_loop3A_2069 {strides = array<i32>} : memref<2x8x40x128xf32, #tpu.memory_space<vmem>>, vector<1x1x1x16xf32>,
        %parallel_loop3A_2070 = arith.constant 1 : i32
        %parallel_loop3A_2071 = arith.constant 2 : i32
        %parallel_loop3A_2072 = arith.index_cast %parallel_loop3A_2070 : i32 to index
        %parallel_loop3A_2073 = arith.index_cast %parallel_loop3A_2071 : i32 to index
        %parallel_loop3A_2074 = arith.index_cast %parallel_loop3A_984 : i32 to index
        %parallel_loop3A_2075 = arith.constant 96 : index
        %parallel_loop3A_2076 = tpu.vector_load %arg7[%parallel_loop3A_2072, %parallel_loop3A_2073, %parallel_loop3A_2074, %parallel_loop3A_2075] {strides = array<i32>} : memref<2x8x40x128xf32, #tpu.memory_space<vmem>>, vector<1x1x1x16xf32>,
        %parallel_loop3A_2077 = vector.shape_cast %parallel_loop3A_2076 : vector<1x1x1x16xf32> to vector<16xf32>
        %parallel_loop3A_2078 = arith.constant 11.3137083 : f32
        %parallel_loop3A_2079 = vector.broadcast %parallel_loop3A_2078 : f32 to vector<16xf32>
        %parallel_loop3A_2080 = arith.mulf %parallel_loop3A_2077, %parallel_loop3A_2079 : vector<16xf32>
        %parallel_loop3A_2081 = arith.addf %parallel_loop3A_2080, %parallel_loop3A_2027 : vector<16xf32>
        %parallel_loop3A_2082 = arith.constant 1 : i32
        %parallel_loop3A_2083 = arith.constant 2 : i32
        %parallel_loop3A_2084 = arith.index_cast %parallel_loop3A_2082 : i32 to index
        %parallel_loop3A_2085 = arith.index_cast %parallel_loop3A_2083 : i32 to index
        %parallel_loop3A_2086 = arith.index_cast %parallel_loop3A_984 : i32 to index
        %parallel_loop3A_2087 = arith.constant 96 : index
        %parallel_loop3A_2088 = tpu.vector_load %arg7[%parallel_loop3A_2084, %parallel_loop3A_2085, %parallel_loop3A_2086, %parallel_loop3A_2087] {strides = array<i32>} : memref<2x8x40x128xf32, #tpu.memory_space<vmem>>, vector<1x1x1x16xf32>,
        %parallel_loop3A_2089 = vector.shape_cast %parallel_loop3A_2088 : vector<1x1x1x16xf32> to vector<16xf32>
        %parallel_loop3A_2090 = vector.shape_cast %parallel_loop3A_2081 : vector<16xf32> to vector<1x1x1x16xf32>
        tpu.vector_store %arg7[%parallel_loop3A_2084, %parallel_loop3A_2085, %parallel_loop3A_2086, %parallel_loop3A_2087], %parallel_loop3A_2090 {strides = array<i32>} : memref<2x8x40x128xf32, #tpu.memory_space<vmem>>, vector<1x1x1x16xf32>,
        %parallel_loop3A_2091 = arith.constant 1 : i32
        %parallel_loop3A_2092 = arith.constant 3 : i32
        %parallel_loop3A_2093 = arith.index_cast %parallel_loop3A_2091 : i32 to index
        %parallel_loop3A_2094 = arith.index_cast %parallel_loop3A_2092 : i32 to index
        %parallel_loop3A_2095 = arith.index_cast %parallel_loop3A_984 : i32 to index
        %parallel_loop3A_2096 = arith.constant 96 : index
        %parallel_loop3A_2097 = tpu.vector_load %arg7[%parallel_loop3A_2093, %parallel_loop3A_2094, %parallel_loop3A_2095, %parallel_loop3A_2096] {strides = array<i32>} : memref<2x8x40x128xf32, #tpu.memory_space<vmem>>, vector<1x1x1x16xf32>,
        %parallel_loop3A_2098 = vector.shape_cast %parallel_loop3A_2097 : vector<1x1x1x16xf32> to vector<16xf32>
        %parallel_loop3A_2099 = arith.constant 11.3137083 : f32
        %parallel_loop3A_2100 = vector.broadcast %parallel_loop3A_2099 : f32 to vector<16xf32>
        %parallel_loop3A_2101 = arith.mulf %parallel_loop3A_2098, %parallel_loop3A_2100 : vector<16xf32>
        %parallel_loop3A_2102 = arith.addf %parallel_loop3A_2101, %parallel_loop3A_2027 : vector<16xf32>
        %parallel_loop3A_2103 = arith.constant 1 : i32
        %parallel_loop3A_2104 = arith.constant 3 : i32
        %parallel_loop3A_2105 = arith.index_cast %parallel_loop3A_2103 : i32 to index
        %parallel_loop3A_2106 = arith.index_cast %parallel_loop3A_2104 : i32 to index
        %parallel_loop3A_2107 = arith.index_cast %parallel_loop3A_984 : i32 to index
        %parallel_loop3A_2108 = arith.constant 96 : index
        %parallel_loop3A_2109 = tpu.vector_load %arg7[%parallel_loop3A_2105, %parallel_loop3A_2106, %parallel_loop3A_2107, %parallel_loop3A_2108] {strides = array<i32>} : memref<2x8x40x128xf32, #tpu.memory_space<vmem>>, vector<1x1x1x16xf32>,
        %parallel_loop3A_2110 = vector.shape_cast %parallel_loop3A_2109 : vector<1x1x1x16xf32> to vector<16xf32>
        %parallel_loop3A_2111 = vector.shape_cast %parallel_loop3A_2102 : vector<16xf32> to vector<1x1x1x16xf32>
        tpu.vector_store %arg7[%parallel_loop3A_2105, %parallel_loop3A_2106, %parallel_loop3A_2107, %parallel_loop3A_2108], %parallel_loop3A_2111 {strides = array<i32>} : memref<2x8x40x128xf32, #tpu.memory_space<vmem>>, vector<1x1x1x16xf32>,
        %parallel_loop3A_2112 = arith.constant 1 : i32
        %parallel_loop3A_2113 = arith.constant 4 : i32
        %parallel_loop3A_2114 = arith.index_cast %parallel_loop3A_2112 : i32 to index
        %parallel_loop3A_2115 = arith.index_cast %parallel_loop3A_2113 : i32 to index
        %parallel_loop3A_2116 = arith.index_cast %parallel_loop3A_984 : i32 to index
        %parallel_loop3A_2117 = arith.constant 96 : index
        %parallel_loop3A_2118 = tpu.vector_load %arg7[%parallel_loop3A_2114, %parallel_loop3A_2115, %parallel_loop3A_2116, %parallel_loop3A_2117] {strides = array<i32>} : memref<2x8x40x128xf32, #tpu.memory_space<vmem>>, vector<1x1x1x16xf32>,
        %parallel_loop3A_2119 = vector.shape_cast %parallel_loop3A_2118 : vector<1x1x1x16xf32> to vector<16xf32>
        %parallel_loop3A_2120 = arith.constant 11.3137083 : f32
        %parallel_loop3A_2121 = vector.broadcast %parallel_loop3A_2120 : f32 to vector<16xf32>
        %parallel_loop3A_2122 = arith.mulf %parallel_loop3A_2119, %parallel_loop3A_2121 : vector<16xf32>
        %parallel_loop3A_2123 = arith.addf %parallel_loop3A_2122, %parallel_loop3A_2027 : vector<16xf32>
        %parallel_loop3A_2124 = arith.constant 1 : i32
        %parallel_loop3A_2125 = arith.constant 4 : i32
        %parallel_loop3A_2126 = arith.index_cast %parallel_loop3A_2124 : i32 to index
        %parallel_loop3A_2127 = arith.index_cast %parallel_loop3A_2125 : i32 to index
        %parallel_loop3A_2128 = arith.index_cast %parallel_loop3A_984 : i32 to index
        %parallel_loop3A_2129 = arith.constant 96 : index
        %parallel_loop3A_2130 = tpu.vector_load %arg7[%parallel_loop3A_2126, %parallel_loop3A_2127, %parallel_loop3A_2128, %parallel_loop3A_2129] {strides = array<i32>} : memref<2x8x40x128xf32, #tpu.memory_space<vmem>>, vector<1x1x1x16xf32>,
        %parallel_loop3A_2131 = vector.shape_cast %parallel_loop3A_2130 : vector<1x1x1x16xf32> to vector<16xf32>
        %parallel_loop3A_2132 = vector.shape_cast %parallel_loop3A_2123 : vector<16xf32> to vector<1x1x1x16xf32>
        tpu.vector_store %arg7[%parallel_loop3A_2126, %parallel_loop3A_2127, %parallel_loop3A_2128, %parallel_loop3A_2129], %parallel_loop3A_2132 {strides = array<i32>} : memref<2x8x40x128xf32, #tpu.memory_space<vmem>>, vector<1x1x1x16xf32>,
        %parallel_loop3A_2133 = arith.constant 1 : i32
        %parallel_loop3A_2134 = arith.constant 5 : i32
        %parallel_loop3A_2135 = arith.index_cast %parallel_loop3A_2133 : i32 to index
        %parallel_loop3A_2136 = arith.index_cast %parallel_loop3A_2134 : i32 to index
        %parallel_loop3A_2137 = arith.index_cast %parallel_loop3A_984 : i32 to index
        %parallel_loop3A_2138 = arith.constant 96 : index
        %parallel_loop3A_2139 = tpu.vector_load %arg7[%parallel_loop3A_2135, %parallel_loop3A_2136, %parallel_loop3A_2137, %parallel_loop3A_2138] {strides = array<i32>} : memref<2x8x40x128xf32, #tpu.memory_space<vmem>>, vector<1x1x1x16xf32>,
        %parallel_loop3A_2140 = vector.shape_cast %parallel_loop3A_2139 : vector<1x1x1x16xf32> to vector<16xf32>
        %parallel_loop3A_2141 = arith.constant 11.3137083 : f32
        %parallel_loop3A_2142 = vector.broadcast %parallel_loop3A_2141 : f32 to vector<16xf32>
        %parallel_loop3A_2143 = arith.mulf %parallel_loop3A_2140, %parallel_loop3A_2142 : vector<16xf32>
        %parallel_loop3A_2144 = arith.addf %parallel_loop3A_2143, %parallel_loop3A_2027 : vector<16xf32>
        %parallel_loop3A_2145 = arith.constant 1 : i32
        %parallel_loop3A_2146 = arith.constant 5 : i32
        %parallel_loop3A_2147 = arith.index_cast %parallel_loop3A_2145 : i32 to index
        %parallel_loop3A_2148 = arith.index_cast %parallel_loop3A_2146 : i32 to index
        %parallel_loop3A_2149 = arith.index_cast %parallel_loop3A_984 : i32 to index
        %parallel_loop3A_2150 = arith.constant 96 : index
        %parallel_loop3A_2151 = tpu.vector_load %arg7[%parallel_loop3A_2147, %parallel_loop3A_2148, %parallel_loop3A_2149, %parallel_loop3A_2150] {strides = array<i32>} : memref<2x8x40x128xf32, #tpu.memory_space<vmem>>, vector<1x1x1x16xf32>,
        %parallel_loop3A_2152 = vector.shape_cast %parallel_loop3A_2151 : vector<1x1x1x16xf32> to vector<16xf32>
        %parallel_loop3A_2153 = vector.shape_cast %parallel_loop3A_2144 : vector<16xf32> to vector<1x1x1x16xf32>
        tpu.vector_store %arg7[%parallel_loop3A_2147, %parallel_loop3A_2148, %parallel_loop3A_2149, %parallel_loop3A_2150], %parallel_loop3A_2153 {strides = array<i32>} : memref<2x8x40x128xf32, #tpu.memory_space<vmem>>, vector<1x1x1x16xf32>,
        %parallel_loop3A_2154 = arith.constant 1 : i32
        %parallel_loop3A_2155 = arith.constant 6 : i32
        %parallel_loop3A_2156 = arith.index_cast %parallel_loop3A_2154 : i32 to index
        %parallel_loop3A_2157 = arith.index_cast %parallel_loop3A_2155 : i32 to index
        %parallel_loop3A_2158 = arith.index_cast %parallel_loop3A_984 : i32 to index
        %parallel_loop3A_2159 = arith.constant 96 : index
        %parallel_loop3A_2160 = tpu.vector_load %arg7[%parallel_loop3A_2156, %parallel_loop3A_2157, %parallel_loop3A_2158, %parallel_loop3A_2159] {strides = array<i32>} : memref<2x8x40x128xf32, #tpu.memory_space<vmem>>, vector<1x1x1x16xf32>,
        %parallel_loop3A_2161 = vector.shape_cast %parallel_loop3A_2160 : vector<1x1x1x16xf32> to vector<16xf32>
        %parallel_loop3A_2162 = arith.constant 11.3137083 : f32
        %parallel_loop3A_2163 = vector.broadcast %parallel_loop3A_2162 : f32 to vector<16xf32>
        %parallel_loop3A_2164 = arith.mulf %parallel_loop3A_2161, %parallel_loop3A_2163 : vector<16xf32>
        %parallel_loop3A_2165 = arith.addf %parallel_loop3A_2164, %parallel_loop3A_2027 : vector<16xf32>
        %parallel_loop3A_2166 = arith.constant 1 : i32
        %parallel_loop3A_2167 = arith.constant 6 : i32
        %parallel_loop3A_2168 = arith.index_cast %parallel_loop3A_2166 : i32 to index
        %parallel_loop3A_2169 = arith.index_cast %parallel_loop3A_2167 : i32 to index
        %parallel_loop3A_2170 = arith.index_cast %parallel_loop3A_984 : i32 to index
        %parallel_loop3A_2171 = arith.constant 96 : index
        %parallel_loop3A_2172 = tpu.vector_load %arg7[%parallel_loop3A_2168, %parallel_loop3A_2169, %parallel_loop3A_2170, %parallel_loop3A_2171] {strides = array<i32>} : memref<2x8x40x128xf32, #tpu.memory_space<vmem>>, vector<1x1x1x16xf32>,
        %parallel_loop3A_2173 = vector.shape_cast %parallel_loop3A_2172 : vector<1x1x1x16xf32> to vector<16xf32>
        %parallel_loop3A_2174 = vector.shape_cast %parallel_loop3A_2165 : vector<16xf32> to vector<1x1x1x16xf32>
        tpu.vector_store %arg7[%parallel_loop3A_2168, %parallel_loop3A_2169, %parallel_loop3A_2170, %parallel_loop3A_2171], %parallel_loop3A_2174 {strides = array<i32>} : memref<2x8x40x128xf32, #tpu.memory_space<vmem>>, vector<1x1x1x16xf32>,
        %parallel_loop3A_2175 = arith.constant 1 : i32
        %parallel_loop3A_2176 = arith.constant 7 : i32
        %parallel_loop3A_2177 = arith.index_cast %parallel_loop3A_2175 : i32 to index
        %parallel_loop3A_2178 = arith.index_cast %parallel_loop3A_2176 : i32 to index
        %parallel_loop3A_2179 = arith.index_cast %parallel_loop3A_984 : i32 to index
        %parallel_loop3A_2180 = arith.constant 96 : index
        %parallel_loop3A_2181 = tpu.vector_load %arg7[%parallel_loop3A_2177, %parallel_loop3A_2178, %parallel_loop3A_2179, %parallel_loop3A_2180] {strides = array<i32>} : memref<2x8x40x128xf32, #tpu.memory_space<vmem>>, vector<1x1x1x16xf32>,
        %parallel_loop3A_2182 = vector.shape_cast %parallel_loop3A_2181 : vector<1x1x1x16xf32> to vector<16xf32>
        %parallel_loop3A_2183 = arith.constant 11.3137083 : f32
        %parallel_loop3A_2184 = vector.broadcast %parallel_loop3A_2183 : f32 to vector<16xf32>
        %parallel_loop3A_2185 = arith.mulf %parallel_loop3A_2182, %parallel_loop3A_2184 : vector<16xf32>
        %parallel_loop3A_2186 = arith.addf %parallel_loop3A_2185, %parallel_loop3A_2027 : vector<16xf32>
        %parallel_loop3A_2187 = arith.constant 1 : i32
        %parallel_loop3A_2188 = arith.constant 7 : i32
        %parallel_loop3A_2189 = arith.index_cast %parallel_loop3A_2187 : i32 to index
        %parallel_loop3A_2190 = arith.index_cast %parallel_loop3A_2188 : i32 to index
        %parallel_loop3A_2191 = arith.index_cast %parallel_loop3A_984 : i32 to index
        %parallel_loop3A_2192 = arith.constant 96 : index
        %parallel_loop3A_2193 = tpu.vector_load %arg7[%parallel_loop3A_2189, %parallel_loop3A_2190, %parallel_loop3A_2191, %parallel_loop3A_2192] {strides = array<i32>} : memref<2x8x40x128xf32, #tpu.memory_space<vmem>>, vector<1x1x1x16xf32>,
        %parallel_loop3A_2194 = vector.shape_cast %parallel_loop3A_2193 : vector<1x1x1x16xf32> to vector<16xf32>
        %parallel_loop3A_2195 = vector.shape_cast %parallel_loop3A_2186 : vector<16xf32> to vector<1x1x1x16xf32>
        tpu.vector_store %arg7[%parallel_loop3A_2189, %parallel_loop3A_2190, %parallel_loop3A_2191, %parallel_loop3A_2192], %parallel_loop3A_2195 {strides = array<i32>} : memref<2x8x40x128xf32, #tpu.memory_space<vmem>>, vector<1x1x1x16xf32>,
        %parallel_loop3A_2196 = arith.addi %mul3A_932, %parallel_loop3A_984 : i32
        %parallel_loop3A_2197 = arith.index_cast %parallel_loop3A_2196 : i32 to index
        %parallel_loop3A_2198 = arith.constant 112 : index
        %parallel_loop3A_2199 = tpu.vector_load %arg8[%parallel_loop3A_2197, %parallel_loop3A_2198] {strides = array<i32>} : memref<200x128xf32, #tpu.memory_space<vmem>>, vector<1x16xf32>,
        %parallel_loop3A_2200 = vector.shape_cast %parallel_loop3A_2199 : vector<1x16xf32> to vector<16xf32>
        %parallel_loop3A_2201 = arith.constant 1 : i32
        %parallel_loop3A_2202 = arith.constant 0 : i32
        %parallel_loop3A_2203 = arith.index_cast %parallel_loop3A_2201 : i32 to index
        %parallel_loop3A_2204 = arith.index_cast %parallel_loop3A_2202 : i32 to index
        %parallel_loop3A_2205 = arith.index_cast %parallel_loop3A_984 : i32 to index
        %parallel_loop3A_2206 = arith.constant 112 : index
        %parallel_loop3A_2207 = tpu.vector_load %arg7[%parallel_loop3A_2203, %parallel_loop3A_2204, %parallel_loop3A_2205, %parallel_loop3A_2206] {strides = array<i32>} : memref<2x8x40x128xf32, #tpu.memory_space<vmem>>, vector<1x1x1x16xf32>,
        %parallel_loop3A_2208 = vector.shape_cast %parallel_loop3A_2207 : vector<1x1x1x16xf32> to vector<16xf32>
        %parallel_loop3A_2209 = arith.constant 11.3137083 : f32
        %parallel_loop3A_2210 = vector.broadcast %parallel_loop3A_2209 : f32 to vector<16xf32>
        %parallel_loop3A_2211 = arith.mulf %parallel_loop3A_2208, %parallel_loop3A_2210 : vector<16xf32>
        %parallel_loop3A_2212 = arith.addf %parallel_loop3A_2211, %parallel_loop3A_2200 : vector<16xf32>
        %parallel_loop3A_2213 = arith.constant 1 : i32
        %parallel_loop3A_2214 = arith.constant 0 : i32
        %parallel_loop3A_2215 = arith.index_cast %parallel_loop3A_2213 : i32 to index
        %parallel_loop3A_2216 = arith.index_cast %parallel_loop3A_2214 : i32 to index
        %parallel_loop3A_2217 = arith.index_cast %parallel_loop3A_984 : i32 to index
        %parallel_loop3A_2218 = arith.constant 112 : index
        %parallel_loop3A_2219 = tpu.vector_load %arg7[%parallel_loop3A_2215, %parallel_loop3A_2216, %parallel_loop3A_2217, %parallel_loop3A_2218] {strides = array<i32>} : memref<2x8x40x128xf32, #tpu.memory_space<vmem>>, vector<1x1x1x16xf32>,
        %parallel_loop3A_2220 = vector.shape_cast %parallel_loop3A_2219 : vector<1x1x1x16xf32> to vector<16xf32>
        %parallel_loop3A_2221 = vector.shape_cast %parallel_loop3A_2212 : vector<16xf32> to vector<1x1x1x16xf32>
        tpu.vector_store %arg7[%parallel_loop3A_2215, %parallel_loop3A_2216, %parallel_loop3A_2217, %parallel_loop3A_2218], %parallel_loop3A_2221 {strides = array<i32>} : memref<2x8x40x128xf32, #tpu.memory_space<vmem>>, vector<1x1x1x16xf32>,
        %parallel_loop3A_2222 = arith.constant 1 : i32
        %parallel_loop3A_2223 = arith.constant 1 : i32
        %parallel_loop3A_2224 = arith.index_cast %parallel_loop3A_2222 : i32 to index
        %parallel_loop3A_2225 = arith.index_cast %parallel_loop3A_2223 : i32 to index
        %parallel_loop3A_2226 = arith.index_cast %parallel_loop3A_984 : i32 to index
        %parallel_loop3A_2227 = arith.constant 112 : index
        %parallel_loop3A_2228 = tpu.vector_load %arg7[%parallel_loop3A_2224, %parallel_loop3A_2225, %parallel_loop3A_2226, %parallel_loop3A_2227] {strides = array<i32>} : memref<2x8x40x128xf32, #tpu.memory_space<vmem>>, vector<1x1x1x16xf32>,
        %parallel_loop3A_2229 = vector.shape_cast %parallel_loop3A_2228 : vector<1x1x1x16xf32> to vector<16xf32>
        %parallel_loop3A_2230 = arith.constant 11.3137083 : f32
        %parallel_loop3A_2231 = vector.broadcast %parallel_loop3A_2230 : f32 to vector<16xf32>
        %parallel_loop3A_2232 = arith.mulf %parallel_loop3A_2229, %parallel_loop3A_2231 : vector<16xf32>
        %parallel_loop3A_2233 = arith.addf %parallel_loop3A_2232, %parallel_loop3A_2200 : vector<16xf32>
        %parallel_loop3A_2234 = arith.constant 1 : i32
        %parallel_loop3A_2235 = arith.constant 1 : i32
        %parallel_loop3A_2236 = arith.index_cast %parallel_loop3A_2234 : i32 to index
        %parallel_loop3A_2237 = arith.index_cast %parallel_loop3A_2235 : i32 to index
        %parallel_loop3A_2238 = arith.index_cast %parallel_loop3A_984 : i32 to index
        %parallel_loop3A_2239 = arith.constant 112 : index
        %parallel_loop3A_2240 = tpu.vector_load %arg7[%parallel_loop3A_2236, %parallel_loop3A_2237, %parallel_loop3A_2238, %parallel_loop3A_2239] {strides = array<i32>} : memref<2x8x40x128xf32, #tpu.memory_space<vmem>>, vector<1x1x1x16xf32>,
        %parallel_loop3A_2241 = vector.shape_cast %parallel_loop3A_2240 : vector<1x1x1x16xf32> to vector<16xf32>
        %parallel_loop3A_2242 = vector.shape_cast %parallel_loop3A_2233 : vector<16xf32> to vector<1x1x1x16xf32>
        tpu.vector_store %arg7[%parallel_loop3A_2236, %parallel_loop3A_2237, %parallel_loop3A_2238, %parallel_loop3A_2239], %parallel_loop3A_2242 {strides = array<i32>} : memref<2x8x40x128xf32, #tpu.memory_space<vmem>>, vector<1x1x1x16xf32>,
        %parallel_loop3A_2243 = arith.constant 1 : i32
        %parallel_loop3A_2244 = arith.constant 2 : i32
        %parallel_loop3A_2245 = arith.index_cast %parallel_loop3A_2243 : i32 to index
        %parallel_loop3A_2246 = arith.index_cast %parallel_loop3A_2244 : i32 to index
        %parallel_loop3A_2247 = arith.index_cast %parallel_loop3A_984 : i32 to index
        %parallel_loop3A_2248 = arith.constant 112 : index
        %parallel_loop3A_2249 = tpu.vector_load %arg7[%parallel_loop3A_2245, %parallel_loop3A_2246, %parallel_loop3A_2247, %parallel_loop3A_2248] {strides = array<i32>} : memref<2x8x40x128xf32, #tpu.memory_space<vmem>>, vector<1x1x1x16xf32>,
        %parallel_loop3A_2250 = vector.shape_cast %parallel_loop3A_2249 : vector<1x1x1x16xf32> to vector<16xf32>
        %parallel_loop3A_2251 = arith.constant 11.3137083 : f32
        %parallel_loop3A_2252 = vector.broadcast %parallel_loop3A_2251 : f32 to vector<16xf32>
        %parallel_loop3A_2253 = arith.mulf %parallel_loop3A_2250, %parallel_loop3A_2252 : vector<16xf32>
        %parallel_loop3A_2254 = arith.addf %parallel_loop3A_2253, %parallel_loop3A_2200 : vector<16xf32>
        %parallel_loop3A_2255 = arith.constant 1 : i32
        %parallel_loop3A_2256 = arith.constant 2 : i32
        %parallel_loop3A_2257 = arith.index_cast %parallel_loop3A_2255 : i32 to index
        %parallel_loop3A_2258 = arith.index_cast %parallel_loop3A_2256 : i32 to index
        %parallel_loop3A_2259 = arith.index_cast %parallel_loop3A_984 : i32 to index
        %parallel_loop3A_2260 = arith.constant 112 : index
        %parallel_loop3A_2261 = tpu.vector_load %arg7[%parallel_loop3A_2257, %parallel_loop3A_2258, %parallel_loop3A_2259, %parallel_loop3A_2260] {strides = array<i32>} : memref<2x8x40x128xf32, #tpu.memory_space<vmem>>, vector<1x1x1x16xf32>,
        %parallel_loop3A_2262 = vector.shape_cast %parallel_loop3A_2261 : vector<1x1x1x16xf32> to vector<16xf32>
        %parallel_loop3A_2263 = vector.shape_cast %parallel_loop3A_2254 : vector<16xf32> to vector<1x1x1x16xf32>
        tpu.vector_store %arg7[%parallel_loop3A_2257, %parallel_loop3A_2258, %parallel_loop3A_2259, %parallel_loop3A_2260], %parallel_loop3A_2263 {strides = array<i32>} : memref<2x8x40x128xf32, #tpu.memory_space<vmem>>, vector<1x1x1x16xf32>,
        %parallel_loop3A_2264 = arith.constant 1 : i32
        %parallel_loop3A_2265 = arith.constant 3 : i32
        %parallel_loop3A_2266 = arith.index_cast %parallel_loop3A_2264 : i32 to index
        %parallel_loop3A_2267 = arith.index_cast %parallel_loop3A_2265 : i32 to index
        %parallel_loop3A_2268 = arith.index_cast %parallel_loop3A_984 : i32 to index
        %parallel_loop3A_2269 = arith.constant 112 : index
        %parallel_loop3A_2270 = tpu.vector_load %arg7[%parallel_loop3A_2266, %parallel_loop3A_2267, %parallel_loop3A_2268, %parallel_loop3A_2269] {strides = array<i32>} : memref<2x8x40x128xf32, #tpu.memory_space<vmem>>, vector<1x1x1x16xf32>,
        %parallel_loop3A_2271 = vector.shape_cast %parallel_loop3A_2270 : vector<1x1x1x16xf32> to vector<16xf32>
        %parallel_loop3A_2272 = arith.constant 11.3137083 : f32
        %parallel_loop3A_2273 = vector.broadcast %parallel_loop3A_2272 : f32 to vector<16xf32>
        %parallel_loop3A_2274 = arith.mulf %parallel_loop3A_2271, %parallel_loop3A_2273 : vector<16xf32>
        %parallel_loop3A_2275 = arith.addf %parallel_loop3A_2274, %parallel_loop3A_2200 : vector<16xf32>
        %parallel_loop3A_2276 = arith.constant 1 : i32
        %parallel_loop3A_2277 = arith.constant 3 : i32
        %parallel_loop3A_2278 = arith.index_cast %parallel_loop3A_2276 : i32 to index
        %parallel_loop3A_2279 = arith.index_cast %parallel_loop3A_2277 : i32 to index
        %parallel_loop3A_2280 = arith.index_cast %parallel_loop3A_984 : i32 to index
        %parallel_loop3A_2281 = arith.constant 112 : index
        %parallel_loop3A_2282 = tpu.vector_load %arg7[%parallel_loop3A_2278, %parallel_loop3A_2279, %parallel_loop3A_2280, %parallel_loop3A_2281] {strides = array<i32>} : memref<2x8x40x128xf32, #tpu.memory_space<vmem>>, vector<1x1x1x16xf32>,
        %parallel_loop3A_2283 = vector.shape_cast %parallel_loop3A_2282 : vector<1x1x1x16xf32> to vector<16xf32>
        %parallel_loop3A_2284 = vector.shape_cast %parallel_loop3A_2275 : vector<16xf32> to vector<1x1x1x16xf32>
        tpu.vector_store %arg7[%parallel_loop3A_2278, %parallel_loop3A_2279, %parallel_loop3A_2280, %parallel_loop3A_2281], %parallel_loop3A_2284 {strides = array<i32>} : memref<2x8x40x128xf32, #tpu.memory_space<vmem>>, vector<1x1x1x16xf32>,
        %parallel_loop3A_2285 = arith.constant 1 : i32
        %parallel_loop3A_2286 = arith.constant 4 : i32
        %parallel_loop3A_2287 = arith.index_cast %parallel_loop3A_2285 : i32 to index
        %parallel_loop3A_2288 = arith.index_cast %parallel_loop3A_2286 : i32 to index
        %parallel_loop3A_2289 = arith.index_cast %parallel_loop3A_984 : i32 to index
        %parallel_loop3A_2290 = arith.constant 112 : index
        %parallel_loop3A_2291 = tpu.vector_load %arg7[%parallel_loop3A_2287, %parallel_loop3A_2288, %parallel_loop3A_2289, %parallel_loop3A_2290] {strides = array<i32>} : memref<2x8x40x128xf32, #tpu.memory_space<vmem>>, vector<1x1x1x16xf32>,
        %parallel_loop3A_2292 = vector.shape_cast %parallel_loop3A_2291 : vector<1x1x1x16xf32> to vector<16xf32>
        %parallel_loop3A_2293 = arith.constant 11.3137083 : f32
        %parallel_loop3A_2294 = vector.broadcast %parallel_loop3A_2293 : f32 to vector<16xf32>
        %parallel_loop3A_2295 = arith.mulf %parallel_loop3A_2292, %parallel_loop3A_2294 : vector<16xf32>
        %parallel_loop3A_2296 = arith.addf %parallel_loop3A_2295, %parallel_loop3A_2200 : vector<16xf32>
        %parallel_loop3A_2297 = arith.constant 1 : i32
        %parallel_loop3A_2298 = arith.constant 4 : i32
        %parallel_loop3A_2299 = arith.index_cast %parallel_loop3A_2297 : i32 to index
        %parallel_loop3A_2300 = arith.index_cast %parallel_loop3A_2298 : i32 to index
        %parallel_loop3A_2301 = arith.index_cast %parallel_loop3A_984 : i32 to index
        %parallel_loop3A_2302 = arith.constant 112 : index
        %parallel_loop3A_2303 = tpu.vector_load %arg7[%parallel_loop3A_2299, %parallel_loop3A_2300, %parallel_loop3A_2301, %parallel_loop3A_2302] {strides = array<i32>} : memref<2x8x40x128xf32, #tpu.memory_space<vmem>>, vector<1x1x1x16xf32>,
        %parallel_loop3A_2304 = vector.shape_cast %parallel_loop3A_2303 : vector<1x1x1x16xf32> to vector<16xf32>
        %parallel_loop3A_2305 = vector.shape_cast %parallel_loop3A_2296 : vector<16xf32> to vector<1x1x1x16xf32>
        tpu.vector_store %arg7[%parallel_loop3A_2299, %parallel_loop3A_2300, %parallel_loop3A_2301, %parallel_loop3A_2302], %parallel_loop3A_2305 {strides = array<i32>} : memref<2x8x40x128xf32, #tpu.memory_space<vmem>>, vector<1x1x1x16xf32>,
        %parallel_loop3A_2306 = arith.constant 1 : i32
        %parallel_loop3A_2307 = arith.constant 5 : i32
        %parallel_loop3A_2308 = arith.index_cast %parallel_loop3A_2306 : i32 to index
        %parallel_loop3A_2309 = arith.index_cast %parallel_loop3A_2307 : i32 to index
        %parallel_loop3A_2310 = arith.index_cast %parallel_loop3A_984 : i32 to index
        %parallel_loop3A_2311 = arith.constant 112 : index
        %parallel_loop3A_2312 = tpu.vector_load %arg7[%parallel_loop3A_2308, %parallel_loop3A_2309, %parallel_loop3A_2310, %parallel_loop3A_2311] {strides = array<i32>} : memref<2x8x40x128xf32, #tpu.memory_space<vmem>>, vector<1x1x1x16xf32>,
        %parallel_loop3A_2313 = vector.shape_cast %parallel_loop3A_2312 : vector<1x1x1x16xf32> to vector<16xf32>
        %parallel_loop3A_2314 = arith.constant 11.3137083 : f32
        %parallel_loop3A_2315 = vector.broadcast %parallel_loop3A_2314 : f32 to vector<16xf32>
        %parallel_loop3A_2316 = arith.mulf %parallel_loop3A_2313, %parallel_loop3A_2315 : vector<16xf32>
        %parallel_loop3A_2317 = arith.addf %parallel_loop3A_2316, %parallel_loop3A_2200 : vector<16xf32>
        %parallel_loop3A_2318 = arith.constant 1 : i32
        %parallel_loop3A_2319 = arith.constant 5 : i32
        %parallel_loop3A_2320 = arith.index_cast %parallel_loop3A_2318 : i32 to index
        %parallel_loop3A_2321 = arith.index_cast %parallel_loop3A_2319 : i32 to index
        %parallel_loop3A_2322 = arith.index_cast %parallel_loop3A_984 : i32 to index
        %parallel_loop3A_2323 = arith.constant 112 : index
        %parallel_loop3A_2324 = tpu.vector_load %arg7[%parallel_loop3A_2320, %parallel_loop3A_2321, %parallel_loop3A_2322, %parallel_loop3A_2323] {strides = array<i32>} : memref<2x8x40x128xf32, #tpu.memory_space<vmem>>, vector<1x1x1x16xf32>,
        %parallel_loop3A_2325 = vector.shape_cast %parallel_loop3A_2324 : vector<1x1x1x16xf32> to vector<16xf32>
        %parallel_loop3A_2326 = vector.shape_cast %parallel_loop3A_2317 : vector<16xf32> to vector<1x1x1x16xf32>
        tpu.vector_store %arg7[%parallel_loop3A_2320, %parallel_loop3A_2321, %parallel_loop3A_2322, %parallel_loop3A_2323], %parallel_loop3A_2326 {strides = array<i32>} : memref<2x8x40x128xf32, #tpu.memory_space<vmem>>, vector<1x1x1x16xf32>,
        %parallel_loop3A_2327 = arith.constant 1 : i32
        %parallel_loop3A_2328 = arith.constant 6 : i32
        %parallel_loop3A_2329 = arith.index_cast %parallel_loop3A_2327 : i32 to index
        %parallel_loop3A_2330 = arith.index_cast %parallel_loop3A_2328 : i32 to index
        %parallel_loop3A_2331 = arith.index_cast %parallel_loop3A_984 : i32 to index
        %parallel_loop3A_2332 = arith.constant 112 : index
        %parallel_loop3A_2333 = tpu.vector_load %arg7[%parallel_loop3A_2329, %parallel_loop3A_2330, %parallel_loop3A_2331, %parallel_loop3A_2332] {strides = array<i32>} : memref<2x8x40x128xf32, #tpu.memory_space<vmem>>, vector<1x1x1x16xf32>,
        %parallel_loop3A_2334 = vector.shape_cast %parallel_loop3A_2333 : vector<1x1x1x16xf32> to vector<16xf32>
        %parallel_loop3A_2335 = arith.constant 11.3137083 : f32
        %parallel_loop3A_2336 = vector.broadcast %parallel_loop3A_2335 : f32 to vector<16xf32>
        %parallel_loop3A_2337 = arith.mulf %parallel_loop3A_2334, %parallel_loop3A_2336 : vector<16xf32>
        %parallel_loop3A_2338 = arith.addf %parallel_loop3A_2337, %parallel_loop3A_2200 : vector<16xf32>
        %parallel_loop3A_2339 = arith.constant 1 : i32
        %parallel_loop3A_2340 = arith.constant 6 : i32
        %parallel_loop3A_2341 = arith.index_cast %parallel_loop3A_2339 : i32 to index
        %parallel_loop3A_2342 = arith.index_cast %parallel_loop3A_2340 : i32 to index
        %parallel_loop3A_2343 = arith.index_cast %parallel_loop3A_984 : i32 to index
        %parallel_loop3A_2344 = arith.constant 112 : index
        %parallel_loop3A_2345 = tpu.vector_load %arg7[%parallel_loop3A_2341, %parallel_loop3A_2342, %parallel_loop3A_2343, %parallel_loop3A_2344] {strides = array<i32>} : memref<2x8x40x128xf32, #tpu.memory_space<vmem>>, vector<1x1x1x16xf32>,
        %parallel_loop3A_2346 = vector.shape_cast %parallel_loop3A_2345 : vector<1x1x1x16xf32> to vector<16xf32>
        %parallel_loop3A_2347 = vector.shape_cast %parallel_loop3A_2338 : vector<16xf32> to vector<1x1x1x16xf32>
        tpu.vector_store %arg7[%parallel_loop3A_2341, %parallel_loop3A_2342, %parallel_loop3A_2343, %parallel_loop3A_2344], %parallel_loop3A_2347 {strides = array<i32>} : memref<2x8x40x128xf32, #tpu.memory_space<vmem>>, vector<1x1x1x16xf32>,
        %parallel_loop3A_2348 = arith.constant 1 : i32
        %parallel_loop3A_2349 = arith.constant 7 : i32
        %parallel_loop3A_2350 = arith.index_cast %parallel_loop3A_2348 : i32 to index
        %parallel_loop3A_2351 = arith.index_cast %parallel_loop3A_2349 : i32 to index
        %parallel_loop3A_2352 = arith.index_cast %parallel_loop3A_984 : i32 to index
        %parallel_loop3A_2353 = arith.constant 112 : index
        %parallel_loop3A_2354 = tpu.vector_load %arg7[%parallel_loop3A_2350, %parallel_loop3A_2351, %parallel_loop3A_2352, %parallel_loop3A_2353] {strides = array<i32>} : memref<2x8x40x128xf32, #tpu.memory_space<vmem>>, vector<1x1x1x16xf32>,
        %parallel_loop3A_2355 = vector.shape_cast %parallel_loop3A_2354 : vector<1x1x1x16xf32> to vector<16xf32>
        %parallel_loop3A_2356 = arith.constant 11.3137083 : f32
        %parallel_loop3A_2357 = vector.broadcast %parallel_loop3A_2356 : f32 to vector<16xf32>
        %parallel_loop3A_2358 = arith.mulf %parallel_loop3A_2355, %parallel_loop3A_2357 : vector<16xf32>
        %parallel_loop3A_2359 = arith.addf %parallel_loop3A_2358, %parallel_loop3A_2200 : vector<16xf32>
        %parallel_loop3A_2360 = arith.constant 1 : i32
        %parallel_loop3A_2361 = arith.constant 7 : i32
        %parallel_loop3A_2362 = arith.index_cast %parallel_loop3A_2360 : i32 to index
        %parallel_loop3A_2363 = arith.index_cast %parallel_loop3A_2361 : i32 to index
        %parallel_loop3A_2364 = arith.index_cast %parallel_loop3A_984 : i32 to index
        %parallel_loop3A_2365 = arith.constant 112 : index
        %parallel_loop3A_2366 = tpu.vector_load %arg7[%parallel_loop3A_2362, %parallel_loop3A_2363, %parallel_loop3A_2364, %parallel_loop3A_2365] {strides = array<i32>} : memref<2x8x40x128xf32, #tpu.memory_space<vmem>>, vector<1x1x1x16xf32>,
        %parallel_loop3A_2367 = vector.shape_cast %parallel_loop3A_2366 : vector<1x1x1x16xf32> to vector<16xf32>
        %parallel_loop3A_2368 = vector.shape_cast %parallel_loop3A_2359 : vector<16xf32> to vector<1x1x1x16xf32>
        tpu.vector_store %arg7[%parallel_loop3A_2362, %parallel_loop3A_2363, %parallel_loop3A_2364, %parallel_loop3A_2365], %parallel_loop3A_2368 {strides = array<i32>} : memref<2x8x40x128xf32, #tpu.memory_space<vmem>>, vector<1x1x1x16xf32>,
      } {sc.loop_unroll_factor = 2 : i64, sc.parallel_access}
      %jit3A_936 = arith.constant 5 : i32
      %div3A_937 = arith.divsi %add3A_572, %jit3A_936 : i32
      %sign3A_938 = arith.constant 0 : i32
      %sign3A_939 = arith.cmpi sgt, %add3A_572, %sign3A_938 : i32
      %sign3A_940 = arith.extui %sign3A_939 : i1 to i32
      %sign3A_941 = arith.constant 0 : i32
      %sign3A_942 = arith.cmpi slt, %add3A_572, %sign3A_941 : i32
      %sign3A_943 = arith.extui %sign3A_942 : i1 to i32
      %sign3A_944 = arith.subi %sign3A_940, %sign3A_943 : i32
      %sign3A_945 = arith.constant 0 : i32
      %sign3A_946 = arith.cmpi sgt, %jit3A_936, %sign3A_945 : i32
      %sign3A_947 = arith.extui %sign3A_946 : i1 to i32
      %sign3A_948 = arith.constant 0 : i32
      %sign3A_949 = arith.cmpi slt, %jit3A_936, %sign3A_948 : i32
      %sign3A_950 = arith.extui %sign3A_949 : i1 to i32
      %sign3A_951 = arith.subi %sign3A_947, %sign3A_950 : i32
      %ne3A_952 = arith.cmpi ne, %sign3A_944, %sign3A_951 : i32
      %rem3A_953 = arith.remsi %add3A_572, %jit3A_936 : i32
      %ne3A_954 = arith.constant 0 : i32
      %ne3A_955 = arith.cmpi ne, %rem3A_953, %ne3A_954 : i32
      %and3A_956 = arith.andi %ne3A_952, %ne3A_955 : i1
      %sub3A_957 = arith.constant 1 : i32
      %sub3A_958 = arith.subi %div3A_937, %sub3A_957 : i32
      %select_n3A_959 = arith.select %and3A_956, %sub3A_958, %div3A_937 : i32
      %rem3A_960 = arith.constant 5 : i32
      %rem3A_961 = arith.remsi %add3A_572, %rem3A_960 : i32
      %mul3A_962 = arith.constant 32 : i32
      %mul3A_963 = arith.muli %add3A, %mul3A_962 : i32
      %mul3A_964 = arith.constant 8 : i32
      %mul3A_965 = arith.muli %select_n3A_959, %mul3A_964 : i32
      %add3A_966 = arith.addi %mul3A_963, %mul3A_965 : i32
      %mul3A_967 = arith.constant 40 : i32
      %mul3A_968 = arith.muli %rem3A_961, %mul3A_967 : i32
      %dma_start3A_969 = arith.constant 1 : i32
      %dma_start3A_970 = arith.constant 0 : i32
      %dma_start3A_971 = arith.constant 0 : i32
      %dma_start3A_972 = arith.constant 0 : i32
      %dma_start3A_973 = tpu.memref_slice %arg7[%dma_start3A_969, %dma_start3A_970, %dma_start3A_971, %dma_start3A_972] : memref<2x8x40x128xf32, #tpu.memory_space<vmem>> -> memref<1x8x40x128xf32, #tpu.memory_space<vmem>>
      %dma_start3A_974 = tpu.memref_squeeze %dma_start3A_973 : memref<1x8x40x128xf32, #tpu.memory_space<vmem>> -> memref<8x40x128xf32, #tpu.memory_space<vmem>>
      %dma_start3A_975 = arith.constant 0 : i32
      %dma_start3A_976 = tpu.memref_slice %arg5[%add3A_966, %mul3A_968, %dma_start3A_975] : memref<1024x200x128xf32, #tpu.memory_space<hbm>> -> memref<8x40x128xf32, #tpu.memory_space<hbm>>
      %dma_start3A_977 = arith.constant 0 : i32
      %dma_start3A_978 = tpu.memref_slice %arg5[%add3A_966, %mul3A_968, %dma_start3A_977] : memref<1024x200x128xf32, #tpu.memory_space<hbm>> -> memref<8x40x128xf32, #tpu.memory_space<hbm>>
      %dma_start3A_979 = arith.constant 0 : i32
      %dma_start3A_980 = arith.constant 0 : i32
      %dma_start3A_981 = arith.constant 0 : i32
      %dma_start3A_982 = tpu.memref_slice %arg7[%dma_start3A_969, %dma_start3A_979, %dma_start3A_980, %dma_start3A_981] : memref<2x8x40x128xf32, #tpu.memory_space<vmem>> -> memref<1x8x40x128xf32, #tpu.memory_space<vmem>>
      %dma_start3A_983 = tpu.memref_squeeze %dma_start3A_982 : memref<1x8x40x128xf32, #tpu.memory_space<vmem>> -> memref<8x40x128xf32, #tpu.memory_space<vmem>>
      tpu.enqueue_dma source(%dma_start3A_983 : memref<8x40x128xf32, #tpu.memory_space<vmem>>) target(%dma_start3A_978 : memref<8x40x128xf32, #tpu.memory_space<hbm>>) target_semaphore(%arg12 : memref<!tpu.dma_semaphore, #tpu.memory_space<semaphore_mem>>)
    }
    %scan3A_141 = arith.constant 10 : i32
    %rem3A_142 = arith.constant 19 : i32
    %rem3A_143 = arith.constant 5 : i32
    %rem3A_144 = arith.remsi %rem3A_142, %rem3A_143 : i32
    %mul3A_145 = arith.constant 32 : i32
    %mul3A_146 = arith.muli %add3A, %mul3A_145 : i32
    %add3A_147 = arith.constant 24 : i32
    %add3A_148 = arith.addi %mul3A_146, %add3A_147 : i32
    %mul3A_149 = arith.constant 40 : i32
    %mul3A_150 = arith.muli %rem3A_144, %mul3A_149 : i32
    %dma_wait3A = arith.constant 1 : i32
    %dma_wait3A_151 = arith.constant 0 : i32
    %dma_wait3A_152 = arith.constant 0 : i32
    %dma_wait3A_153 = arith.constant 0 : i32
    %dma_wait3A_154 = tpu.memref_slice %arg7[%dma_wait3A, %dma_wait3A_151, %dma_wait3A_152, %dma_wait3A_153] : memref<2x8x40x128xf32, #tpu.memory_space<vmem>> -> memref<1x8x40x128xf32, #tpu.memory_space<vmem>>
    %dma_wait3A_155 = tpu.memref_squeeze %dma_wait3A_154 : memref<1x8x40x128xf32, #tpu.memory_space<vmem>> -> memref<8x40x128xf32, #tpu.memory_space<vmem>>
    %dma_wait3A_156 = arith.constant 0 : i32
    %dma_wait3A_157 = tpu.memref_slice %arg5[%add3A_148, %mul3A_150, %dma_wait3A_156] : memref<1024x200x128xf32, #tpu.memory_space<hbm>> -> memref<8x40x128xf32, #tpu.memory_space<hbm>>
    %dma_wait3A_158 = arith.constant 0 : i32
    %dma_wait3A_159 = tpu.memref_slice %arg5[%add3A_148, %mul3A_150, %dma_wait3A_158] : memref<1024x200x128xf32, #tpu.memory_space<hbm>> -> memref<8x40x128xf32, #tpu.memory_space<hbm>>
    %dma_wait3A_160 = arith.constant 0 : i32
    %dma_wait3A_161 = arith.constant 0 : i32
    %dma_wait3A_162 = arith.constant 0 : i32
    %dma_wait3A_163 = tpu.memref_slice %arg7[%dma_wait3A, %dma_wait3A_160, %dma_wait3A_161, %dma_wait3A_162] : memref<2x8x40x128xf32, #tpu.memory_space<vmem>> -> memref<1x8x40x128xf32, #tpu.memory_space<vmem>>
    %dma_wait3A_164 = tpu.memref_squeeze %dma_wait3A_163 : memref<1x8x40x128xf32, #tpu.memory_space<vmem>> -> memref<8x40x128xf32, #tpu.memory_space<vmem>>
    tpu.wait_dma2 semaphore(%arg12 : memref<!tpu.dma_semaphore, #tpu.memory_space<semaphore_mem>>) src(%dma_wait3A_164 : memref<8x40x128xf32, #tpu.memory_space<vmem>>) dst(%dma_wait3A_159 : memref<8x40x128xf32, #tpu.memory_space<hbm>>)
    return
  }
}

</mosaic_0001>

<sc_bundles>
// kernel: kernel.3.cloned.1.call-start
scs
__scs_entry_jumppad:
0x0: {  	(pc) =	sbr.rel $0x88, $3  }
0x1: {  	(tag) =	ssettag $0x0;
	lr =	simm.s32 $0x1  }
0x2: {  	[smem:$0x3F9E] =	sst lr;
	_ =	strace $0xD0000000  }
0x3: {  	_ = 	snop  }
0x4: {  	_ = 	snop  }
0x5: {  	_ = 	snop  }
0x6: {  	_ = 	snop  }
0x7: {  	_ = 	snop  }
__scs_overlays_trampoline_lowered:
0x8: {  	[smem:$0x3FAD] =	sst s0  }
0x9: {  	[smem:$0x3FAE] =	sst s1  }
0xa: {  	[smem:$0x3FAF] =	sst s2  }
0xb: {  	[smem:$0x3FB0] =	sst s3  }
0xc: {  	[smem:$0x3FB1] =	sst s4  }
0xd: {  	[smem:$0x3FB2] =	sst s5  }
0xe: {  	[smem:$0x3FB3] =	sst s6  }
0xf: {  	[smem:$0x3FB4] =	sst s7  }
0x10: {  	[smem:$0x3FB5] =	sst s8  }
0x11: {  	[smem:$0x3FB6] =	sst s9;
	s0 =	simm.s32 @!p0 $0x0  }
0x12: {  	s1 =	sld [smem:$0x3F9C];
	s0 =	simm.s32 @p0 $0x1  }
0x13: {  	[smem:$0x3FB7] =	sst s0;
	s0 =	simm.s32 @!p1 $0x0  }
0x14: {  	s2 =	sld [smem:$0x3F9B];
	s0 =	simm.s32 @p1 $0x1  }
0x15: {  	[smem:$0x3FB8] =	sst s0;
	s0 =	simm.s32 @!p2 $0x0  }
0x16: {  	s3 =	sld [smem:$0x3FDB];
	s0 =	simm.s32 @p2 $0x1  }
0x17: {  	s4 =	simm.s32 $0x1BF5;
	[smem:$0x3FBA] =	sst s0  }
0x18: {  	s0 =	sld [smem:$0x3F9D];
	_ =	swait.ge [sflag:s4], $0x0  }
0x19: {  	s7 =	sld [smem:$0x3F9E]  }
0x1a: {  	s8 =	sadd.s32 $0xFFFFE003, lr  }
0x1b: {  	s9 =	sadd.s32 $0xFFFFFEF7, lr;
	s5 =	simm.s32 $0xFFFFFFFF;
	p2 =	slt.u32 s8, $0xFFFFF086  }
0x1c: {  	p1 =	slt.u32 s9, $0xF7A;
	s5 =	simm.s32 @!p2 $0x0  }
0x1d: {  	s5 =	simm.s32 @p1 $0x1;
	p0 =	seq.s32 s7, s2  }
0x1e: {  	s7 =	smul.u32 @!p0 $0xF7A, s2;
	p2 =	seq.s32 @!p0 s5, $0x0  }
0x1f: {  	s9 =	smul.u32 $0xF7A, s1;
	s8 =	simm.s32 @!p0 $0x1BF5;
	p2 =	por !p2, p0  }
0x20: {  	[sflag:s8] =	ssyncset.s32 @!p0 $0xFFFFF086;
	s6 =	sadd.s32 @!p0 s3, s7;
	s7 =	simm.s32 @!p0 $0x108  }
0x21: {  	s3 =	sadd.s32 s3, s9;
	s6 =	sadd.s32 @!p0 $0x88, s6;
	s7 =	simm.s32 @p2 $0x1082  }
0x22: {  	[simem:s7], [sflag:s8] =	dma.local @!p0 [hbm:s6], $0xF7A  }
0x23: {  	s9 =	sor.u32 $0xD0000000, s2;
	s6 =	simm.s32 $0x108;
	_ =	swait.ge @!p0 [sflag:s8], $0x0  }
0x24: {  	s3 =	sadd.s32 $0x88, s3;
	s6 =	simm.s32 @!p1 $0x1082;
	[sflag:s4] =	ssyncset.s32 $0xFFFFF086  }
0x25: {  	[simem:s6], [sflag:s4] =	dma.local [hbm:s3], $0xF7A  }
0x26: {  	[smem:$0x3F9E] =	sst s1;
	(tag) =	ssettag s2;
	_ =	strace s9  }
0x27: {  	s1 =	sld [smem:$0x3FAE]  }
0x28: {  	s2 =	sld [smem:$0x3FAF]  }
0x29: {  	s4 =	sld [smem:$0x3FB1]  }
0x2a: {  	p0 =	seq.s32 s5, $0x0;
	s5 =	sld [smem:$0x3FB2]  }
0x2b: {  	s6 =	sld [smem:$0x3FB3]  }
0x2c: {  	s7 =	sld [smem:$0x3FB4]  }
0x2d: {  	s3 =	simm.s32 $0x108;
	s8 =	sld [smem:$0x3FB5]  }
0x2e: {  	s3 =	simm.s32 @!p0 $0x1082;
	s9 =	sld [smem:$0x3FB6]  }
0x2f: {  	lr =	sadd.s32 s0, s3;
	s0 =	sld [smem:$0x3FAD]  }
0x30: {  	s3 =	sld [smem:$0x3FB0]  }
0x31: {  	[smem:$0x3FB9] =	sst s10  }
0x32: {  	s10 =	sld [smem:$0x3FB7];
	_ =	sdelay $0x3  }
0x33: {  	p0 =	seq.s32 s10, $0x1;
	s10 =	sld [smem:$0x3FB9];
	_ =	sdelay $0x3  }
0x34: {  	[smem:$0x3FB9] =	sst s10  }
0x35: {  	s10 =	sld [smem:$0x3FB8];
	_ =	sdelay $0x3  }
0x36: {  	p1 =	seq.s32 s10, $0x1;
	s10 =	sld [smem:$0x3FB9];
	_ =	sdelay $0x3  }
0x37: {  	[smem:$0x3FB9] =	sst s10  }
0x38: {  	s10 =	sld [smem:$0x3FBA]  }
0x39: {  	_ = 	snop;
	(pc) =	sbr.ind lr, $3  }
0x3a: {  	_ = 	snop  }
0x3b: {  	_ = 	snop  }
0x3c: {  	p2 =	seq.s32 s10, $0x1;
	s10 =	sld [smem:$0x3FB9]  }
0x3d: {  	_ =	shalt  }
0x3e: {  	_ =	shalt  }
0x3f: {  	_ =	shalt  }
0x40: {  	_ =	shalt  }
0x41: {  	_ =	shalt  }
0x42: {  	_ =	shalt  }
0x43: {  	_ =	shalt  }
0x44: {  	_ =	shalt  }
0x45: {  	_ =	shalt  }
0x46: {  	_ =	shalt  }
0x47: {  	_ =	shalt  }
0x48: {  	_ =	shalt  }
0x49: {  	_ =	shalt  }
0x4a: {  	_ =	shalt  }
0x4b: {  	_ =	shalt  }
0x4c: {  	_ =	shalt  }
0x4d: {  	_ =	shalt  }
0x4e: {  	_ =	shalt  }
0x4f: {  	_ =	shalt  }
0x50: {  	_ =	shalt  }
0x51: {  	_ =	shalt  }
0x52: {  	_ =	shalt  }
0x53: {  	_ =	shalt  }
0x54: {  	_ =	shalt  }
0x55: {  	_ =	shalt  }
0x56: {  	_ =	shalt  }
0x57: {  	_ =	shalt  }
0x58: {  	_ =	shalt  }
0x59: {  	_ =	shalt  }
0x5a: {  	_ =	shalt  }
0x5b: {  	_ =	shalt  }
0x5c: {  	_ =	shalt  }
0x5d: {  	_ =	shalt  }
0x5e: {  	_ =	shalt  }
0x5f: {  	_ =	shalt  }
0x60: {  	_ =	shalt  }
0x61: {  	_ =	shalt  }
0x62: {  	_ =	shalt  }
0x63: {  	_ =	shalt  }
0x64: {  	_ =	shalt  }
0x65: {  	_ =	shalt  }
0x66: {  	_ =	shalt  }
0x67: {  	_ =	shalt  }
0x68: {  	_ =	shalt  }
0x69: {  	_ =	shalt  }
0x6a: {  	_ =	shalt  }
0x6b: {  	_ =	shalt  }
0x6c: {  	_ =	shalt  }
0x6d: {  	_ =	shalt  }
0x6e: {  	_ =	shalt  }
0x6f: {  	_ =	shalt  }
0x70: {  	_ =	shalt  }
0x71: {  	_ =	shalt  }
0x72: {  	_ =	shalt  }
0x73: {  	_ =	shalt  }
0x74: {  	_ =	shalt  }
0x75: {  	_ =	shalt  }
0x76: {  	_ =	shalt  }
0x77: {  	_ =	shalt  }
0x78: {  	_ =	shalt  }
0x79: {  	_ =	shalt  }
0x7a: {  	_ =	shalt  }
0x7b: {  	_ =	shalt  }
0x7c: {  	_ =	shalt  }
0x7d: {  	_ =	shalt  }
0x7e: {  	_ =	shalt  }
0x7f: {  	_ =	shalt  }
0x80: {  	_ =	shalt  }
0x81: {  	_ =	shalt  }
0x82: {  	_ =	shalt  }
0x83: {  	_ =	shalt  }
0x84: {  	_ =	shalt  }
0x85: {  	_ =	shalt  }
0x86: {  	_ =	shalt  }
0x87: {  	_ =	shalt  }
.Lfunc_end0:
.L_simem_size_0:
called_computation_lowered:
.L_overlay_start_0:
0x88: {  	s2 =	sld [smem:$0x3FD9]  }
0x89: {  	s3 =	sld [smem:$0x3FFE];
	_ =	sdelay $0x1  }
0x8a: {  	s1 =	srdreg.scid  }
0x8b: {  	s0 =	sand.u32 $0x1, s1  }
0x8c: {  	s17 =	sshll.u32 s0, $0xA;
	s2 =	sadd.s32 s3, s2  }
0x8d: {  	s2 =	sadd.s32 s2, s17  }
0x8e: {  	[smem:$0x3FC5] =	sst s2  }
0x8f: {  	_ = 	snop  }
0x90: {  	s2 =	sld [smem:$0x3FC8]  }
0x91: {  	s18 =	sld [smem:$0x3FC7]  }
0x92: {  	s4 =	sld [smem:$0x3FD0];
	(tm) =	ssettm $0x1  }
0x93: {  	s5 =	sld [smem:$0x3FFB];
	_ =	sdelay $0x3  }
0x94: {  	_ =	strace s5  }
0x95: {  	s5 =	sld [smem:$0x3FFC];
	_ =	sdelay $0x3  }
0x96: {  	_ =	strace s5  }
0x97: {  	s5 =	sld [smem:$0x3FFD];
	_ =	sdelay $0x3  }
0x98: {  	_ =	strace s5  }
0x99: {  	_ =	strace $0x8FFFFFFF  }
0x9a: {  	s19 =	sld [smem:$0x3FDB];
	_ =	sdelay $0x1  }
0x9b: {  	s6 =	simm.s32 $_scs_section_size  }
0x9c: {  	s7 =	simm.s32 $_size__tile_overlayer_lowered;
	s8 =	simm.s32 $_tile_overlayer_lowered  }
0x9d: {  	s22 =	simm.s32 $0x1BFF;
	s21 =	sshll.u32 s8, $0x1;
	s5 =	sadd.s32 s6, s19  }
0x9e: {  	s9 =	simm.s32 $0x0;
	s20 =	sshll.u32 s7, $0x1;
	s7 =	sadd.s32 s21, s5  }
0x9f: {  	[timem:s9], [sflag:s22] =	dma.local [hbm:s7], s20  }
0xa0: {  	_ =	swait.ge [sflag:s22], s20  }
0xa1: {  	s6 =	ssub.s32 $0x0, s20;
	[sflag:s22] =	ssyncset.done $0x0  }
0xa2: {  	[sflag:s22] =	ssyncadd.s32 s6;
	_ =	sdelay $0x1  }
0xa3: {  	s23 =	simm.s32 $0x1B8B  }
0xa4: {  	_ =	swait.ge [sflag:s23], $0x1  }
0xa5: {  	[sflag:s23] =	ssyncset.done $0x0  }
0xa6: {  	s25 =	simm.s32 $0x1B8E;
	s24 =	sld [smem:$0x3FFE];
	[sflag:s23] =	ssyncadd.s32 $0xFFFFFFFF  }
0xa7: {  	s26 =	simm.s32 $execute0_lowered;
	[smem:$0x3FD2] =	sst s25  }
0xa8: {  	s7 =	sshll.u32 s26, $0x1;
	_ =	strace $0x80000046;
	[dreg:$0x1] =	wrdreg $0xFFFFFFFF  }
0xa9: {  	s28 =	simm.s32 $_size_execute0_lowered;
	s5 =	sadd.s32 s5, s7;
	[dreg:$0x0] =	wrdreg $0x0  }
0xaa: {  	s7 =	sshll.u32 s28, $0x1;
	[dreg:$0x2] =	wrdreg s5  }
0xab: {  	[dreg:$0x3] =	wrdreg s7  }
0xac: {  	[dreg:$0x4] =	wrdreg $0xC0  }
0xad: {  	_ =	task [dreg:s9], $0x5FFFF  }
0xae: {  	[dreg:$0x1] =	wrdreg $0xFFFFFFFF  }
0xaf: {  	[dreg:$0x0] =	wrdreg $0x60  }
0xb0: {  	[dreg:$0x2] =	wrdreg s2  }
0xb1: {  	[dreg:$0x3] =	wrdreg s24  }
0xb2: {  	[dreg:$0x4] =	wrdreg s18  }
0xb3: {  	[dreg:$0x5] =	wrdreg s4  }
0xb4: {  	[dreg:$0x6] =	wrdreg $0x9  }
0xb5: {  	_ =	task.clear_ibuf [dreg:s9], $0x7FFFF;
	_ =	strace $0x90000046  }
0xb6: {  	s29 =	simm.s32 $0x9;
	_ =	strace $0x80000048  }
0xb7: {  	_ =	swait.ge [sflag:s29], $0x1  }
0xb8: {  	[sflag:s29] =	ssyncadd.s32 $0xFFFFFFFF  }
0xb9: {  	_ =	strace $0x90000048  }
0xba: {  	_ =	sfence  }
0xbb: {  	s30 =	sld [smem:$0x0];
	_ =	sdelay $0x2  }
0xbc: {  	s31 =	sshll.u32 s1, $0xD;
	s1 =	sshrl.u32 s1, $0x2  }
0xbd: {  	s3 =	sand.u32 $0x4000, s31;
	s1 =	sadd.s32 s1, s30  }
0xbe: {  	s0 =	sor.u32 s3, s0;
	s1 =	sshll.u32 s1, $0x11  }
0xbf: {  	s0 =	sor.u32 s1, s0  }
0xc0: {  	s0 =	sadd.s32 $0x8F2B, s0  }
0xc1: {  	[sflag:s0] =	ssyncadd.remote.s32 $0x1  }
0xc2: {  	_ =	sfence.sel $0xFFFF  }
0xc3: {  	[dreg:$0x0] =	wrdreg $0xFFFFFFFF;
	(pc) =	sbr.abs _section_cstart, $3  }
0xc4: {  	[dreg:$0x1] =	wrdreg $0xFFFFFFFF  }
0xc5: {  	_ =	task.clear_ibuf [dreg:s9], $0x2FFFF;
	_ =	strace $0x9FFFFFFF  }
0xc6: {  	(tm) =	ssettm $0x7FFFFFFF  }
0xc7: {  	_ =	shalt  }
tec
execute0_lowered:
.L_overlay_start_1:
0x0: {  	(tag) =	ssettag $0x1  }
0x1: {  	s1 =	rddreg [dreg:$0x0]  }
0x2: {  	s0 =	rddreg [dreg:$0x1]  }
0x3: {  	s2 =	srdreg.scid;
	s3 =	stileid.u32  }
0x4: {  	s4 =	rddreg [dreg:$0x3];
	s6 =	simm.s32 $0x0;
	s10 =	simm.s32 $0x28  }
0x5: {  	s11 =	simm.s32 $0x1900;
	s28 =	simm.s32 $0xB900;
	s29 =	simm.s32 $0xCD00  }
0x6: {  	s30 =	simm.s32 $0xE100;
	s31 =	simm.s32 $0xF500;
	s12 =	simm.s32 $0x14500  }
0x7: {  	s13 =	simm.s32 $0x1;
	s14 =	simm.s32 $0x1400;
	s15 =	simm.s32 $0x6400  }
0x8: {  	s16 =	simm.s32 $0x3;
	s2 =	sand.u32 $0x1, s2;
	s3 =	sshll.u32 s3, $0x1  }
0x9: {  	s17 =	simm.s32 $0x2;
	s3 =	sor.u32 s2, s3;
	s2 =	ssub.s32 $0x2, s2  }
0xa: {  	[smem:$0x7FF] =	sst s6;
	s5 =	smul.u32 $0x320, s3;
	s25 =	sshrl.u32 s2, $0x1  }
0xb: {  	s19 =	simm.s32 $0x0;
	_ =	strace $0x80000047;
	s2 =	ssub.s32 s2, s25  }
0xc: {  	s7 =	sshll.u32 s3, $0x5;
	s0 =	sadd.s32 s5, s0;
	s26 =	smax.u32 s2, $0x1  }
0xd: {  	s3 =	simm.s32 $0x13100;
	s0 =	sadd.s32 $0x400, s0;
	[dreg:$0x6] =	wrdreg s26  }
0xe: {  	s2 =	simm.s32 $0x10900;
	[dreg:$0x5] =	wrdreg s0;
	s0 =	simm.s32 $0x11D00  }
.LBB2_1:
0xf: {  	s6 =	simm.s32 $0x0;
	s5 =	rddreg [dreg:$0x5];
	s8 =	simm.s32 $0x5  }
0x10: {  	[tilespmem:s6], [sflag:$0x5] =	stream.linear.gather [hbm4b:s5+s6], $0x1900, $0x38;
	[tilespmem:$0x1BD00] =	vst v63  }
0x11: {  	_ =	swait.ge [sflag:s8], $0x1900  }
0x12: {  	[sflag:s8] =	ssyncset.done $0x0  }
0x13: {  	[sflag:s8] =	ssyncadd.s32 $0xFFFFE700  }
0x14: {  	[tilespmem:s11], [sflag:$0x1] =	stream.indirect.gather [hbm4b:s1+s10], $0x80, s6, s10, $0xb8;
	[tilespmem:$0x1BD00] =	vst v63  }
0x15: {  	s20 =	simm.s32 $0xC8;
	s9 =	simm.s32 $0x2D00  }
0x16: {  	[tilespmem:s9], [sflag:$0x1] =	stream.indirect.gather [hbm4b:s1+s10], $0x80, s20, s10, $0xb8;
	[tilespmem:$0x1BD00] =	vst v63  }
0x17: {  	s21 =	simm.s32 $0x190;
	s22 =	simm.s32 $0x4100  }
0x18: {  	[tilespmem:s22], [sflag:$0x1] =	stream.indirect.gather [hbm4b:s1+s10], $0x80, s21, s10, $0xb8;
	[tilespmem:$0x1BD00] =	vst v63  }
0x19: {  	s23 =	simm.s32 $0x258;
	s24 =	simm.s32 $0x5500  }
0x1a: {  	[tilespmem:s24], [sflag:$0x1] =	stream.indirect.gather [hbm4b:s1+s10], $0x80, s23, s10, $0xb8;
	[tilespmem:$0x1BD00] =	vst v63  }
0x1b: {  	s25 =	simm.s32 $0x320;
	s26 =	simm.s32 $0x6900  }
0x1c: {  	[tilespmem:s26], [sflag:$0x1] =	stream.indirect.gather [hbm4b:s1+s10], $0x80, s25, s10, $0xb8;
	[tilespmem:$0x1BD00] =	vst v63  }
0x1d: {  	s18 =	simm.s32 $0x3E8;
	s20 =	simm.s32 $0x7D00  }
0x1e: {  	[tilespmem:s20], [sflag:$0x1] =	stream.indirect.gather [hbm4b:s1+s10], $0x80, s18, s10, $0xb8;
	[tilespmem:$0x1BD00] =	vst v63  }
0x1f: {  	s21 =	simm.s32 $0x4B0;
	s22 =	simm.s32 $0x9100  }
0x20: {  	[tilespmem:s22], [sflag:$0x1] =	stream.indirect.gather [hbm4b:s1+s10], $0x80, s21, s10, $0xb8;
	[tilespmem:$0x1BD00] =	vst v63  }
0x21: {  	s23 =	simm.s32 $0x578;
	s24 =	simm.s32 $0xA500  }
0x22: {  	[tilespmem:s24], [sflag:$0x1] =	stream.indirect.gather [hbm4b:s1+s10], $0x80, s23, s10, $0xb8;
	[tilespmem:$0x1BD00] =	vst v63  }
0x23: {  	s25 =	rddreg [dreg:$0x2];
	s26 =	simm.s32 $0x15900  }
0x24: {  	[tilespmem:s26], [sflag:$0x5] =	stream.linear.gather [hbm4b:s25+s6], $0x6400, $0x38;
	[tilespmem:$0x1BD00] =	vst v63  }
0x25: {  	_ =	swait.ge [sflag:s8], $0x6400  }
0x26: {  	[sflag:s8] =	ssyncset.done $0x0  }
0x27: {  	s20 =	simm.s32 $0x0;
	[sflag:s8] =	ssyncadd.s32 $0xFFFF9C00  }
.LBB2_2:
0x28: {  	s24 =	sshll.u32 s20, $0x1  }
0x29: {  	s5 =	sor.u32 $0x1, s24  }
0x2a: {  	s6 =	sand.u32 $0xFF, s5  }
0x2b: {  	s6 =	smul.u32 $0xCD, s6;
	_ =	sdelay $0x1  }
0x2c: {  	s21 =	sshrl.u32 s6, $0xA  }
0x2d: {  	s6 =	smul.u32 $0x5, s21;
	_ =	sdelay $0x1  }
0x2e: {  	p0 =	seq.s32 s20, $0x0;
	s5 =	ssub.s32 s5, s6  }
0x2f: {  	s18 =	smul.u32 $0x1900, s21;
	s6 =	simm.s32 @!p0 $0x4;
	s22 =	sand.u32 $0xFF, s5  }
0x30: {  	_ =	swait.ge @!p0 [sflag:s6], $0xA000;
	s23 =	smul.u32 $0x28, s22  }
0x31: {  	s5 =	sshrl.u32 s18, $0x2;
	[sflag:s6] =	ssyncset.done @!p0 $0x0  }
0x32: {  	[sflag:s6] =	ssyncadd.s32 @!p0 $0xFFFF6000;
	s5 =	sadd.s32 s23, s5  }
0x33: {  	[tilespmem:s28], [sflag:$0x2] =	stream.indirect.gather [hbm4b:s1+s10], $0x80, s5, s10, $0xb8;
	[tilespmem:$0x1BD00] =	vst v63  }
0x34: {  	s25 =	sadd.s32 $0xC8, s5  }
0x35: {  	[tilespmem:s29], [sflag:$0x2] =	stream.indirect.gather [hbm4b:s1+s10], $0x80, s25, s10, $0xb8;
	[tilespmem:$0x1BD00] =	vst v63  }
0x36: {  	s26 =	sadd.s32 $0x190, s5  }
0x37: {  	[tilespmem:s30], [sflag:$0x2] =	stream.indirect.gather [hbm4b:s1+s10], $0x80, s26, s10, $0xb8;
	[tilespmem:$0x1BD00] =	vst v63  }
0x38: {  	s8 =	sadd.s32 $0x258, s5  }
0x39: {  	[tilespmem:s31], [sflag:$0x2] =	stream.indirect.gather [hbm4b:s1+s10], $0x80, s8, s10, $0xb8;
	[tilespmem:$0x1BD00] =	vst v63  }
0x3a: {  	s9 =	sadd.s32 $0x320, s5  }
0x3b: {  	[tilespmem:s2], [sflag:$0x2] =	stream.indirect.gather [hbm4b:s1+s10], $0x80, s9, s10, $0xb8;
	[tilespmem:$0x1BD00] =	vst v63  }
0x3c: {  	s18 =	sadd.s32 $0x3E8, s5  }
0x3d: {  	[tilespmem:s0], [sflag:$0x2] =	stream.indirect.gather [hbm4b:s1+s10], $0x80, s18, s10, $0xb8;
	[tilespmem:$0x1BD00] =	vst v63  }
0x3e: {  	s25 =	sadd.s32 $0x4B0, s5  }
0x3f: {  	[tilespmem:s3], [sflag:$0x2] =	stream.indirect.gather [hbm4b:s1+s10], $0x80, s25, s10, $0xb8;
	[tilespmem:$0x1BD00] =	vst v63  }
0x40: {  	s5 =	sadd.s32 $0x578, s5  }
0x41: {  	[tilespmem:s12], [sflag:$0x2] =	stream.indirect.gather [hbm4b:s1+s10], $0x80, s5, s10, $0xb8;
	[tilespmem:$0x1BD00] =	vst v63  }
0x42: {  	_ =	swait.ge [sflag:s13], $0x1400  }
0x43: {  	[sflag:s13] =	ssyncset.done $0x0  }
0x44: {  	[sflag:s13] =	ssyncadd.s32 $0xFFFFEC00  }
0x45: {  	_ =	swait.ge [sflag:s13], $0x1400  }
0x46: {  	[sflag:s13] =	ssyncset.done $0x0  }
0x47: {  	[sflag:s13] =	ssyncadd.s32 $0xFFFFEC00  }
0x48: {  	_ =	swait.ge [sflag:s13], $0x1400  }
0x49: {  	[sflag:s13] =	ssyncset.done $0x0  }
0x4a: {  	[sflag:s13] =	ssyncadd.s32 $0xFFFFEC00  }
0x4b: {  	_ =	swait.ge [sflag:s13], $0x1400  }
0x4c: {  	[sflag:s13] =	ssyncset.done $0x0  }
0x4d: {  	[sflag:s13] =	ssyncadd.s32 $0xFFFFEC00  }
0x4e: {  	_ =	swait.ge [sflag:s13], $0x1400  }
0x4f: {  	[sflag:s13] =	ssyncset.done $0x0  }
0x50: {  	s26 =	sand.u32 $0xFF, s24;
	[sflag:s13] =	ssyncadd.s32 $0xFFFFEC00  }
0x51: {  	s5 =	smul.u32 $0xCD, s26;
	_ =	swait.ge [sflag:s13], $0x1400  }
0x52: {  	[sflag:s13] =	ssyncset.done $0x0  }
0x53: {  	s5 =	sshrl.u32 s5, $0xA;
	[sflag:s13] =	ssyncadd.s32 $0xFFFFEC00  }
0x54: {  	s5 =	smul.u32 $0x5, s5;
	_ =	swait.ge [sflag:s13], $0x1400  }
0x55: {  	[sflag:s13] =	ssyncset.done $0x0  }
0x56: {  	s5 =	ssub.s32 s24, s5;
	[sflag:s13] =	ssyncadd.s32 $0xFFFFEC00  }
0x57: {  	s25 =	sand.u32 $0xFF, s5;
	_ =	swait.ge [sflag:s13], $0x1400  }
0x58: {  	s26 =	smul.u32 $0x28, s25;
	[sflag:s13] =	ssyncset.done $0x0  }
0x59: {  	s6 =	simm.s32 $0x0;
	[sflag:s13] =	ssyncadd.s32 $0xFFFFEC00  }
.LBB2_3:
0x5a: {  	s5 =	sadd.s32 s26, s6  }
0x5b: {  	s5 =	sshll.u32 s5, $0x7  }
0x5c: {  	s9 =	sshll.u32 s6, $0x7;
	s18 =	sand.u32 $0x3FFFFF80, s5  }
0x5d: {  	s5 =	sand.u32 $0x3FFFFF80, s9;
	v0 =	vld [tilespmem:s18+$0x15900]  }
0x5e: {  	v1 =	vld [tilespmem:s5+$0x1900]  }
0x5f: {  	v2 =	vld [tilespmem:s5+$0x2D00]  }
0x60: {  	v3 =	vld [tilespmem:s5+$0x4100]  }
0x61: {  	v4 =	vld [tilespmem:s5+$0x5500]  }
0x62: {  	v5 =	vld [tilespmem:s5+$0x6900]  }
0x63: {  	v6 =	vld [tilespmem:s5+$0x7D00]  }
0x64: {  	v7 =	vld [tilespmem:s5+$0x9100]  }
0x65: {  	v8 =	vld [tilespmem:s5+$0xA500]  }
0x66: {  	v10 =	vld [tilespmem:s5+$0x1910]  }
0x67: {  	v12 =	vld [tilespmem:s5+$0x2D10]  }
0x68: {  	v14 =	vld [tilespmem:s5+$0x4110]  }
0x69: {  	v17 =	vld [tilespmem:s5+$0x5510]  }
0x6a: {  	v20 =	vld [tilespmem:s5+$0x6910]  }
0x6b: {  	s8 =	sor.u32 $0x1, s6;
	v23 =	vld [tilespmem:s5+$0x7D10]  }
0x6c: {  	s9 =	sadd.s32 s26, s8;
	s8 =	sshll.u32 s8, $0x7;
	v25 =	vld [tilespmem:s5+$0x9110]  }
0x6d: {  	s8 =	sand.u32 $0x3FFFFF80, s8;
	v28 =	vld [tilespmem:s5+$0xA510]  }
0x6e: {  	v42 =	vld [tilespmem:s8+$0x1900]  }
0x6f: {  	v45 =	vld [tilespmem:s8+$0x2D00]  }
0x70: {  	v48 =	vld [tilespmem:s8+$0x4100]  }
0x71: {  	v51 =	vld [tilespmem:s8+$0x5500]  }
0x72: {  	v53 =	vld [tilespmem:s8+$0x6900];
	v1 =	vmul.f32 $1.131370830e+01, v1  }
0x73: {  	v55 =	vld [tilespmem:s8+$0x7D00];
	v2 =	vmul.f32 $1.131370830e+01, v2  }
0x74: {  	v57 =	vld [tilespmem:s8+$0x9100];
	v3 =	vmul.f32 $1.131370830e+01, v3;
	v1 =	vadd.f32 v1, v0  }
0x75: {  	s9 =	sshll.u32 s9, $0x7;
	v60 =	vld [tilespmem:s8+$0xA500];
	v4 =	vmul.f32 $1.131370830e+01, v4;
	v2 =	vadd.f32 v2, v0  }
0x76: {  	s9 =	sand.u32 $0x3FFFFF80, s9;
	v34 =	vld [tilespmem:s8+$0x1910];
	v41 =	vmul.f32 $1.131370830e+01, v5;
	v40 =	vadd.f32 v3, v0;
	[tilespmem:s5+$0x1900] =	vst v1  }
0x77: {  	v9 =	vld [tilespmem:s9+$0x15900];
	v44 =	vmul.f32 $1.131370830e+01, v6;
	v43 =	vadd.f32 v4, v0;
	[tilespmem:s5+$0x2D00] =	vst v2  }
0x78: {  	v37 =	vld [tilespmem:s8+$0x2D10];
	v47 =	vmul.f32 $1.131370830e+01, v7;
	v46 =	vadd.f32 v41, v0;
	[tilespmem:s5+$0x4100] =	vst v40  }
0x79: {  	v50 =	vmul.f32 $1.131370830e+01, v8;
	v30 =	vmul.f32 $1.131370830e+01, v17;
	v17 =	vld [tilespmem:s5+$0x9120];
	v49 =	vadd.f32 v44, v0;
	[tilespmem:s5+$0x5500] =	vst v43  }
0x7a: {  	v33 =	vmul.f32 $1.131370830e+01, v20;
	v20 =	vld [tilespmem:s5+$0xA520];
	v54 =	vmul.f32 $1.131370830e+01, v42;
	v52 =	vadd.f32 v47, v0;
	[tilespmem:s5+$0x6900] =	vst v46  }
0x7b: {  	v56 =	vmul.f32 $1.131370830e+01, v45;
	v59 =	vmul.f32 $1.131370830e+01, v48;
	v45 =	vld [tilespmem:s8+$0x6910];
	v0 =	vadd.f32 v50, v0;
	[tilespmem:s5+$0x7D00] =	vst v49  }
0x7c: {  	v8 =	vmul.f32 $1.131370830e+01, v51;
	v48 =	vld [tilespmem:s8+$0x7D10];
	v58 =	vadd.f32 v54, v9;
	[tilespmem:s5+$0x9100] =	vst v52  }
0x7d: {  	v63 =	vmul.f32 $1.131370830e+01, v53;
	v53 =	vld [tilespmem:s8+$0xA510];
	v62 =	vadd.f32 v59, v9;
	[tilespmem:s5+$0xA500] =	vst v0  }
0x7e: {  	v16 =	vmul.f32 $1.131370830e+01, v57;
	v57 =	vld [tilespmem:s5+$0x2D20];
	v13 =	vadd.f32 v8, v9;
	[tilespmem:s8+$0x1900] =	vst v58  }
0x7f: {  	v19 =	vmul.f32 $1.131370830e+01, v60;
	v15 =	vadd.f32 v63, v9;
	v61 =	vld [tilespmem:s18+$0x15910];
	[tilespmem:s8+$0x4100] =	vst v62  }
0x80: {  	v50 =	vld [tilespmem:s8+$0x9110];
	v21 =	vadd.f32 v16, v9;
	[tilespmem:s8+$0x5500] =	vst v13  }
0x81: {  	v4 =	vmul.f32 $1.131370830e+01, v55;
	v55 =	vld [tilespmem:s5+$0x1920];
	v24 =	vadd.f32 v19, v9;
	[tilespmem:s8+$0x6900] =	vst v15  }
0x82: {  	v22 =	vmul.f32 $1.131370830e+01, v10;
	v3 =	vmul.f32 $1.131370830e+01, v12;
	v12 =	vld [tilespmem:s5+$0x6920];
	v1 =	vadd.f32 v56, v9;
	[tilespmem:s8+$0x9100] =	vst v21  }
0x83: {  	v59 =	vld [tilespmem:s5+$0x4120];
	v18 =	vadd.f32 v4, v9;
	[tilespmem:s8+$0xA500] =	vst v24  }
0x84: {  	v27 =	vmul.f32 $1.131370830e+01, v14;
	v40 =	vld [tilespmem:s8+$0x4110];
	[tilespmem:s8+$0x2D00] =	vst v1;
	v26 =	vadd.f32 v22, v61  }
0x85: {  	v43 =	vld [tilespmem:s8+$0x5510];
	[tilespmem:s8+$0x7D00] =	vst v18;
	v29 =	vadd.f32 v3, v61  }
0x86: {  	v49 =	vmul.f32 $1.131370830e+01, v37;
	v37 =	vld [tilespmem:s8+$0x6920];
	v32 =	vadd.f32 v27, v61;
	[tilespmem:s5+$0x1910] =	vst v26  }
0x87: {  	v36 =	vmul.f32 $1.131370830e+01, v23;
	v31 =	vld [tilespmem:s9+$0x15910];
	v35 =	vadd.f32 v30, v61;
	[tilespmem:s5+$0x2D10] =	vst v29  }
0x88: {  	v39 =	vmul.f32 $1.131370830e+01, v25;
	v62 =	vld [tilespmem:s5+$0x5520];
	v38 =	vadd.f32 v33, v61;
	[tilespmem:s5+$0x4110] =	vst v32  }
0x89: {  	v42 =	vmul.f32 $1.131370830e+01, v28;
	v15 =	vld [tilespmem:s5+$0x7D20];
	v41 =	vadd.f32 v36, v61;
	[tilespmem:s5+$0x5510] =	vst v35  }
0x8a: {  	v47 =	vmul.f32 $1.131370830e+01, v34;
	v2 =	vmul.f32 $1.131370830e+01, v45;
	v45 =	vld [tilespmem:s8+$0xA520];
	v44 =	vadd.f32 v39, v61;
	[tilespmem:s5+$0x6910] =	vst v38  }
0x8b: {  	v14 =	vmul.f32 $1.131370830e+01, v55;
	v55 =	vld [tilespmem:s5+$0x5530];
	v46 =	vadd.f32 v42, v61;
	[tilespmem:s5+$0x7D10] =	vst v41  }
0x8c: {  	v25 =	vmul.f32 $1.131370830e+01, v12;
	v12 =	vld [tilespmem:s5+$0xA530];
	v52 =	vmul.f32 $1.131370830e+01, v40;
	[tilespmem:s5+$0x9110] =	vst v44;
	v51 =	vadd.f32 v47, v31  }
0x8d: {  	v8 =	vmul.f32 $1.131370830e+01, v43;
	v40 =	vld [tilespmem:s8+$0x7D20];
	[tilespmem:s5+$0xA510] =	vst v46;
	v0 =	vadd.f32 v49, v31  }
0x8e: {  	v42 =	vld [tilespmem:s8+$0x9120];
	v56 =	vadd.f32 v52, v31;
	[tilespmem:s8+$0x1910] =	vst v51  }
0x8f: {  	v6 =	vmul.f32 $1.131370830e+01, v48;
	v58 =	vadd.f32 v8, v31;
	v54 =	vld [tilespmem:s18+$0x15920];
	[tilespmem:s8+$0x2D10] =	vst v0  }
0x90: {  	v61 =	vmul.f32 $1.131370830e+01, v50;
	v3 =	vmul.f32 $1.131370830e+01, v57;
	v57 =	vld [tilespmem:s5+$0x6930];
	v60 =	vadd.f32 v2, v31;
	[tilespmem:s8+$0x4110] =	vst v56  }
0x91: {  	v4 =	vmul.f32 $1.131370830e+01, v53;
	v22 =	vmul.f32 $1.131370830e+01, v62;
	v62 =	vld [tilespmem:s5+$0x9130];
	v63 =	vadd.f32 v6, v31;
	[tilespmem:s8+$0x5510] =	vst v58  }
0x92: {  	v13 =	vadd.f32 v61, v31;
	v26 =	vld [tilespmem:s8+$0x1920];
	[tilespmem:s8+$0x6910] =	vst v60  }
0x93: {  	v16 =	vadd.f32 v4, v31;
	v29 =	vld [tilespmem:s8+$0x2D20];
	[tilespmem:s8+$0x7D10] =	vst v63  }
0x94: {  	v19 =	vmul.f32 $1.131370830e+01, v59;
	v32 =	vld [tilespmem:s8+$0x4120];
	[tilespmem:s8+$0x9110] =	vst v13;
	v18 =	vadd.f32 v14, v54  }
0x95: {  	v35 =	vld [tilespmem:s8+$0x5520];
	[tilespmem:s8+$0xA510] =	vst v16;
	v21 =	vadd.f32 v3, v54  }
0x96: {  	v47 =	vld [tilespmem:s5+$0x1930];
	v24 =	vadd.f32 v19, v54;
	[tilespmem:s5+$0x1920] =	vst v18  }
0x97: {  	v28 =	vmul.f32 $1.131370830e+01, v15;
	v23 =	vld [tilespmem:s9+$0x15920];
	v27 =	vadd.f32 v22, v54;
	[tilespmem:s5+$0x2D20] =	vst v21  }
0x98: {  	v31 =	vmul.f32 $1.131370830e+01, v17;
	v49 =	vld [tilespmem:s5+$0x2D30];
	v30 =	vadd.f32 v25, v54;
	[tilespmem:s5+$0x4120] =	vst v24  }
0x99: {  	v34 =	vmul.f32 $1.131370830e+01, v20;
	v52 =	vld [tilespmem:s5+$0x4130];
	v33 =	vadd.f32 v28, v54;
	[tilespmem:s5+$0x5520] =	vst v27  }
0x9a: {  	v2 =	vmul.f32 $1.131370830e+01, v37;
	v37 =	vld [tilespmem:s8+$0xA530];
	v39 =	vmul.f32 $1.131370830e+01, v26;
	v36 =	vadd.f32 v31, v54;
	[tilespmem:s5+$0x6920] =	vst v30  }
0x9b: {  	v60 =	vld [tilespmem:s5+$0x7D30];
	v41 =	vmul.f32 $1.131370830e+01, v29;
	v38 =	vadd.f32 v34, v54;
	[tilespmem:s5+$0x7D20] =	vst v33  }
0x9c: {  	v44 =	vmul.f32 $1.131370830e+01, v32;
	v29 =	vld [tilespmem:s8+$0x6930];
	[tilespmem:s5+$0x9120] =	vst v36;
	v43 =	vadd.f32 v39, v23  }
0x9d: {  	v5 =	vmul.f32 $1.131370830e+01, v35;
	v32 =	vld [tilespmem:s8+$0x7D30];
	[tilespmem:s5+$0xA520] =	vst v38;
	v1 =	vadd.f32 v41, v23  }
0x9e: {  	v34 =	vld [tilespmem:s8+$0x9130];
	v48 =	vadd.f32 v44, v23;
	[tilespmem:s8+$0x1920] =	vst v43  }
0x9f: {  	v51 =	vmul.f32 $1.131370830e+01, v40;
	v50 =	vadd.f32 v5, v23;
	v46 =	vld [tilespmem:s18+$0x15930];
	[tilespmem:s8+$0x2D20] =	vst v1  }
0xa0: {  	v54 =	vmul.f32 $1.131370830e+01, v42;
	v53 =	vadd.f32 v2, v23;
	v18 =	vld [tilespmem:s8+$0x1930];
	[tilespmem:s8+$0x4120] =	vst v48  }
0xa1: {  	v4 =	vmul.f32 $1.131370830e+01, v45;
	v56 =	vadd.f32 v51, v23;
	v21 =	vld [tilespmem:s8+$0x2D30];
	[tilespmem:s8+$0x5520] =	vst v50  }
0xa2: {  	v59 =	vmul.f32 $1.131370830e+01, v47;
	v58 =	vadd.f32 v54, v23;
	v24 =	vld [tilespmem:s8+$0x4130];
	[tilespmem:s8+$0x6920] =	vst v53  }
0xa3: {  	v3 =	vmul.f32 $1.131370830e+01, v49;
	v61 =	vadd.f32 v4, v23;
	v27 =	vld [tilespmem:s8+$0x5530];
	[tilespmem:s8+$0x7D20] =	vst v56  }
0xa4: {  	v11 =	vmul.f32 $1.131370830e+01, v52;
	v39 =	vld [tilespmem:s5+$0x1940];
	[tilespmem:s8+$0x9120] =	vst v58;
	v63 =	vadd.f32 v59, v46  }
0xa5: {  	v14 =	vmul.f32 $1.131370830e+01, v55;
	v41 =	vld [tilespmem:s5+$0x2D40];
	[tilespmem:s8+$0xA520] =	vst v61;
	v13 =	vadd.f32 v3, v46  }
0xa6: {  	v17 =	vmul.f32 $1.131370830e+01, v57;
	v51 =	vld [tilespmem:s5+$0x7D40];
	v16 =	vadd.f32 v11, v46;
	[tilespmem:s5+$0x1930] =	vst v63  }
0xa7: {  	v20 =	vmul.f32 $1.131370830e+01, v60;
	v15 =	vld [tilespmem:s9+$0x15930];
	v19 =	vadd.f32 v14, v46;
	[tilespmem:s5+$0x2D30] =	vst v13  }
0xa8: {  	v23 =	vmul.f32 $1.131370830e+01, v62;
	v62 =	vld [tilespmem:s8+$0x1940];
	v22 =	vadd.f32 v17, v46;
	[tilespmem:s5+$0x4130] =	vst v16  }
0xa9: {  	v26 =	vmul.f32 $1.131370830e+01, v12;
	v43 =	vld [tilespmem:s5+$0x4140];
	v25 =	vadd.f32 v20, v46;
	[tilespmem:s5+$0x5530] =	vst v19  }
0xaa: {  	v48 =	vld [tilespmem:s5+$0x6940];
	v31 =	vmul.f32 $1.131370830e+01, v18;
	v28 =	vadd.f32 v23, v46;
	[tilespmem:s5+$0x6930] =	vst v22  }
0xab: {  	v53 =	vld [tilespmem:s5+$0x9140];
	v33 =	vmul.f32 $1.131370830e+01, v21;
	v30 =	vadd.f32 v26, v46;
	[tilespmem:s5+$0x7D30] =	vst v25  }
0xac: {  	v56 =	vld [tilespmem:s5+$0xA540];
	v36 =	vmul.f32 $1.131370830e+01, v24;
	[tilespmem:s5+$0x9130] =	vst v28;
	v35 =	vadd.f32 v31, v15  }
0xad: {  	v2 =	vmul.f32 $1.131370830e+01, v29;
	v29 =	vld [tilespmem:s8+$0xA540];
	v6 =	vmul.f32 $1.131370830e+01, v27;
	[tilespmem:s5+$0xA530] =	vst v30;
	v0 =	vadd.f32 v33, v15  }
0xae: {  	v21 =	vld [tilespmem:s8+$0x6940];
	v40 =	vadd.f32 v36, v15;
	[tilespmem:s8+$0x1930] =	vst v35  }
0xaf: {  	v5 =	vmul.f32 $1.131370830e+01, v32;
	v42 =	vadd.f32 v6, v15;
	v38 =	vld [tilespmem:s18+$0x15940];
	[tilespmem:s8+$0x2D30] =	vst v0  }
0xb0: {  	v45 =	vmul.f32 $1.131370830e+01, v34;
	v46 =	vld [tilespmem:s5+$0x5540];
	v44 =	vadd.f32 v2, v15;
	[tilespmem:s8+$0x4130] =	vst v40  }
0xb1: {  	v4 =	vmul.f32 $1.131370830e+01, v37;
	v24 =	vld [tilespmem:s8+$0x7D40];
	v47 =	vadd.f32 v5, v15;
	[tilespmem:s8+$0x5530] =	vst v42  }
0xb2: {  	v50 =	vmul.f32 $1.131370830e+01, v39;
	v26 =	vld [tilespmem:s8+$0x9140];
	v49 =	vadd.f32 v45, v15;
	[tilespmem:s8+$0x6930] =	vst v44  }
0xb3: {  	v3 =	vmul.f32 $1.131370830e+01, v41;
	v55 =	vmul.f32 $1.131370830e+01, v43;
	v43 =	vld [tilespmem:s5+$0x7D50];
	v52 =	vadd.f32 v4, v15;
	[tilespmem:s8+$0x7D30] =	vst v47  }
0xb4: {  	v61 =	vmul.f32 $1.131370830e+01, v48;
	v48 =	vld [tilespmem:s5+$0xA550];
	[tilespmem:s8+$0x9130] =	vst v49;
	v54 =	vadd.f32 v50, v38  }
0xb5: {  	v13 =	vld [tilespmem:s8+$0x2D40];
	[tilespmem:s8+$0xA530] =	vst v52;
	v58 =	vmul.f32 $1.131370830e+01, v46;
	v57 =	vadd.f32 v3, v38  }
0xb6: {  	v16 =	vld [tilespmem:s8+$0x4140];
	v60 =	vadd.f32 v55, v38;
	[tilespmem:s5+$0x1940] =	vst v54  }
0xb7: {  	v12 =	vmul.f32 $1.131370830e+01, v51;
	v59 =	vld [tilespmem:s9+$0x15940];
	v63 =	vadd.f32 v58, v38;
	[tilespmem:s5+$0x2D40] =	vst v57  }
0xb8: {  	v15 =	vmul.f32 $1.131370830e+01, v53;
	v19 =	vld [tilespmem:s8+$0x5540];
	v14 =	vadd.f32 v61, v38;
	[tilespmem:s5+$0x4140] =	vst v60  }
0xb9: {  	v18 =	vmul.f32 $1.131370830e+01, v56;
	v31 =	vld [tilespmem:s5+$0x1950];
	v17 =	vadd.f32 v12, v38;
	[tilespmem:s5+$0x5540] =	vst v63  }
0xba: {  	v23 =	vmul.f32 $1.131370830e+01, v62;
	v33 =	vld [tilespmem:s5+$0x2D50];
	v20 =	vadd.f32 v15, v38;
	[tilespmem:s5+$0x6940] =	vst v14  }
0xbb: {  	v45 =	vld [tilespmem:s5+$0x9150];
	v25 =	vmul.f32 $1.131370830e+01, v13;
	v22 =	vadd.f32 v18, v38;
	[tilespmem:s5+$0x7D40] =	vst v17  }
0xbc: {  	v35 =	vld [tilespmem:s5+$0x4150];
	v28 =	vmul.f32 $1.131370830e+01, v16;
	[tilespmem:s5+$0x9140] =	vst v20;
	v27 =	vadd.f32 v23, v59  }
0xbd: {  	v40 =	vld [tilespmem:s5+$0x6950];
	v6 =	vmul.f32 $1.131370830e+01, v19;
	[tilespmem:s5+$0xA540] =	vst v22;
	v1 =	vadd.f32 v25, v59  }
0xbe: {  	v2 =	vmul.f32 $1.131370830e+01, v21;
	v21 =	vld [tilespmem:s8+$0xA550];
	v32 =	vadd.f32 v28, v59;
	[tilespmem:s8+$0x1940] =	vst v27  }
0xbf: {  	v5 =	vmul.f32 $1.131370830e+01, v24;
	v34 =	vadd.f32 v6, v59;
	v30 =	vld [tilespmem:s18+$0x15950];
	[tilespmem:s8+$0x2D40] =	vst v1  }
0xc0: {  	v37 =	vmul.f32 $1.131370830e+01, v26;
	v38 =	vld [tilespmem:s5+$0x5550];
	v36 =	vadd.f32 v2, v59;
	[tilespmem:s8+$0x4140] =	vst v32  }
0xc1: {  	v4 =	vmul.f32 $1.131370830e+01, v29;
	v56 =	vmul.f32 $1.131370830e+01, v43;
	v43 =	vld [tilespmem:s8+$0x1960];
	v39 =	vadd.f32 v5, v59;
	[tilespmem:s8+$0x5540] =	vst v34  }
0xc2: {  	v62 =	vmul.f32 $1.131370830e+01, v48;
	v48 =	vld [tilespmem:s8+$0x4160];
	v42 =	vmul.f32 $1.131370830e+01, v31;
	v41 =	vadd.f32 v37, v59;
	[tilespmem:s8+$0x6940] =	vst v36  }
0xc3: {  	v13 =	vld [tilespmem:s8+$0x6950];
	v3 =	vmul.f32 $1.131370830e+01, v33;
	v44 =	vadd.f32 v4, v59;
	[tilespmem:s8+$0x7D40] =	vst v39  }
0xc4: {  	v47 =	vmul.f32 $1.131370830e+01, v35;
	v54 =	vld [tilespmem:s8+$0x1950];
	[tilespmem:s8+$0x9140] =	vst v41;
	v46 =	vadd.f32 v42, v30  }
0xc5: {  	v57 =	vld [tilespmem:s8+$0x2D50];
	[tilespmem:s8+$0xA540] =	vst v44;
	v50 =	vmul.f32 $1.131370830e+01, v38;
	v49 =	vadd.f32 v3, v30  }
0xc6: {  	v53 =	vmul.f32 $1.131370830e+01, v40;
	v60 =	vld [tilespmem:s8+$0x4150];
	v52 =	vadd.f32 v47, v30;
	[tilespmem:s5+$0x1950] =	vst v46  }
0xc7: {  	v51 =	vld [tilespmem:s9+$0x15950];
	v55 =	vadd.f32 v50, v30;
	[tilespmem:s5+$0x2D50] =	vst v49  }
0xc8: {  	v59 =	vmul.f32 $1.131370830e+01, v45;
	v63 =	vld [tilespmem:s8+$0x5550];
	v58 =	vadd.f32 v53, v30;
	[tilespmem:s5+$0x4150] =	vst v52  }
0xc9: {  	v16 =	vld [tilespmem:s8+$0x7D50];
	v61 =	vadd.f32 v56, v30;
	[tilespmem:s5+$0x5550] =	vst v55  }
0xca: {  	v18 =	vld [tilespmem:s8+$0x9150];
	v15 =	vmul.f32 $1.131370830e+01, v54;
	v12 =	vadd.f32 v59, v30;
	[tilespmem:s5+$0x6950] =	vst v58  }
0xcb: {  	v23 =	vld [tilespmem:s5+$0x1960];
	v17 =	vmul.f32 $1.131370830e+01, v57;
	v14 =	vadd.f32 v62, v30;
	[tilespmem:s5+$0x7D50] =	vst v61  }
0xcc: {  	v25 =	vld [tilespmem:s5+$0x2D60];
	v20 =	vmul.f32 $1.131370830e+01, v60;
	[tilespmem:s5+$0x9150] =	vst v12;
	v19 =	vadd.f32 v15, v51  }
0xcd: {  	v37 =	vld [tilespmem:s5+$0x9160];
	v6 =	vmul.f32 $1.131370830e+01, v63;
	[tilespmem:s5+$0xA550] =	vst v14;
	v0 =	vadd.f32 v17, v51  }
0xce: {  	v2 =	vmul.f32 $1.131370830e+01, v13;
	v27 =	vld [tilespmem:s5+$0x4160];
	v24 =	vadd.f32 v20, v51;
	[tilespmem:s8+$0x1950] =	vst v19  }
0xcf: {  	v5 =	vmul.f32 $1.131370830e+01, v16;
	v26 =	vadd.f32 v6, v51;
	v22 =	vld [tilespmem:s18+$0x15960];
	[tilespmem:s8+$0x2D50] =	vst v0  }
0xd0: {  	v29 =	vmul.f32 $1.131370830e+01, v18;
	v30 =	vld [tilespmem:s5+$0x5560];
	v28 =	vadd.f32 v2, v51;
	[tilespmem:s8+$0x4150] =	vst v24  }
0xd1: {  	v4 =	vmul.f32 $1.131370830e+01, v21;
	v32 =	vld [tilespmem:s5+$0x6960];
	v31 =	vadd.f32 v5, v51;
	[tilespmem:s8+$0x5550] =	vst v26  }
0xd2: {  	v34 =	vld [tilespmem:s5+$0x7D60];
	v36 =	vmul.f32 $1.131370830e+01, v23;
	v33 =	vadd.f32 v29, v51;
	[tilespmem:s8+$0x6950] =	vst v28  }
0xd3: {  	v39 =	vld [tilespmem:s5+$0xA560];
	v38 =	vmul.f32 $1.131370830e+01, v25;
	v35 =	vadd.f32 v4, v51;
	[tilespmem:s8+$0x7D50] =	vst v31  }
0xd4: {  	v54 =	vld [tilespmem:s8+$0x6960];
	v41 =	vmul.f32 $1.131370830e+01, v27;
	[tilespmem:s8+$0x9150] =	vst v33;
	v40 =	vadd.f32 v36, v22  }
0xd5: {  	v57 =	vld [tilespmem:s8+$0x7D60];
	[tilespmem:s8+$0xA550] =	vst v35;
	v8 =	vmul.f32 $1.131370830e+01, v30;
	v1 =	vadd.f32 v38, v22  }
0xd6: {  	v45 =	vmul.f32 $1.131370830e+01, v32;
	v46 =	vld [tilespmem:s8+$0x2D60];
	v44 =	vadd.f32 v41, v22;
	[tilespmem:s5+$0x1960] =	vst v40  }
0xd7: {  	v2 =	vmul.f32 $1.131370830e+01, v34;
	v42 =	vld [tilespmem:s9+$0x15960];
	v47 =	vadd.f32 v8, v22;
	[tilespmem:s5+$0x2D60] =	vst v1  }
0xd8: {  	v50 =	vmul.f32 $1.131370830e+01, v37;
	v51 =	vld [tilespmem:s8+$0x5560];
	v49 =	vadd.f32 v45, v22;
	[tilespmem:s5+$0x4160] =	vst v44  }
0xd9: {  	v60 =	vld [tilespmem:s8+$0x9160];
	v53 =	vmul.f32 $1.131370830e+01, v39;
	v52 =	vadd.f32 v2, v22;
	[tilespmem:s5+$0x5560] =	vst v47  }
0xda: {  	v63 =	vld [tilespmem:s8+$0xA560];
	v56 =	vmul.f32 $1.131370830e+01, v43;
	v55 =	vadd.f32 v50, v22;
	[tilespmem:s5+$0x6960] =	vst v49  }
0xdb: {  	v23 =	vld [tilespmem:s5+$0x1970];
	v59 =	vmul.f32 $1.131370830e+01, v46;
	v58 =	vadd.f32 v53, v22;
	[tilespmem:s5+$0x7D60] =	vst v52  }
0xdc: {  	v25 =	vld [tilespmem:s5+$0x4170];
	v62 =	vmul.f32 $1.131370830e+01, v48;
	[tilespmem:s5+$0x9160] =	vst v55;
	v61 =	vadd.f32 v56, v42  }
0xdd: {  	v37 =	vld [tilespmem:s8+$0x4170];
	v12 =	vmul.f32 $1.131370830e+01, v51;
	[tilespmem:s5+$0xA560] =	vst v58;
	v11 =	vadd.f32 v59, v42  }
0xde: {  	v3 =	vmul.f32 $1.131370830e+01, v54;
	v24 =	vld [tilespmem:s5+$0x2D70];
	v13 =	vadd.f32 v62, v42;
	[tilespmem:s8+$0x1960] =	vst v61  }
0xdf: {  	v15 =	vmul.f32 $1.131370830e+01, v57;
	v14 =	vadd.f32 v12, v42;
	v22 =	vld [tilespmem:s18+$0x15970];
	[tilespmem:s8+$0x2D60] =	vst v11  }
0xe0: {  	v17 =	vmul.f32 $1.131370830e+01, v60;
	v26 =	vld [tilespmem:s5+$0x5570];
	v16 =	vadd.f32 v3, v42;
	[tilespmem:s8+$0x4160] =	vst v13  }
0xe1: {  	v27 =	vld [tilespmem:s5+$0x6970];
	v19 =	vmul.f32 $1.131370830e+01, v63;
	v18 =	vadd.f32 v15, v42;
	[tilespmem:s8+$0x5560] =	vst v14  }
0xe2: {  	v28 =	vld [tilespmem:s5+$0x7D70];
	v2 =	vmul.f32 $1.131370830e+01, v23;
	v20 =	vadd.f32 v17, v42;
	[tilespmem:s8+$0x6960] =	vst v16  }
0xe3: {  	v29 =	vld [tilespmem:s5+$0x9170];
	v21 =	vadd.f32 v19, v42;
	v3 =	vmul.f32 $1.131370830e+01, v24;
	[tilespmem:s8+$0x7D60] =	vst v18  }
0xe4: {  	v4 =	vmul.f32 $1.131370830e+01, v25;
	v30 =	vld [tilespmem:s5+$0xA570];
	[tilespmem:s8+$0x9160] =	vst v20;
	v2 =	vadd.f32 v2, v22  }
0xe5: {  	v31 =	vld [tilespmem:s8+$0x1970];
	v5 =	vmul.f32 $1.131370830e+01, v26;
	[tilespmem:s8+$0xA560] =	vst v21;
	v3 =	vadd.f32 v3, v22  }
0xe6: {  	v34 =	vld [tilespmem:s8+$0x2D70];
	v33 =	vmul.f32 $1.131370830e+01, v27;
	v32 =	vadd.f32 v4, v22;
	[tilespmem:s5+$0x1970] =	vst v2  }
0xe7: {  	v36 =	vmul.f32 $1.131370830e+01, v28;
	v1 =	vld [tilespmem:s9+$0x15970];
	v35 =	vadd.f32 v5, v22;
	[tilespmem:s5+$0x2D70] =	vst v3  }
0xe8: {  	v39 =	vmul.f32 $1.131370830e+01, v29;
	v40 =	vld [tilespmem:s8+$0x5570];
	v38 =	vadd.f32 v33, v22;
	[tilespmem:s5+$0x4170] =	vst v32  }
0xe9: {  	v43 =	vld [tilespmem:s8+$0x6970];
	v42 =	vmul.f32 $1.131370830e+01, v30;
	v41 =	vadd.f32 v36, v22;
	[tilespmem:s5+$0x5570] =	vst v35  }
0xea: {  	v46 =	vld [tilespmem:s8+$0x7D70];
	v45 =	vmul.f32 $1.131370830e+01, v31;
	v44 =	vadd.f32 v39, v22;
	[tilespmem:s5+$0x6970] =	vst v38  }
0xeb: {  	v48 =	vld [tilespmem:s8+$0x9170];
	v47 =	vmul.f32 $1.131370830e+01, v34;
	v0 =	vadd.f32 v42, v22;
	[tilespmem:s5+$0x7D70] =	vst v41  }
0xec: {  	v51 =	vld [tilespmem:s8+$0xA570];
	v50 =	vmul.f32 $1.131370830e+01, v37;
	[tilespmem:s5+$0x9170] =	vst v44;
	v49 =	vadd.f32 v45, v1  }
0xed: {  	v53 =	vmul.f32 $1.131370830e+01, v40;
	[tilespmem:s5+$0xA570] =	vst v0;
	v52 =	vadd.f32 v47, v1  }
0xee: {  	v55 =	vmul.f32 $1.131370830e+01, v43;
	v54 =	vadd.f32 v50, v1;
	[tilespmem:s8+$0x1970] =	vst v49  }
0xef: {  	v57 =	vmul.f32 $1.131370830e+01, v46;
	v56 =	vadd.f32 v53, v1;
	[tilespmem:s8+$0x2D70] =	vst v52  }
0xf0: {  	p0 =	slt.u32 s6, $0x26;
	v59 =	vmul.f32 $1.131370830e+01, v48;
	v58 =	vadd.f32 v55, v1;
	[tilespmem:s8+$0x4170] =	vst v54  }
.Ltmp0:
0xf1: {  	v61 =	vmul.f32 $1.131370830e+01, v51;
	v60 =	vadd.f32 v57, v1;
	[tilespmem:s8+$0x5570] =	vst v56;
	(pc) =	sbr.rel @p0 .LBB2_3-.Ltmp0, $4  }
0xf2: {  	v62 =	vadd.f32 v59, v1;
	[tilespmem:s8+$0x6970] =	vst v58  }
0xf3: {  	v63 =	vadd.f32 v61, v1;
	[tilespmem:s8+$0x7D70] =	vst v60  }
0xf4: {  	s18 =	sadd.s32 $0x2, s6;
	[tilespmem:s8+$0x9170] =	vst v62  }
0xf5: {  	s6 =	smov.u32 s18;
	[tilespmem:s8+$0xA570] =	vst v63  }
0xf6: {  	s5 =	smulhi.u32 $0x66666667, s24;
	_ =	sdelay $0x1  }
0xf7: {  	s5 =	sshll.u32 s5, $0x2  }
0xf8: {  	s5 =	sand.u32 $0x3FFFF8, s5  }
0xf9: {  	p0 =	seq.s32 s20, $0x9;
	s6 =	smul.u32 $0x1400, s25;
	s5 =	sadd.s32 s7, s5  }
0xfa: {  	s8 =	sadd.s32 @!p0 $0x2, s24;
	s5 =	smul.u32 $0x6400, s5  }
0xfb: {  	s9 =	smulhi.u32 @!p0 $0x66666667, s8  }
0xfc: {  	s5 =	sadd.s32 s6, s5  }
0xfd: {  	s6 =	sshrl.u32 @!p0 s9, $0x1;
	s5 =	sshrl.u32 s5, $0x3  }
0xfe: {  	s9 =	smul.u32 @!p0 $0x5, s6;
	s5 =	sadd.s32 s4, s5  }
0xff: {  	[hbm4b:s5+s14] =	stream.strided.scatter [tilespmem:s11], [sflag:$0x3], $0xA000, s15, s14, $0x38;
	[tilespmem:$0x1BD00] =	vst v63  }
0x100: {  	s6 =	smul.u32 @!p0 $0x1900, s6;
	s5 =	ssub.s32 @!p0 s8, s9  }
0x101: {  	_ =	swait.ge [sflag:s16], $0xA000;
	s5 =	smul.u32 @!p0 $0x28, s5  }
0x102: {  	s6 =	sshra.s32 @!p0 s6, $0x2;
	s8 =	simm.s32 @!p0 $0x1900;
	[sflag:s16] =	ssyncset.done $0x0  }
0x103: {  	[sflag:s16] =	ssyncadd.s32 $0xFFFF6000;
	s5 =	sadd.s32 @!p0 s5, s6;
	s6 =	simm.s32 @!p0 $0x28  }
0x104: {  	[tilespmem:s8], [sflag:$0x1] =	stream.indirect.gather @!p0 [hbm4b:s1+s6], $0x80, s5, s6, $0xb8;
	[tilespmem:$0x1BD00] =	vst v63  }
0x105: {  	s9 =	simm.s32 @!p0 $0x2D00;
	s8 =	sadd.s32 @!p0 $0xC8, s5  }
0x106: {  	[tilespmem:s9], [sflag:$0x1] =	stream.indirect.gather @!p0 [hbm4b:s1+s6], $0x80, s8, s6, $0xb8;
	[tilespmem:$0x1BD00] =	vst v63  }
0x107: {  	s8 =	sadd.s32 @!p0 $0x190, s5;
	s9 =	simm.s32 @!p0 $0x4100  }
0x108: {  	[tilespmem:s9], [sflag:$0x1] =	stream.indirect.gather @!p0 [hbm4b:s1+s6], $0x80, s8, s6, $0xb8;
	[tilespmem:$0x1BD00] =	vst v63  }
0x109: {  	s8 =	sadd.s32 @!p0 $0x258, s5;
	s9 =	simm.s32 @!p0 $0x5500  }
0x10a: {  	[tilespmem:s9], [sflag:$0x1] =	stream.indirect.gather @!p0 [hbm4b:s1+s6], $0x80, s8, s6, $0xb8;
	[tilespmem:$0x1BD00] =	vst v63  }
0x10b: {  	s8 =	sadd.s32 @!p0 $0x320, s5;
	s9 =	simm.s32 @!p0 $0x6900  }
0x10c: {  	[tilespmem:s9], [sflag:$0x1] =	stream.indirect.gather @!p0 [hbm4b:s1+s6], $0x80, s8, s6, $0xb8;
	[tilespmem:$0x1BD00] =	vst v63  }
0x10d: {  	s8 =	sadd.s32 @!p0 $0x3E8, s5;
	s9 =	simm.s32 @!p0 $0x7D00  }
0x10e: {  	[tilespmem:s9], [sflag:$0x1] =	stream.indirect.gather @!p0 [hbm4b:s1+s6], $0x80, s8, s6, $0xb8;
	[tilespmem:$0x1BD00] =	vst v63  }
0x10f: {  	s8 =	sadd.s32 @!p0 $0x4B0, s5;
	s9 =	simm.s32 @!p0 $0x9100  }
0x110: {  	[tilespmem:s9], [sflag:$0x1] =	stream.indirect.gather @!p0 [hbm4b:s1+s6], $0x80, s8, s6, $0xb8;
	[tilespmem:$0x1BD00] =	vst v63  }
0x111: {  	s5 =	sadd.s32 @!p0 $0x578, s5;
	s8 =	simm.s32 @!p0 $0xA500  }
0x112: {  	[tilespmem:s8], [sflag:$0x1] =	stream.indirect.gather @!p0 [hbm4b:s1+s6], $0x80, s5, s6, $0xb8;
	[tilespmem:$0x1BD00] =	vst v63  }
0x113: {  	_ =	swait.ge [sflag:s17], $0x1400  }
0x114: {  	[sflag:s17] =	ssyncset.done $0x0  }
0x115: {  	[sflag:s17] =	ssyncadd.s32 $0xFFFFEC00  }
0x116: {  	_ =	swait.ge [sflag:s17], $0x1400  }
0x117: {  	[sflag:s17] =	ssyncset.done $0x0  }
0x118: {  	[sflag:s17] =	ssyncadd.s32 $0xFFFFEC00  }
0x119: {  	_ =	swait.ge [sflag:s17], $0x1400  }
0x11a: {  	[sflag:s17] =	ssyncset.done $0x0  }
0x11b: {  	[sflag:s17] =	ssyncadd.s32 $0xFFFFEC00  }
0x11c: {  	_ =	swait.ge [sflag:s17], $0x1400  }
0x11d: {  	[sflag:s17] =	ssyncset.done $0x0  }
0x11e: {  	[sflag:s17] =	ssyncadd.s32 $0xFFFFEC00  }
0x11f: {  	_ =	swait.ge [sflag:s17], $0x1400  }
0x120: {  	[sflag:s17] =	ssyncset.done $0x0  }
0x121: {  	[sflag:s17] =	ssyncadd.s32 $0xFFFFEC00  }
0x122: {  	_ =	swait.ge [sflag:s17], $0x1400  }
0x123: {  	[sflag:s17] =	ssyncset.done $0x0  }
0x124: {  	[sflag:s17] =	ssyncadd.s32 $0xFFFFEC00  }
0x125: {  	_ =	swait.ge [sflag:s17], $0x1400  }
0x126: {  	[sflag:s17] =	ssyncset.done $0x0  }
0x127: {  	[sflag:s17] =	ssyncadd.s32 $0xFFFFEC00  }
0x128: {  	_ =	swait.ge [sflag:s17], $0x1400  }
0x129: {  	[sflag:s17] =	ssyncset.done $0x0  }
0x12a: {  	s6 =	simm.s32 $0x0;
	[sflag:s17] =	ssyncadd.s32 $0xFFFFEC00  }
.LBB2_5:
0x12b: {  	s5 =	sadd.s32 s23, s6  }
0x12c: {  	s5 =	sshll.u32 s5, $0x7  }
0x12d: {  	s25 =	sshll.u32 s6, $0x7;
	s18 =	sand.u32 $0x3FFFFF80, s5  }
0x12e: {  	s5 =	sand.u32 $0x3FFFFF80, s25;
	v0 =	vld [tilespmem:s18+$0x15900]  }
0x12f: {  	v1 =	vld [tilespmem:s5+$0xB900]  }
0x130: {  	v2 =	vld [tilespmem:s5+$0xCD00]  }
0x131: {  	v3 =	vld [tilespmem:s5+$0xE100]  }
0x132: {  	v4 =	vld [tilespmem:s5+$0xF500]  }
0x133: {  	v5 =	vld [tilespmem:s5+$0x10900]  }
0x134: {  	s8 =	sor.u32 $0x1, s6;
	v6 =	vld [tilespmem:s5+$0x11D00]  }
0x135: {  	s9 =	sadd.s32 s23, s8;
	s8 =	sshll.u32 s8, $0x7;
	v7 =	vld [tilespmem:s5+$0x13100]  }
0x136: {  	s8 =	sand.u32 $0x3FFFFF80, s8;
	v8 =	vld [tilespmem:s5+$0x14500]  }
0x137: {  	v42 =	vld [tilespmem:s8+$0xB900]  }
0x138: {  	v45 =	vld [tilespmem:s8+$0xCD00]  }
0x139: {  	v48 =	vld [tilespmem:s8+$0xE100]  }
0x13a: {  	v51 =	vld [tilespmem:s8+$0xF500]  }
0x13b: {  	v53 =	vld [tilespmem:s8+$0x10900]  }
0x13c: {  	v55 =	vld [tilespmem:s8+$0x11D00]  }
0x13d: {  	v57 =	vld [tilespmem:s8+$0x13100]  }
0x13e: {  	v60 =	vld [tilespmem:s8+$0x14500]  }
0x13f: {  	v10 =	vld [tilespmem:s5+$0xB910]  }
0x140: {  	v12 =	vld [tilespmem:s5+$0xCD10]  }
0x141: {  	v14 =	vld [tilespmem:s5+$0xE110]  }
0x142: {  	v17 =	vld [tilespmem:s5+$0xF510]  }
0x143: {  	v20 =	vld [tilespmem:s5+$0x10910];
	v1 =	vmul.f32 $1.131370830e+01, v1  }
0x144: {  	v23 =	vld [tilespmem:s5+$0x11D10];
	v2 =	vmul.f32 $1.131370830e+01, v2  }
0x145: {  	v25 =	vld [tilespmem:s5+$0x13110];
	v3 =	vmul.f32 $1.131370830e+01, v3;
	v1 =	vadd.f32 v1, v0  }
0x146: {  	s9 =	sshll.u32 s9, $0x7;
	v28 =	vld [tilespmem:s5+$0x14510];
	v4 =	vmul.f32 $1.131370830e+01, v4;
	v2 =	vadd.f32 v2, v0  }
0x147: {  	s9 =	sand.u32 $0x3FFFFF80, s9;
	v34 =	vld [tilespmem:s8+$0xB910];
	v41 =	vmul.f32 $1.131370830e+01, v5;
	v40 =	vadd.f32 v3, v0;
	[tilespmem:s5+$0xB900] =	vst v1  }
0x148: {  	v9 =	vld [tilespmem:s9+$0x15900];
	v44 =	vmul.f32 $1.131370830e+01, v6;
	v43 =	vadd.f32 v4, v0;
	[tilespmem:s5+$0xCD00] =	vst v2  }
0x149: {  	v37 =	vld [tilespmem:s8+$0xCD10];
	v47 =	vmul.f32 $1.131370830e+01, v7;
	v46 =	vadd.f32 v41, v0;
	[tilespmem:s5+$0xE100] =	vst v40  }
0x14a: {  	v50 =	vmul.f32 $1.131370830e+01, v8;
	v56 =	vmul.f32 $1.131370830e+01, v45;
	v45 =	vld [tilespmem:s8+$0x10910];
	v49 =	vadd.f32 v44, v0;
	[tilespmem:s5+$0xF500] =	vst v43  }
0x14b: {  	v54 =	vmul.f32 $1.131370830e+01, v42;
	v59 =	vmul.f32 $1.131370830e+01, v48;
	v48 =	vld [tilespmem:s8+$0x11D10];
	v52 =	vadd.f32 v47, v0;
	[tilespmem:s5+$0x10900] =	vst v46  }
0x14c: {  	v63 =	vmul.f32 $1.131370830e+01, v53;
	v53 =	vld [tilespmem:s8+$0x14510];
	v0 =	vadd.f32 v50, v0;
	[tilespmem:s5+$0x11D00] =	vst v49  }
0x14d: {  	v8 =	vmul.f32 $1.131370830e+01, v51;
	v16 =	vmul.f32 $1.131370830e+01, v57;
	v57 =	vld [tilespmem:s5+$0xCD20];
	v58 =	vadd.f32 v54, v9;
	[tilespmem:s5+$0x13100] =	vst v52  }
0x14e: {  	v30 =	vmul.f32 $1.131370830e+01, v17;
	v17 =	vld [tilespmem:s5+$0x13120];
	v62 =	vadd.f32 v59, v9;
	[tilespmem:s5+$0x14500] =	vst v0  }
0x14f: {  	v33 =	vmul.f32 $1.131370830e+01, v20;
	v20 =	vld [tilespmem:s5+$0x14520];
	v13 =	vadd.f32 v8, v9;
	[tilespmem:s8+$0xB900] =	vst v58  }
0x150: {  	v19 =	vmul.f32 $1.131370830e+01, v60;
	v15 =	vadd.f32 v63, v9;
	[tilespmem:s8+$0xE100] =	vst v62;
	v61 =	vld [tilespmem:s18+$0x15910]  }
0x151: {  	v21 =	vadd.f32 v16, v9;
	v50 =	vld [tilespmem:s8+$0x13110];
	[tilespmem:s8+$0xF500] =	vst v13  }
0x152: {  	v4 =	vmul.f32 $1.131370830e+01, v55;
	v24 =	vadd.f32 v19, v9;
	v55 =	vld [tilespmem:s5+$0xB920];
	[tilespmem:s8+$0x10900] =	vst v15  }
0x153: {  	v22 =	vmul.f32 $1.131370830e+01, v10;
	v59 =	vld [tilespmem:s5+$0xE120];
	v1 =	vadd.f32 v56, v9;
	[tilespmem:s8+$0x13100] =	vst v21  }
0x154: {  	v3 =	vmul.f32 $1.131370830e+01, v12;
	v12 =	vld [tilespmem:s5+$0x10920];
	v18 =	vadd.f32 v4, v9;
	[tilespmem:s8+$0x14500] =	vst v24  }
0x155: {  	v27 =	vmul.f32 $1.131370830e+01, v14;
	v40 =	vld [tilespmem:s8+$0xE110];
	[tilespmem:s8+$0xCD00] =	vst v1;
	v26 =	vadd.f32 v22, v61  }
0x156: {  	v43 =	vld [tilespmem:s8+$0xF510];
	[tilespmem:s8+$0x11D00] =	vst v18;
	v29 =	vadd.f32 v3, v61  }
0x157: {  	v62 =	vld [tilespmem:s5+$0xF520];
	v32 =	vadd.f32 v27, v61;
	[tilespmem:s5+$0xB910] =	vst v26  }
0x158: {  	v36 =	vmul.f32 $1.131370830e+01, v23;
	v31 =	vld [tilespmem:s9+$0x15910];
	v35 =	vadd.f32 v30, v61;
	[tilespmem:s5+$0xCD10] =	vst v29  }
0x159: {  	v39 =	vmul.f32 $1.131370830e+01, v25;
	v15 =	vld [tilespmem:s5+$0x11D20];
	v38 =	vadd.f32 v33, v61;
	[tilespmem:s5+$0xE110] =	vst v32  }
0x15a: {  	v42 =	vmul.f32 $1.131370830e+01, v28;
	v49 =	vmul.f32 $1.131370830e+01, v37;
	v37 =	vld [tilespmem:s8+$0x10920];
	v41 =	vadd.f32 v36, v61;
	[tilespmem:s5+$0xF510] =	vst v35  }
0x15b: {  	v47 =	vmul.f32 $1.131370830e+01, v34;
	v2 =	vmul.f32 $1.131370830e+01, v45;
	v45 =	vld [tilespmem:s8+$0x14520];
	v44 =	vadd.f32 v39, v61;
	[tilespmem:s5+$0x10910] =	vst v38  }
0x15c: {  	v14 =	vmul.f32 $1.131370830e+01, v55;
	v55 =	vld [tilespmem:s5+$0xF530];
	v46 =	vadd.f32 v42, v61;
	[tilespmem:s5+$0x11D10] =	vst v41  }
0x15d: {  	v25 =	vmul.f32 $1.131370830e+01, v12;
	v12 =	vld [tilespmem:s5+$0x14530];
	v52 =	vmul.f32 $1.131370830e+01, v40;
	[tilespmem:s5+$0x13110] =	vst v44;
	v51 =	vadd.f32 v47, v31  }
0x15e: {  	v8 =	vmul.f32 $1.131370830e+01, v43;
	v40 =	vld [tilespmem:s8+$0x11D20];
	[tilespmem:s5+$0x14510] =	vst v46;
	v0 =	vadd.f32 v49, v31  }
0x15f: {  	v42 =	vld [tilespmem:s8+$0x13120];
	v56 =	vadd.f32 v52, v31;
	[tilespmem:s8+$0xB910] =	vst v51  }
0x160: {  	v6 =	vmul.f32 $1.131370830e+01, v48;
	v58 =	vadd.f32 v8, v31;
	v54 =	vld [tilespmem:s18+$0x15920];
	[tilespmem:s8+$0xCD10] =	vst v0  }
0x161: {  	v61 =	vmul.f32 $1.131370830e+01, v50;
	v3 =	vmul.f32 $1.131370830e+01, v57;
	v57 =	vld [tilespmem:s5+$0x10930];
	v60 =	vadd.f32 v2, v31;
	[tilespmem:s8+$0xE110] =	vst v56  }
0x162: {  	v4 =	vmul.f32 $1.131370830e+01, v53;
	v22 =	vmul.f32 $1.131370830e+01, v62;
	v62 =	vld [tilespmem:s5+$0x13130];
	v63 =	vadd.f32 v6, v31;
	[tilespmem:s8+$0xF510] =	vst v58  }
0x163: {  	v13 =	vadd.f32 v61, v31;
	v26 =	vld [tilespmem:s8+$0xB920];
	[tilespmem:s8+$0x10910] =	vst v60  }
0x164: {  	v16 =	vadd.f32 v4, v31;
	v29 =	vld [tilespmem:s8+$0xCD20];
	[tilespmem:s8+$0x11D10] =	vst v63  }
0x165: {  	v19 =	vmul.f32 $1.131370830e+01, v59;
	v32 =	vld [tilespmem:s8+$0xE120];
	[tilespmem:s8+$0x13110] =	vst v13;
	v18 =	vadd.f32 v14, v54  }
0x166: {  	v35 =	vld [tilespmem:s8+$0xF520];
	[tilespmem:s8+$0x14510] =	vst v16;
	v21 =	vadd.f32 v3, v54  }
0x167: {  	v47 =	vld [tilespmem:s5+$0xB930];
	v24 =	vadd.f32 v19, v54;
	[tilespmem:s5+$0xB920] =	vst v18  }
0x168: {  	v28 =	vmul.f32 $1.131370830e+01, v15;
	v23 =	vld [tilespmem:s9+$0x15920];
	v27 =	vadd.f32 v22, v54;
	[tilespmem:s5+$0xCD20] =	vst v21  }
0x169: {  	v31 =	vmul.f32 $1.131370830e+01, v17;
	v49 =	vld [tilespmem:s5+$0xCD30];
	v30 =	vadd.f32 v25, v54;
	[tilespmem:s5+$0xE120] =	vst v24  }
0x16a: {  	v34 =	vmul.f32 $1.131370830e+01, v20;
	v52 =	vld [tilespmem:s5+$0xE130];
	v33 =	vadd.f32 v28, v54;
	[tilespmem:s5+$0xF520] =	vst v27  }
0x16b: {  	v2 =	vmul.f32 $1.131370830e+01, v37;
	v37 =	vld [tilespmem:s8+$0x14530];
	v39 =	vmul.f32 $1.131370830e+01, v26;
	v36 =	vadd.f32 v31, v54;
	[tilespmem:s5+$0x10920] =	vst v30  }
0x16c: {  	v60 =	vld [tilespmem:s5+$0x11D30];
	v41 =	vmul.f32 $1.131370830e+01, v29;
	v38 =	vadd.f32 v34, v54;
	[tilespmem:s5+$0x11D20] =	vst v33  }
0x16d: {  	v44 =	vmul.f32 $1.131370830e+01, v32;
	v29 =	vld [tilespmem:s8+$0x10930];
	[tilespmem:s5+$0x13120] =	vst v36;
	v43 =	vadd.f32 v39, v23  }
0x16e: {  	v5 =	vmul.f32 $1.131370830e+01, v35;
	v32 =	vld [tilespmem:s8+$0x11D30];
	[tilespmem:s5+$0x14520] =	vst v38;
	v1 =	vadd.f32 v41, v23  }
0x16f: {  	v34 =	vld [tilespmem:s8+$0x13130];
	v48 =	vadd.f32 v44, v23;
	[tilespmem:s8+$0xB920] =	vst v43  }
0x170: {  	v51 =	vmul.f32 $1.131370830e+01, v40;
	v50 =	vadd.f32 v5, v23;
	v46 =	vld [tilespmem:s18+$0x15930];
	[tilespmem:s8+$0xCD20] =	vst v1  }
0x171: {  	v54 =	vmul.f32 $1.131370830e+01, v42;
	v53 =	vadd.f32 v2, v23;
	v18 =	vld [tilespmem:s8+$0xB930];
	[tilespmem:s8+$0xE120] =	vst v48  }
0x172: {  	v4 =	vmul.f32 $1.131370830e+01, v45;
	v56 =	vadd.f32 v51, v23;
	v21 =	vld [tilespmem:s8+$0xCD30];
	[tilespmem:s8+$0xF520] =	vst v50  }
0x173: {  	v59 =	vmul.f32 $1.131370830e+01, v47;
	v58 =	vadd.f32 v54, v23;
	v24 =	vld [tilespmem:s8+$0xE130];
	[tilespmem:s8+$0x10920] =	vst v53  }
0x174: {  	v3 =	vmul.f32 $1.131370830e+01, v49;
	v61 =	vadd.f32 v4, v23;
	v27 =	vld [tilespmem:s8+$0xF530];
	[tilespmem:s8+$0x11D20] =	vst v56  }
0x175: {  	v11 =	vmul.f32 $1.131370830e+01, v52;
	v39 =	vld [tilespmem:s5+$0xB940];
	[tilespmem:s8+$0x13120] =	vst v58;
	v63 =	vadd.f32 v59, v46  }
0x176: {  	v14 =	vmul.f32 $1.131370830e+01, v55;
	v41 =	vld [tilespmem:s5+$0xCD40];
	[tilespmem:s8+$0x14520] =	vst v61;
	v13 =	vadd.f32 v3, v46  }
0x177: {  	v17 =	vmul.f32 $1.131370830e+01, v57;
	v51 =	vld [tilespmem:s5+$0x11D40];
	v16 =	vadd.f32 v11, v46;
	[tilespmem:s5+$0xB930] =	vst v63  }
0x178: {  	v20 =	vmul.f32 $1.131370830e+01, v60;
	v15 =	vld [tilespmem:s9+$0x15930];
	v19 =	vadd.f32 v14, v46;
	[tilespmem:s5+$0xCD30] =	vst v13  }
0x179: {  	v23 =	vmul.f32 $1.131370830e+01, v62;
	v62 =	vld [tilespmem:s8+$0xB940];
	v22 =	vadd.f32 v17, v46;
	[tilespmem:s5+$0xE130] =	vst v16  }
0x17a: {  	v26 =	vmul.f32 $1.131370830e+01, v12;
	v43 =	vld [tilespmem:s5+$0xE140];
	v25 =	vadd.f32 v20, v46;
	[tilespmem:s5+$0xF530] =	vst v19  }
0x17b: {  	v48 =	vld [tilespmem:s5+$0x10940];
	v31 =	vmul.f32 $1.131370830e+01, v18;
	v28 =	vadd.f32 v23, v46;
	[tilespmem:s5+$0x10930] =	vst v22  }
0x17c: {  	v53 =	vld [tilespmem:s5+$0x13140];
	v33 =	vmul.f32 $1.131370830e+01, v21;
	v30 =	vadd.f32 v26, v46;
	[tilespmem:s5+$0x11D30] =	vst v25  }
0x17d: {  	v56 =	vld [tilespmem:s5+$0x14540];
	v36 =	vmul.f32 $1.131370830e+01, v24;
	[tilespmem:s5+$0x13130] =	vst v28;
	v35 =	vadd.f32 v31, v15  }
0x17e: {  	v2 =	vmul.f32 $1.131370830e+01, v29;
	v29 =	vld [tilespmem:s8+$0x14540];
	v6 =	vmul.f32 $1.131370830e+01, v27;
	[tilespmem:s5+$0x14530] =	vst v30;
	v0 =	vadd.f32 v33, v15  }
0x17f: {  	v21 =	vld [tilespmem:s8+$0x10940];
	v40 =	vadd.f32 v36, v15;
	[tilespmem:s8+$0xB930] =	vst v35  }
0x180: {  	v5 =	vmul.f32 $1.131370830e+01, v32;
	v42 =	vadd.f32 v6, v15;
	v38 =	vld [tilespmem:s18+$0x15940];
	[tilespmem:s8+$0xCD30] =	vst v0  }
0x181: {  	v45 =	vmul.f32 $1.131370830e+01, v34;
	v46 =	vld [tilespmem:s5+$0xF540];
	v44 =	vadd.f32 v2, v15;
	[tilespmem:s8+$0xE130] =	vst v40  }
0x182: {  	v4 =	vmul.f32 $1.131370830e+01, v37;
	v24 =	vld [tilespmem:s8+$0x11D40];
	v47 =	vadd.f32 v5, v15;
	[tilespmem:s8+$0xF530] =	vst v42  }
0x183: {  	v50 =	vmul.f32 $1.131370830e+01, v39;
	v26 =	vld [tilespmem:s8+$0x13140];
	v49 =	vadd.f32 v45, v15;
	[tilespmem:s8+$0x10930] =	vst v44  }
0x184: {  	v3 =	vmul.f32 $1.131370830e+01, v41;
	v55 =	vmul.f32 $1.131370830e+01, v43;
	v43 =	vld [tilespmem:s5+$0x11D50];
	v52 =	vadd.f32 v4, v15;
	[tilespmem:s8+$0x11D30] =	vst v47  }
0x185: {  	v61 =	vmul.f32 $1.131370830e+01, v48;
	v48 =	vld [tilespmem:s5+$0x14550];
	[tilespmem:s8+$0x13130] =	vst v49;
	v54 =	vadd.f32 v50, v38  }
0x186: {  	v13 =	vld [tilespmem:s8+$0xCD40];
	[tilespmem:s8+$0x14530] =	vst v52;
	v58 =	vmul.f32 $1.131370830e+01, v46;
	v57 =	vadd.f32 v3, v38  }
0x187: {  	v16 =	vld [tilespmem:s8+$0xE140];
	v60 =	vadd.f32 v55, v38;
	[tilespmem:s5+$0xB940] =	vst v54  }
0x188: {  	v12 =	vmul.f32 $1.131370830e+01, v51;
	v59 =	vld [tilespmem:s9+$0x15940];
	v63 =	vadd.f32 v58, v38;
	[tilespmem:s5+$0xCD40] =	vst v57  }
0x189: {  	v15 =	vmul.f32 $1.131370830e+01, v53;
	v19 =	vld [tilespmem:s8+$0xF540];
	v14 =	vadd.f32 v61, v38;
	[tilespmem:s5+$0xE140] =	vst v60  }
0x18a: {  	v18 =	vmul.f32 $1.131370830e+01, v56;
	v31 =	vld [tilespmem:s5+$0xB950];
	v17 =	vadd.f32 v12, v38;
	[tilespmem:s5+$0xF540] =	vst v63  }
0x18b: {  	v23 =	vmul.f32 $1.131370830e+01, v62;
	v33 =	vld [tilespmem:s5+$0xCD50];
	v20 =	vadd.f32 v15, v38;
	[tilespmem:s5+$0x10940] =	vst v14  }
0x18c: {  	v45 =	vld [tilespmem:s5+$0x13150];
	v25 =	vmul.f32 $1.131370830e+01, v13;
	v22 =	vadd.f32 v18, v38;
	[tilespmem:s5+$0x11D40] =	vst v17  }
0x18d: {  	v35 =	vld [tilespmem:s5+$0xE150];
	v28 =	vmul.f32 $1.131370830e+01, v16;
	[tilespmem:s5+$0x13140] =	vst v20;
	v27 =	vadd.f32 v23, v59  }
0x18e: {  	v40 =	vld [tilespmem:s5+$0x10950];
	v6 =	vmul.f32 $1.131370830e+01, v19;
	[tilespmem:s5+$0x14540] =	vst v22;
	v1 =	vadd.f32 v25, v59  }
0x18f: {  	v2 =	vmul.f32 $1.131370830e+01, v21;
	v21 =	vld [tilespmem:s8+$0x14550];
	v32 =	vadd.f32 v28, v59;
	[tilespmem:s8+$0xB940] =	vst v27  }
0x190: {  	v5 =	vmul.f32 $1.131370830e+01, v24;
	v34 =	vadd.f32 v6, v59;
	v30 =	vld [tilespmem:s18+$0x15950];
	[tilespmem:s8+$0xCD40] =	vst v1  }
0x191: {  	v37 =	vmul.f32 $1.131370830e+01, v26;
	v38 =	vld [tilespmem:s5+$0xF550];
	v36 =	vadd.f32 v2, v59;
	[tilespmem:s8+$0xE140] =	vst v32  }
0x192: {  	v4 =	vmul.f32 $1.131370830e+01, v29;
	v56 =	vmul.f32 $1.131370830e+01, v43;
	v43 =	vld [tilespmem:s8+$0xB960];
	v39 =	vadd.f32 v5, v59;
	[tilespmem:s8+$0xF540] =	vst v34  }
0x193: {  	v62 =	vmul.f32 $1.131370830e+01, v48;
	v48 =	vld [tilespmem:s8+$0xE160];
	v42 =	vmul.f32 $1.131370830e+01, v31;
	v41 =	vadd.f32 v37, v59;
	[tilespmem:s8+$0x10940] =	vst v36  }
0x194: {  	v13 =	vld [tilespmem:s8+$0x10950];
	v3 =	vmul.f32 $1.131370830e+01, v33;
	v44 =	vadd.f32 v4, v59;
	[tilespmem:s8+$0x11D40] =	vst v39  }
0x195: {  	v47 =	vmul.f32 $1.131370830e+01, v35;
	v54 =	vld [tilespmem:s8+$0xB950];
	[tilespmem:s8+$0x13140] =	vst v41;
	v46 =	vadd.f32 v42, v30  }
0x196: {  	v57 =	vld [tilespmem:s8+$0xCD50];
	[tilespmem:s8+$0x14540] =	vst v44;
	v50 =	vmul.f32 $1.131370830e+01, v38;
	v49 =	vadd.f32 v3, v30  }
0x197: {  	v53 =	vmul.f32 $1.131370830e+01, v40;
	v60 =	vld [tilespmem:s8+$0xE150];
	v52 =	vadd.f32 v47, v30;
	[tilespmem:s5+$0xB950] =	vst v46  }
0x198: {  	v51 =	vld [tilespmem:s9+$0x15950];
	v55 =	vadd.f32 v50, v30;
	[tilespmem:s5+$0xCD50] =	vst v49  }
0x199: {  	v59 =	vmul.f32 $1.131370830e+01, v45;
	v63 =	vld [tilespmem:s8+$0xF550];
	v58 =	vadd.f32 v53, v30;
	[tilespmem:s5+$0xE150] =	vst v52  }
0x19a: {  	v16 =	vld [tilespmem:s8+$0x11D50];
	v61 =	vadd.f32 v56, v30;
	[tilespmem:s5+$0xF550] =	vst v55  }
0x19b: {  	v18 =	vld [tilespmem:s8+$0x13150];
	v15 =	vmul.f32 $1.131370830e+01, v54;
	v12 =	vadd.f32 v59, v30;
	[tilespmem:s5+$0x10950] =	vst v58  }
0x19c: {  	v23 =	vld [tilespmem:s5+$0xB960];
	v17 =	vmul.f32 $1.131370830e+01, v57;
	v14 =	vadd.f32 v62, v30;
	[tilespmem:s5+$0x11D50] =	vst v61  }
0x19d: {  	v25 =	vld [tilespmem:s5+$0xCD60];
	v20 =	vmul.f32 $1.131370830e+01, v60;
	[tilespmem:s5+$0x13150] =	vst v12;
	v19 =	vadd.f32 v15, v51  }
0x19e: {  	v37 =	vld [tilespmem:s5+$0x13160];
	v6 =	vmul.f32 $1.131370830e+01, v63;
	[tilespmem:s5+$0x14550] =	vst v14;
	v0 =	vadd.f32 v17, v51  }
0x19f: {  	v2 =	vmul.f32 $1.131370830e+01, v13;
	v27 =	vld [tilespmem:s5+$0xE160];
	v24 =	vadd.f32 v20, v51;
	[tilespmem:s8+$0xB950] =	vst v19  }
0x1a0: {  	v5 =	vmul.f32 $1.131370830e+01, v16;
	v26 =	vadd.f32 v6, v51;
	v22 =	vld [tilespmem:s18+$0x15960];
	[tilespmem:s8+$0xCD50] =	vst v0  }
0x1a1: {  	v29 =	vmul.f32 $1.131370830e+01, v18;
	v30 =	vld [tilespmem:s5+$0xF560];
	v28 =	vadd.f32 v2, v51;
	[tilespmem:s8+$0xE150] =	vst v24  }
0x1a2: {  	v4 =	vmul.f32 $1.131370830e+01, v21;
	v32 =	vld [tilespmem:s5+$0x10960];
	v31 =	vadd.f32 v5, v51;
	[tilespmem:s8+$0xF550] =	vst v26  }
0x1a3: {  	v34 =	vld [tilespmem:s5+$0x11D60];
	v36 =	vmul.f32 $1.131370830e+01, v23;
	v33 =	vadd.f32 v29, v51;
	[tilespmem:s8+$0x10950] =	vst v28  }
0x1a4: {  	v39 =	vld [tilespmem:s5+$0x14560];
	v38 =	vmul.f32 $1.131370830e+01, v25;
	v35 =	vadd.f32 v4, v51;
	[tilespmem:s8+$0x11D50] =	vst v31  }
0x1a5: {  	v54 =	vld [tilespmem:s8+$0x10960];
	v41 =	vmul.f32 $1.131370830e+01, v27;
	[tilespmem:s8+$0x13150] =	vst v33;
	v40 =	vadd.f32 v36, v22  }
0x1a6: {  	v57 =	vld [tilespmem:s8+$0x11D60];
	[tilespmem:s8+$0x14550] =	vst v35;
	v8 =	vmul.f32 $1.131370830e+01, v30;
	v1 =	vadd.f32 v38, v22  }
0x1a7: {  	v45 =	vmul.f32 $1.131370830e+01, v32;
	v46 =	vld [tilespmem:s8+$0xCD60];
	v44 =	vadd.f32 v41, v22;
	[tilespmem:s5+$0xB960] =	vst v40  }
0x1a8: {  	v2 =	vmul.f32 $1.131370830e+01, v34;
	v42 =	vld [tilespmem:s9+$0x15960];
	v47 =	vadd.f32 v8, v22;
	[tilespmem:s5+$0xCD60] =	vst v1  }
0x1a9: {  	v50 =	vmul.f32 $1.131370830e+01, v37;
	v51 =	vld [tilespmem:s8+$0xF560];
	v49 =	vadd.f32 v45, v22;
	[tilespmem:s5+$0xE160] =	vst v44  }
0x1aa: {  	v60 =	vld [tilespmem:s8+$0x13160];
	v53 =	vmul.f32 $1.131370830e+01, v39;
	v52 =	vadd.f32 v2, v22;
	[tilespmem:s5+$0xF560] =	vst v47  }
0x1ab: {  	v63 =	vld [tilespmem:s8+$0x14560];
	v56 =	vmul.f32 $1.131370830e+01, v43;
	v55 =	vadd.f32 v50, v22;
	[tilespmem:s5+$0x10960] =	vst v49  }
0x1ac: {  	v23 =	vld [tilespmem:s5+$0xB970];
	v59 =	vmul.f32 $1.131370830e+01, v46;
	v58 =	vadd.f32 v53, v22;
	[tilespmem:s5+$0x11D60] =	vst v52  }
0x1ad: {  	v25 =	vld [tilespmem:s5+$0xE170];
	v62 =	vmul.f32 $1.131370830e+01, v48;
	[tilespmem:s5+$0x13160] =	vst v55;
	v61 =	vadd.f32 v56, v42  }
0x1ae: {  	v37 =	vld [tilespmem:s8+$0xE170];
	v12 =	vmul.f32 $1.131370830e+01, v51;
	[tilespmem:s5+$0x14560] =	vst v58;
	v11 =	vadd.f32 v59, v42  }
0x1af: {  	v3 =	vmul.f32 $1.131370830e+01, v54;
	v24 =	vld [tilespmem:s5+$0xCD70];
	v13 =	vadd.f32 v62, v42;
	[tilespmem:s8+$0xB960] =	vst v61  }
0x1b0: {  	v15 =	vmul.f32 $1.131370830e+01, v57;
	v14 =	vadd.f32 v12, v42;
	v22 =	vld [tilespmem:s18+$0x15970];
	[tilespmem:s8+$0xCD60] =	vst v11  }
0x1b1: {  	v17 =	vmul.f32 $1.131370830e+01, v60;
	v26 =	vld [tilespmem:s5+$0xF570];
	v16 =	vadd.f32 v3, v42;
	[tilespmem:s8+$0xE160] =	vst v13  }
0x1b2: {  	v27 =	vld [tilespmem:s5+$0x10970];
	v19 =	vmul.f32 $1.131370830e+01, v63;
	v18 =	vadd.f32 v15, v42;
	[tilespmem:s8+$0xF560] =	vst v14  }
0x1b3: {  	v28 =	vld [tilespmem:s5+$0x11D70];
	v2 =	vmul.f32 $1.131370830e+01, v23;
	v20 =	vadd.f32 v17, v42;
	[tilespmem:s8+$0x10960] =	vst v16  }
0x1b4: {  	v29 =	vld [tilespmem:s5+$0x13170];
	v21 =	vadd.f32 v19, v42;
	v3 =	vmul.f32 $1.131370830e+01, v24;
	[tilespmem:s8+$0x11D60] =	vst v18  }
0x1b5: {  	v4 =	vmul.f32 $1.131370830e+01, v25;
	v30 =	vld [tilespmem:s5+$0x14570];
	[tilespmem:s8+$0x13160] =	vst v20;
	v2 =	vadd.f32 v2, v22  }
0x1b6: {  	v31 =	vld [tilespmem:s8+$0xB970];
	v5 =	vmul.f32 $1.131370830e+01, v26;
	[tilespmem:s8+$0x14560] =	vst v21;
	v3 =	vadd.f32 v3, v22  }
0x1b7: {  	v34 =	vld [tilespmem:s8+$0xCD70];
	v33 =	vmul.f32 $1.131370830e+01, v27;
	v32 =	vadd.f32 v4, v22;
	[tilespmem:s5+$0xB970] =	vst v2  }
0x1b8: {  	v36 =	vmul.f32 $1.131370830e+01, v28;
	v1 =	vld [tilespmem:s9+$0x15970];
	v35 =	vadd.f32 v5, v22;
	[tilespmem:s5+$0xCD70] =	vst v3  }
0x1b9: {  	v39 =	vmul.f32 $1.131370830e+01, v29;
	v40 =	vld [tilespmem:s8+$0xF570];
	v38 =	vadd.f32 v33, v22;
	[tilespmem:s5+$0xE170] =	vst v32  }
0x1ba: {  	v43 =	vld [tilespmem:s8+$0x10970];
	v42 =	vmul.f32 $1.131370830e+01, v30;
	v41 =	vadd.f32 v36, v22;
	[tilespmem:s5+$0xF570] =	vst v35  }
0x1bb: {  	v46 =	vld [tilespmem:s8+$0x11D70];
	v45 =	vmul.f32 $1.131370830e+01, v31;
	v44 =	vadd.f32 v39, v22;
	[tilespmem:s5+$0x10970] =	vst v38  }
0x1bc: {  	v48 =	vld [tilespmem:s8+$0x13170];
	v47 =	vmul.f32 $1.131370830e+01, v34;
	v0 =	vadd.f32 v42, v22;
	[tilespmem:s5+$0x11D70] =	vst v41  }
0x1bd: {  	v51 =	vld [tilespmem:s8+$0x14570];
	v50 =	vmul.f32 $1.131370830e+01, v37;
	[tilespmem:s5+$0x13170] =	vst v44;
	v49 =	vadd.f32 v45, v1  }
0x1be: {  	v53 =	vmul.f32 $1.131370830e+01, v40;
	[tilespmem:s5+$0x14570] =	vst v0;
	v52 =	vadd.f32 v47, v1  }
0x1bf: {  	v55 =	vmul.f32 $1.131370830e+01, v43;
	v54 =	vadd.f32 v50, v1;
	[tilespmem:s8+$0xB970] =	vst v49  }
0x1c0: {  	v57 =	vmul.f32 $1.131370830e+01, v46;
	v56 =	vadd.f32 v53, v1;
	[tilespmem:s8+$0xCD70] =	vst v52  }
0x1c1: {  	p0 =	slt.u32 s6, $0x26;
	v59 =	vmul.f32 $1.131370830e+01, v48;
	v58 =	vadd.f32 v55, v1;
	[tilespmem:s8+$0xE170] =	vst v54  }
.Ltmp1:
0x1c2: {  	v61 =	vmul.f32 $1.131370830e+01, v51;
	v60 =	vadd.f32 v57, v1;
	[tilespmem:s8+$0xF570] =	vst v56;
	(pc) =	sbr.rel @p0 .LBB2_5-.Ltmp1, $4  }
0x1c3: {  	v62 =	vadd.f32 v59, v1;
	[tilespmem:s8+$0x10970] =	vst v58  }
0x1c4: {  	v63 =	vadd.f32 v61, v1;
	[tilespmem:s8+$0x11D70] =	vst v60  }
0x1c5: {  	s26 =	sadd.s32 $0x2, s6;
	[tilespmem:s8+$0x13170] =	vst v62  }
0x1c6: {  	s6 =	smov.u32 s26;
	[tilespmem:s8+$0x14570] =	vst v63  }
0x1c7: {  	s5 =	sshll.u32 s21, $0x3  }
0x1c8: {  	s6 =	smul.u32 $0x1400, s22;
	s20 =	sadd.s32 $0x1, s20;
	s5 =	sadd.s32 s7, s5  }
0x1c9: {  	p0 =	sne.s32 s20, $0xA;
	s5 =	smul.u32 $0x6400, s5  }
.Ltmp2:
0x1ca: {  	_ = 	snop;
	(pc) =	sbr.rel @p0 .LBB2_2-.Ltmp2, $4  }
0x1cb: {  	s5 =	sadd.s32 s6, s5  }
0x1cc: {  	s5 =	sshrl.u32 s5, $0x3  }
0x1cd: {  	s5 =	sadd.s32 s4, s5  }
0x1ce: {  	[hbm4b:s5+s14] =	stream.strided.scatter [tilespmem:s28], [sflag:$0x4], $0xA000, s15, s14, $0x38;
	[tilespmem:$0x1BD00] =	vst v63  }
0x1cf: {  	s6 =	simm.s32 $0x4  }
0x1d0: {  	_ =	swait.ge [sflag:s6], $0xA000  }
0x1d1: {  	s19 =	sadd.s32 $0x1, s19;
	s5 =	rddreg [dreg:$0x6]  }
0x1d2: {  	p0 =	sne.s32 s19, s5  }
.Ltmp3:
0x1d3: {  	_ = 	snop;
	(pc) =	sbr.rel @p0 .LBB2_1-.Ltmp3, $3  }
0x1d4: {  	_ =	sdelay $0x1  }
0x1d5: {  	[sflag:s6] =	ssyncset.done $0x0  }
0x1d6: {  	[sflag:s6] =	ssyncadd.s32 $0xFFFF6000  }
0x1d7: {  	_ =	sfence.sel $0x180000  }
0x1d8: {  	[bflag:$0x0] =	sbarrier.arrive $0xFFFF  }
0x1d9: {  	_ =	strace $0x90000047  }
0x1da: {  	s0 =	stileid.u32;
	[bflag:$0x2] =	sbarrier.arrive $0xFFFF  }
0x1db: {  	p0 =	sne.s32 s0, $0x0;
	s0 =	rddreg [dreg:$0x4]  }
0x1dc: {  	s0 =	sadd.s32 @!p0 $0x100000, s0  }
0x1dd: {  	[sflag:s0] =	ssyncadd.tile.s32 @!p0 $0x1;
	_ =	shalt  }
.Lfunc_end2:
_tile_overlayer_lowered:
.L_overlay_start_2:
0x1de: {  	(tag) =	ssettag $0x2  }
0x1df: {  	s0 =	rddreg [dreg:$0x0];
	s2 =	stileid.u32  }
0x1e0: {  	s1 =	rddreg [dreg:$0x1];
	p0 =	sne.s32 s2, $0x0  }
0x1e1: {  	s3 =	rddreg [dreg:$0x2];
	[bflag:$0x3] =	sbarrier.arrive $0xFFFF;
	s2 =	simm.s32 @!p0 $0x1C05  }
0x1e2: {  	[timem:s3], [sflag:s2] =	dma.local @!p0 [hbm:s0], s1  }
0x1e3: {  	s0 =	simm.s32 @!p0 $0x5  }
0x1e4: {  	_ =	swait.ge @!p0 [sflag:s0], s1  }
0x1e5: {  	s1 =	ssub.s32 @!p0 $0x0, s1;
	[sflag:s0] =	ssyncset.done @!p0 $0x0  }
0x1e6: {  	[sflag:s0] =	ssyncadd.s32 @!p0 s1  }
0x1e7: {  	[bflag:$0x3] =	sbarrier.arrive $0xFFFF  }
0x1e8: {  	_ =	shalt  }

</sc_bundles>
